<compile_context>
chip_gen: v7x
topology: tpu7x:2x2x1
jax: 0.10.2.dev20260603
libtpu: 0.0.44.dev20260713+nightly
codegen_flags: <defaults>
</compile_context>

<pallas_src>
import functools

import jax
import jax.numpy as jnp
from jax.experimental import pallas as pl
from jax.experimental.pallas import tpu as pltpu
from jax.experimental.pallas import tpu_sc as plsc

VOCAB = 100000
EMB = 128
HID = 128
B = 1024
T = 200
G = 3 * HID

_GATHER_WINDOW = 128


def _sc_gather(table, idx):
    n = idx.shape[1]
    mesh = plsc.VectorSubcoreMesh(core_axis_name="c", subcore_axis_name="s")

    @pl.kernel(
        out_type=jax.ShapeDtypeStruct((n, EMB), table.dtype),
        mesh=mesh,
    )
    def k(tbl_hbm, idx_hbm, out_hbm):
        def body(i_vmem, o_vmem):
            pltpu.sync_copy(tbl_hbm.at[i_vmem.at[0]], o_vmem)

        pltpu.emit_pipeline(
            body,
            grid=(n // _GATHER_WINDOW,),
            in_specs=[
                pl.BlockSpec((1, _GATHER_WINDOW), lambda i: (0, i)),
            ],
            out_specs=[
                pl.BlockSpec((_GATHER_WINDOW, EMB), lambda i: (i, 0)),
            ],
            core_axis_name=("c", "s"),
            dimension_semantics=(pltpu.PARALLEL,),
        )(idx_hbm, out_hbm)

    return k(table, idx)


_C = 5
_TCH = T // _C
_TS = 8
_NSTEP = _TCH // _TS
_NB = 2
_BB = B // _NB


def _gru_chunk_body(first, *refs):
    if first:
        emb_ref, wcat_ref, bias_ref, out_ref, hout_ref, h_ref = refs
        hin_ref = None
    else:
        (emb_ref, wcat_ref, bias_ref, hin_ref, _outprev,
         out_ref, hout_ref, h_ref) = refs
    t = pl.program_id(1)

    @pl.when(t == 0)
    def _init():
        if first:
            h_ref[...] = jnp.zeros_like(h_ref)
        else:
            h_ref[...] = hin_ref[...]

    h = h_ref[...]
    wcat = wcat_ref[...]
    bias = bias_ref[...]
    for s in range(_TS):
        eh = jnp.concatenate([emb_ref[s], h], axis=1)
        g = jnp.dot(eh, wcat, preferred_element_type=jnp.float32) + bias
        ur = jnp.tanh(g[:, :HID])
        uz = jnp.tanh(g[:, HID:2 * HID])
        ch = g[:, 3 * HID:]
        nn = jnp.tanh(g[:, 2 * HID:3 * HID] + ch + ur * ch)
        d = h - nn
        h = nn + 0.5 * (d + uz * d)
        out_ref[:, s, :] = h
    h_ref[...] = h
    hout_ref[...] = h


_OUT_SHAPES = [
    jax.ShapeDtypeStruct((B, T, HID), jnp.float32),
    jax.ShapeDtypeStruct((B, HID), jnp.float32),
]
_CPARAMS = pltpu.CompilerParams(dimension_semantics=("arbitrary", "arbitrary"))


def _scan_chunk(c, emb_c, wcat, bias, h_in, out_sofar):
    first = c == 0
    base_specs = [
        pl.BlockSpec((_TS, _BB, EMB), lambda j, t: (t, j, 0)),
        pl.BlockSpec((EMB + HID, 4 * HID), lambda j, t: (0, 0)),
        pl.BlockSpec((1, 4 * HID), lambda j, t: (0, 0)),
    ]
    out_specs = [
        pl.BlockSpec((_BB, _TS, HID), lambda j, t: (j, t + c * _NSTEP, 0)),
        pl.BlockSpec((_BB, HID), lambda j, t: (j, 0)),
    ]
    if first:
        return pl.pallas_call(
            functools.partial(_gru_chunk_body, True),
            grid=(_NB, _NSTEP),
            in_specs=base_specs,
            out_specs=out_specs,
            out_shape=_OUT_SHAPES,
            scratch_shapes=[pltpu.VMEM((_BB, HID), jnp.float32)],
            compiler_params=_CPARAMS,
        )(emb_c, wcat, bias)
    return pl.pallas_call(
        functools.partial(_gru_chunk_body, False),
        grid=(_NB, _NSTEP),
        in_specs=base_specs + [
            pl.BlockSpec((_BB, HID), lambda j, t: (j, 0)),
            pl.BlockSpec(memory_space=pl.ANY),
        ],
        out_specs=out_specs,
        out_shape=_OUT_SHAPES,
        scratch_shapes=[pltpu.VMEM((_BB, HID), jnp.float32)],
        input_output_aliases={4: 0},
        compiler_params=_CPARAMS,
    )(emb_c, wcat, bias, h_in, out_sofar)


def kernel(x, table, W_ih, W_hh, b_ih, b_hh):
    idx = x.astype(jnp.int32).T.reshape(1, T * B)
    z_eh = jnp.zeros((EMB, HID), jnp.float32)
    z_hh = jnp.zeros((HID, HID), jnp.float32)
    top = jnp.concatenate(
        [0.5 * W_ih[:, :2 * HID], W_ih[:, 2 * HID:], z_eh], axis=1)
    bot = jnp.concatenate(
        [0.5 * W_hh[:, :2 * HID], z_hh, 0.5 * W_hh[:, 2 * HID:]], axis=1)
    wcat = jnp.concatenate([top, bot], axis=0)
    bias = jnp.concatenate(
        [0.5 * (b_ih + b_hh)[:2 * HID], b_ih[2 * HID:],
         0.5 * b_hh[2 * HID:]]).reshape(1, 4 * HID)
    embs = [
        _sc_gather(table, idx[:, c * _TCH * B:(c + 1) * _TCH * B])
        .reshape(_TCH, B, EMB)
        for c in range(_C)
    ]
    out, h = _scan_chunk(0, embs[0], wcat, bias, None, None)
    for c in range(1, _C):
        out, h = _scan_chunk(c, embs[c], wcat, bias, h, out)
    return out

# --- scband reference (transcript-rebuilt; emitter-appended) ---
"""Pipeline reference for scband-embedder-rnn-2860448219671 (READ-ONLY COPY).

The authoritative reference and input builder live on the scoring server;
editing this copy changes nothing except your own understanding.
"""

import jax, jax.numpy as jnp
import numpy as np

VOCAB = 100000
EMB = 128
HID = 128
B = 1024
T = 200

def setup_inputs(seed: int = 0) -> dict:
    key = jax.random.key(seed)
    k1, k2, k3, k4, k5, k6 = jax.random.split(key, 6)
    x = jax.random.randint(k1, (B, T), 0, VOCAB, dtype=jnp.int64)
    table = jax.random.normal(k2, (VOCAB, EMB), dtype=jnp.float32)
    s = 1.0 / np.sqrt(HID)
    W_ih = jax.random.uniform(k3, (EMB, 3 * HID), dtype=jnp.float32, minval=-s, maxval=s)
    W_hh = jax.random.uniform(k4, (HID, 3 * HID), dtype=jnp.float32, minval=-s, maxval=s)
    b_ih = jax.random.uniform(k5, (3 * HID,), dtype=jnp.float32, minval=-s, maxval=s)
    b_hh = jax.random.uniform(k6, (3 * HID,), dtype=jnp.float32, minval=-s, maxval=s)
    return {"x": x, "table": table, "W_ih": W_ih, "W_hh": W_hh, "b_ih": b_ih, "b_hh": b_hh}

def _gru(emb, W_ih, W_hh, b_ih, b_hh):
    bsz = emb.shape[0]
    def step(h, x_t):
        gi = x_t @ W_ih + b_ih
        gh = h @ W_hh + b_hh
        i_r, i_z, i_n = jnp.split(gi, 3, axis=-1)
        h_r, h_z, h_n = jnp.split(gh, 3, axis=-1)
        r = jax.nn.sigmoid(i_r + h_r)
        z = jax.nn.sigmoid(i_z + h_z)
        n = jnp.tanh(i_n + r * h_n)
        h_new = (1.0 - z) * n + z * h
        return h_new, h_new
    h0 = jnp.zeros((bsz, HID), dtype=emb.dtype)
    _, ys = jax.lax.scan(step, h0, jnp.swapaxes(emb, 0, 1))
    return jnp.swapaxes(ys, 0, 1)

def reference(x, table, W_ih, W_hh, b_ih, b_hh):
    # embedder: gather rows of the table (SparseCore-friendly gather)
    emb = jnp.take(table, x, axis=0)
    # rnn over the embedded sequence, returns full output sequence [B, T, HID]
    out = _gru(emb, W_ih, W_hh, b_ih, b_hh)
    return out

if __name__ == "__main__":
    import jax
    _d = setup_inputs()
    print(jax.jit(kernel)(*tuple(_d.values())))

</pallas_src>

<mosaic_0001>
#map = affine_map<(d0, d1) -> (0, 0)>
module attributes {stable_mosaic.version = 14 : i64} {
  func.func @k(%arg0: i32, %arg1: i32, %arg2: memref<100000x128xf32, #tpu.memory_space<hbm>>, %arg3: memref<1x40960xi32, #tpu.memory_space<hbm>>, %arg4: memref<40960x128xf32, #tpu.memory_space<hbm>>) attributes {dimension_semantics = [#tpu.dimension_semantics<core_parallel>, #tpu.dimension_semantics<subcore_parallel>], iteration_bounds = array<i64: 2, 16>, scalar_prefetch = 0 : i64, scratch_operands = 0 : i64, tpu.core_type = #tpu.core_type<sc_vector_subcore>, window_params = [{transform_indices = #map}, {transform_indices = #map}, {transform_indices = #map}]} {
    %mul3A = arith.constant 1 : i32
    %mul3A_0 = arith.muli %arg1, %mul3A : i32
    %add3A = arith.constant 0 : i32
    %add3A_1 = arith.addi %add3A, %mul3A_0 : i32
    %mul3A_2 = arith.constant 16 : i32
    %mul3A_3 = arith.muli %arg0, %mul3A_2 : i32
    %add3A_4 = arith.addi %add3A_1, %mul3A_3 : i32
    %mul3A_5 = arith.constant 10 : i32
    %mul3A_6 = arith.muli %add3A_4, %mul3A_5 : i32
    "tpu.region"() ({
      %run_scoped3A = memref.alloca() : memref<2x1x128xi32, #tpu.memory_space<vmem>>
      %run_scoped3A_7 = tpu.sem_alloc : memref<2x!tpu.dma_semaphore, #tpu.memory_space<semaphore_mem>>
      %run_scoped3A_8 = memref.alloca() : memref<2x128x128xf32, #tpu.memory_space<vmem>>
      %run_scoped3A_9 = tpu.sem_alloc : memref<2x!tpu.dma_semaphore, #tpu.memory_space<semaphore_mem>>
      %add3A_10 = arith.constant 0 : i32
      %add3A_11 = arith.addi %add3A_10, %mul3A_6 : i32
      %select_n3A = arith.constant true
      %select_n3A_12 = arith.constant 0 : i32
      %select_n3A_13 = arith.constant -1 : i32
      %select_n3A_14 = arith.select %select_n3A, %select_n3A_13, %select_n3A_12 : i32
      %eq3A = arith.constant -1 : i32
      %eq3A_15 = arith.cmpi eq, %select_n3A_14, %eq3A : i32
      %select_n3A_16 = arith.constant 9 : i32
      %select_n3A_17 = arith.select %eq3A_15, %select_n3A_16, %select_n3A_14 : i32
      %add3A_18 = arith.addi %select_n3A_17, %mul3A_6 : i32
      %select_n3A_19 = arith.constant true
      %select_n3A_20 = arith.constant 0 : i32
      %select_n3A_21 = arith.constant 1 : i32
      %select_n3A_22 = arith.select %select_n3A_19, %select_n3A_21, %select_n3A_20 : i32
      %eq3A_23 = arith.constant 10 : i32
      %eq3A_24 = arith.cmpi eq, %select_n3A_22, %eq3A_23 : i32
      %select_n3A_25 = arith.constant 0 : i32
      %select_n3A_26 = arith.select %eq3A_24, %select_n3A_25, %select_n3A_22 : i32
      %add3A_27 = arith.addi %select_n3A_26, %mul3A_6 : i32
      %add3A_28 = arith.constant 1 : i32
      %add3A_29 = arith.addi %select_n3A_26, %add3A_28 : i32
      %select_n3A_30 = arith.constant true
      %select_n3A_31 = arith.select %select_n3A_30, %add3A_29, %select_n3A_26 : i32
      %eq3A_32 = arith.constant 10 : i32
      %eq3A_33 = arith.cmpi eq, %select_n3A_31, %eq3A_32 : i32
      %select_n3A_34 = arith.constant 0 : i32
      %select_n3A_35 = arith.select %eq3A_33, %select_n3A_34, %select_n3A_31 : i32
      %add3A_36 = arith.addi %select_n3A_35, %mul3A_6 : i32
      "tpu.trace_start"() <{level = 10 : i32, message = "ep_initialize_0"}> : () -> ()
      %rem3A = arith.constant 0 : i32
      %rem3A_37 = arith.constant 2 : i32
      %rem3A_38 = arith.remui %rem3A, %rem3A_37 : i32
      %mul3A_39 = arith.constant 128 : i32
      %mul3A_40 = arith.muli %mul3A_39, %add3A_11 : i32
      %dma_start3A = arith.constant 0 : i32
      %dma_start3A_41 = arith.constant 0 : i32
      %dma_start3A_42 = tpu.memref_slice %run_scoped3A[%rem3A_38, %dma_start3A, %dma_start3A_41] : memref<2x1x128xi32, #tpu.memory_space<vmem>> -> memref<1x1x128xi32, #tpu.memory_space<vmem>>
      %dma_start3A_43 = tpu.memref_squeeze %dma_start3A_42 : memref<1x1x128xi32, #tpu.memory_space<vmem>> -> memref<1x128xi32, #tpu.memory_space<vmem>>
      %dma_start3A_44 = arith.constant 0 : i32
      %dma_start3A_45 = tpu.memref_slice %arg3[%dma_start3A_44, %mul3A_40] : memref<1x40960xi32, #tpu.memory_space<hbm>> -> memref<1x128xi32, #tpu.memory_space<hbm>>
      %dma_start3A_46 = tpu.memref_slice %run_scoped3A_7[%rem3A_38] : memref<2x!tpu.dma_semaphore, #tpu.memory_space<semaphore_mem>> -> memref<1x!tpu.dma_semaphore, #tpu.memory_space<semaphore_mem>>
      %dma_start3A_47 = tpu.memref_squeeze %dma_start3A_46 : memref<1x!tpu.dma_semaphore, #tpu.memory_space<semaphore_mem>> -> memref<!tpu.dma_semaphore, #tpu.memory_space<semaphore_mem>>
      %dma_start3A_48 = arith.constant 0 : i32
      %dma_start3A_49 = arith.constant 0 : i32
      %dma_start3A_50 = tpu.memref_slice %run_scoped3A[%rem3A_38, %dma_start3A_48, %dma_start3A_49] : memref<2x1x128xi32, #tpu.memory_space<vmem>> -> memref<1x1x128xi32, #tpu.memory_space<vmem>>
      %dma_start3A_51 = tpu.memref_squeeze %dma_start3A_50 : memref<1x1x128xi32, #tpu.memory_space<vmem>> -> memref<1x128xi32, #tpu.memory_space<vmem>>
      %dma_start3A_52 = arith.constant 0 : i32
      %dma_start3A_53 = tpu.memref_slice %arg3[%dma_start3A_52, %mul3A_40] : memref<1x40960xi32, #tpu.memory_space<hbm>> -> memref<1x128xi32, #tpu.memory_space<hbm>>
      tpu.enqueue_dma source(%dma_start3A_53 : memref<1x128xi32, #tpu.memory_space<hbm>>) target(%dma_start3A_51 : memref<1x128xi32, #tpu.memory_space<vmem>>) target_semaphore(%dma_start3A_47 : memref<!tpu.dma_semaphore, #tpu.memory_space<semaphore_mem>>)
      %add3A_54 = arith.constant 0 : i32
      %add3A_55 = arith.constant 1 : i32
      %add3A_56 = arith.addi %add3A_54, %add3A_55 : i32
      %select_n3A_57 = arith.constant true
      %select_n3A_58 = arith.constant 0 : i32
      %select_n3A_59 = arith.select %select_n3A_57, %add3A_56, %select_n3A_58 : i32
      "tpu.trace_stop"() : () -> ()
      %scan3A = arith.constant 0 : i32
      %scan3A_60 = arith.constant 0 : i32
      %scan3A_61 = arith.constant 0 : i32
      %scan3A_62 = arith.constant 0 : i32
      %scan3A_63 = arith.constant 0 : i32
      %scan3A_64 = arith.constant 10 : i32
      %scan3A_65 = arith.addi %scan3A_63, %scan3A_64 : i32
      %scan3A_66 = arith.constant 1 : i32
      %scan3A_67:5 = scf.for %scan3A_121 = %scan3A_63 to %scan3A_65 step %scan3A_66 iter_args(%scan3A_122 = %select_n3A_59, %scan3A_123 = %scan3A, %scan3A_124 = %scan3A_60, %scan3A_125 = %scan3A_61, %scan3A_126 = %scan3A_62) -> (i32, i32, i32, i32, i32)  : i32 {
        %eq3A_127 = arith.constant 0 : i32
        %eq3A_128 = arith.cmpi eq, %scan3A_121, %eq3A_127 : i32
        %eq3A_129 = arith.constant 9 : i32
        %eq3A_130 = arith.cmpi eq, %scan3A_121, %eq3A_129 : i32
        %add3A_131 = arith.addi %scan3A_126, %mul3A_6 : i32
        %sub3A_132 = arith.constant 1 : i32
        %sub3A_133 = arith.subi %scan3A_126, %sub3A_132 : i32
        %select_n3A_134 = arith.constant true
        %select_n3A_135 = arith.select %select_n3A_134, %sub3A_133, %scan3A_126 : i32
        %eq3A_136 = arith.constant -1 : i32
        %eq3A_137 = arith.cmpi eq, %select_n3A_135, %eq3A_136 : i32
        %select_n3A_138 = arith.constant 9 : i32
        %select_n3A_139 = arith.select %eq3A_137, %select_n3A_138, %select_n3A_135 : i32
        %add3A_140 = arith.addi %select_n3A_139, %mul3A_6 : i32
        %add3A_141 = arith.constant 1 : i32
        %add3A_142 = arith.addi %scan3A_126, %add3A_141 : i32
        %select_n3A_143 = arith.constant true
        %select_n3A_144 = arith.select %select_n3A_143, %add3A_142, %scan3A_126 : i32
        %eq3A_145 = arith.constant 10 : i32
        %eq3A_146 = arith.cmpi eq, %select_n3A_144, %eq3A_145 : i32
        %select_n3A_147 = arith.constant 0 : i32
        %select_n3A_148 = arith.select %eq3A_146, %select_n3A_147, %select_n3A_144 : i32
        %add3A_149 = arith.addi %select_n3A_148, %mul3A_6 : i32
        %add3A_150 = arith.constant 1 : i32
        %add3A_151 = arith.addi %select_n3A_148, %add3A_150 : i32
        %select_n3A_152 = arith.constant true
        %select_n3A_153 = arith.select %select_n3A_152, %add3A_151, %select_n3A_148 : i32
        %eq3A_154 = arith.constant 10 : i32
        %eq3A_155 = arith.cmpi eq, %select_n3A_153, %eq3A_154 : i32
        %select_n3A_156 = arith.constant 0 : i32
        %select_n3A_157 = arith.select %eq3A_155, %select_n3A_156, %select_n3A_153 : i32
        %add3A_158 = arith.addi %select_n3A_157, %mul3A_6 : i32
        %ne3A = arith.cmpi ne, %add3A_131, %add3A_149 : i32
        %or3A = arith.constant false
        %or3A_159 = arith.ori %or3A, %ne3A : i1
        %ge3A = arith.constant 9 : i32
        %ge3A_160 = arith.cmpi sge, %scan3A_121, %ge3A : i32
        %not3A = arith.constant true
        %not3A_161 = arith.xori %ge3A_160, %not3A : i1
        %and3A = arith.andi %or3A_159, %not3A_161 : i1
        %convert_element_type3A = arith.extui %and3A : i1 to i32
        %cond3A = arith.constant 0 : i32
        %cond3A_162 = arith.cmpi ne, %convert_element_type3A, %cond3A : i32
        scf.if %cond3A_162 {
          "tpu.trace_start"() <{level = 10 : i32, message = "ep_copy_in"}> : () -> ()
          %rem3A_264 = arith.constant 2 : i32
          %rem3A_265 = arith.remui %scan3A_122, %rem3A_264 : i32
          %mul3A_266 = arith.constant 128 : i32
          %mul3A_267 = arith.muli %mul3A_266, %add3A_149 : i32
          %dma_start3A_268 = arith.constant 0 : i32
          %dma_start3A_269 = arith.constant 0 : i32
          %dma_start3A_270 = tpu.memref_slice %run_scoped3A[%rem3A_265, %dma_start3A_268, %dma_start3A_269] : memref<2x1x128xi32, #tpu.memory_space<vmem>> -> memref<1x1x128xi32, #tpu.memory_space<vmem>>
          %dma_start3A_271 = tpu.memref_squeeze %dma_start3A_270 : memref<1x1x128xi32, #tpu.memory_space<vmem>> -> memref<1x128xi32, #tpu.memory_space<vmem>>
          %dma_start3A_272 = arith.constant 0 : i32
          %dma_start3A_273 = tpu.memref_slice %arg3[%dma_start3A_272, %mul3A_267] : memref<1x40960xi32, #tpu.memory_space<hbm>> -> memref<1x128xi32, #tpu.memory_space<hbm>>
          %dma_start3A_274 = tpu.memref_slice %run_scoped3A_7[%rem3A_265] : memref<2x!tpu.dma_semaphore, #tpu.memory_space<semaphore_mem>> -> memref<1x!tpu.dma_semaphore, #tpu.memory_space<semaphore_mem>>
          %dma_start3A_275 = tpu.memref_squeeze %dma_start3A_274 : memref<1x!tpu.dma_semaphore, #tpu.memory_space<semaphore_mem>> -> memref<!tpu.dma_semaphore, #tpu.memory_space<semaphore_mem>>
          %dma_start3A_276 = arith.constant 0 : i32
          %dma_start3A_277 = arith.constant 0 : i32
          %dma_start3A_278 = tpu.memref_slice %run_scoped3A[%rem3A_265, %dma_start3A_276, %dma_start3A_277] : memref<2x1x128xi32, #tpu.memory_space<vmem>> -> memref<1x1x128xi32, #tpu.memory_space<vmem>>
          %dma_start3A_279 = tpu.memref_squeeze %dma_start3A_278 : memref<1x1x128xi32, #tpu.memory_space<vmem>> -> memref<1x128xi32, #tpu.memory_space<vmem>>
          %dma_start3A_280 = arith.constant 0 : i32
          %dma_start3A_281 = tpu.memref_slice %arg3[%dma_start3A_280, %mul3A_267] : memref<1x40960xi32, #tpu.memory_space<hbm>> -> memref<1x128xi32, #tpu.memory_space<hbm>>
          tpu.enqueue_dma source(%dma_start3A_281 : memref<1x128xi32, #tpu.memory_space<hbm>>) target(%dma_start3A_279 : memref<1x128xi32, #tpu.memory_space<vmem>>) target_semaphore(%dma_start3A_275 : memref<!tpu.dma_semaphore, #tpu.memory_space<semaphore_mem>>)
          "tpu.trace_stop"() : () -> ()
        } else {
        }
        %and3A_163 = arith.constant true
        %and3A_164 = arith.andi %and3A, %and3A_163 : i1
        %add3A_165 = arith.constant 1 : i32
        %add3A_166 = arith.addi %scan3A_122, %add3A_165 : i32
        %select_n3A_167 = arith.select %and3A_164, %add3A_166, %scan3A_122 : i32
        %ne3A_168 = arith.cmpi ne, %add3A_131, %add3A_149 : i32
        %or3A_169 = arith.constant false
        %or3A_170 = arith.ori %or3A_169, %ne3A_168 : i1
        %or3A_171 = arith.constant false
        %or3A_172 = arith.ori %or3A_170, %or3A_171 : i1
        %ge3A_173 = arith.constant 9 : i32
        %ge3A_174 = arith.cmpi sge, %scan3A_121, %ge3A_173 : i32
        %not3A_175 = arith.constant true
        %not3A_176 = arith.xori %ge3A_174, %not3A_175 : i1
        %and3A_177 = arith.andi %or3A_172, %not3A_176 : i1
        %ne3A_178 = arith.cmpi ne, %add3A_131, %add3A_140 : i32
        %or3A_179 = arith.constant false
        %or3A_180 = arith.ori %or3A_179, %ne3A_178 : i1
        %or3A_181 = arith.ori %or3A_180, %eq3A_128 : i1
        %convert_element_type3A_182 = arith.extui %or3A_181 : i1 to i32
        %cond3A_183 = arith.constant 0 : i32
        %cond3A_184 = arith.cmpi ne, %convert_element_type3A_182, %cond3A_183 : i32
        scf.if %cond3A_184 {
          "tpu.trace_start"() <{level = 10 : i32, message = "ep_wait_in"}> : () -> ()
          %mul3A_264 = arith.constant 128 : i32
          %mul3A_265 = arith.muli %mul3A_264, %add3A_131 : i32
          %rem3A_266 = arith.constant 2 : i32
          %rem3A_267 = arith.remui %scan3A_123, %rem3A_266 : i32
          %dma_wait3A_268 = arith.constant 0 : i32
          %dma_wait3A_269 = arith.constant 0 : i32
          %dma_wait3A_270 = tpu.memref_slice %run_scoped3A[%rem3A_267, %dma_wait3A_268, %dma_wait3A_269] : memref<2x1x128xi32, #tpu.memory_space<vmem>> -> memref<1x1x128xi32, #tpu.memory_space<vmem>>
          %dma_wait3A_271 = tpu.memref_squeeze %dma_wait3A_270 : memref<1x1x128xi32, #tpu.memory_space<vmem>> -> memref<1x128xi32, #tpu.memory_space<vmem>>
          %dma_wait3A_272 = arith.constant 0 : i32
          %dma_wait3A_273 = tpu.memref_slice %arg3[%dma_wait3A_272, %mul3A_265] : memref<1x40960xi32, #tpu.memory_space<hbm>> -> memref<1x128xi32, #tpu.memory_space<hbm>>
          %dma_wait3A_274 = tpu.memref_slice %run_scoped3A_7[%rem3A_267] : memref<2x!tpu.dma_semaphore, #tpu.memory_space<semaphore_mem>> -> memref<1x!tpu.dma_semaphore, #tpu.memory_space<semaphore_mem>>
          %dma_wait3A_275 = tpu.memref_squeeze %dma_wait3A_274 : memref<1x!tpu.dma_semaphore, #tpu.memory_space<semaphore_mem>> -> memref<!tpu.dma_semaphore, #tpu.memory_space<semaphore_mem>>
          %dma_wait3A_276 = arith.constant 0 : i32
          %dma_wait3A_277 = arith.constant 0 : i32
          %dma_wait3A_278 = tpu.memref_slice %run_scoped3A[%rem3A_267, %dma_wait3A_276, %dma_wait3A_277] : memref<2x1x128xi32, #tpu.memory_space<vmem>> -> memref<1x1x128xi32, #tpu.memory_space<vmem>>
          %dma_wait3A_279 = tpu.memref_squeeze %dma_wait3A_278 : memref<1x1x128xi32, #tpu.memory_space<vmem>> -> memref<1x128xi32, #tpu.memory_space<vmem>>
          %dma_wait3A_280 = arith.constant 0 : i32
          %dma_wait3A_281 = tpu.memref_slice %arg3[%dma_wait3A_280, %mul3A_265] : memref<1x40960xi32, #tpu.memory_space<hbm>> -> memref<1x128xi32, #tpu.memory_space<hbm>>
          tpu.wait_dma2 semaphore(%dma_wait3A_275 : memref<!tpu.dma_semaphore, #tpu.memory_space<semaphore_mem>>) src(%dma_wait3A_281 : memref<1x128xi32, #tpu.memory_space<hbm>>) dst(%dma_wait3A_279 : memref<1x128xi32, #tpu.memory_space<vmem>>)
          "tpu.trace_stop"() : () -> ()
        } else {
        }
        %ne3A_185 = arith.cmpi ne, %add3A_131, %add3A_140 : i32
        %or3A_186 = arith.constant false
        %or3A_187 = arith.ori %or3A_186, %ne3A_185 : i1
        %or3A_188 = arith.constant false
        %or3A_189 = arith.ori %or3A_187, %or3A_188 : i1
        %or3A_190 = arith.ori %or3A_189, %eq3A_128 : i1
        %convert_element_type3A_191 = arith.extui %or3A_190 : i1 to i32
        %cond3A_192 = arith.constant 0 : i32
        %cond3A_193 = arith.cmpi ne, %convert_element_type3A_191, %cond3A_192 : i32
        scf.if %cond3A_193 {
        } else {
        }
        %rem3A_194 = arith.constant 2 : i32
        %rem3A_195 = arith.remui %scan3A_123, %rem3A_194 : i32
        %rem3A_196 = arith.constant 2 : i32
        %rem3A_197 = arith.remui %scan3A_124, %rem3A_196 : i32
        %run_scoped3A_198 = arith.constant 0 : i32
        "tpu.trace_start"() <{level = 10 : i32, message = "ep_run_kernel"}> : () -> ()
        "tpu.region"() ({
          %run_scoped3A_264 = tpu.sem_alloc : memref<!tpu.dma_semaphore, #tpu.memory_space<semaphore_mem>>
          %dma_start3A_265 = arith.constant 0 : i32
          %dma_start3A_266 = arith.constant 0 : i32
          %dma_start3A_267 = tpu.memref_slice %run_scoped3A_8[%rem3A_197, %dma_start3A_265, %dma_start3A_266] : memref<2x128x128xf32, #tpu.memory_space<vmem>> -> memref<1x128x128xf32, #tpu.memory_space<vmem>>
          %dma_start3A_268 = tpu.memref_squeeze %dma_start3A_267 : memref<1x128x128xf32, #tpu.memory_space<vmem>> -> memref<128x128xf32, #tpu.memory_space<vmem>>
          %dma_start3A_269 = arith.constant 0 : i32
          %dma_start3A_270 = arith.constant 0 : i32
          %dma_start3A_271 = tpu.memref_slice %run_scoped3A[%rem3A_195, %dma_start3A_269, %dma_start3A_270] : memref<2x1x128xi32, #tpu.memory_space<vmem>> -> memref<1x1x128xi32, #tpu.memory_space<vmem>>
          %dma_start3A_272 = tpu.memref_squeeze %dma_start3A_271 : memref<1x1x128xi32, #tpu.memory_space<vmem>> -> memref<1x128xi32, #tpu.memory_space<vmem>>
          %dma_start3A_273 = arith.constant 0 : i32
          %dma_start3A_274 = tpu.memref_slice %dma_start3A_272[%run_scoped3A_198, %dma_start3A_273] : memref<1x128xi32, #tpu.memory_space<vmem>> -> memref<1x128xi32, #tpu.memory_space<vmem>>
          %dma_start3A_275 = tpu.memref_squeeze %dma_start3A_274 : memref<1x128xi32, #tpu.memory_space<vmem>> -> memref<128xi32, #tpu.memory_space<vmem>>
          %dma_start3A_276 = arith.constant 0 : i32
          %dma_start3A_277 = arith.constant 0 : i32
          %dma_start3A_278 = tpu.memref_slice %arg2[%dma_start3A_276, %dma_start3A_277] : memref<100000x128xf32, #tpu.memory_space<hbm>> -> memref<100000x128xf32, #tpu.memory_space<hbm>>
          tpu.enqueue_indirect_dma source(%dma_start3A_278 : memref<100000x128xf32, #tpu.memory_space<hbm>>) target(%dma_start3A_268 : memref<128x128xf32, #tpu.memory_space<vmem>>) offsets(%dma_start3A_275 : memref<128xi32, #tpu.memory_space<vmem>>) semaphore(%run_scoped3A_264 : memref<!tpu.dma_semaphore, #tpu.memory_space<semaphore_mem>>)
          %dma_wait3A_279 = arith.constant 0 : i32
          %dma_wait3A_280 = arith.constant 0 : i32
          %dma_wait3A_281 = tpu.memref_slice %run_scoped3A_8[%rem3A_197, %dma_wait3A_279, %dma_wait3A_280] : memref<2x128x128xf32, #tpu.memory_space<vmem>> -> memref<1x128x128xf32, #tpu.memory_space<vmem>>
          %dma_wait3A_282 = tpu.memref_squeeze %dma_wait3A_281 : memref<1x128x128xf32, #tpu.memory_space<vmem>> -> memref<128x128xf32, #tpu.memory_space<vmem>>
          %dma_wait3A_283 = arith.constant 0 : i32
          %dma_wait3A_284 = arith.constant 0 : i32
          %dma_wait3A_285 = tpu.memref_slice %run_scoped3A[%rem3A_195, %dma_wait3A_283, %dma_wait3A_284] : memref<2x1x128xi32, #tpu.memory_space<vmem>> -> memref<1x1x128xi32, #tpu.memory_space<vmem>>
          %dma_wait3A_286 = tpu.memref_squeeze %dma_wait3A_285 : memref<1x1x128xi32, #tpu.memory_space<vmem>> -> memref<1x128xi32, #tpu.memory_space<vmem>>
          %dma_wait3A_287 = arith.constant 0 : i32
          %dma_wait3A_288 = tpu.memref_slice %dma_wait3A_286[%run_scoped3A_198, %dma_wait3A_287] : memref<1x128xi32, #tpu.memory_space<vmem>> -> memref<1x128xi32, #tpu.memory_space<vmem>>
          %dma_wait3A_289 = tpu.memref_squeeze %dma_wait3A_288 : memref<1x128xi32, #tpu.memory_space<vmem>> -> memref<128xi32, #tpu.memory_space<vmem>>
          %dma_wait3A_290 = arith.constant 0 : i32
          %dma_wait3A_291 = arith.constant 0 : i32
          %dma_wait3A_292 = tpu.memref_slice %arg2[%dma_wait3A_290, %dma_wait3A_291] : memref<100000x128xf32, #tpu.memory_space<hbm>> -> memref<100000x128xf32, #tpu.memory_space<hbm>>
          tpu.wait_indirect_dma semaphore(%run_scoped3A_264 : memref<!tpu.dma_semaphore, #tpu.memory_space<semaphore_mem>>) src(%dma_wait3A_292 : memref<100000x128xf32, #tpu.memory_space<hbm>>) dst(%dma_wait3A_282 : memref<128x128xf32, #tpu.memory_space<vmem>>)
          tpu.yield
        }) : () -> ()
        "tpu.trace_stop"() : () -> ()
        %ne3A_199 = arith.cmpi ne, %add3A_131, %add3A_149 : i32
        %or3A_200 = arith.constant false
        %or3A_201 = arith.ori %or3A_200, %ne3A_199 : i1
        %or3A_202 = arith.ori %or3A_201, %eq3A_130 : i1
        %convert_element_type3A_203 = arith.extui %or3A_202 : i1 to i32
        %cond3A_204 = arith.constant 0 : i32
        %cond3A_205 = arith.cmpi ne, %convert_element_type3A_203, %cond3A_204 : i32
        scf.if %cond3A_205 {
        } else {
        }
        %and3A_206 = arith.constant false
        %and3A_207 = arith.andi %or3A_202, %and3A_206 : i1
        %ne3A_208 = arith.cmpi ne, %add3A_131, %add3A_149 : i32
        %or3A_209 = arith.constant false
        %or3A_210 = arith.ori %or3A_209, %ne3A_208 : i1
        %or3A_211 = arith.constant false
        %or3A_212 = arith.ori %or3A_210, %or3A_211 : i1
        %or3A_213 = arith.ori %or3A_212, %eq3A_130 : i1
        %convert_element_type3A_214 = arith.extui %or3A_213 : i1 to i32
        %cond3A_215 = arith.constant 0 : i32
        %cond3A_216 = arith.cmpi ne, %convert_element_type3A_214, %cond3A_215 : i32
        scf.if %cond3A_216 {
          "tpu.trace_start"() <{level = 10 : i32, message = "ep_copy_out"}> : () -> ()
          %rem3A_264 = arith.constant 2 : i32
          %rem3A_265 = arith.remui %scan3A_124, %rem3A_264 : i32
          %mul3A_266 = arith.constant 128 : i32
          %mul3A_267 = arith.muli %mul3A_266, %add3A_131 : i32
          %dma_start3A_268 = arith.constant 0 : i32
          %dma_start3A_269 = arith.constant 0 : i32
          %dma_start3A_270 = tpu.memref_slice %run_scoped3A_8[%rem3A_265, %dma_start3A_268, %dma_start3A_269] : memref<2x128x128xf32, #tpu.memory_space<vmem>> -> memref<1x128x128xf32, #tpu.memory_space<vmem>>
          %dma_start3A_271 = tpu.memref_squeeze %dma_start3A_270 : memref<1x128x128xf32, #tpu.memory_space<vmem>> -> memref<128x128xf32, #tpu.memory_space<vmem>>
          %dma_start3A_272 = arith.constant 0 : i32
          %dma_start3A_273 = tpu.memref_slice %arg4[%mul3A_267, %dma_start3A_272] : memref<40960x128xf32, #tpu.memory_space<hbm>> -> memref<128x128xf32, #tpu.memory_space<hbm>>
          %dma_start3A_274 = tpu.memref_slice %run_scoped3A_9[%rem3A_265] : memref<2x!tpu.dma_semaphore, #tpu.memory_space<semaphore_mem>> -> memref<1x!tpu.dma_semaphore, #tpu.memory_space<semaphore_mem>>
          %dma_start3A_275 = tpu.memref_squeeze %dma_start3A_274 : memref<1x!tpu.dma_semaphore, #tpu.memory_space<semaphore_mem>> -> memref<!tpu.dma_semaphore, #tpu.memory_space<semaphore_mem>>
          %dma_start3A_276 = arith.constant 0 : i32
          %dma_start3A_277 = tpu.memref_slice %arg4[%mul3A_267, %dma_start3A_276] : memref<40960x128xf32, #tpu.memory_space<hbm>> -> memref<128x128xf32, #tpu.memory_space<hbm>>
          %dma_start3A_278 = arith.constant 0 : i32
          %dma_start3A_279 = arith.constant 0 : i32
          %dma_start3A_280 = tpu.memref_slice %run_scoped3A_8[%rem3A_265, %dma_start3A_278, %dma_start3A_279] : memref<2x128x128xf32, #tpu.memory_space<vmem>> -> memref<1x128x128xf32, #tpu.memory_space<vmem>>
          %dma_start3A_281 = tpu.memref_squeeze %dma_start3A_280 : memref<1x128x128xf32, #tpu.memory_space<vmem>> -> memref<128x128xf32, #tpu.memory_space<vmem>>
          tpu.enqueue_dma source(%dma_start3A_281 : memref<128x128xf32, #tpu.memory_space<vmem>>) target(%dma_start3A_277 : memref<128x128xf32, #tpu.memory_space<hbm>>) target_semaphore(%dma_start3A_275 : memref<!tpu.dma_semaphore, #tpu.memory_space<semaphore_mem>>)
          "tpu.trace_stop"() : () -> ()
        } else {
        }
        %and3A_217 = arith.constant true
        %and3A_218 = arith.andi %or3A_213, %and3A_217 : i1
        %add3A_219 = arith.constant 1 : i32
        %add3A_220 = arith.addi %scan3A_124, %add3A_219 : i32
        %select_n3A_221 = arith.select %and3A_218, %add3A_220, %scan3A_124 : i32
        %ne3A_222 = arith.cmpi ne, %add3A_131, %add3A_140 : i32
        %or3A_223 = arith.constant false
        %or3A_224 = arith.ori %or3A_223, %ne3A_222 : i1
        %not3A_225 = arith.constant true
        %not3A_226 = arith.xori %eq3A_128, %not3A_225 : i1
        %and3A_227 = arith.andi %or3A_224, %not3A_226 : i1
        %convert_element_type3A_228 = arith.extui %and3A_227 : i1 to i32
        %cond3A_229 = arith.constant 0 : i32
        %cond3A_230 = arith.cmpi ne, %convert_element_type3A_228, %cond3A_229 : i32
        scf.if %cond3A_230 {
        } else {
        }
        %and3A_231 = arith.constant false
        %and3A_232 = arith.andi %and3A_227, %and3A_231 : i1
        %ne3A_233 = arith.cmpi ne, %add3A_131, %add3A_140 : i32
        %or3A_234 = arith.constant false
        %or3A_235 = arith.ori %or3A_234, %ne3A_233 : i1
        %or3A_236 = arith.constant false
        %or3A_237 = arith.ori %or3A_235, %or3A_236 : i1
        %not3A_238 = arith.constant true
        %not3A_239 = arith.xori %eq3A_128, %not3A_238 : i1
        %and3A_240 = arith.andi %or3A_237, %not3A_239 : i1
        %convert_element_type3A_241 = arith.extui %and3A_240 : i1 to i32
        %cond3A_242 = arith.constant 0 : i32
        %cond3A_243 = arith.cmpi ne, %convert_element_type3A_241, %cond3A_242 : i32
        scf.if %cond3A_243 {
          "tpu.trace_start"() <{level = 10 : i32, message = "ep_wait_out"}> : () -> ()
          %rem3A_264 = arith.constant 2 : i32
          %rem3A_265 = arith.remui %scan3A_125, %rem3A_264 : i32
          %mul3A_266 = arith.constant 128 : i32
          %mul3A_267 = arith.muli %mul3A_266, %add3A_140 : i32
          %dma_wait3A_268 = arith.constant 0 : i32
          %dma_wait3A_269 = arith.constant 0 : i32
          %dma_wait3A_270 = tpu.memref_slice %run_scoped3A_8[%rem3A_265, %dma_wait3A_268, %dma_wait3A_269] : memref<2x128x128xf32, #tpu.memory_space<vmem>> -> memref<1x128x128xf32, #tpu.memory_space<vmem>>
          %dma_wait3A_271 = tpu.memref_squeeze %dma_wait3A_270 : memref<1x128x128xf32, #tpu.memory_space<vmem>> -> memref<128x128xf32, #tpu.memory_space<vmem>>
          %dma_wait3A_272 = arith.constant 0 : i32
          %dma_wait3A_273 = tpu.memref_slice %arg4[%mul3A_267, %dma_wait3A_272] : memref<40960x128xf32, #tpu.memory_space<hbm>> -> memref<128x128xf32, #tpu.memory_space<hbm>>
          %dma_wait3A_274 = tpu.memref_slice %run_scoped3A_9[%rem3A_265] : memref<2x!tpu.dma_semaphore, #tpu.memory_space<semaphore_mem>> -> memref<1x!tpu.dma_semaphore, #tpu.memory_space<semaphore_mem>>
          %dma_wait3A_275 = tpu.memref_squeeze %dma_wait3A_274 : memref<1x!tpu.dma_semaphore, #tpu.memory_space<semaphore_mem>> -> memref<!tpu.dma_semaphore, #tpu.memory_space<semaphore_mem>>
          %dma_wait3A_276 = arith.constant 0 : i32
          %dma_wait3A_277 = tpu.memref_slice %arg4[%mul3A_267, %dma_wait3A_276] : memref<40960x128xf32, #tpu.memory_space<hbm>> -> memref<128x128xf32, #tpu.memory_space<hbm>>
          %dma_wait3A_278 = arith.constant 0 : i32
          %dma_wait3A_279 = arith.constant 0 : i32
          %dma_wait3A_280 = tpu.memref_slice %run_scoped3A_8[%rem3A_265, %dma_wait3A_278, %dma_wait3A_279] : memref<2x128x128xf32, #tpu.memory_space<vmem>> -> memref<1x128x128xf32, #tpu.memory_space<vmem>>
          %dma_wait3A_281 = tpu.memref_squeeze %dma_wait3A_280 : memref<1x128x128xf32, #tpu.memory_space<vmem>> -> memref<128x128xf32, #tpu.memory_space<vmem>>
          tpu.wait_dma2 semaphore(%dma_wait3A_275 : memref<!tpu.dma_semaphore, #tpu.memory_space<semaphore_mem>>) src(%dma_wait3A_281 : memref<128x128xf32, #tpu.memory_space<vmem>>) dst(%dma_wait3A_277 : memref<128x128xf32, #tpu.memory_space<hbm>>)
          "tpu.trace_stop"() : () -> ()
        } else {
        }
        %and3A_244 = arith.constant true
        %and3A_245 = arith.andi %and3A_240, %and3A_244 : i1
        %add3A_246 = arith.constant 1 : i32
        %add3A_247 = arith.addi %scan3A_125, %add3A_246 : i32
        %select_n3A_248 = arith.select %and3A_245, %add3A_247, %scan3A_125 : i32
        %ne3A_249 = arith.cmpi ne, %add3A_131, %add3A_149 : i32
        %or3A_250 = arith.constant false
        %or3A_251 = arith.ori %or3A_250, %ne3A_249 : i1
        %or3A_252 = arith.ori %or3A_251, %eq3A_130 : i1
        %add3A_253 = arith.constant 1 : i32
        %add3A_254 = arith.addi %scan3A_123, %add3A_253 : i32
        %select_n3A_255 = arith.select %or3A_252, %add3A_254, %scan3A_123 : i32
        %add3A_256 = arith.constant 1 : i32
        %add3A_257 = arith.addi %scan3A_126, %add3A_256 : i32
        %select_n3A_258 = arith.constant true
        %select_n3A_259 = arith.select %select_n3A_258, %add3A_257, %scan3A_126 : i32
        %eq3A_260 = arith.constant 10 : i32
        %eq3A_261 = arith.cmpi eq, %select_n3A_259, %eq3A_260 : i32
        %select_n3A_262 = arith.constant 0 : i32
        %select_n3A_263 = arith.select %eq3A_261, %select_n3A_262, %select_n3A_259 : i32
        scf.yield %select_n3A_167, %select_n3A_255, %select_n3A_221, %select_n3A_248, %select_n3A_263 : i32, i32, i32, i32, i32
      }
      %scan3A_68 = arith.constant 10 : i32
      %sub3A = arith.constant 1 : i32
      %sub3A_69 = arith.subi %scan3A_67#4, %sub3A : i32
      %select_n3A_70 = arith.constant true
      %select_n3A_71 = arith.select %select_n3A_70, %sub3A_69, %scan3A_67#4 : i32
      %eq3A_72 = arith.constant -1 : i32
      %eq3A_73 = arith.cmpi eq, %select_n3A_71, %eq3A_72 : i32
      %select_n3A_74 = arith.constant 9 : i32
      %select_n3A_75 = arith.select %eq3A_73, %select_n3A_74, %select_n3A_71 : i32
      %add3A_76 = arith.addi %select_n3A_75, %mul3A_6 : i32
      %sub3A_77 = arith.constant 1 : i32
      %sub3A_78 = arith.subi %select_n3A_75, %sub3A_77 : i32
      %select_n3A_79 = arith.constant true
      %select_n3A_80 = arith.select %select_n3A_79, %sub3A_78, %select_n3A_75 : i32
      %eq3A_81 = arith.constant -1 : i32
      %eq3A_82 = arith.cmpi eq, %select_n3A_80, %eq3A_81 : i32
      %select_n3A_83 = arith.constant 9 : i32
      %select_n3A_84 = arith.select %eq3A_82, %select_n3A_83, %select_n3A_80 : i32
      %add3A_85 = arith.addi %select_n3A_84, %mul3A_6 : i32
      %add3A_86 = arith.constant 1 : i32
      %add3A_87 = arith.addi %select_n3A_75, %add3A_86 : i32
      %select_n3A_88 = arith.constant true
      %select_n3A_89 = arith.select %select_n3A_88, %add3A_87, %select_n3A_75 : i32
      %eq3A_90 = arith.constant 10 : i32
      %eq3A_91 = arith.cmpi eq, %select_n3A_89, %eq3A_90 : i32
      %select_n3A_92 = arith.constant 0 : i32
      %select_n3A_93 = arith.select %eq3A_91, %select_n3A_92, %select_n3A_89 : i32
      %add3A_94 = arith.addi %select_n3A_93, %mul3A_6 : i32
      %add3A_95 = arith.constant 1 : i32
      %add3A_96 = arith.addi %select_n3A_93, %add3A_95 : i32
      %select_n3A_97 = arith.constant true
      %select_n3A_98 = arith.select %select_n3A_97, %add3A_96, %select_n3A_93 : i32
      %eq3A_99 = arith.constant 10 : i32
      %eq3A_100 = arith.cmpi eq, %select_n3A_98, %eq3A_99 : i32
      %select_n3A_101 = arith.constant 0 : i32
      %select_n3A_102 = arith.select %eq3A_100, %select_n3A_101, %select_n3A_98 : i32
      %add3A_103 = arith.addi %select_n3A_102, %mul3A_6 : i32
      "tpu.trace_start"() <{level = 10 : i32, message = "ep_finalize"}> : () -> ()
      %rem3A_104 = arith.constant 2 : i32
      %rem3A_105 = arith.remui %scan3A_67#3, %rem3A_104 : i32
      %mul3A_106 = arith.constant 128 : i32
      %mul3A_107 = arith.muli %mul3A_106, %add3A_76 : i32
      %dma_wait3A = arith.constant 0 : i32
      %dma_wait3A_108 = arith.constant 0 : i32
      %dma_wait3A_109 = tpu.memref_slice %run_scoped3A_8[%rem3A_105, %dma_wait3A, %dma_wait3A_108] : memref<2x128x128xf32, #tpu.memory_space<vmem>> -> memref<1x128x128xf32, #tpu.memory_space<vmem>>
      %dma_wait3A_110 = tpu.memref_squeeze %dma_wait3A_109 : memref<1x128x128xf32, #tpu.memory_space<vmem>> -> memref<128x128xf32, #tpu.memory_space<vmem>>
      %dma_wait3A_111 = arith.constant 0 : i32
      %dma_wait3A_112 = tpu.memref_slice %arg4[%mul3A_107, %dma_wait3A_111] : memref<40960x128xf32, #tpu.memory_space<hbm>> -> memref<128x128xf32, #tpu.memory_space<hbm>>
      %dma_wait3A_113 = tpu.memref_slice %run_scoped3A_9[%rem3A_105] : memref<2x!tpu.dma_semaphore, #tpu.memory_space<semaphore_mem>> -> memref<1x!tpu.dma_semaphore, #tpu.memory_space<semaphore_mem>>
      %dma_wait3A_114 = tpu.memref_squeeze %dma_wait3A_113 : memref<1x!tpu.dma_semaphore, #tpu.memory_space<semaphore_mem>> -> memref<!tpu.dma_semaphore, #tpu.memory_space<semaphore_mem>>
      %dma_wait3A_115 = arith.constant 0 : i32
      %dma_wait3A_116 = tpu.memref_slice %arg4[%mul3A_107, %dma_wait3A_115] : memref<40960x128xf32, #tpu.memory_space<hbm>> -> memref<128x128xf32, #tpu.memory_space<hbm>>
      %dma_wait3A_117 = arith.constant 0 : i32
      %dma_wait3A_118 = arith.constant 0 : i32
      %dma_wait3A_119 = tpu.memref_slice %run_scoped3A_8[%rem3A_105, %dma_wait3A_117, %dma_wait3A_118] : memref<2x128x128xf32, #tpu.memory_space<vmem>> -> memref<1x128x128xf32, #tpu.memory_space<vmem>>
      %dma_wait3A_120 = tpu.memref_squeeze %dma_wait3A_119 : memref<1x128x128xf32, #tpu.memory_space<vmem>> -> memref<128x128xf32, #tpu.memory_space<vmem>>
      tpu.wait_dma2 semaphore(%dma_wait3A_114 : memref<!tpu.dma_semaphore, #tpu.memory_space<semaphore_mem>>) src(%dma_wait3A_120 : memref<128x128xf32, #tpu.memory_space<vmem>>) dst(%dma_wait3A_116 : memref<128x128xf32, #tpu.memory_space<hbm>>)
      "tpu.trace_stop"() : () -> ()
      tpu.yield
    }) : () -> ()
    return
  }
}

#map = affine_map<(d0, d1) -> (0, 0)>
module attributes {stable_mosaic.version = 14 : i64} {
  func.func @k(%arg0: i32, %arg1: i32, %arg2: memref<100000x128xf32, #tpu.memory_space<hbm>>, %arg3: memref<1x40960xi32, #tpu.memory_space<hbm>>, %arg4: memref<40960x128xf32, #tpu.memory_space<hbm>>) attributes {dimension_semantics = [#tpu.dimension_semantics<core_parallel>, #tpu.dimension_semantics<subcore_parallel>], iteration_bounds = array<i64: 2, 16>, scalar_prefetch = 0 : i64, scratch_operands = 0 : i64, tpu.core_type = #tpu.core_type<sc_vector_subcore>, window_params = [{transform_indices = #map}, {transform_indices = #map}, {transform_indices = #map}]} {
    %mul3A = arith.constant 1 : i32
    %mul3A_0 = arith.muli %arg1, %mul3A : i32
    %add3A = arith.constant 0 : i32
    %add3A_1 = arith.addi %add3A, %mul3A_0 : i32
    %mul3A_2 = arith.constant 16 : i32
    %mul3A_3 = arith.muli %arg0, %mul3A_2 : i32
    %add3A_4 = arith.addi %add3A_1, %mul3A_3 : i32
    %mul3A_5 = arith.constant 10 : i32
    %mul3A_6 = arith.muli %add3A_4, %mul3A_5 : i32
    "tpu.region"() ({
      %run_scoped3A = memref.alloca() : memref<2x1x128xi32, #tpu.memory_space<vmem>>
      %run_scoped3A_7 = tpu.sem_alloc : memref<2x!tpu.dma_semaphore, #tpu.memory_space<semaphore_mem>>
      %run_scoped3A_8 = memref.alloca() : memref<2x128x128xf32, #tpu.memory_space<vmem>>
      %run_scoped3A_9 = tpu.sem_alloc : memref<2x!tpu.dma_semaphore, #tpu.memory_space<semaphore_mem>>
      %add3A_10 = arith.constant 0 : i32
      %add3A_11 = arith.addi %add3A_10, %mul3A_6 : i32
      %select_n3A = arith.constant true
      %select_n3A_12 = arith.constant 0 : i32
      %select_n3A_13 = arith.constant -1 : i32
      %select_n3A_14 = arith.select %select_n3A, %select_n3A_13, %select_n3A_12 : i32
      %eq3A = arith.constant -1 : i32
      %eq3A_15 = arith.cmpi eq, %select_n3A_14, %eq3A : i32
      %select_n3A_16 = arith.constant 9 : i32
      %select_n3A_17 = arith.select %eq3A_15, %select_n3A_16, %select_n3A_14 : i32
      %add3A_18 = arith.addi %select_n3A_17, %mul3A_6 : i32
      %select_n3A_19 = arith.constant true
      %select_n3A_20 = arith.constant 0 : i32
      %select_n3A_21 = arith.constant 1 : i32
      %select_n3A_22 = arith.select %select_n3A_19, %select_n3A_21, %select_n3A_20 : i32
      %eq3A_23 = arith.constant 10 : i32
      %eq3A_24 = arith.cmpi eq, %select_n3A_22, %eq3A_23 : i32
      %select_n3A_25 = arith.constant 0 : i32
      %select_n3A_26 = arith.select %eq3A_24, %select_n3A_25, %select_n3A_22 : i32
      %add3A_27 = arith.addi %select_n3A_26, %mul3A_6 : i32
      %add3A_28 = arith.constant 1 : i32
      %add3A_29 = arith.addi %select_n3A_26, %add3A_28 : i32
      %select_n3A_30 = arith.constant true
      %select_n3A_31 = arith.select %select_n3A_30, %add3A_29, %select_n3A_26 : i32
      %eq3A_32 = arith.constant 10 : i32
      %eq3A_33 = arith.cmpi eq, %select_n3A_31, %eq3A_32 : i32
      %select_n3A_34 = arith.constant 0 : i32
      %select_n3A_35 = arith.select %eq3A_33, %select_n3A_34, %select_n3A_31 : i32
      %add3A_36 = arith.addi %select_n3A_35, %mul3A_6 : i32
      "tpu.trace_start"() <{level = 10 : i32, message = "ep_initialize_0"}> : () -> ()
      %rem3A = arith.constant 0 : i32
      %rem3A_37 = arith.constant 2 : i32
      %rem3A_38 = arith.remui %rem3A, %rem3A_37 : i32
      %mul3A_39 = arith.constant 128 : i32
      %mul3A_40 = arith.muli %mul3A_39, %add3A_11 : i32
      %dma_start3A = arith.constant 0 : i32
      %dma_start3A_41 = arith.constant 0 : i32
      %dma_start3A_42 = tpu.memref_slice %run_scoped3A[%rem3A_38, %dma_start3A, %dma_start3A_41] : memref<2x1x128xi32, #tpu.memory_space<vmem>> -> memref<1x1x128xi32, #tpu.memory_space<vmem>>
      %dma_start3A_43 = tpu.memref_squeeze %dma_start3A_42 : memref<1x1x128xi32, #tpu.memory_space<vmem>> -> memref<1x128xi32, #tpu.memory_space<vmem>>
      %dma_start3A_44 = arith.constant 0 : i32
      %dma_start3A_45 = tpu.memref_slice %arg3[%dma_start3A_44, %mul3A_40] : memref<1x40960xi32, #tpu.memory_space<hbm>> -> memref<1x128xi32, #tpu.memory_space<hbm>>
      %dma_start3A_46 = tpu.memref_slice %run_scoped3A_7[%rem3A_38] : memref<2x!tpu.dma_semaphore, #tpu.memory_space<semaphore_mem>> -> memref<1x!tpu.dma_semaphore, #tpu.memory_space<semaphore_mem>>
      %dma_start3A_47 = tpu.memref_squeeze %dma_start3A_46 : memref<1x!tpu.dma_semaphore, #tpu.memory_space<semaphore_mem>> -> memref<!tpu.dma_semaphore, #tpu.memory_space<semaphore_mem>>
      %dma_start3A_48 = arith.constant 0 : i32
      %dma_start3A_49 = arith.constant 0 : i32
      %dma_start3A_50 = tpu.memref_slice %run_scoped3A[%rem3A_38, %dma_start3A_48, %dma_start3A_49] : memref<2x1x128xi32, #tpu.memory_space<vmem>> -> memref<1x1x128xi32, #tpu.memory_space<vmem>>
      %dma_start3A_51 = tpu.memref_squeeze %dma_start3A_50 : memref<1x1x128xi32, #tpu.memory_space<vmem>> -> memref<1x128xi32, #tpu.memory_space<vmem>>
      %dma_start3A_52 = arith.constant 0 : i32
      %dma_start3A_53 = tpu.memref_slice %arg3[%dma_start3A_52, %mul3A_40] : memref<1x40960xi32, #tpu.memory_space<hbm>> -> memref<1x128xi32, #tpu.memory_space<hbm>>
      tpu.enqueue_dma source(%dma_start3A_53 : memref<1x128xi32, #tpu.memory_space<hbm>>) target(%dma_start3A_51 : memref<1x128xi32, #tpu.memory_space<vmem>>) target_semaphore(%dma_start3A_47 : memref<!tpu.dma_semaphore, #tpu.memory_space<semaphore_mem>>)
      %add3A_54 = arith.constant 0 : i32
      %add3A_55 = arith.constant 1 : i32
      %add3A_56 = arith.addi %add3A_54, %add3A_55 : i32
      %select_n3A_57 = arith.constant true
      %select_n3A_58 = arith.constant 0 : i32
      %select_n3A_59 = arith.select %select_n3A_57, %add3A_56, %select_n3A_58 : i32
      "tpu.trace_stop"() : () -> ()
      %scan3A = arith.constant 0 : i32
      %scan3A_60 = arith.constant 0 : i32
      %scan3A_61 = arith.constant 0 : i32
      %scan3A_62 = arith.constant 0 : i32
      %scan3A_63 = arith.constant 0 : i32
      %scan3A_64 = arith.constant 10 : i32
      %scan3A_65 = arith.addi %scan3A_63, %scan3A_64 : i32
      %scan3A_66 = arith.constant 1 : i32
      %scan3A_67:5 = scf.for %scan3A_121 = %scan3A_63 to %scan3A_65 step %scan3A_66 iter_args(%scan3A_122 = %select_n3A_59, %scan3A_123 = %scan3A, %scan3A_124 = %scan3A_60, %scan3A_125 = %scan3A_61, %scan3A_126 = %scan3A_62) -> (i32, i32, i32, i32, i32)  : i32 {
        %eq3A_127 = arith.constant 0 : i32
        %eq3A_128 = arith.cmpi eq, %scan3A_121, %eq3A_127 : i32
        %eq3A_129 = arith.constant 9 : i32
        %eq3A_130 = arith.cmpi eq, %scan3A_121, %eq3A_129 : i32
        %add3A_131 = arith.addi %scan3A_126, %mul3A_6 : i32
        %sub3A_132 = arith.constant 1 : i32
        %sub3A_133 = arith.subi %scan3A_126, %sub3A_132 : i32
        %select_n3A_134 = arith.constant true
        %select_n3A_135 = arith.select %select_n3A_134, %sub3A_133, %scan3A_126 : i32
        %eq3A_136 = arith.constant -1 : i32
        %eq3A_137 = arith.cmpi eq, %select_n3A_135, %eq3A_136 : i32
        %select_n3A_138 = arith.constant 9 : i32
        %select_n3A_139 = arith.select %eq3A_137, %select_n3A_138, %select_n3A_135 : i32
        %add3A_140 = arith.addi %select_n3A_139, %mul3A_6 : i32
        %add3A_141 = arith.constant 1 : i32
        %add3A_142 = arith.addi %scan3A_126, %add3A_141 : i32
        %select_n3A_143 = arith.constant true
        %select_n3A_144 = arith.select %select_n3A_143, %add3A_142, %scan3A_126 : i32
        %eq3A_145 = arith.constant 10 : i32
        %eq3A_146 = arith.cmpi eq, %select_n3A_144, %eq3A_145 : i32
        %select_n3A_147 = arith.constant 0 : i32
        %select_n3A_148 = arith.select %eq3A_146, %select_n3A_147, %select_n3A_144 : i32
        %add3A_149 = arith.addi %select_n3A_148, %mul3A_6 : i32
        %add3A_150 = arith.constant 1 : i32
        %add3A_151 = arith.addi %select_n3A_148, %add3A_150 : i32
        %select_n3A_152 = arith.constant true
        %select_n3A_153 = arith.select %select_n3A_152, %add3A_151, %select_n3A_148 : i32
        %eq3A_154 = arith.constant 10 : i32
        %eq3A_155 = arith.cmpi eq, %select_n3A_153, %eq3A_154 : i32
        %select_n3A_156 = arith.constant 0 : i32
        %select_n3A_157 = arith.select %eq3A_155, %select_n3A_156, %select_n3A_153 : i32
        %add3A_158 = arith.addi %select_n3A_157, %mul3A_6 : i32
        %ne3A = arith.cmpi ne, %add3A_131, %add3A_149 : i32
        %or3A = arith.constant false
        %or3A_159 = arith.ori %or3A, %ne3A : i1
        %ge3A = arith.constant 9 : i32
        %ge3A_160 = arith.cmpi sge, %scan3A_121, %ge3A : i32
        %not3A = arith.constant true
        %not3A_161 = arith.xori %ge3A_160, %not3A : i1
        %and3A = arith.andi %or3A_159, %not3A_161 : i1
        %convert_element_type3A = arith.extui %and3A : i1 to i32
        %cond3A = arith.constant 0 : i32
        %cond3A_162 = arith.cmpi ne, %convert_element_type3A, %cond3A : i32
        scf.if %cond3A_162 {
          "tpu.trace_start"() <{level = 10 : i32, message = "ep_copy_in"}> : () -> ()
          %rem3A_264 = arith.constant 2 : i32
          %rem3A_265 = arith.remui %scan3A_122, %rem3A_264 : i32
          %mul3A_266 = arith.constant 128 : i32
          %mul3A_267 = arith.muli %mul3A_266, %add3A_149 : i32
          %dma_start3A_268 = arith.constant 0 : i32
          %dma_start3A_269 = arith.constant 0 : i32
          %dma_start3A_270 = tpu.memref_slice %run_scoped3A[%rem3A_265, %dma_start3A_268, %dma_start3A_269] : memref<2x1x128xi32, #tpu.memory_space<vmem>> -> memref<1x1x128xi32, #tpu.memory_space<vmem>>
          %dma_start3A_271 = tpu.memref_squeeze %dma_start3A_270 : memref<1x1x128xi32, #tpu.memory_space<vmem>> -> memref<1x128xi32, #tpu.memory_space<vmem>>
          %dma_start3A_272 = arith.constant 0 : i32
          %dma_start3A_273 = tpu.memref_slice %arg3[%dma_start3A_272, %mul3A_267] : memref<1x40960xi32, #tpu.memory_space<hbm>> -> memref<1x128xi32, #tpu.memory_space<hbm>>
          %dma_start3A_274 = tpu.memref_slice %run_scoped3A_7[%rem3A_265] : memref<2x!tpu.dma_semaphore, #tpu.memory_space<semaphore_mem>> -> memref<1x!tpu.dma_semaphore, #tpu.memory_space<semaphore_mem>>
          %dma_start3A_275 = tpu.memref_squeeze %dma_start3A_274 : memref<1x!tpu.dma_semaphore, #tpu.memory_space<semaphore_mem>> -> memref<!tpu.dma_semaphore, #tpu.memory_space<semaphore_mem>>
          %dma_start3A_276 = arith.constant 0 : i32
          %dma_start3A_277 = arith.constant 0 : i32
          %dma_start3A_278 = tpu.memref_slice %run_scoped3A[%rem3A_265, %dma_start3A_276, %dma_start3A_277] : memref<2x1x128xi32, #tpu.memory_space<vmem>> -> memref<1x1x128xi32, #tpu.memory_space<vmem>>
          %dma_start3A_279 = tpu.memref_squeeze %dma_start3A_278 : memref<1x1x128xi32, #tpu.memory_space<vmem>> -> memref<1x128xi32, #tpu.memory_space<vmem>>
          %dma_start3A_280 = arith.constant 0 : i32
          %dma_start3A_281 = tpu.memref_slice %arg3[%dma_start3A_280, %mul3A_267] : memref<1x40960xi32, #tpu.memory_space<hbm>> -> memref<1x128xi32, #tpu.memory_space<hbm>>
          tpu.enqueue_dma source(%dma_start3A_281 : memref<1x128xi32, #tpu.memory_space<hbm>>) target(%dma_start3A_279 : memref<1x128xi32, #tpu.memory_space<vmem>>) target_semaphore(%dma_start3A_275 : memref<!tpu.dma_semaphore, #tpu.memory_space<semaphore_mem>>)
          "tpu.trace_stop"() : () -> ()
        } else {
        }
        %and3A_163 = arith.constant true
        %and3A_164 = arith.andi %and3A, %and3A_163 : i1
        %add3A_165 = arith.constant 1 : i32
        %add3A_166 = arith.addi %scan3A_122, %add3A_165 : i32
        %select_n3A_167 = arith.select %and3A_164, %add3A_166, %scan3A_122 : i32
        %ne3A_168 = arith.cmpi ne, %add3A_131, %add3A_149 : i32
        %or3A_169 = arith.constant false
        %or3A_170 = arith.ori %or3A_169, %ne3A_168 : i1
        %or3A_171 = arith.constant false
        %or3A_172 = arith.ori %or3A_170, %or3A_171 : i1
        %ge3A_173 = arith.constant 9 : i32
        %ge3A_174 = arith.cmpi sge, %scan3A_121, %ge3A_173 : i32
        %not3A_175 = arith.constant true
        %not3A_176 = arith.xori %ge3A_174, %not3A_175 : i1
        %and3A_177 = arith.andi %or3A_172, %not3A_176 : i1
        %ne3A_178 = arith.cmpi ne, %add3A_131, %add3A_140 : i32
        %or3A_179 = arith.constant false
        %or3A_180 = arith.ori %or3A_179, %ne3A_178 : i1
        %or3A_181 = arith.ori %or3A_180, %eq3A_128 : i1
        %convert_element_type3A_182 = arith.extui %or3A_181 : i1 to i32
        %cond3A_183 = arith.constant 0 : i32
        %cond3A_184 = arith.cmpi ne, %convert_element_type3A_182, %cond3A_183 : i32
        scf.if %cond3A_184 {
          "tpu.trace_start"() <{level = 10 : i32, message = "ep_wait_in"}> : () -> ()
          %mul3A_264 = arith.constant 128 : i32
          %mul3A_265 = arith.muli %mul3A_264, %add3A_131 : i32
          %rem3A_266 = arith.constant 2 : i32
          %rem3A_267 = arith.remui %scan3A_123, %rem3A_266 : i32
          %dma_wait3A_268 = arith.constant 0 : i32
          %dma_wait3A_269 = arith.constant 0 : i32
          %dma_wait3A_270 = tpu.memref_slice %run_scoped3A[%rem3A_267, %dma_wait3A_268, %dma_wait3A_269] : memref<2x1x128xi32, #tpu.memory_space<vmem>> -> memref<1x1x128xi32, #tpu.memory_space<vmem>>
          %dma_wait3A_271 = tpu.memref_squeeze %dma_wait3A_270 : memref<1x1x128xi32, #tpu.memory_space<vmem>> -> memref<1x128xi32, #tpu.memory_space<vmem>>
          %dma_wait3A_272 = arith.constant 0 : i32
          %dma_wait3A_273 = tpu.memref_slice %arg3[%dma_wait3A_272, %mul3A_265] : memref<1x40960xi32, #tpu.memory_space<hbm>> -> memref<1x128xi32, #tpu.memory_space<hbm>>
          %dma_wait3A_274 = tpu.memref_slice %run_scoped3A_7[%rem3A_267] : memref<2x!tpu.dma_semaphore, #tpu.memory_space<semaphore_mem>> -> memref<1x!tpu.dma_semaphore, #tpu.memory_space<semaphore_mem>>
          %dma_wait3A_275 = tpu.memref_squeeze %dma_wait3A_274 : memref<1x!tpu.dma_semaphore, #tpu.memory_space<semaphore_mem>> -> memref<!tpu.dma_semaphore, #tpu.memory_space<semaphore_mem>>
          %dma_wait3A_276 = arith.constant 0 : i32
          %dma_wait3A_277 = arith.constant 0 : i32
          %dma_wait3A_278 = tpu.memref_slice %run_scoped3A[%rem3A_267, %dma_wait3A_276, %dma_wait3A_277] : memref<2x1x128xi32, #tpu.memory_space<vmem>> -> memref<1x1x128xi32, #tpu.memory_space<vmem>>
          %dma_wait3A_279 = tpu.memref_squeeze %dma_wait3A_278 : memref<1x1x128xi32, #tpu.memory_space<vmem>> -> memref<1x128xi32, #tpu.memory_space<vmem>>
          %dma_wait3A_280 = arith.constant 0 : i32
          %dma_wait3A_281 = tpu.memref_slice %arg3[%dma_wait3A_280, %mul3A_265] : memref<1x40960xi32, #tpu.memory_space<hbm>> -> memref<1x128xi32, #tpu.memory_space<hbm>>
          tpu.wait_dma2 semaphore(%dma_wait3A_275 : memref<!tpu.dma_semaphore, #tpu.memory_space<semaphore_mem>>) src(%dma_wait3A_281 : memref<1x128xi32, #tpu.memory_space<hbm>>) dst(%dma_wait3A_279 : memref<1x128xi32, #tpu.memory_space<vmem>>)
          "tpu.trace_stop"() : () -> ()
        } else {
        }
        %ne3A_185 = arith.cmpi ne, %add3A_131, %add3A_140 : i32
        %or3A_186 = arith.constant false
        %or3A_187 = arith.ori %or3A_186, %ne3A_185 : i1
        %or3A_188 = arith.constant false
        %or3A_189 = arith.ori %or3A_187, %or3A_188 : i1
        %or3A_190 = arith.ori %or3A_189, %eq3A_128 : i1
        %convert_element_type3A_191 = arith.extui %or3A_190 : i1 to i32
        %cond3A_192 = arith.constant 0 : i32
        %cond3A_193 = arith.cmpi ne, %convert_element_type3A_191, %cond3A_192 : i32
        scf.if %cond3A_193 {
        } else {
        }
        %rem3A_194 = arith.constant 2 : i32
        %rem3A_195 = arith.remui %scan3A_123, %rem3A_194 : i32
        %rem3A_196 = arith.constant 2 : i32
        %rem3A_197 = arith.remui %scan3A_124, %rem3A_196 : i32
        %run_scoped3A_198 = arith.constant 0 : i32
        "tpu.trace_start"() <{level = 10 : i32, message = "ep_run_kernel"}> : () -> ()
        "tpu.region"() ({
          %run_scoped3A_264 = tpu.sem_alloc : memref<!tpu.dma_semaphore, #tpu.memory_space<semaphore_mem>>
          %dma_start3A_265 = arith.constant 0 : i32
          %dma_start3A_266 = arith.constant 0 : i32
          %dma_start3A_267 = tpu.memref_slice %run_scoped3A_8[%rem3A_197, %dma_start3A_265, %dma_start3A_266] : memref<2x128x128xf32, #tpu.memory_space<vmem>> -> memref<1x128x128xf32, #tpu.memory_space<vmem>>
          %dma_start3A_268 = tpu.memref_squeeze %dma_start3A_267 : memref<1x128x128xf32, #tpu.memory_space<vmem>> -> memref<128x128xf32, #tpu.memory_space<vmem>>
          %dma_start3A_269 = arith.constant 0 : i32
          %dma_start3A_270 = arith.constant 0 : i32
          %dma_start3A_271 = tpu.memref_slice %run_scoped3A[%rem3A_195, %dma_start3A_269, %dma_start3A_270] : memref<2x1x128xi32, #tpu.memory_space<vmem>> -> memref<1x1x128xi32, #tpu.memory_space<vmem>>
          %dma_start3A_272 = tpu.memref_squeeze %dma_start3A_271 : memref<1x1x128xi32, #tpu.memory_space<vmem>> -> memref<1x128xi32, #tpu.memory_space<vmem>>
          %dma_start3A_273 = arith.constant 0 : i32
          %dma_start3A_274 = tpu.memref_slice %dma_start3A_272[%run_scoped3A_198, %dma_start3A_273] : memref<1x128xi32, #tpu.memory_space<vmem>> -> memref<1x128xi32, #tpu.memory_space<vmem>>
          %dma_start3A_275 = tpu.memref_squeeze %dma_start3A_274 : memref<1x128xi32, #tpu.memory_space<vmem>> -> memref<128xi32, #tpu.memory_space<vmem>>
          %dma_start3A_276 = arith.constant 0 : i32
          %dma_start3A_277 = arith.constant 0 : i32
          %dma_start3A_278 = tpu.memref_slice %arg2[%dma_start3A_276, %dma_start3A_277] : memref<100000x128xf32, #tpu.memory_space<hbm>> -> memref<100000x128xf32, #tpu.memory_space<hbm>>
          tpu.enqueue_indirect_dma source(%dma_start3A_278 : memref<100000x128xf32, #tpu.memory_space<hbm>>) target(%dma_start3A_268 : memref<128x128xf32, #tpu.memory_space<vmem>>) offsets(%dma_start3A_275 : memref<128xi32, #tpu.memory_space<vmem>>) semaphore(%run_scoped3A_264 : memref<!tpu.dma_semaphore, #tpu.memory_space<semaphore_mem>>)
          %dma_wait3A_279 = arith.constant 0 : i32
          %dma_wait3A_280 = arith.constant 0 : i32
          %dma_wait3A_281 = tpu.memref_slice %run_scoped3A_8[%rem3A_197, %dma_wait3A_279, %dma_wait3A_280] : memref<2x128x128xf32, #tpu.memory_space<vmem>> -> memref<1x128x128xf32, #tpu.memory_space<vmem>>
          %dma_wait3A_282 = tpu.memref_squeeze %dma_wait3A_281 : memref<1x128x128xf32, #tpu.memory_space<vmem>> -> memref<128x128xf32, #tpu.memory_space<vmem>>
          %dma_wait3A_283 = arith.constant 0 : i32
          %dma_wait3A_284 = arith.constant 0 : i32
          %dma_wait3A_285 = tpu.memref_slice %run_scoped3A[%rem3A_195, %dma_wait3A_283, %dma_wait3A_284] : memref<2x1x128xi32, #tpu.memory_space<vmem>> -> memref<1x1x128xi32, #tpu.memory_space<vmem>>
          %dma_wait3A_286 = tpu.memref_squeeze %dma_wait3A_285 : memref<1x1x128xi32, #tpu.memory_space<vmem>> -> memref<1x128xi32, #tpu.memory_space<vmem>>
          %dma_wait3A_287 = arith.constant 0 : i32
          %dma_wait3A_288 = tpu.memref_slice %dma_wait3A_286[%run_scoped3A_198, %dma_wait3A_287] : memref<1x128xi32, #tpu.memory_space<vmem>> -> memref<1x128xi32, #tpu.memory_space<vmem>>
          %dma_wait3A_289 = tpu.memref_squeeze %dma_wait3A_288 : memref<1x128xi32, #tpu.memory_space<vmem>> -> memref<128xi32, #tpu.memory_space<vmem>>
          %dma_wait3A_290 = arith.constant 0 : i32
          %dma_wait3A_291 = arith.constant 0 : i32
          %dma_wait3A_292 = tpu.memref_slice %arg2[%dma_wait3A_290, %dma_wait3A_291] : memref<100000x128xf32, #tpu.memory_space<hbm>> -> memref<100000x128xf32, #tpu.memory_space<hbm>>
          tpu.wait_indirect_dma semaphore(%run_scoped3A_264 : memref<!tpu.dma_semaphore, #tpu.memory_space<semaphore_mem>>) src(%dma_wait3A_292 : memref<100000x128xf32, #tpu.memory_space<hbm>>) dst(%dma_wait3A_282 : memref<128x128xf32, #tpu.memory_space<vmem>>)
          tpu.yield
        }) : () -> ()
        "tpu.trace_stop"() : () -> ()
        %ne3A_199 = arith.cmpi ne, %add3A_131, %add3A_149 : i32
        %or3A_200 = arith.constant false
        %or3A_201 = arith.ori %or3A_200, %ne3A_199 : i1
        %or3A_202 = arith.ori %or3A_201, %eq3A_130 : i1
        %convert_element_type3A_203 = arith.extui %or3A_202 : i1 to i32
        %cond3A_204 = arith.constant 0 : i32
        %cond3A_205 = arith.cmpi ne, %convert_element_type3A_203, %cond3A_204 : i32
        scf.if %cond3A_205 {
        } else {
        }
        %and3A_206 = arith.constant false
        %and3A_207 = arith.andi %or3A_202, %and3A_206 : i1
        %ne3A_208 = arith.cmpi ne, %add3A_131, %add3A_149 : i32
        %or3A_209 = arith.constant false
        %or3A_210 = arith.ori %or3A_209, %ne3A_208 : i1
        %or3A_211 = arith.constant false
        %or3A_212 = arith.ori %or3A_210, %or3A_211 : i1
        %or3A_213 = arith.ori %or3A_212, %eq3A_130 : i1
        %convert_element_type3A_214 = arith.extui %or3A_213 : i1 to i32
        %cond3A_215 = arith.constant 0 : i32
        %cond3A_216 = arith.cmpi ne, %convert_element_type3A_214, %cond3A_215 : i32
        scf.if %cond3A_216 {
          "tpu.trace_start"() <{level = 10 : i32, message = "ep_copy_out"}> : () -> ()
          %rem3A_264 = arith.constant 2 : i32
          %rem3A_265 = arith.remui %scan3A_124, %rem3A_264 : i32
          %mul3A_266 = arith.constant 128 : i32
          %mul3A_267 = arith.muli %mul3A_266, %add3A_131 : i32
          %dma_start3A_268 = arith.constant 0 : i32
          %dma_start3A_269 = arith.constant 0 : i32
          %dma_start3A_270 = tpu.memref_slice %run_scoped3A_8[%rem3A_265, %dma_start3A_268, %dma_start3A_269] : memref<2x128x128xf32, #tpu.memory_space<vmem>> -> memref<1x128x128xf32, #tpu.memory_space<vmem>>
          %dma_start3A_271 = tpu.memref_squeeze %dma_start3A_270 : memref<1x128x128xf32, #tpu.memory_space<vmem>> -> memref<128x128xf32, #tpu.memory_space<vmem>>
          %dma_start3A_272 = arith.constant 0 : i32
          %dma_start3A_273 = tpu.memref_slice %arg4[%mul3A_267, %dma_start3A_272] : memref<40960x128xf32, #tpu.memory_space<hbm>> -> memref<128x128xf32, #tpu.memory_space<hbm>>
          %dma_start3A_274 = tpu.memref_slice %run_scoped3A_9[%rem3A_265] : memref<2x!tpu.dma_semaphore, #tpu.memory_space<semaphore_mem>> -> memref<1x!tpu.dma_semaphore, #tpu.memory_space<semaphore_mem>>
          %dma_start3A_275 = tpu.memref_squeeze %dma_start3A_274 : memref<1x!tpu.dma_semaphore, #tpu.memory_space<semaphore_mem>> -> memref<!tpu.dma_semaphore, #tpu.memory_space<semaphore_mem>>
          %dma_start3A_276 = arith.constant 0 : i32
          %dma_start3A_277 = tpu.memref_slice %arg4[%mul3A_267, %dma_start3A_276] : memref<40960x128xf32, #tpu.memory_space<hbm>> -> memref<128x128xf32, #tpu.memory_space<hbm>>
          %dma_start3A_278 = arith.constant 0 : i32
          %dma_start3A_279 = arith.constant 0 : i32
          %dma_start3A_280 = tpu.memref_slice %run_scoped3A_8[%rem3A_265, %dma_start3A_278, %dma_start3A_279] : memref<2x128x128xf32, #tpu.memory_space<vmem>> -> memref<1x128x128xf32, #tpu.memory_space<vmem>>
          %dma_start3A_281 = tpu.memref_squeeze %dma_start3A_280 : memref<1x128x128xf32, #tpu.memory_space<vmem>> -> memref<128x128xf32, #tpu.memory_space<vmem>>
          tpu.enqueue_dma source(%dma_start3A_281 : memref<128x128xf32, #tpu.memory_space<vmem>>) target(%dma_start3A_277 : memref<128x128xf32, #tpu.memory_space<hbm>>) target_semaphore(%dma_start3A_275 : memref<!tpu.dma_semaphore, #tpu.memory_space<semaphore_mem>>)
          "tpu.trace_stop"() : () -> ()
        } else {
        }
        %and3A_217 = arith.constant true
        %and3A_218 = arith.andi %or3A_213, %and3A_217 : i1
        %add3A_219 = arith.constant 1 : i32
        %add3A_220 = arith.addi %scan3A_124, %add3A_219 : i32
        %select_n3A_221 = arith.select %and3A_218, %add3A_220, %scan3A_124 : i32
        %ne3A_222 = arith.cmpi ne, %add3A_131, %add3A_140 : i32
        %or3A_223 = arith.constant false
        %or3A_224 = arith.ori %or3A_223, %ne3A_222 : i1
        %not3A_225 = arith.constant true
        %not3A_226 = arith.xori %eq3A_128, %not3A_225 : i1
        %and3A_227 = arith.andi %or3A_224, %not3A_226 : i1
        %convert_element_type3A_228 = arith.extui %and3A_227 : i1 to i32
        %cond3A_229 = arith.constant 0 : i32
        %cond3A_230 = arith.cmpi ne, %convert_element_type3A_228, %cond3A_229 : i32
        scf.if %cond3A_230 {
        } else {
        }
        %and3A_231 = arith.constant false
        %and3A_232 = arith.andi %and3A_227, %and3A_231 : i1
        %ne3A_233 = arith.cmpi ne, %add3A_131, %add3A_140 : i32
        %or3A_234 = arith.constant false
        %or3A_235 = arith.ori %or3A_234, %ne3A_233 : i1
        %or3A_236 = arith.constant false
        %or3A_237 = arith.ori %or3A_235, %or3A_236 : i1
        %not3A_238 = arith.constant true
        %not3A_239 = arith.xori %eq3A_128, %not3A_238 : i1
        %and3A_240 = arith.andi %or3A_237, %not3A_239 : i1
        %convert_element_type3A_241 = arith.extui %and3A_240 : i1 to i32
        %cond3A_242 = arith.constant 0 : i32
        %cond3A_243 = arith.cmpi ne, %convert_element_type3A_241, %cond3A_242 : i32
        scf.if %cond3A_243 {
          "tpu.trace_start"() <{level = 10 : i32, message = "ep_wait_out"}> : () -> ()
          %rem3A_264 = arith.constant 2 : i32
          %rem3A_265 = arith.remui %scan3A_125, %rem3A_264 : i32
          %mul3A_266 = arith.constant 128 : i32
          %mul3A_267 = arith.muli %mul3A_266, %add3A_140 : i32
          %dma_wait3A_268 = arith.constant 0 : i32
          %dma_wait3A_269 = arith.constant 0 : i32
          %dma_wait3A_270 = tpu.memref_slice %run_scoped3A_8[%rem3A_265, %dma_wait3A_268, %dma_wait3A_269] : memref<2x128x128xf32, #tpu.memory_space<vmem>> -> memref<1x128x128xf32, #tpu.memory_space<vmem>>
          %dma_wait3A_271 = tpu.memref_squeeze %dma_wait3A_270 : memref<1x128x128xf32, #tpu.memory_space<vmem>> -> memref<128x128xf32, #tpu.memory_space<vmem>>
          %dma_wait3A_272 = arith.constant 0 : i32
          %dma_wait3A_273 = tpu.memref_slice %arg4[%mul3A_267, %dma_wait3A_272] : memref<40960x128xf32, #tpu.memory_space<hbm>> -> memref<128x128xf32, #tpu.memory_space<hbm>>
          %dma_wait3A_274 = tpu.memref_slice %run_scoped3A_9[%rem3A_265] : memref<2x!tpu.dma_semaphore, #tpu.memory_space<semaphore_mem>> -> memref<1x!tpu.dma_semaphore, #tpu.memory_space<semaphore_mem>>
          %dma_wait3A_275 = tpu.memref_squeeze %dma_wait3A_274 : memref<1x!tpu.dma_semaphore, #tpu.memory_space<semaphore_mem>> -> memref<!tpu.dma_semaphore, #tpu.memory_space<semaphore_mem>>
          %dma_wait3A_276 = arith.constant 0 : i32
          %dma_wait3A_277 = tpu.memref_slice %arg4[%mul3A_267, %dma_wait3A_276] : memref<40960x128xf32, #tpu.memory_space<hbm>> -> memref<128x128xf32, #tpu.memory_space<hbm>>
          %dma_wait3A_278 = arith.constant 0 : i32
          %dma_wait3A_279 = arith.constant 0 : i32
          %dma_wait3A_280 = tpu.memref_slice %run_scoped3A_8[%rem3A_265, %dma_wait3A_278, %dma_wait3A_279] : memref<2x128x128xf32, #tpu.memory_space<vmem>> -> memref<1x128x128xf32, #tpu.memory_space<vmem>>
          %dma_wait3A_281 = tpu.memref_squeeze %dma_wait3A_280 : memref<1x128x128xf32, #tpu.memory_space<vmem>> -> memref<128x128xf32, #tpu.memory_space<vmem>>
          tpu.wait_dma2 semaphore(%dma_wait3A_275 : memref<!tpu.dma_semaphore, #tpu.memory_space<semaphore_mem>>) src(%dma_wait3A_281 : memref<128x128xf32, #tpu.memory_space<vmem>>) dst(%dma_wait3A_277 : memref<128x128xf32, #tpu.memory_space<hbm>>)
          "tpu.trace_stop"() : () -> ()
        } else {
        }
        %and3A_244 = arith.constant true
        %and3A_245 = arith.andi %and3A_240, %and3A_244 : i1
        %add3A_246 = arith.constant 1 : i32
        %add3A_247 = arith.addi %scan3A_125, %add3A_246 : i32
        %select_n3A_248 = arith.select %and3A_245, %add3A_247, %scan3A_125 : i32
        %ne3A_249 = arith.cmpi ne, %add3A_131, %add3A_149 : i32
        %or3A_250 = arith.constant false
        %or3A_251 = arith.ori %or3A_250, %ne3A_249 : i1
        %or3A_252 = arith.ori %or3A_251, %eq3A_130 : i1
        %add3A_253 = arith.constant 1 : i32
        %add3A_254 = arith.addi %scan3A_123, %add3A_253 : i32
        %select_n3A_255 = arith.select %or3A_252, %add3A_254, %scan3A_123 : i32
        %add3A_256 = arith.constant 1 : i32
        %add3A_257 = arith.addi %scan3A_126, %add3A_256 : i32
        %select_n3A_258 = arith.constant true
        %select_n3A_259 = arith.select %select_n3A_258, %add3A_257, %scan3A_126 : i32
        %eq3A_260 = arith.constant 10 : i32
        %eq3A_261 = arith.cmpi eq, %select_n3A_259, %eq3A_260 : i32
        %select_n3A_262 = arith.constant 0 : i32
        %select_n3A_263 = arith.select %eq3A_261, %select_n3A_262, %select_n3A_259 : i32
        scf.yield %select_n3A_167, %select_n3A_255, %select_n3A_221, %select_n3A_248, %select_n3A_263 : i32, i32, i32, i32, i32
      }
      %scan3A_68 = arith.constant 10 : i32
      %sub3A = arith.constant 1 : i32
      %sub3A_69 = arith.subi %scan3A_67#4, %sub3A : i32
      %select_n3A_70 = arith.constant true
      %select_n3A_71 = arith.select %select_n3A_70, %sub3A_69, %scan3A_67#4 : i32
      %eq3A_72 = arith.constant -1 : i32
      %eq3A_73 = arith.cmpi eq, %select_n3A_71, %eq3A_72 : i32
      %select_n3A_74 = arith.constant 9 : i32
      %select_n3A_75 = arith.select %eq3A_73, %select_n3A_74, %select_n3A_71 : i32
      %add3A_76 = arith.addi %select_n3A_75, %mul3A_6 : i32
      %sub3A_77 = arith.constant 1 : i32
      %sub3A_78 = arith.subi %select_n3A_75, %sub3A_77 : i32
      %select_n3A_79 = arith.constant true
      %select_n3A_80 = arith.select %select_n3A_79, %sub3A_78, %select_n3A_75 : i32
      %eq3A_81 = arith.constant -1 : i32
      %eq3A_82 = arith.cmpi eq, %select_n3A_80, %eq3A_81 : i32
      %select_n3A_83 = arith.constant 9 : i32
      %select_n3A_84 = arith.select %eq3A_82, %select_n3A_83, %select_n3A_80 : i32
      %add3A_85 = arith.addi %select_n3A_84, %mul3A_6 : i32
      %add3A_86 = arith.constant 1 : i32
      %add3A_87 = arith.addi %select_n3A_75, %add3A_86 : i32
      %select_n3A_88 = arith.constant true
      %select_n3A_89 = arith.select %select_n3A_88, %add3A_87, %select_n3A_75 : i32
      %eq3A_90 = arith.constant 10 : i32
      %eq3A_91 = arith.cmpi eq, %select_n3A_89, %eq3A_90 : i32
      %select_n3A_92 = arith.constant 0 : i32
      %select_n3A_93 = arith.select %eq3A_91, %select_n3A_92, %select_n3A_89 : i32
      %add3A_94 = arith.addi %select_n3A_93, %mul3A_6 : i32
      %add3A_95 = arith.constant 1 : i32
      %add3A_96 = arith.addi %select_n3A_93, %add3A_95 : i32
      %select_n3A_97 = arith.constant true
      %select_n3A_98 = arith.select %select_n3A_97, %add3A_96, %select_n3A_93 : i32
      %eq3A_99 = arith.constant 10 : i32
      %eq3A_100 = arith.cmpi eq, %select_n3A_98, %eq3A_99 : i32
      %select_n3A_101 = arith.constant 0 : i32
      %select_n3A_102 = arith.select %eq3A_100, %select_n3A_101, %select_n3A_98 : i32
      %add3A_103 = arith.addi %select_n3A_102, %mul3A_6 : i32
      "tpu.trace_start"() <{level = 10 : i32, message = "ep_finalize"}> : () -> ()
      %rem3A_104 = arith.constant 2 : i32
      %rem3A_105 = arith.remui %scan3A_67#3, %rem3A_104 : i32
      %mul3A_106 = arith.constant 128 : i32
      %mul3A_107 = arith.muli %mul3A_106, %add3A_76 : i32
      %dma_wait3A = arith.constant 0 : i32
      %dma_wait3A_108 = arith.constant 0 : i32
      %dma_wait3A_109 = tpu.memref_slice %run_scoped3A_8[%rem3A_105, %dma_wait3A, %dma_wait3A_108] : memref<2x128x128xf32, #tpu.memory_space<vmem>> -> memref<1x128x128xf32, #tpu.memory_space<vmem>>
      %dma_wait3A_110 = tpu.memref_squeeze %dma_wait3A_109 : memref<1x128x128xf32, #tpu.memory_space<vmem>> -> memref<128x128xf32, #tpu.memory_space<vmem>>
      %dma_wait3A_111 = arith.constant 0 : i32
      %dma_wait3A_112 = tpu.memref_slice %arg4[%mul3A_107, %dma_wait3A_111] : memref<40960x128xf32, #tpu.memory_space<hbm>> -> memref<128x128xf32, #tpu.memory_space<hbm>>
      %dma_wait3A_113 = tpu.memref_slice %run_scoped3A_9[%rem3A_105] : memref<2x!tpu.dma_semaphore, #tpu.memory_space<semaphore_mem>> -> memref<1x!tpu.dma_semaphore, #tpu.memory_space<semaphore_mem>>
      %dma_wait3A_114 = tpu.memref_squeeze %dma_wait3A_113 : memref<1x!tpu.dma_semaphore, #tpu.memory_space<semaphore_mem>> -> memref<!tpu.dma_semaphore, #tpu.memory_space<semaphore_mem>>
      %dma_wait3A_115 = arith.constant 0 : i32
      %dma_wait3A_116 = tpu.memref_slice %arg4[%mul3A_107, %dma_wait3A_115] : memref<40960x128xf32, #tpu.memory_space<hbm>> -> memref<128x128xf32, #tpu.memory_space<hbm>>
      %dma_wait3A_117 = arith.constant 0 : i32
      %dma_wait3A_118 = arith.constant 0 : i32
      %dma_wait3A_119 = tpu.memref_slice %run_scoped3A_8[%rem3A_105, %dma_wait3A_117, %dma_wait3A_118] : memref<2x128x128xf32, #tpu.memory_space<vmem>> -> memref<1x128x128xf32, #tpu.memory_space<vmem>>
      %dma_wait3A_120 = tpu.memref_squeeze %dma_wait3A_119 : memref<1x128x128xf32, #tpu.memory_space<vmem>> -> memref<128x128xf32, #tpu.memory_space<vmem>>
      tpu.wait_dma2 semaphore(%dma_wait3A_114 : memref<!tpu.dma_semaphore, #tpu.memory_space<semaphore_mem>>) src(%dma_wait3A_120 : memref<128x128xf32, #tpu.memory_space<vmem>>) dst(%dma_wait3A_116 : memref<128x128xf32, #tpu.memory_space<hbm>>)
      "tpu.trace_stop"() : () -> ()
      tpu.yield
    }) : () -> ()
    return
  }
}

#map = affine_map<(d0, d1) -> (0, 0)>
module attributes {stable_mosaic.version = 14 : i64} {
  func.func @k(%arg0: i32, %arg1: i32, %arg2: memref<100000x128xf32, #tpu.memory_space<hbm>>, %arg3: memref<1x40960xi32, #tpu.memory_space<hbm>>, %arg4: memref<40960x128xf32, #tpu.memory_space<hbm>>) attributes {dimension_semantics = [#tpu.dimension_semantics<core_parallel>, #tpu.dimension_semantics<subcore_parallel>], iteration_bounds = array<i64: 2, 16>, scalar_prefetch = 0 : i64, scratch_operands = 0 : i64, tpu.core_type = #tpu.core_type<sc_vector_subcore>, window_params = [{transform_indices = #map}, {transform_indices = #map}, {transform_indices = #map}]} {
    %mul3A = arith.constant 1 : i32
    %mul3A_0 = arith.muli %arg1, %mul3A : i32
    %add3A = arith.constant 0 : i32
    %add3A_1 = arith.addi %add3A, %mul3A_0 : i32
    %mul3A_2 = arith.constant 16 : i32
    %mul3A_3 = arith.muli %arg0, %mul3A_2 : i32
    %add3A_4 = arith.addi %add3A_1, %mul3A_3 : i32
    %mul3A_5 = arith.constant 10 : i32
    %mul3A_6 = arith.muli %add3A_4, %mul3A_5 : i32
    "tpu.region"() ({
      %run_scoped3A = memref.alloca() : memref<2x1x128xi32, #tpu.memory_space<vmem>>
      %run_scoped3A_7 = tpu.sem_alloc : memref<2x!tpu.dma_semaphore, #tpu.memory_space<semaphore_mem>>
      %run_scoped3A_8 = memref.alloca() : memref<2x128x128xf32, #tpu.memory_space<vmem>>
      %run_scoped3A_9 = tpu.sem_alloc : memref<2x!tpu.dma_semaphore, #tpu.memory_space<semaphore_mem>>
      %add3A_10 = arith.constant 0 : i32
      %add3A_11 = arith.addi %add3A_10, %mul3A_6 : i32
      %select_n3A = arith.constant true
      %select_n3A_12 = arith.constant 0 : i32
      %select_n3A_13 = arith.constant -1 : i32
      %select_n3A_14 = arith.select %select_n3A, %select_n3A_13, %select_n3A_12 : i32
      %eq3A = arith.constant -1 : i32
      %eq3A_15 = arith.cmpi eq, %select_n3A_14, %eq3A : i32
      %select_n3A_16 = arith.constant 9 : i32
      %select_n3A_17 = arith.select %eq3A_15, %select_n3A_16, %select_n3A_14 : i32
      %add3A_18 = arith.addi %select_n3A_17, %mul3A_6 : i32
      %select_n3A_19 = arith.constant true
      %select_n3A_20 = arith.constant 0 : i32
      %select_n3A_21 = arith.constant 1 : i32
      %select_n3A_22 = arith.select %select_n3A_19, %select_n3A_21, %select_n3A_20 : i32
      %eq3A_23 = arith.constant 10 : i32
      %eq3A_24 = arith.cmpi eq, %select_n3A_22, %eq3A_23 : i32
      %select_n3A_25 = arith.constant 0 : i32
      %select_n3A_26 = arith.select %eq3A_24, %select_n3A_25, %select_n3A_22 : i32
      %add3A_27 = arith.addi %select_n3A_26, %mul3A_6 : i32
      %add3A_28 = arith.constant 1 : i32
      %add3A_29 = arith.addi %select_n3A_26, %add3A_28 : i32
      %select_n3A_30 = arith.constant true
      %select_n3A_31 = arith.select %select_n3A_30, %add3A_29, %select_n3A_26 : i32
      %eq3A_32 = arith.constant 10 : i32
      %eq3A_33 = arith.cmpi eq, %select_n3A_31, %eq3A_32 : i32
      %select_n3A_34 = arith.constant 0 : i32
      %select_n3A_35 = arith.select %eq3A_33, %select_n3A_34, %select_n3A_31 : i32
      %add3A_36 = arith.addi %select_n3A_35, %mul3A_6 : i32
      "tpu.trace_start"() <{level = 10 : i32, message = "ep_initialize_0"}> : () -> ()
      %rem3A = arith.constant 0 : i32
      %rem3A_37 = arith.constant 2 : i32
      %rem3A_38 = arith.remui %rem3A, %rem3A_37 : i32
      %mul3A_39 = arith.constant 128 : i32
      %mul3A_40 = arith.muli %mul3A_39, %add3A_11 : i32
      %dma_start3A = arith.constant 0 : i32
      %dma_start3A_41 = arith.constant 0 : i32
      %dma_start3A_42 = tpu.memref_slice %run_scoped3A[%rem3A_38, %dma_start3A, %dma_start3A_41] : memref<2x1x128xi32, #tpu.memory_space<vmem>> -> memref<1x1x128xi32, #tpu.memory_space<vmem>>
      %dma_start3A_43 = tpu.memref_squeeze %dma_start3A_42 : memref<1x1x128xi32, #tpu.memory_space<vmem>> -> memref<1x128xi32, #tpu.memory_space<vmem>>
      %dma_start3A_44 = arith.constant 0 : i32
      %dma_start3A_45 = tpu.memref_slice %arg3[%dma_start3A_44, %mul3A_40] : memref<1x40960xi32, #tpu.memory_space<hbm>> -> memref<1x128xi32, #tpu.memory_space<hbm>>
      %dma_start3A_46 = tpu.memref_slice %run_scoped3A_7[%rem3A_38] : memref<2x!tpu.dma_semaphore, #tpu.memory_space<semaphore_mem>> -> memref<1x!tpu.dma_semaphore, #tpu.memory_space<semaphore_mem>>
      %dma_start3A_47 = tpu.memref_squeeze %dma_start3A_46 : memref<1x!tpu.dma_semaphore, #tpu.memory_space<semaphore_mem>> -> memref<!tpu.dma_semaphore, #tpu.memory_space<semaphore_mem>>
      %dma_start3A_48 = arith.constant 0 : i32
      %dma_start3A_49 = arith.constant 0 : i32
      %dma_start3A_50 = tpu.memref_slice %run_scoped3A[%rem3A_38, %dma_start3A_48, %dma_start3A_49] : memref<2x1x128xi32, #tpu.memory_space<vmem>> -> memref<1x1x128xi32, #tpu.memory_space<vmem>>
      %dma_start3A_51 = tpu.memref_squeeze %dma_start3A_50 : memref<1x1x128xi32, #tpu.memory_space<vmem>> -> memref<1x128xi32, #tpu.memory_space<vmem>>
      %dma_start3A_52 = arith.constant 0 : i32
      %dma_start3A_53 = tpu.memref_slice %arg3[%dma_start3A_52, %mul3A_40] : memref<1x40960xi32, #tpu.memory_space<hbm>> -> memref<1x128xi32, #tpu.memory_space<hbm>>
      tpu.enqueue_dma source(%dma_start3A_53 : memref<1x128xi32, #tpu.memory_space<hbm>>) target(%dma_start3A_51 : memref<1x128xi32, #tpu.memory_space<vmem>>) target_semaphore(%dma_start3A_47 : memref<!tpu.dma_semaphore, #tpu.memory_space<semaphore_mem>>)
      %add3A_54 = arith.constant 0 : i32
      %add3A_55 = arith.constant 1 : i32
      %add3A_56 = arith.addi %add3A_54, %add3A_55 : i32
      %select_n3A_57 = arith.constant true
      %select_n3A_58 = arith.constant 0 : i32
      %select_n3A_59 = arith.select %select_n3A_57, %add3A_56, %select_n3A_58 : i32
      "tpu.trace_stop"() : () -> ()
      %scan3A = arith.constant 0 : i32
      %scan3A_60 = arith.constant 0 : i32
      %scan3A_61 = arith.constant 0 : i32
      %scan3A_62 = arith.constant 0 : i32
      %scan3A_63 = arith.constant 0 : i32
      %scan3A_64 = arith.constant 10 : i32
      %scan3A_65 = arith.addi %scan3A_63, %scan3A_64 : i32
      %scan3A_66 = arith.constant 1 : i32
      %scan3A_67:5 = scf.for %scan3A_121 = %scan3A_63 to %scan3A_65 step %scan3A_66 iter_args(%scan3A_122 = %select_n3A_59, %scan3A_123 = %scan3A, %scan3A_124 = %scan3A_60, %scan3A_125 = %scan3A_61, %scan3A_126 = %scan3A_62) -> (i32, i32, i32, i32, i32)  : i32 {
        %eq3A_127 = arith.constant 0 : i32
        %eq3A_128 = arith.cmpi eq, %scan3A_121, %eq3A_127 : i32
        %eq3A_129 = arith.constant 9 : i32
        %eq3A_130 = arith.cmpi eq, %scan3A_121, %eq3A_129 : i32
        %add3A_131 = arith.addi %scan3A_126, %mul3A_6 : i32
        %sub3A_132 = arith.constant 1 : i32
        %sub3A_133 = arith.subi %scan3A_126, %sub3A_132 : i32
        %select_n3A_134 = arith.constant true
        %select_n3A_135 = arith.select %select_n3A_134, %sub3A_133, %scan3A_126 : i32
        %eq3A_136 = arith.constant -1 : i32
        %eq3A_137 = arith.cmpi eq, %select_n3A_135, %eq3A_136 : i32
        %select_n3A_138 = arith.constant 9 : i32
        %select_n3A_139 = arith.select %eq3A_137, %select_n3A_138, %select_n3A_135 : i32
        %add3A_140 = arith.addi %select_n3A_139, %mul3A_6 : i32
        %add3A_141 = arith.constant 1 : i32
        %add3A_142 = arith.addi %scan3A_126, %add3A_141 : i32
        %select_n3A_143 = arith.constant true
        %select_n3A_144 = arith.select %select_n3A_143, %add3A_142, %scan3A_126 : i32
        %eq3A_145 = arith.constant 10 : i32
        %eq3A_146 = arith.cmpi eq, %select_n3A_144, %eq3A_145 : i32
        %select_n3A_147 = arith.constant 0 : i32
        %select_n3A_148 = arith.select %eq3A_146, %select_n3A_147, %select_n3A_144 : i32
        %add3A_149 = arith.addi %select_n3A_148, %mul3A_6 : i32
        %add3A_150 = arith.constant 1 : i32
        %add3A_151 = arith.addi %select_n3A_148, %add3A_150 : i32
        %select_n3A_152 = arith.constant true
        %select_n3A_153 = arith.select %select_n3A_152, %add3A_151, %select_n3A_148 : i32
        %eq3A_154 = arith.constant 10 : i32
        %eq3A_155 = arith.cmpi eq, %select_n3A_153, %eq3A_154 : i32
        %select_n3A_156 = arith.constant 0 : i32
        %select_n3A_157 = arith.select %eq3A_155, %select_n3A_156, %select_n3A_153 : i32
        %add3A_158 = arith.addi %select_n3A_157, %mul3A_6 : i32
        %ne3A = arith.cmpi ne, %add3A_131, %add3A_149 : i32
        %or3A = arith.constant false
        %or3A_159 = arith.ori %or3A, %ne3A : i1
        %ge3A = arith.constant 9 : i32
        %ge3A_160 = arith.cmpi sge, %scan3A_121, %ge3A : i32
        %not3A = arith.constant true
        %not3A_161 = arith.xori %ge3A_160, %not3A : i1
        %and3A = arith.andi %or3A_159, %not3A_161 : i1
        %convert_element_type3A = arith.extui %and3A : i1 to i32
        %cond3A = arith.constant 0 : i32
        %cond3A_162 = arith.cmpi ne, %convert_element_type3A, %cond3A : i32
        scf.if %cond3A_162 {
          "tpu.trace_start"() <{level = 10 : i32, message = "ep_copy_in"}> : () -> ()
          %rem3A_264 = arith.constant 2 : i32
          %rem3A_265 = arith.remui %scan3A_122, %rem3A_264 : i32
          %mul3A_266 = arith.constant 128 : i32
          %mul3A_267 = arith.muli %mul3A_266, %add3A_149 : i32
          %dma_start3A_268 = arith.constant 0 : i32
          %dma_start3A_269 = arith.constant 0 : i32
          %dma_start3A_270 = tpu.memref_slice %run_scoped3A[%rem3A_265, %dma_start3A_268, %dma_start3A_269] : memref<2x1x128xi32, #tpu.memory_space<vmem>> -> memref<1x1x128xi32, #tpu.memory_space<vmem>>
          %dma_start3A_271 = tpu.memref_squeeze %dma_start3A_270 : memref<1x1x128xi32, #tpu.memory_space<vmem>> -> memref<1x128xi32, #tpu.memory_space<vmem>>
          %dma_start3A_272 = arith.constant 0 : i32
          %dma_start3A_273 = tpu.memref_slice %arg3[%dma_start3A_272, %mul3A_267] : memref<1x40960xi32, #tpu.memory_space<hbm>> -> memref<1x128xi32, #tpu.memory_space<hbm>>
          %dma_start3A_274 = tpu.memref_slice %run_scoped3A_7[%rem3A_265] : memref<2x!tpu.dma_semaphore, #tpu.memory_space<semaphore_mem>> -> memref<1x!tpu.dma_semaphore, #tpu.memory_space<semaphore_mem>>
          %dma_start3A_275 = tpu.memref_squeeze %dma_start3A_274 : memref<1x!tpu.dma_semaphore, #tpu.memory_space<semaphore_mem>> -> memref<!tpu.dma_semaphore, #tpu.memory_space<semaphore_mem>>
          %dma_start3A_276 = arith.constant 0 : i32
          %dma_start3A_277 = arith.constant 0 : i32
          %dma_start3A_278 = tpu.memref_slice %run_scoped3A[%rem3A_265, %dma_start3A_276, %dma_start3A_277] : memref<2x1x128xi32, #tpu.memory_space<vmem>> -> memref<1x1x128xi32, #tpu.memory_space<vmem>>
          %dma_start3A_279 = tpu.memref_squeeze %dma_start3A_278 : memref<1x1x128xi32, #tpu.memory_space<vmem>> -> memref<1x128xi32, #tpu.memory_space<vmem>>
          %dma_start3A_280 = arith.constant 0 : i32
          %dma_start3A_281 = tpu.memref_slice %arg3[%dma_start3A_280, %mul3A_267] : memref<1x40960xi32, #tpu.memory_space<hbm>> -> memref<1x128xi32, #tpu.memory_space<hbm>>
          tpu.enqueue_dma source(%dma_start3A_281 : memref<1x128xi32, #tpu.memory_space<hbm>>) target(%dma_start3A_279 : memref<1x128xi32, #tpu.memory_space<vmem>>) target_semaphore(%dma_start3A_275 : memref<!tpu.dma_semaphore, #tpu.memory_space<semaphore_mem>>)
          "tpu.trace_stop"() : () -> ()
        } else {
        }
        %and3A_163 = arith.constant true
        %and3A_164 = arith.andi %and3A, %and3A_163 : i1
        %add3A_165 = arith.constant 1 : i32
        %add3A_166 = arith.addi %scan3A_122, %add3A_165 : i32
        %select_n3A_167 = arith.select %and3A_164, %add3A_166, %scan3A_122 : i32
        %ne3A_168 = arith.cmpi ne, %add3A_131, %add3A_149 : i32
        %or3A_169 = arith.constant false
        %or3A_170 = arith.ori %or3A_169, %ne3A_168 : i1
        %or3A_171 = arith.constant false
        %or3A_172 = arith.ori %or3A_170, %or3A_171 : i1
        %ge3A_173 = arith.constant 9 : i32
        %ge3A_174 = arith.cmpi sge, %scan3A_121, %ge3A_173 : i32
        %not3A_175 = arith.constant true
        %not3A_176 = arith.xori %ge3A_174, %not3A_175 : i1
        %and3A_177 = arith.andi %or3A_172, %not3A_176 : i1
        %ne3A_178 = arith.cmpi ne, %add3A_131, %add3A_140 : i32
        %or3A_179 = arith.constant false
        %or3A_180 = arith.ori %or3A_179, %ne3A_178 : i1
        %or3A_181 = arith.ori %or3A_180, %eq3A_128 : i1
        %convert_element_type3A_182 = arith.extui %or3A_181 : i1 to i32
        %cond3A_183 = arith.constant 0 : i32
        %cond3A_184 = arith.cmpi ne, %convert_element_type3A_182, %cond3A_183 : i32
        scf.if %cond3A_184 {
          "tpu.trace_start"() <{level = 10 : i32, message = "ep_wait_in"}> : () -> ()
          %mul3A_264 = arith.constant 128 : i32
          %mul3A_265 = arith.muli %mul3A_264, %add3A_131 : i32
          %rem3A_266 = arith.constant 2 : i32
          %rem3A_267 = arith.remui %scan3A_123, %rem3A_266 : i32
          %dma_wait3A_268 = arith.constant 0 : i32
          %dma_wait3A_269 = arith.constant 0 : i32
          %dma_wait3A_270 = tpu.memref_slice %run_scoped3A[%rem3A_267, %dma_wait3A_268, %dma_wait3A_269] : memref<2x1x128xi32, #tpu.memory_space<vmem>> -> memref<1x1x128xi32, #tpu.memory_space<vmem>>
          %dma_wait3A_271 = tpu.memref_squeeze %dma_wait3A_270 : memref<1x1x128xi32, #tpu.memory_space<vmem>> -> memref<1x128xi32, #tpu.memory_space<vmem>>
          %dma_wait3A_272 = arith.constant 0 : i32
          %dma_wait3A_273 = tpu.memref_slice %arg3[%dma_wait3A_272, %mul3A_265] : memref<1x40960xi32, #tpu.memory_space<hbm>> -> memref<1x128xi32, #tpu.memory_space<hbm>>
          %dma_wait3A_274 = tpu.memref_slice %run_scoped3A_7[%rem3A_267] : memref<2x!tpu.dma_semaphore, #tpu.memory_space<semaphore_mem>> -> memref<1x!tpu.dma_semaphore, #tpu.memory_space<semaphore_mem>>
          %dma_wait3A_275 = tpu.memref_squeeze %dma_wait3A_274 : memref<1x!tpu.dma_semaphore, #tpu.memory_space<semaphore_mem>> -> memref<!tpu.dma_semaphore, #tpu.memory_space<semaphore_mem>>
          %dma_wait3A_276 = arith.constant 0 : i32
          %dma_wait3A_277 = arith.constant 0 : i32
          %dma_wait3A_278 = tpu.memref_slice %run_scoped3A[%rem3A_267, %dma_wait3A_276, %dma_wait3A_277] : memref<2x1x128xi32, #tpu.memory_space<vmem>> -> memref<1x1x128xi32, #tpu.memory_space<vmem>>
          %dma_wait3A_279 = tpu.memref_squeeze %dma_wait3A_278 : memref<1x1x128xi32, #tpu.memory_space<vmem>> -> memref<1x128xi32, #tpu.memory_space<vmem>>
          %dma_wait3A_280 = arith.constant 0 : i32
          %dma_wait3A_281 = tpu.memref_slice %arg3[%dma_wait3A_280, %mul3A_265] : memref<1x40960xi32, #tpu.memory_space<hbm>> -> memref<1x128xi32, #tpu.memory_space<hbm>>
          tpu.wait_dma2 semaphore(%dma_wait3A_275 : memref<!tpu.dma_semaphore, #tpu.memory_space<semaphore_mem>>) src(%dma_wait3A_281 : memref<1x128xi32, #tpu.memory_space<hbm>>) dst(%dma_wait3A_279 : memref<1x128xi32, #tpu.memory_space<vmem>>)
          "tpu.trace_stop"() : () -> ()
        } else {
        }
        %ne3A_185 = arith.cmpi ne, %add3A_131, %add3A_140 : i32
        %or3A_186 = arith.constant false
        %or3A_187 = arith.ori %or3A_186, %ne3A_185 : i1
        %or3A_188 = arith.constant false
        %or3A_189 = arith.ori %or3A_187, %or3A_188 : i1
        %or3A_190 = arith.ori %or3A_189, %eq3A_128 : i1
        %convert_element_type3A_191 = arith.extui %or3A_190 : i1 to i32
        %cond3A_192 = arith.constant 0 : i32
        %cond3A_193 = arith.cmpi ne, %convert_element_type3A_191, %cond3A_192 : i32
        scf.if %cond3A_193 {
        } else {
        }
        %rem3A_194 = arith.constant 2 : i32
        %rem3A_195 = arith.remui %scan3A_123, %rem3A_194 : i32
        %rem3A_196 = arith.constant 2 : i32
        %rem3A_197 = arith.remui %scan3A_124, %rem3A_196 : i32
        %run_scoped3A_198 = arith.constant 0 : i32
        "tpu.trace_start"() <{level = 10 : i32, message = "ep_run_kernel"}> : () -> ()
        "tpu.region"() ({
          %run_scoped3A_264 = tpu.sem_alloc : memref<!tpu.dma_semaphore, #tpu.memory_space<semaphore_mem>>
          %dma_start3A_265 = arith.constant 0 : i32
          %dma_start3A_266 = arith.constant 0 : i32
          %dma_start3A_267 = tpu.memref_slice %run_scoped3A_8[%rem3A_197, %dma_start3A_265, %dma_start3A_266] : memref<2x128x128xf32, #tpu.memory_space<vmem>> -> memref<1x128x128xf32, #tpu.memory_space<vmem>>
          %dma_start3A_268 = tpu.memref_squeeze %dma_start3A_267 : memref<1x128x128xf32, #tpu.memory_space<vmem>> -> memref<128x128xf32, #tpu.memory_space<vmem>>
          %dma_start3A_269 = arith.constant 0 : i32
          %dma_start3A_270 = arith.constant 0 : i32
          %dma_start3A_271 = tpu.memref_slice %run_scoped3A[%rem3A_195, %dma_start3A_269, %dma_start3A_270] : memref<2x1x128xi32, #tpu.memory_space<vmem>> -> memref<1x1x128xi32, #tpu.memory_space<vmem>>
          %dma_start3A_272 = tpu.memref_squeeze %dma_start3A_271 : memref<1x1x128xi32, #tpu.memory_space<vmem>> -> memref<1x128xi32, #tpu.memory_space<vmem>>
          %dma_start3A_273 = arith.constant 0 : i32
          %dma_start3A_274 = tpu.memref_slice %dma_start3A_272[%run_scoped3A_198, %dma_start3A_273] : memref<1x128xi32, #tpu.memory_space<vmem>> -> memref<1x128xi32, #tpu.memory_space<vmem>>
          %dma_start3A_275 = tpu.memref_squeeze %dma_start3A_274 : memref<1x128xi32, #tpu.memory_space<vmem>> -> memref<128xi32, #tpu.memory_space<vmem>>
          %dma_start3A_276 = arith.constant 0 : i32
          %dma_start3A_277 = arith.constant 0 : i32
          %dma_start3A_278 = tpu.memref_slice %arg2[%dma_start3A_276, %dma_start3A_277] : memref<100000x128xf32, #tpu.memory_space<hbm>> -> memref<100000x128xf32, #tpu.memory_space<hbm>>
          tpu.enqueue_indirect_dma source(%dma_start3A_278 : memref<100000x128xf32, #tpu.memory_space<hbm>>) target(%dma_start3A_268 : memref<128x128xf32, #tpu.memory_space<vmem>>) offsets(%dma_start3A_275 : memref<128xi32, #tpu.memory_space<vmem>>) semaphore(%run_scoped3A_264 : memref<!tpu.dma_semaphore, #tpu.memory_space<semaphore_mem>>)
          %dma_wait3A_279 = arith.constant 0 : i32
          %dma_wait3A_280 = arith.constant 0 : i32
          %dma_wait3A_281 = tpu.memref_slice %run_scoped3A_8[%rem3A_197, %dma_wait3A_279, %dma_wait3A_280] : memref<2x128x128xf32, #tpu.memory_space<vmem>> -> memref<1x128x128xf32, #tpu.memory_space<vmem>>
          %dma_wait3A_282 = tpu.memref_squeeze %dma_wait3A_281 : memref<1x128x128xf32, #tpu.memory_space<vmem>> -> memref<128x128xf32, #tpu.memory_space<vmem>>
          %dma_wait3A_283 = arith.constant 0 : i32
          %dma_wait3A_284 = arith.constant 0 : i32
          %dma_wait3A_285 = tpu.memref_slice %run_scoped3A[%rem3A_195, %dma_wait3A_283, %dma_wait3A_284] : memref<2x1x128xi32, #tpu.memory_space<vmem>> -> memref<1x1x128xi32, #tpu.memory_space<vmem>>
          %dma_wait3A_286 = tpu.memref_squeeze %dma_wait3A_285 : memref<1x1x128xi32, #tpu.memory_space<vmem>> -> memref<1x128xi32, #tpu.memory_space<vmem>>
          %dma_wait3A_287 = arith.constant 0 : i32
          %dma_wait3A_288 = tpu.memref_slice %dma_wait3A_286[%run_scoped3A_198, %dma_wait3A_287] : memref<1x128xi32, #tpu.memory_space<vmem>> -> memref<1x128xi32, #tpu.memory_space<vmem>>
          %dma_wait3A_289 = tpu.memref_squeeze %dma_wait3A_288 : memref<1x128xi32, #tpu.memory_space<vmem>> -> memref<128xi32, #tpu.memory_space<vmem>>
          %dma_wait3A_290 = arith.constant 0 : i32
          %dma_wait3A_291 = arith.constant 0 : i32
          %dma_wait3A_292 = tpu.memref_slice %arg2[%dma_wait3A_290, %dma_wait3A_291] : memref<100000x128xf32, #tpu.memory_space<hbm>> -> memref<100000x128xf32, #tpu.memory_space<hbm>>
          tpu.wait_indirect_dma semaphore(%run_scoped3A_264 : memref<!tpu.dma_semaphore, #tpu.memory_space<semaphore_mem>>) src(%dma_wait3A_292 : memref<100000x128xf32, #tpu.memory_space<hbm>>) dst(%dma_wait3A_282 : memref<128x128xf32, #tpu.memory_space<vmem>>)
          tpu.yield
        }) : () -> ()
        "tpu.trace_stop"() : () -> ()
        %ne3A_199 = arith.cmpi ne, %add3A_131, %add3A_149 : i32
        %or3A_200 = arith.constant false
        %or3A_201 = arith.ori %or3A_200, %ne3A_199 : i1
        %or3A_202 = arith.ori %or3A_201, %eq3A_130 : i1
        %convert_element_type3A_203 = arith.extui %or3A_202 : i1 to i32
        %cond3A_204 = arith.constant 0 : i32
        %cond3A_205 = arith.cmpi ne, %convert_element_type3A_203, %cond3A_204 : i32
        scf.if %cond3A_205 {
        } else {
        }
        %and3A_206 = arith.constant false
        %and3A_207 = arith.andi %or3A_202, %and3A_206 : i1
        %ne3A_208 = arith.cmpi ne, %add3A_131, %add3A_149 : i32
        %or3A_209 = arith.constant false
        %or3A_210 = arith.ori %or3A_209, %ne3A_208 : i1
        %or3A_211 = arith.constant false
        %or3A_212 = arith.ori %or3A_210, %or3A_211 : i1
        %or3A_213 = arith.ori %or3A_212, %eq3A_130 : i1
        %convert_element_type3A_214 = arith.extui %or3A_213 : i1 to i32
        %cond3A_215 = arith.constant 0 : i32
        %cond3A_216 = arith.cmpi ne, %convert_element_type3A_214, %cond3A_215 : i32
        scf.if %cond3A_216 {
          "tpu.trace_start"() <{level = 10 : i32, message = "ep_copy_out"}> : () -> ()
          %rem3A_264 = arith.constant 2 : i32
          %rem3A_265 = arith.remui %scan3A_124, %rem3A_264 : i32
          %mul3A_266 = arith.constant 128 : i32
          %mul3A_267 = arith.muli %mul3A_266, %add3A_131 : i32
          %dma_start3A_268 = arith.constant 0 : i32
          %dma_start3A_269 = arith.constant 0 : i32
          %dma_start3A_270 = tpu.memref_slice %run_scoped3A_8[%rem3A_265, %dma_start3A_268, %dma_start3A_269] : memref<2x128x128xf32, #tpu.memory_space<vmem>> -> memref<1x128x128xf32, #tpu.memory_space<vmem>>
          %dma_start3A_271 = tpu.memref_squeeze %dma_start3A_270 : memref<1x128x128xf32, #tpu.memory_space<vmem>> -> memref<128x128xf32, #tpu.memory_space<vmem>>
          %dma_start3A_272 = arith.constant 0 : i32
          %dma_start3A_273 = tpu.memref_slice %arg4[%mul3A_267, %dma_start3A_272] : memref<40960x128xf32, #tpu.memory_space<hbm>> -> memref<128x128xf32, #tpu.memory_space<hbm>>
          %dma_start3A_274 = tpu.memref_slice %run_scoped3A_9[%rem3A_265] : memref<2x!tpu.dma_semaphore, #tpu.memory_space<semaphore_mem>> -> memref<1x!tpu.dma_semaphore, #tpu.memory_space<semaphore_mem>>
          %dma_start3A_275 = tpu.memref_squeeze %dma_start3A_274 : memref<1x!tpu.dma_semaphore, #tpu.memory_space<semaphore_mem>> -> memref<!tpu.dma_semaphore, #tpu.memory_space<semaphore_mem>>
          %dma_start3A_276 = arith.constant 0 : i32
          %dma_start3A_277 = tpu.memref_slice %arg4[%mul3A_267, %dma_start3A_276] : memref<40960x128xf32, #tpu.memory_space<hbm>> -> memref<128x128xf32, #tpu.memory_space<hbm>>
          %dma_start3A_278 = arith.constant 0 : i32
          %dma_start3A_279 = arith.constant 0 : i32
          %dma_start3A_280 = tpu.memref_slice %run_scoped3A_8[%rem3A_265, %dma_start3A_278, %dma_start3A_279] : memref<2x128x128xf32, #tpu.memory_space<vmem>> -> memref<1x128x128xf32, #tpu.memory_space<vmem>>
          %dma_start3A_281 = tpu.memref_squeeze %dma_start3A_280 : memref<1x128x128xf32, #tpu.memory_space<vmem>> -> memref<128x128xf32, #tpu.memory_space<vmem>>
          tpu.enqueue_dma source(%dma_start3A_281 : memref<128x128xf32, #tpu.memory_space<vmem>>) target(%dma_start3A_277 : memref<128x128xf32, #tpu.memory_space<hbm>>) target_semaphore(%dma_start3A_275 : memref<!tpu.dma_semaphore, #tpu.memory_space<semaphore_mem>>)
          "tpu.trace_stop"() : () -> ()
        } else {
        }
        %and3A_217 = arith.constant true
        %and3A_218 = arith.andi %or3A_213, %and3A_217 : i1
        %add3A_219 = arith.constant 1 : i32
        %add3A_220 = arith.addi %scan3A_124, %add3A_219 : i32
        %select_n3A_221 = arith.select %and3A_218, %add3A_220, %scan3A_124 : i32
        %ne3A_222 = arith.cmpi ne, %add3A_131, %add3A_140 : i32
        %or3A_223 = arith.constant false
        %or3A_224 = arith.ori %or3A_223, %ne3A_222 : i1
        %not3A_225 = arith.constant true
        %not3A_226 = arith.xori %eq3A_128, %not3A_225 : i1
        %and3A_227 = arith.andi %or3A_224, %not3A_226 : i1
        %convert_element_type3A_228 = arith.extui %and3A_227 : i1 to i32
        %cond3A_229 = arith.constant 0 : i32
        %cond3A_230 = arith.cmpi ne, %convert_element_type3A_228, %cond3A_229 : i32
        scf.if %cond3A_230 {
        } else {
        }
        %and3A_231 = arith.constant false
        %and3A_232 = arith.andi %and3A_227, %and3A_231 : i1
        %ne3A_233 = arith.cmpi ne, %add3A_131, %add3A_140 : i32
        %or3A_234 = arith.constant false
        %or3A_235 = arith.ori %or3A_234, %ne3A_233 : i1
        %or3A_236 = arith.constant false
        %or3A_237 = arith.ori %or3A_235, %or3A_236 : i1
        %not3A_238 = arith.constant true
        %not3A_239 = arith.xori %eq3A_128, %not3A_238 : i1
        %and3A_240 = arith.andi %or3A_237, %not3A_239 : i1
        %convert_element_type3A_241 = arith.extui %and3A_240 : i1 to i32
        %cond3A_242 = arith.constant 0 : i32
        %cond3A_243 = arith.cmpi ne, %convert_element_type3A_241, %cond3A_242 : i32
        scf.if %cond3A_243 {
          "tpu.trace_start"() <{level = 10 : i32, message = "ep_wait_out"}> : () -> ()
          %rem3A_264 = arith.constant 2 : i32
          %rem3A_265 = arith.remui %scan3A_125, %rem3A_264 : i32
          %mul3A_266 = arith.constant 128 : i32
          %mul3A_267 = arith.muli %mul3A_266, %add3A_140 : i32
          %dma_wait3A_268 = arith.constant 0 : i32
          %dma_wait3A_269 = arith.constant 0 : i32
          %dma_wait3A_270 = tpu.memref_slice %run_scoped3A_8[%rem3A_265, %dma_wait3A_268, %dma_wait3A_269] : memref<2x128x128xf32, #tpu.memory_space<vmem>> -> memref<1x128x128xf32, #tpu.memory_space<vmem>>
          %dma_wait3A_271 = tpu.memref_squeeze %dma_wait3A_270 : memref<1x128x128xf32, #tpu.memory_space<vmem>> -> memref<128x128xf32, #tpu.memory_space<vmem>>
          %dma_wait3A_272 = arith.constant 0 : i32
          %dma_wait3A_273 = tpu.memref_slice %arg4[%mul3A_267, %dma_wait3A_272] : memref<40960x128xf32, #tpu.memory_space<hbm>> -> memref<128x128xf32, #tpu.memory_space<hbm>>
          %dma_wait3A_274 = tpu.memref_slice %run_scoped3A_9[%rem3A_265] : memref<2x!tpu.dma_semaphore, #tpu.memory_space<semaphore_mem>> -> memref<1x!tpu.dma_semaphore, #tpu.memory_space<semaphore_mem>>
          %dma_wait3A_275 = tpu.memref_squeeze %dma_wait3A_274 : memref<1x!tpu.dma_semaphore, #tpu.memory_space<semaphore_mem>> -> memref<!tpu.dma_semaphore, #tpu.memory_space<semaphore_mem>>
          %dma_wait3A_276 = arith.constant 0 : i32
          %dma_wait3A_277 = tpu.memref_slice %arg4[%mul3A_267, %dma_wait3A_276] : memref<40960x128xf32, #tpu.memory_space<hbm>> -> memref<128x128xf32, #tpu.memory_space<hbm>>
          %dma_wait3A_278 = arith.constant 0 : i32
          %dma_wait3A_279 = arith.constant 0 : i32
          %dma_wait3A_280 = tpu.memref_slice %run_scoped3A_8[%rem3A_265, %dma_wait3A_278, %dma_wait3A_279] : memref<2x128x128xf32, #tpu.memory_space<vmem>> -> memref<1x128x128xf32, #tpu.memory_space<vmem>>
          %dma_wait3A_281 = tpu.memref_squeeze %dma_wait3A_280 : memref<1x128x128xf32, #tpu.memory_space<vmem>> -> memref<128x128xf32, #tpu.memory_space<vmem>>
          tpu.wait_dma2 semaphore(%dma_wait3A_275 : memref<!tpu.dma_semaphore, #tpu.memory_space<semaphore_mem>>) src(%dma_wait3A_281 : memref<128x128xf32, #tpu.memory_space<vmem>>) dst(%dma_wait3A_277 : memref<128x128xf32, #tpu.memory_space<hbm>>)
          "tpu.trace_stop"() : () -> ()
        } else {
        }
        %and3A_244 = arith.constant true
        %and3A_245 = arith.andi %and3A_240, %and3A_244 : i1
        %add3A_246 = arith.constant 1 : i32
        %add3A_247 = arith.addi %scan3A_125, %add3A_246 : i32
        %select_n3A_248 = arith.select %and3A_245, %add3A_247, %scan3A_125 : i32
        %ne3A_249 = arith.cmpi ne, %add3A_131, %add3A_149 : i32
        %or3A_250 = arith.constant false
        %or3A_251 = arith.ori %or3A_250, %ne3A_249 : i1
        %or3A_252 = arith.ori %or3A_251, %eq3A_130 : i1
        %add3A_253 = arith.constant 1 : i32
        %add3A_254 = arith.addi %scan3A_123, %add3A_253 : i32
        %select_n3A_255 = arith.select %or3A_252, %add3A_254, %scan3A_123 : i32
        %add3A_256 = arith.constant 1 : i32
        %add3A_257 = arith.addi %scan3A_126, %add3A_256 : i32
        %select_n3A_258 = arith.constant true
        %select_n3A_259 = arith.select %select_n3A_258, %add3A_257, %scan3A_126 : i32
        %eq3A_260 = arith.constant 10 : i32
        %eq3A_261 = arith.cmpi eq, %select_n3A_259, %eq3A_260 : i32
        %select_n3A_262 = arith.constant 0 : i32
        %select_n3A_263 = arith.select %eq3A_261, %select_n3A_262, %select_n3A_259 : i32
        scf.yield %select_n3A_167, %select_n3A_255, %select_n3A_221, %select_n3A_248, %select_n3A_263 : i32, i32, i32, i32, i32
      }
      %scan3A_68 = arith.constant 10 : i32
      %sub3A = arith.constant 1 : i32
      %sub3A_69 = arith.subi %scan3A_67#4, %sub3A : i32
      %select_n3A_70 = arith.constant true
      %select_n3A_71 = arith.select %select_n3A_70, %sub3A_69, %scan3A_67#4 : i32
      %eq3A_72 = arith.constant -1 : i32
      %eq3A_73 = arith.cmpi eq, %select_n3A_71, %eq3A_72 : i32
      %select_n3A_74 = arith.constant 9 : i32
      %select_n3A_75 = arith.select %eq3A_73, %select_n3A_74, %select_n3A_71 : i32
      %add3A_76 = arith.addi %select_n3A_75, %mul3A_6 : i32
      %sub3A_77 = arith.constant 1 : i32
      %sub3A_78 = arith.subi %select_n3A_75, %sub3A_77 : i32
      %select_n3A_79 = arith.constant true
      %select_n3A_80 = arith.select %select_n3A_79, %sub3A_78, %select_n3A_75 : i32
      %eq3A_81 = arith.constant -1 : i32
      %eq3A_82 = arith.cmpi eq, %select_n3A_80, %eq3A_81 : i32
      %select_n3A_83 = arith.constant 9 : i32
      %select_n3A_84 = arith.select %eq3A_82, %select_n3A_83, %select_n3A_80 : i32
      %add3A_85 = arith.addi %select_n3A_84, %mul3A_6 : i32
      %add3A_86 = arith.constant 1 : i32
      %add3A_87 = arith.addi %select_n3A_75, %add3A_86 : i32
      %select_n3A_88 = arith.constant true
      %select_n3A_89 = arith.select %select_n3A_88, %add3A_87, %select_n3A_75 : i32
      %eq3A_90 = arith.constant 10 : i32
      %eq3A_91 = arith.cmpi eq, %select_n3A_89, %eq3A_90 : i32
      %select_n3A_92 = arith.constant 0 : i32
      %select_n3A_93 = arith.select %eq3A_91, %select_n3A_92, %select_n3A_89 : i32
      %add3A_94 = arith.addi %select_n3A_93, %mul3A_6 : i32
      %add3A_95 = arith.constant 1 : i32
      %add3A_96 = arith.addi %select_n3A_93, %add3A_95 : i32
      %select_n3A_97 = arith.constant true
      %select_n3A_98 = arith.select %select_n3A_97, %add3A_96, %select_n3A_93 : i32
      %eq3A_99 = arith.constant 10 : i32
      %eq3A_100 = arith.cmpi eq, %select_n3A_98, %eq3A_99 : i32
      %select_n3A_101 = arith.constant 0 : i32
      %select_n3A_102 = arith.select %eq3A_100, %select_n3A_101, %select_n3A_98 : i32
      %add3A_103 = arith.addi %select_n3A_102, %mul3A_6 : i32
      "tpu.trace_start"() <{level = 10 : i32, message = "ep_finalize"}> : () -> ()
      %rem3A_104 = arith.constant 2 : i32
      %rem3A_105 = arith.remui %scan3A_67#3, %rem3A_104 : i32
      %mul3A_106 = arith.constant 128 : i32
      %mul3A_107 = arith.muli %mul3A_106, %add3A_76 : i32
      %dma_wait3A = arith.constant 0 : i32
      %dma_wait3A_108 = arith.constant 0 : i32
      %dma_wait3A_109 = tpu.memref_slice %run_scoped3A_8[%rem3A_105, %dma_wait3A, %dma_wait3A_108] : memref<2x128x128xf32, #tpu.memory_space<vmem>> -> memref<1x128x128xf32, #tpu.memory_space<vmem>>
      %dma_wait3A_110 = tpu.memref_squeeze %dma_wait3A_109 : memref<1x128x128xf32, #tpu.memory_space<vmem>> -> memref<128x128xf32, #tpu.memory_space<vmem>>
      %dma_wait3A_111 = arith.constant 0 : i32
      %dma_wait3A_112 = tpu.memref_slice %arg4[%mul3A_107, %dma_wait3A_111] : memref<40960x128xf32, #tpu.memory_space<hbm>> -> memref<128x128xf32, #tpu.memory_space<hbm>>
      %dma_wait3A_113 = tpu.memref_slice %run_scoped3A_9[%rem3A_105] : memref<2x!tpu.dma_semaphore, #tpu.memory_space<semaphore_mem>> -> memref<1x!tpu.dma_semaphore, #tpu.memory_space<semaphore_mem>>
      %dma_wait3A_114 = tpu.memref_squeeze %dma_wait3A_113 : memref<1x!tpu.dma_semaphore, #tpu.memory_space<semaphore_mem>> -> memref<!tpu.dma_semaphore, #tpu.memory_space<semaphore_mem>>
      %dma_wait3A_115 = arith.constant 0 : i32
      %dma_wait3A_116 = tpu.memref_slice %arg4[%mul3A_107, %dma_wait3A_115] : memref<40960x128xf32, #tpu.memory_space<hbm>> -> memref<128x128xf32, #tpu.memory_space<hbm>>
      %dma_wait3A_117 = arith.constant 0 : i32
      %dma_wait3A_118 = arith.constant 0 : i32
      %dma_wait3A_119 = tpu.memref_slice %run_scoped3A_8[%rem3A_105, %dma_wait3A_117, %dma_wait3A_118] : memref<2x128x128xf32, #tpu.memory_space<vmem>> -> memref<1x128x128xf32, #tpu.memory_space<vmem>>
      %dma_wait3A_120 = tpu.memref_squeeze %dma_wait3A_119 : memref<1x128x128xf32, #tpu.memory_space<vmem>> -> memref<128x128xf32, #tpu.memory_space<vmem>>
      tpu.wait_dma2 semaphore(%dma_wait3A_114 : memref<!tpu.dma_semaphore, #tpu.memory_space<semaphore_mem>>) src(%dma_wait3A_120 : memref<128x128xf32, #tpu.memory_space<vmem>>) dst(%dma_wait3A_116 : memref<128x128xf32, #tpu.memory_space<hbm>>)
      "tpu.trace_stop"() : () -> ()
      tpu.yield
    }) : () -> ()
    return
  }
}

#map = affine_map<(d0, d1) -> (0, 0)>
module attributes {stable_mosaic.version = 14 : i64} {
  func.func @k(%arg0: i32, %arg1: i32, %arg2: memref<100000x128xf32, #tpu.memory_space<hbm>>, %arg3: memref<1x40960xi32, #tpu.memory_space<hbm>>, %arg4: memref<40960x128xf32, #tpu.memory_space<hbm>>) attributes {dimension_semantics = [#tpu.dimension_semantics<core_parallel>, #tpu.dimension_semantics<subcore_parallel>], iteration_bounds = array<i64: 2, 16>, scalar_prefetch = 0 : i64, scratch_operands = 0 : i64, tpu.core_type = #tpu.core_type<sc_vector_subcore>, window_params = [{transform_indices = #map}, {transform_indices = #map}, {transform_indices = #map}]} {
    %mul3A = arith.constant 1 : i32
    %mul3A_0 = arith.muli %arg1, %mul3A : i32
    %add3A = arith.constant 0 : i32
    %add3A_1 = arith.addi %add3A, %mul3A_0 : i32
    %mul3A_2 = arith.constant 16 : i32
    %mul3A_3 = arith.muli %arg0, %mul3A_2 : i32
    %add3A_4 = arith.addi %add3A_1, %mul3A_3 : i32
    %mul3A_5 = arith.constant 10 : i32
    %mul3A_6 = arith.muli %add3A_4, %mul3A_5 : i32
    "tpu.region"() ({
      %run_scoped3A = memref.alloca() : memref<2x1x128xi32, #tpu.memory_space<vmem>>
      %run_scoped3A_7 = tpu.sem_alloc : memref<2x!tpu.dma_semaphore, #tpu.memory_space<semaphore_mem>>
      %run_scoped3A_8 = memref.alloca() : memref<2x128x128xf32, #tpu.memory_space<vmem>>
      %run_scoped3A_9 = tpu.sem_alloc : memref<2x!tpu.dma_semaphore, #tpu.memory_space<semaphore_mem>>
      %add3A_10 = arith.constant 0 : i32
      %add3A_11 = arith.addi %add3A_10, %mul3A_6 : i32
      %select_n3A = arith.constant true
      %select_n3A_12 = arith.constant 0 : i32
      %select_n3A_13 = arith.constant -1 : i32
      %select_n3A_14 = arith.select %select_n3A, %select_n3A_13, %select_n3A_12 : i32
      %eq3A = arith.constant -1 : i32
      %eq3A_15 = arith.cmpi eq, %select_n3A_14, %eq3A : i32
      %select_n3A_16 = arith.constant 9 : i32
      %select_n3A_17 = arith.select %eq3A_15, %select_n3A_16, %select_n3A_14 : i32
      %add3A_18 = arith.addi %select_n3A_17, %mul3A_6 : i32
      %select_n3A_19 = arith.constant true
      %select_n3A_20 = arith.constant 0 : i32
      %select_n3A_21 = arith.constant 1 : i32
      %select_n3A_22 = arith.select %select_n3A_19, %select_n3A_21, %select_n3A_20 : i32
      %eq3A_23 = arith.constant 10 : i32
      %eq3A_24 = arith.cmpi eq, %select_n3A_22, %eq3A_23 : i32
      %select_n3A_25 = arith.constant 0 : i32
      %select_n3A_26 = arith.select %eq3A_24, %select_n3A_25, %select_n3A_22 : i32
      %add3A_27 = arith.addi %select_n3A_26, %mul3A_6 : i32
      %add3A_28 = arith.constant 1 : i32
      %add3A_29 = arith.addi %select_n3A_26, %add3A_28 : i32
      %select_n3A_30 = arith.constant true
      %select_n3A_31 = arith.select %select_n3A_30, %add3A_29, %select_n3A_26 : i32
      %eq3A_32 = arith.constant 10 : i32
      %eq3A_33 = arith.cmpi eq, %select_n3A_31, %eq3A_32 : i32
      %select_n3A_34 = arith.constant 0 : i32
      %select_n3A_35 = arith.select %eq3A_33, %select_n3A_34, %select_n3A_31 : i32
      %add3A_36 = arith.addi %select_n3A_35, %mul3A_6 : i32
      "tpu.trace_start"() <{level = 10 : i32, message = "ep_initialize_0"}> : () -> ()
      %rem3A = arith.constant 0 : i32
      %rem3A_37 = arith.constant 2 : i32
      %rem3A_38 = arith.remui %rem3A, %rem3A_37 : i32
      %mul3A_39 = arith.constant 128 : i32
      %mul3A_40 = arith.muli %mul3A_39, %add3A_11 : i32
      %dma_start3A = arith.constant 0 : i32
      %dma_start3A_41 = arith.constant 0 : i32
      %dma_start3A_42 = tpu.memref_slice %run_scoped3A[%rem3A_38, %dma_start3A, %dma_start3A_41] : memref<2x1x128xi32, #tpu.memory_space<vmem>> -> memref<1x1x128xi32, #tpu.memory_space<vmem>>
      %dma_start3A_43 = tpu.memref_squeeze %dma_start3A_42 : memref<1x1x128xi32, #tpu.memory_space<vmem>> -> memref<1x128xi32, #tpu.memory_space<vmem>>
      %dma_start3A_44 = arith.constant 0 : i32
      %dma_start3A_45 = tpu.memref_slice %arg3[%dma_start3A_44, %mul3A_40] : memref<1x40960xi32, #tpu.memory_space<hbm>> -> memref<1x128xi32, #tpu.memory_space<hbm>>
      %dma_start3A_46 = tpu.memref_slice %run_scoped3A_7[%rem3A_38] : memref<2x!tpu.dma_semaphore, #tpu.memory_space<semaphore_mem>> -> memref<1x!tpu.dma_semaphore, #tpu.memory_space<semaphore_mem>>
      %dma_start3A_47 = tpu.memref_squeeze %dma_start3A_46 : memref<1x!tpu.dma_semaphore, #tpu.memory_space<semaphore_mem>> -> memref<!tpu.dma_semaphore, #tpu.memory_space<semaphore_mem>>
      %dma_start3A_48 = arith.constant 0 : i32
      %dma_start3A_49 = arith.constant 0 : i32
      %dma_start3A_50 = tpu.memref_slice %run_scoped3A[%rem3A_38, %dma_start3A_48, %dma_start3A_49] : memref<2x1x128xi32, #tpu.memory_space<vmem>> -> memref<1x1x128xi32, #tpu.memory_space<vmem>>
      %dma_start3A_51 = tpu.memref_squeeze %dma_start3A_50 : memref<1x1x128xi32, #tpu.memory_space<vmem>> -> memref<1x128xi32, #tpu.memory_space<vmem>>
      %dma_start3A_52 = arith.constant 0 : i32
      %dma_start3A_53 = tpu.memref_slice %arg3[%dma_start3A_52, %mul3A_40] : memref<1x40960xi32, #tpu.memory_space<hbm>> -> memref<1x128xi32, #tpu.memory_space<hbm>>
      tpu.enqueue_dma source(%dma_start3A_53 : memref<1x128xi32, #tpu.memory_space<hbm>>) target(%dma_start3A_51 : memref<1x128xi32, #tpu.memory_space<vmem>>) target_semaphore(%dma_start3A_47 : memref<!tpu.dma_semaphore, #tpu.memory_space<semaphore_mem>>)
      %add3A_54 = arith.constant 0 : i32
      %add3A_55 = arith.constant 1 : i32
      %add3A_56 = arith.addi %add3A_54, %add3A_55 : i32
      %select_n3A_57 = arith.constant true
      %select_n3A_58 = arith.constant 0 : i32
      %select_n3A_59 = arith.select %select_n3A_57, %add3A_56, %select_n3A_58 : i32
      "tpu.trace_stop"() : () -> ()
      %scan3A = arith.constant 0 : i32
      %scan3A_60 = arith.constant 0 : i32
      %scan3A_61 = arith.constant 0 : i32
      %scan3A_62 = arith.constant 0 : i32
      %scan3A_63 = arith.constant 0 : i32
      %scan3A_64 = arith.constant 10 : i32
      %scan3A_65 = arith.addi %scan3A_63, %scan3A_64 : i32
      %scan3A_66 = arith.constant 1 : i32
      %scan3A_67:5 = scf.for %scan3A_121 = %scan3A_63 to %scan3A_65 step %scan3A_66 iter_args(%scan3A_122 = %select_n3A_59, %scan3A_123 = %scan3A, %scan3A_124 = %scan3A_60, %scan3A_125 = %scan3A_61, %scan3A_126 = %scan3A_62) -> (i32, i32, i32, i32, i32)  : i32 {
        %eq3A_127 = arith.constant 0 : i32
        %eq3A_128 = arith.cmpi eq, %scan3A_121, %eq3A_127 : i32
        %eq3A_129 = arith.constant 9 : i32
        %eq3A_130 = arith.cmpi eq, %scan3A_121, %eq3A_129 : i32
        %add3A_131 = arith.addi %scan3A_126, %mul3A_6 : i32
        %sub3A_132 = arith.constant 1 : i32
        %sub3A_133 = arith.subi %scan3A_126, %sub3A_132 : i32
        %select_n3A_134 = arith.constant true
        %select_n3A_135 = arith.select %select_n3A_134, %sub3A_133, %scan3A_126 : i32
        %eq3A_136 = arith.constant -1 : i32
        %eq3A_137 = arith.cmpi eq, %select_n3A_135, %eq3A_136 : i32
        %select_n3A_138 = arith.constant 9 : i32
        %select_n3A_139 = arith.select %eq3A_137, %select_n3A_138, %select_n3A_135 : i32
        %add3A_140 = arith.addi %select_n3A_139, %mul3A_6 : i32
        %add3A_141 = arith.constant 1 : i32
        %add3A_142 = arith.addi %scan3A_126, %add3A_141 : i32
        %select_n3A_143 = arith.constant true
        %select_n3A_144 = arith.select %select_n3A_143, %add3A_142, %scan3A_126 : i32
        %eq3A_145 = arith.constant 10 : i32
        %eq3A_146 = arith.cmpi eq, %select_n3A_144, %eq3A_145 : i32
        %select_n3A_147 = arith.constant 0 : i32
        %select_n3A_148 = arith.select %eq3A_146, %select_n3A_147, %select_n3A_144 : i32
        %add3A_149 = arith.addi %select_n3A_148, %mul3A_6 : i32
        %add3A_150 = arith.constant 1 : i32
        %add3A_151 = arith.addi %select_n3A_148, %add3A_150 : i32
        %select_n3A_152 = arith.constant true
        %select_n3A_153 = arith.select %select_n3A_152, %add3A_151, %select_n3A_148 : i32
        %eq3A_154 = arith.constant 10 : i32
        %eq3A_155 = arith.cmpi eq, %select_n3A_153, %eq3A_154 : i32
        %select_n3A_156 = arith.constant 0 : i32
        %select_n3A_157 = arith.select %eq3A_155, %select_n3A_156, %select_n3A_153 : i32
        %add3A_158 = arith.addi %select_n3A_157, %mul3A_6 : i32
        %ne3A = arith.cmpi ne, %add3A_131, %add3A_149 : i32
        %or3A = arith.constant false
        %or3A_159 = arith.ori %or3A, %ne3A : i1
        %ge3A = arith.constant 9 : i32
        %ge3A_160 = arith.cmpi sge, %scan3A_121, %ge3A : i32
        %not3A = arith.constant true
        %not3A_161 = arith.xori %ge3A_160, %not3A : i1
        %and3A = arith.andi %or3A_159, %not3A_161 : i1
        %convert_element_type3A = arith.extui %and3A : i1 to i32
        %cond3A = arith.constant 0 : i32
        %cond3A_162 = arith.cmpi ne, %convert_element_type3A, %cond3A : i32
        scf.if %cond3A_162 {
          "tpu.trace_start"() <{level = 10 : i32, message = "ep_copy_in"}> : () -> ()
          %rem3A_264 = arith.constant 2 : i32
          %rem3A_265 = arith.remui %scan3A_122, %rem3A_264 : i32
          %mul3A_266 = arith.constant 128 : i32
          %mul3A_267 = arith.muli %mul3A_266, %add3A_149 : i32
          %dma_start3A_268 = arith.constant 0 : i32
          %dma_start3A_269 = arith.constant 0 : i32
          %dma_start3A_270 = tpu.memref_slice %run_scoped3A[%rem3A_265, %dma_start3A_268, %dma_start3A_269] : memref<2x1x128xi32, #tpu.memory_space<vmem>> -> memref<1x1x128xi32, #tpu.memory_space<vmem>>
          %dma_start3A_271 = tpu.memref_squeeze %dma_start3A_270 : memref<1x1x128xi32, #tpu.memory_space<vmem>> -> memref<1x128xi32, #tpu.memory_space<vmem>>
          %dma_start3A_272 = arith.constant 0 : i32
          %dma_start3A_273 = tpu.memref_slice %arg3[%dma_start3A_272, %mul3A_267] : memref<1x40960xi32, #tpu.memory_space<hbm>> -> memref<1x128xi32, #tpu.memory_space<hbm>>
          %dma_start3A_274 = tpu.memref_slice %run_scoped3A_7[%rem3A_265] : memref<2x!tpu.dma_semaphore, #tpu.memory_space<semaphore_mem>> -> memref<1x!tpu.dma_semaphore, #tpu.memory_space<semaphore_mem>>
          %dma_start3A_275 = tpu.memref_squeeze %dma_start3A_274 : memref<1x!tpu.dma_semaphore, #tpu.memory_space<semaphore_mem>> -> memref<!tpu.dma_semaphore, #tpu.memory_space<semaphore_mem>>
          %dma_start3A_276 = arith.constant 0 : i32
          %dma_start3A_277 = arith.constant 0 : i32
          %dma_start3A_278 = tpu.memref_slice %run_scoped3A[%rem3A_265, %dma_start3A_276, %dma_start3A_277] : memref<2x1x128xi32, #tpu.memory_space<vmem>> -> memref<1x1x128xi32, #tpu.memory_space<vmem>>
          %dma_start3A_279 = tpu.memref_squeeze %dma_start3A_278 : memref<1x1x128xi32, #tpu.memory_space<vmem>> -> memref<1x128xi32, #tpu.memory_space<vmem>>
          %dma_start3A_280 = arith.constant 0 : i32
          %dma_start3A_281 = tpu.memref_slice %arg3[%dma_start3A_280, %mul3A_267] : memref<1x40960xi32, #tpu.memory_space<hbm>> -> memref<1x128xi32, #tpu.memory_space<hbm>>
          tpu.enqueue_dma source(%dma_start3A_281 : memref<1x128xi32, #tpu.memory_space<hbm>>) target(%dma_start3A_279 : memref<1x128xi32, #tpu.memory_space<vmem>>) target_semaphore(%dma_start3A_275 : memref<!tpu.dma_semaphore, #tpu.memory_space<semaphore_mem>>)
          "tpu.trace_stop"() : () -> ()
        } else {
        }
        %and3A_163 = arith.constant true
        %and3A_164 = arith.andi %and3A, %and3A_163 : i1
        %add3A_165 = arith.constant 1 : i32
        %add3A_166 = arith.addi %scan3A_122, %add3A_165 : i32
        %select_n3A_167 = arith.select %and3A_164, %add3A_166, %scan3A_122 : i32
        %ne3A_168 = arith.cmpi ne, %add3A_131, %add3A_149 : i32
        %or3A_169 = arith.constant false
        %or3A_170 = arith.ori %or3A_169, %ne3A_168 : i1
        %or3A_171 = arith.constant false
        %or3A_172 = arith.ori %or3A_170, %or3A_171 : i1
        %ge3A_173 = arith.constant 9 : i32
        %ge3A_174 = arith.cmpi sge, %scan3A_121, %ge3A_173 : i32
        %not3A_175 = arith.constant true
        %not3A_176 = arith.xori %ge3A_174, %not3A_175 : i1
        %and3A_177 = arith.andi %or3A_172, %not3A_176 : i1
        %ne3A_178 = arith.cmpi ne, %add3A_131, %add3A_140 : i32
        %or3A_179 = arith.constant false
        %or3A_180 = arith.ori %or3A_179, %ne3A_178 : i1
        %or3A_181 = arith.ori %or3A_180, %eq3A_128 : i1
        %convert_element_type3A_182 = arith.extui %or3A_181 : i1 to i32
        %cond3A_183 = arith.constant 0 : i32
        %cond3A_184 = arith.cmpi ne, %convert_element_type3A_182, %cond3A_183 : i32
        scf.if %cond3A_184 {
          "tpu.trace_start"() <{level = 10 : i32, message = "ep_wait_in"}> : () -> ()
          %mul3A_264 = arith.constant 128 : i32
          %mul3A_265 = arith.muli %mul3A_264, %add3A_131 : i32
          %rem3A_266 = arith.constant 2 : i32
          %rem3A_267 = arith.remui %scan3A_123, %rem3A_266 : i32
          %dma_wait3A_268 = arith.constant 0 : i32
          %dma_wait3A_269 = arith.constant 0 : i32
          %dma_wait3A_270 = tpu.memref_slice %run_scoped3A[%rem3A_267, %dma_wait3A_268, %dma_wait3A_269] : memref<2x1x128xi32, #tpu.memory_space<vmem>> -> memref<1x1x128xi32, #tpu.memory_space<vmem>>
          %dma_wait3A_271 = tpu.memref_squeeze %dma_wait3A_270 : memref<1x1x128xi32, #tpu.memory_space<vmem>> -> memref<1x128xi32, #tpu.memory_space<vmem>>
          %dma_wait3A_272 = arith.constant 0 : i32
          %dma_wait3A_273 = tpu.memref_slice %arg3[%dma_wait3A_272, %mul3A_265] : memref<1x40960xi32, #tpu.memory_space<hbm>> -> memref<1x128xi32, #tpu.memory_space<hbm>>
          %dma_wait3A_274 = tpu.memref_slice %run_scoped3A_7[%rem3A_267] : memref<2x!tpu.dma_semaphore, #tpu.memory_space<semaphore_mem>> -> memref<1x!tpu.dma_semaphore, #tpu.memory_space<semaphore_mem>>
          %dma_wait3A_275 = tpu.memref_squeeze %dma_wait3A_274 : memref<1x!tpu.dma_semaphore, #tpu.memory_space<semaphore_mem>> -> memref<!tpu.dma_semaphore, #tpu.memory_space<semaphore_mem>>
          %dma_wait3A_276 = arith.constant 0 : i32
          %dma_wait3A_277 = arith.constant 0 : i32
          %dma_wait3A_278 = tpu.memref_slice %run_scoped3A[%rem3A_267, %dma_wait3A_276, %dma_wait3A_277] : memref<2x1x128xi32, #tpu.memory_space<vmem>> -> memref<1x1x128xi32, #tpu.memory_space<vmem>>
          %dma_wait3A_279 = tpu.memref_squeeze %dma_wait3A_278 : memref<1x1x128xi32, #tpu.memory_space<vmem>> -> memref<1x128xi32, #tpu.memory_space<vmem>>
          %dma_wait3A_280 = arith.constant 0 : i32
          %dma_wait3A_281 = tpu.memref_slice %arg3[%dma_wait3A_280, %mul3A_265] : memref<1x40960xi32, #tpu.memory_space<hbm>> -> memref<1x128xi32, #tpu.memory_space<hbm>>
          tpu.wait_dma2 semaphore(%dma_wait3A_275 : memref<!tpu.dma_semaphore, #tpu.memory_space<semaphore_mem>>) src(%dma_wait3A_281 : memref<1x128xi32, #tpu.memory_space<hbm>>) dst(%dma_wait3A_279 : memref<1x128xi32, #tpu.memory_space<vmem>>)
          "tpu.trace_stop"() : () -> ()
        } else {
        }
        %ne3A_185 = arith.cmpi ne, %add3A_131, %add3A_140 : i32
        %or3A_186 = arith.constant false
        %or3A_187 = arith.ori %or3A_186, %ne3A_185 : i1
        %or3A_188 = arith.constant false
        %or3A_189 = arith.ori %or3A_187, %or3A_188 : i1
        %or3A_190 = arith.ori %or3A_189, %eq3A_128 : i1
        %convert_element_type3A_191 = arith.extui %or3A_190 : i1 to i32
        %cond3A_192 = arith.constant 0 : i32
        %cond3A_193 = arith.cmpi ne, %convert_element_type3A_191, %cond3A_192 : i32
        scf.if %cond3A_193 {
        } else {
        }
        %rem3A_194 = arith.constant 2 : i32
        %rem3A_195 = arith.remui %scan3A_123, %rem3A_194 : i32
        %rem3A_196 = arith.constant 2 : i32
        %rem3A_197 = arith.remui %scan3A_124, %rem3A_196 : i32
        %run_scoped3A_198 = arith.constant 0 : i32
        "tpu.trace_start"() <{level = 10 : i32, message = "ep_run_kernel"}> : () -> ()
        "tpu.region"() ({
          %run_scoped3A_264 = tpu.sem_alloc : memref<!tpu.dma_semaphore, #tpu.memory_space<semaphore_mem>>
          %dma_start3A_265 = arith.constant 0 : i32
          %dma_start3A_266 = arith.constant 0 : i32
          %dma_start3A_267 = tpu.memref_slice %run_scoped3A_8[%rem3A_197, %dma_start3A_265, %dma_start3A_266] : memref<2x128x128xf32, #tpu.memory_space<vmem>> -> memref<1x128x128xf32, #tpu.memory_space<vmem>>
          %dma_start3A_268 = tpu.memref_squeeze %dma_start3A_267 : memref<1x128x128xf32, #tpu.memory_space<vmem>> -> memref<128x128xf32, #tpu.memory_space<vmem>>
          %dma_start3A_269 = arith.constant 0 : i32
          %dma_start3A_270 = arith.constant 0 : i32
          %dma_start3A_271 = tpu.memref_slice %run_scoped3A[%rem3A_195, %dma_start3A_269, %dma_start3A_270] : memref<2x1x128xi32, #tpu.memory_space<vmem>> -> memref<1x1x128xi32, #tpu.memory_space<vmem>>
          %dma_start3A_272 = tpu.memref_squeeze %dma_start3A_271 : memref<1x1x128xi32, #tpu.memory_space<vmem>> -> memref<1x128xi32, #tpu.memory_space<vmem>>
          %dma_start3A_273 = arith.constant 0 : i32
          %dma_start3A_274 = tpu.memref_slice %dma_start3A_272[%run_scoped3A_198, %dma_start3A_273] : memref<1x128xi32, #tpu.memory_space<vmem>> -> memref<1x128xi32, #tpu.memory_space<vmem>>
          %dma_start3A_275 = tpu.memref_squeeze %dma_start3A_274 : memref<1x128xi32, #tpu.memory_space<vmem>> -> memref<128xi32, #tpu.memory_space<vmem>>
          %dma_start3A_276 = arith.constant 0 : i32
          %dma_start3A_277 = arith.constant 0 : i32
          %dma_start3A_278 = tpu.memref_slice %arg2[%dma_start3A_276, %dma_start3A_277] : memref<100000x128xf32, #tpu.memory_space<hbm>> -> memref<100000x128xf32, #tpu.memory_space<hbm>>
          tpu.enqueue_indirect_dma source(%dma_start3A_278 : memref<100000x128xf32, #tpu.memory_space<hbm>>) target(%dma_start3A_268 : memref<128x128xf32, #tpu.memory_space<vmem>>) offsets(%dma_start3A_275 : memref<128xi32, #tpu.memory_space<vmem>>) semaphore(%run_scoped3A_264 : memref<!tpu.dma_semaphore, #tpu.memory_space<semaphore_mem>>)
          %dma_wait3A_279 = arith.constant 0 : i32
          %dma_wait3A_280 = arith.constant 0 : i32
          %dma_wait3A_281 = tpu.memref_slice %run_scoped3A_8[%rem3A_197, %dma_wait3A_279, %dma_wait3A_280] : memref<2x128x128xf32, #tpu.memory_space<vmem>> -> memref<1x128x128xf32, #tpu.memory_space<vmem>>
          %dma_wait3A_282 = tpu.memref_squeeze %dma_wait3A_281 : memref<1x128x128xf32, #tpu.memory_space<vmem>> -> memref<128x128xf32, #tpu.memory_space<vmem>>
          %dma_wait3A_283 = arith.constant 0 : i32
          %dma_wait3A_284 = arith.constant 0 : i32
          %dma_wait3A_285 = tpu.memref_slice %run_scoped3A[%rem3A_195, %dma_wait3A_283, %dma_wait3A_284] : memref<2x1x128xi32, #tpu.memory_space<vmem>> -> memref<1x1x128xi32, #tpu.memory_space<vmem>>
          %dma_wait3A_286 = tpu.memref_squeeze %dma_wait3A_285 : memref<1x1x128xi32, #tpu.memory_space<vmem>> -> memref<1x128xi32, #tpu.memory_space<vmem>>
          %dma_wait3A_287 = arith.constant 0 : i32
          %dma_wait3A_288 = tpu.memref_slice %dma_wait3A_286[%run_scoped3A_198, %dma_wait3A_287] : memref<1x128xi32, #tpu.memory_space<vmem>> -> memref<1x128xi32, #tpu.memory_space<vmem>>
          %dma_wait3A_289 = tpu.memref_squeeze %dma_wait3A_288 : memref<1x128xi32, #tpu.memory_space<vmem>> -> memref<128xi32, #tpu.memory_space<vmem>>
          %dma_wait3A_290 = arith.constant 0 : i32
          %dma_wait3A_291 = arith.constant 0 : i32
          %dma_wait3A_292 = tpu.memref_slice %arg2[%dma_wait3A_290, %dma_wait3A_291] : memref<100000x128xf32, #tpu.memory_space<hbm>> -> memref<100000x128xf32, #tpu.memory_space<hbm>>
          tpu.wait_indirect_dma semaphore(%run_scoped3A_264 : memref<!tpu.dma_semaphore, #tpu.memory_space<semaphore_mem>>) src(%dma_wait3A_292 : memref<100000x128xf32, #tpu.memory_space<hbm>>) dst(%dma_wait3A_282 : memref<128x128xf32, #tpu.memory_space<vmem>>)
          tpu.yield
        }) : () -> ()
        "tpu.trace_stop"() : () -> ()
        %ne3A_199 = arith.cmpi ne, %add3A_131, %add3A_149 : i32
        %or3A_200 = arith.constant false
        %or3A_201 = arith.ori %or3A_200, %ne3A_199 : i1
        %or3A_202 = arith.ori %or3A_201, %eq3A_130 : i1
        %convert_element_type3A_203 = arith.extui %or3A_202 : i1 to i32
        %cond3A_204 = arith.constant 0 : i32
        %cond3A_205 = arith.cmpi ne, %convert_element_type3A_203, %cond3A_204 : i32
        scf.if %cond3A_205 {
        } else {
        }
        %and3A_206 = arith.constant false
        %and3A_207 = arith.andi %or3A_202, %and3A_206 : i1
        %ne3A_208 = arith.cmpi ne, %add3A_131, %add3A_149 : i32
        %or3A_209 = arith.constant false
        %or3A_210 = arith.ori %or3A_209, %ne3A_208 : i1
        %or3A_211 = arith.constant false
        %or3A_212 = arith.ori %or3A_210, %or3A_211 : i1
        %or3A_213 = arith.ori %or3A_212, %eq3A_130 : i1
        %convert_element_type3A_214 = arith.extui %or3A_213 : i1 to i32
        %cond3A_215 = arith.constant 0 : i32
        %cond3A_216 = arith.cmpi ne, %convert_element_type3A_214, %cond3A_215 : i32
        scf.if %cond3A_216 {
          "tpu.trace_start"() <{level = 10 : i32, message = "ep_copy_out"}> : () -> ()
          %rem3A_264 = arith.constant 2 : i32
          %rem3A_265 = arith.remui %scan3A_124, %rem3A_264 : i32
          %mul3A_266 = arith.constant 128 : i32
          %mul3A_267 = arith.muli %mul3A_266, %add3A_131 : i32
          %dma_start3A_268 = arith.constant 0 : i32
          %dma_start3A_269 = arith.constant 0 : i32
          %dma_start3A_270 = tpu.memref_slice %run_scoped3A_8[%rem3A_265, %dma_start3A_268, %dma_start3A_269] : memref<2x128x128xf32, #tpu.memory_space<vmem>> -> memref<1x128x128xf32, #tpu.memory_space<vmem>>
          %dma_start3A_271 = tpu.memref_squeeze %dma_start3A_270 : memref<1x128x128xf32, #tpu.memory_space<vmem>> -> memref<128x128xf32, #tpu.memory_space<vmem>>
          %dma_start3A_272 = arith.constant 0 : i32
          %dma_start3A_273 = tpu.memref_slice %arg4[%mul3A_267, %dma_start3A_272] : memref<40960x128xf32, #tpu.memory_space<hbm>> -> memref<128x128xf32, #tpu.memory_space<hbm>>
          %dma_start3A_274 = tpu.memref_slice %run_scoped3A_9[%rem3A_265] : memref<2x!tpu.dma_semaphore, #tpu.memory_space<semaphore_mem>> -> memref<1x!tpu.dma_semaphore, #tpu.memory_space<semaphore_mem>>
          %dma_start3A_275 = tpu.memref_squeeze %dma_start3A_274 : memref<1x!tpu.dma_semaphore, #tpu.memory_space<semaphore_mem>> -> memref<!tpu.dma_semaphore, #tpu.memory_space<semaphore_mem>>
          %dma_start3A_276 = arith.constant 0 : i32
          %dma_start3A_277 = tpu.memref_slice %arg4[%mul3A_267, %dma_start3A_276] : memref<40960x128xf32, #tpu.memory_space<hbm>> -> memref<128x128xf32, #tpu.memory_space<hbm>>
          %dma_start3A_278 = arith.constant 0 : i32
          %dma_start3A_279 = arith.constant 0 : i32
          %dma_start3A_280 = tpu.memref_slice %run_scoped3A_8[%rem3A_265, %dma_start3A_278, %dma_start3A_279] : memref<2x128x128xf32, #tpu.memory_space<vmem>> -> memref<1x128x128xf32, #tpu.memory_space<vmem>>
          %dma_start3A_281 = tpu.memref_squeeze %dma_start3A_280 : memref<1x128x128xf32, #tpu.memory_space<vmem>> -> memref<128x128xf32, #tpu.memory_space<vmem>>
          tpu.enqueue_dma source(%dma_start3A_281 : memref<128x128xf32, #tpu.memory_space<vmem>>) target(%dma_start3A_277 : memref<128x128xf32, #tpu.memory_space<hbm>>) target_semaphore(%dma_start3A_275 : memref<!tpu.dma_semaphore, #tpu.memory_space<semaphore_mem>>)
          "tpu.trace_stop"() : () -> ()
        } else {
        }
        %and3A_217 = arith.constant true
        %and3A_218 = arith.andi %or3A_213, %and3A_217 : i1
        %add3A_219 = arith.constant 1 : i32
        %add3A_220 = arith.addi %scan3A_124, %add3A_219 : i32
        %select_n3A_221 = arith.select %and3A_218, %add3A_220, %scan3A_124 : i32
        %ne3A_222 = arith.cmpi ne, %add3A_131, %add3A_140 : i32
        %or3A_223 = arith.constant false
        %or3A_224 = arith.ori %or3A_223, %ne3A_222 : i1
        %not3A_225 = arith.constant true
        %not3A_226 = arith.xori %eq3A_128, %not3A_225 : i1
        %and3A_227 = arith.andi %or3A_224, %not3A_226 : i1
        %convert_element_type3A_228 = arith.extui %and3A_227 : i1 to i32
        %cond3A_229 = arith.constant 0 : i32
        %cond3A_230 = arith.cmpi ne, %convert_element_type3A_228, %cond3A_229 : i32
        scf.if %cond3A_230 {
        } else {
        }
        %and3A_231 = arith.constant false
        %and3A_232 = arith.andi %and3A_227, %and3A_231 : i1
        %ne3A_233 = arith.cmpi ne, %add3A_131, %add3A_140 : i32
        %or3A_234 = arith.constant false
        %or3A_235 = arith.ori %or3A_234, %ne3A_233 : i1
        %or3A_236 = arith.constant false
        %or3A_237 = arith.ori %or3A_235, %or3A_236 : i1
        %not3A_238 = arith.constant true
        %not3A_239 = arith.xori %eq3A_128, %not3A_238 : i1
        %and3A_240 = arith.andi %or3A_237, %not3A_239 : i1
        %convert_element_type3A_241 = arith.extui %and3A_240 : i1 to i32
        %cond3A_242 = arith.constant 0 : i32
        %cond3A_243 = arith.cmpi ne, %convert_element_type3A_241, %cond3A_242 : i32
        scf.if %cond3A_243 {
          "tpu.trace_start"() <{level = 10 : i32, message = "ep_wait_out"}> : () -> ()
          %rem3A_264 = arith.constant 2 : i32
          %rem3A_265 = arith.remui %scan3A_125, %rem3A_264 : i32
          %mul3A_266 = arith.constant 128 : i32
          %mul3A_267 = arith.muli %mul3A_266, %add3A_140 : i32
          %dma_wait3A_268 = arith.constant 0 : i32
          %dma_wait3A_269 = arith.constant 0 : i32
          %dma_wait3A_270 = tpu.memref_slice %run_scoped3A_8[%rem3A_265, %dma_wait3A_268, %dma_wait3A_269] : memref<2x128x128xf32, #tpu.memory_space<vmem>> -> memref<1x128x128xf32, #tpu.memory_space<vmem>>
          %dma_wait3A_271 = tpu.memref_squeeze %dma_wait3A_270 : memref<1x128x128xf32, #tpu.memory_space<vmem>> -> memref<128x128xf32, #tpu.memory_space<vmem>>
          %dma_wait3A_272 = arith.constant 0 : i32
          %dma_wait3A_273 = tpu.memref_slice %arg4[%mul3A_267, %dma_wait3A_272] : memref<40960x128xf32, #tpu.memory_space<hbm>> -> memref<128x128xf32, #tpu.memory_space<hbm>>
          %dma_wait3A_274 = tpu.memref_slice %run_scoped3A_9[%rem3A_265] : memref<2x!tpu.dma_semaphore, #tpu.memory_space<semaphore_mem>> -> memref<1x!tpu.dma_semaphore, #tpu.memory_space<semaphore_mem>>
          %dma_wait3A_275 = tpu.memref_squeeze %dma_wait3A_274 : memref<1x!tpu.dma_semaphore, #tpu.memory_space<semaphore_mem>> -> memref<!tpu.dma_semaphore, #tpu.memory_space<semaphore_mem>>
          %dma_wait3A_276 = arith.constant 0 : i32
          %dma_wait3A_277 = tpu.memref_slice %arg4[%mul3A_267, %dma_wait3A_276] : memref<40960x128xf32, #tpu.memory_space<hbm>> -> memref<128x128xf32, #tpu.memory_space<hbm>>
          %dma_wait3A_278 = arith.constant 0 : i32
          %dma_wait3A_279 = arith.constant 0 : i32
          %dma_wait3A_280 = tpu.memref_slice %run_scoped3A_8[%rem3A_265, %dma_wait3A_278, %dma_wait3A_279] : memref<2x128x128xf32, #tpu.memory_space<vmem>> -> memref<1x128x128xf32, #tpu.memory_space<vmem>>
          %dma_wait3A_281 = tpu.memref_squeeze %dma_wait3A_280 : memref<1x128x128xf32, #tpu.memory_space<vmem>> -> memref<128x128xf32, #tpu.memory_space<vmem>>
          tpu.wait_dma2 semaphore(%dma_wait3A_275 : memref<!tpu.dma_semaphore, #tpu.memory_space<semaphore_mem>>) src(%dma_wait3A_281 : memref<128x128xf32, #tpu.memory_space<vmem>>) dst(%dma_wait3A_277 : memref<128x128xf32, #tpu.memory_space<hbm>>)
          "tpu.trace_stop"() : () -> ()
        } else {
        }
        %and3A_244 = arith.constant true
        %and3A_245 = arith.andi %and3A_240, %and3A_244 : i1
        %add3A_246 = arith.constant 1 : i32
        %add3A_247 = arith.addi %scan3A_125, %add3A_246 : i32
        %select_n3A_248 = arith.select %and3A_245, %add3A_247, %scan3A_125 : i32
        %ne3A_249 = arith.cmpi ne, %add3A_131, %add3A_149 : i32
        %or3A_250 = arith.constant false
        %or3A_251 = arith.ori %or3A_250, %ne3A_249 : i1
        %or3A_252 = arith.ori %or3A_251, %eq3A_130 : i1
        %add3A_253 = arith.constant 1 : i32
        %add3A_254 = arith.addi %scan3A_123, %add3A_253 : i32
        %select_n3A_255 = arith.select %or3A_252, %add3A_254, %scan3A_123 : i32
        %add3A_256 = arith.constant 1 : i32
        %add3A_257 = arith.addi %scan3A_126, %add3A_256 : i32
        %select_n3A_258 = arith.constant true
        %select_n3A_259 = arith.select %select_n3A_258, %add3A_257, %scan3A_126 : i32
        %eq3A_260 = arith.constant 10 : i32
        %eq3A_261 = arith.cmpi eq, %select_n3A_259, %eq3A_260 : i32
        %select_n3A_262 = arith.constant 0 : i32
        %select_n3A_263 = arith.select %eq3A_261, %select_n3A_262, %select_n3A_259 : i32
        scf.yield %select_n3A_167, %select_n3A_255, %select_n3A_221, %select_n3A_248, %select_n3A_263 : i32, i32, i32, i32, i32
      }
      %scan3A_68 = arith.constant 10 : i32
      %sub3A = arith.constant 1 : i32
      %sub3A_69 = arith.subi %scan3A_67#4, %sub3A : i32
      %select_n3A_70 = arith.constant true
      %select_n3A_71 = arith.select %select_n3A_70, %sub3A_69, %scan3A_67#4 : i32
      %eq3A_72 = arith.constant -1 : i32
      %eq3A_73 = arith.cmpi eq, %select_n3A_71, %eq3A_72 : i32
      %select_n3A_74 = arith.constant 9 : i32
      %select_n3A_75 = arith.select %eq3A_73, %select_n3A_74, %select_n3A_71 : i32
      %add3A_76 = arith.addi %select_n3A_75, %mul3A_6 : i32
      %sub3A_77 = arith.constant 1 : i32
      %sub3A_78 = arith.subi %select_n3A_75, %sub3A_77 : i32
      %select_n3A_79 = arith.constant true
      %select_n3A_80 = arith.select %select_n3A_79, %sub3A_78, %select_n3A_75 : i32
      %eq3A_81 = arith.constant -1 : i32
      %eq3A_82 = arith.cmpi eq, %select_n3A_80, %eq3A_81 : i32
      %select_n3A_83 = arith.constant 9 : i32
      %select_n3A_84 = arith.select %eq3A_82, %select_n3A_83, %select_n3A_80 : i32
      %add3A_85 = arith.addi %select_n3A_84, %mul3A_6 : i32
      %add3A_86 = arith.constant 1 : i32
      %add3A_87 = arith.addi %select_n3A_75, %add3A_86 : i32
      %select_n3A_88 = arith.constant true
      %select_n3A_89 = arith.select %select_n3A_88, %add3A_87, %select_n3A_75 : i32
      %eq3A_90 = arith.constant 10 : i32
      %eq3A_91 = arith.cmpi eq, %select_n3A_89, %eq3A_90 : i32
      %select_n3A_92 = arith.constant 0 : i32
      %select_n3A_93 = arith.select %eq3A_91, %select_n3A_92, %select_n3A_89 : i32
      %add3A_94 = arith.addi %select_n3A_93, %mul3A_6 : i32
      %add3A_95 = arith.constant 1 : i32
      %add3A_96 = arith.addi %select_n3A_93, %add3A_95 : i32
      %select_n3A_97 = arith.constant true
      %select_n3A_98 = arith.select %select_n3A_97, %add3A_96, %select_n3A_93 : i32
      %eq3A_99 = arith.constant 10 : i32
      %eq3A_100 = arith.cmpi eq, %select_n3A_98, %eq3A_99 : i32
      %select_n3A_101 = arith.constant 0 : i32
      %select_n3A_102 = arith.select %eq3A_100, %select_n3A_101, %select_n3A_98 : i32
      %add3A_103 = arith.addi %select_n3A_102, %mul3A_6 : i32
      "tpu.trace_start"() <{level = 10 : i32, message = "ep_finalize"}> : () -> ()
      %rem3A_104 = arith.constant 2 : i32
      %rem3A_105 = arith.remui %scan3A_67#3, %rem3A_104 : i32
      %mul3A_106 = arith.constant 128 : i32
      %mul3A_107 = arith.muli %mul3A_106, %add3A_76 : i32
      %dma_wait3A = arith.constant 0 : i32
      %dma_wait3A_108 = arith.constant 0 : i32
      %dma_wait3A_109 = tpu.memref_slice %run_scoped3A_8[%rem3A_105, %dma_wait3A, %dma_wait3A_108] : memref<2x128x128xf32, #tpu.memory_space<vmem>> -> memref<1x128x128xf32, #tpu.memory_space<vmem>>
      %dma_wait3A_110 = tpu.memref_squeeze %dma_wait3A_109 : memref<1x128x128xf32, #tpu.memory_space<vmem>> -> memref<128x128xf32, #tpu.memory_space<vmem>>
      %dma_wait3A_111 = arith.constant 0 : i32
      %dma_wait3A_112 = tpu.memref_slice %arg4[%mul3A_107, %dma_wait3A_111] : memref<40960x128xf32, #tpu.memory_space<hbm>> -> memref<128x128xf32, #tpu.memory_space<hbm>>
      %dma_wait3A_113 = tpu.memref_slice %run_scoped3A_9[%rem3A_105] : memref<2x!tpu.dma_semaphore, #tpu.memory_space<semaphore_mem>> -> memref<1x!tpu.dma_semaphore, #tpu.memory_space<semaphore_mem>>
      %dma_wait3A_114 = tpu.memref_squeeze %dma_wait3A_113 : memref<1x!tpu.dma_semaphore, #tpu.memory_space<semaphore_mem>> -> memref<!tpu.dma_semaphore, #tpu.memory_space<semaphore_mem>>
      %dma_wait3A_115 = arith.constant 0 : i32
      %dma_wait3A_116 = tpu.memref_slice %arg4[%mul3A_107, %dma_wait3A_115] : memref<40960x128xf32, #tpu.memory_space<hbm>> -> memref<128x128xf32, #tpu.memory_space<hbm>>
      %dma_wait3A_117 = arith.constant 0 : i32
      %dma_wait3A_118 = arith.constant 0 : i32
      %dma_wait3A_119 = tpu.memref_slice %run_scoped3A_8[%rem3A_105, %dma_wait3A_117, %dma_wait3A_118] : memref<2x128x128xf32, #tpu.memory_space<vmem>> -> memref<1x128x128xf32, #tpu.memory_space<vmem>>
      %dma_wait3A_120 = tpu.memref_squeeze %dma_wait3A_119 : memref<1x128x128xf32, #tpu.memory_space<vmem>> -> memref<128x128xf32, #tpu.memory_space<vmem>>
      tpu.wait_dma2 semaphore(%dma_wait3A_114 : memref<!tpu.dma_semaphore, #tpu.memory_space<semaphore_mem>>) src(%dma_wait3A_120 : memref<128x128xf32, #tpu.memory_space<vmem>>) dst(%dma_wait3A_116 : memref<128x128xf32, #tpu.memory_space<hbm>>)
      "tpu.trace_stop"() : () -> ()
      tpu.yield
    }) : () -> ()
    return
  }
}

#map = affine_map<(d0, d1) -> (0, 0)>
module attributes {stable_mosaic.version = 14 : i64} {
  func.func @k(%arg0: i32, %arg1: i32, %arg2: memref<100000x128xf32, #tpu.memory_space<hbm>>, %arg3: memref<1x40960xi32, #tpu.memory_space<hbm>>, %arg4: memref<40960x128xf32, #tpu.memory_space<hbm>>) attributes {dimension_semantics = [#tpu.dimension_semantics<core_parallel>, #tpu.dimension_semantics<subcore_parallel>], iteration_bounds = array<i64: 2, 16>, scalar_prefetch = 0 : i64, scratch_operands = 0 : i64, tpu.core_type = #tpu.core_type<sc_vector_subcore>, window_params = [{transform_indices = #map}, {transform_indices = #map}, {transform_indices = #map}]} {
    %mul3A = arith.constant 1 : i32
    %mul3A_0 = arith.muli %arg1, %mul3A : i32
    %add3A = arith.constant 0 : i32
    %add3A_1 = arith.addi %add3A, %mul3A_0 : i32
    %mul3A_2 = arith.constant 16 : i32
    %mul3A_3 = arith.muli %arg0, %mul3A_2 : i32
    %add3A_4 = arith.addi %add3A_1, %mul3A_3 : i32
    %mul3A_5 = arith.constant 10 : i32
    %mul3A_6 = arith.muli %add3A_4, %mul3A_5 : i32
    "tpu.region"() ({
      %run_scoped3A = memref.alloca() : memref<2x1x128xi32, #tpu.memory_space<vmem>>
      %run_scoped3A_7 = tpu.sem_alloc : memref<2x!tpu.dma_semaphore, #tpu.memory_space<semaphore_mem>>
      %run_scoped3A_8 = memref.alloca() : memref<2x128x128xf32, #tpu.memory_space<vmem>>
      %run_scoped3A_9 = tpu.sem_alloc : memref<2x!tpu.dma_semaphore, #tpu.memory_space<semaphore_mem>>
      %add3A_10 = arith.constant 0 : i32
      %add3A_11 = arith.addi %add3A_10, %mul3A_6 : i32
      %select_n3A = arith.constant true
      %select_n3A_12 = arith.constant 0 : i32
      %select_n3A_13 = arith.constant -1 : i32
      %select_n3A_14 = arith.select %select_n3A, %select_n3A_13, %select_n3A_12 : i32
      %eq3A = arith.constant -1 : i32
      %eq3A_15 = arith.cmpi eq, %select_n3A_14, %eq3A : i32
      %select_n3A_16 = arith.constant 9 : i32
      %select_n3A_17 = arith.select %eq3A_15, %select_n3A_16, %select_n3A_14 : i32
      %add3A_18 = arith.addi %select_n3A_17, %mul3A_6 : i32
      %select_n3A_19 = arith.constant true
      %select_n3A_20 = arith.constant 0 : i32
      %select_n3A_21 = arith.constant 1 : i32
      %select_n3A_22 = arith.select %select_n3A_19, %select_n3A_21, %select_n3A_20 : i32
      %eq3A_23 = arith.constant 10 : i32
      %eq3A_24 = arith.cmpi eq, %select_n3A_22, %eq3A_23 : i32
      %select_n3A_25 = arith.constant 0 : i32
      %select_n3A_26 = arith.select %eq3A_24, %select_n3A_25, %select_n3A_22 : i32
      %add3A_27 = arith.addi %select_n3A_26, %mul3A_6 : i32
      %add3A_28 = arith.constant 1 : i32
      %add3A_29 = arith.addi %select_n3A_26, %add3A_28 : i32
      %select_n3A_30 = arith.constant true
      %select_n3A_31 = arith.select %select_n3A_30, %add3A_29, %select_n3A_26 : i32
      %eq3A_32 = arith.constant 10 : i32
      %eq3A_33 = arith.cmpi eq, %select_n3A_31, %eq3A_32 : i32
      %select_n3A_34 = arith.constant 0 : i32
      %select_n3A_35 = arith.select %eq3A_33, %select_n3A_34, %select_n3A_31 : i32
      %add3A_36 = arith.addi %select_n3A_35, %mul3A_6 : i32
      "tpu.trace_start"() <{level = 10 : i32, message = "ep_initialize_0"}> : () -> ()
      %rem3A = arith.constant 0 : i32
      %rem3A_37 = arith.constant 2 : i32
      %rem3A_38 = arith.remui %rem3A, %rem3A_37 : i32
      %mul3A_39 = arith.constant 128 : i32
      %mul3A_40 = arith.muli %mul3A_39, %add3A_11 : i32
      %dma_start3A = arith.constant 0 : i32
      %dma_start3A_41 = arith.constant 0 : i32
      %dma_start3A_42 = tpu.memref_slice %run_scoped3A[%rem3A_38, %dma_start3A, %dma_start3A_41] : memref<2x1x128xi32, #tpu.memory_space<vmem>> -> memref<1x1x128xi32, #tpu.memory_space<vmem>>
      %dma_start3A_43 = tpu.memref_squeeze %dma_start3A_42 : memref<1x1x128xi32, #tpu.memory_space<vmem>> -> memref<1x128xi32, #tpu.memory_space<vmem>>
      %dma_start3A_44 = arith.constant 0 : i32
      %dma_start3A_45 = tpu.memref_slice %arg3[%dma_start3A_44, %mul3A_40] : memref<1x40960xi32, #tpu.memory_space<hbm>> -> memref<1x128xi32, #tpu.memory_space<hbm>>
      %dma_start3A_46 = tpu.memref_slice %run_scoped3A_7[%rem3A_38] : memref<2x!tpu.dma_semaphore, #tpu.memory_space<semaphore_mem>> -> memref<1x!tpu.dma_semaphore, #tpu.memory_space<semaphore_mem>>
      %dma_start3A_47 = tpu.memref_squeeze %dma_start3A_46 : memref<1x!tpu.dma_semaphore, #tpu.memory_space<semaphore_mem>> -> memref<!tpu.dma_semaphore, #tpu.memory_space<semaphore_mem>>
      %dma_start3A_48 = arith.constant 0 : i32
      %dma_start3A_49 = arith.constant 0 : i32
      %dma_start3A_50 = tpu.memref_slice %run_scoped3A[%rem3A_38, %dma_start3A_48, %dma_start3A_49] : memref<2x1x128xi32, #tpu.memory_space<vmem>> -> memref<1x1x128xi32, #tpu.memory_space<vmem>>
      %dma_start3A_51 = tpu.memref_squeeze %dma_start3A_50 : memref<1x1x128xi32, #tpu.memory_space<vmem>> -> memref<1x128xi32, #tpu.memory_space<vmem>>
      %dma_start3A_52 = arith.constant 0 : i32
      %dma_start3A_53 = tpu.memref_slice %arg3[%dma_start3A_52, %mul3A_40] : memref<1x40960xi32, #tpu.memory_space<hbm>> -> memref<1x128xi32, #tpu.memory_space<hbm>>
      tpu.enqueue_dma source(%dma_start3A_53 : memref<1x128xi32, #tpu.memory_space<hbm>>) target(%dma_start3A_51 : memref<1x128xi32, #tpu.memory_space<vmem>>) target_semaphore(%dma_start3A_47 : memref<!tpu.dma_semaphore, #tpu.memory_space<semaphore_mem>>)
      %add3A_54 = arith.constant 0 : i32
      %add3A_55 = arith.constant 1 : i32
      %add3A_56 = arith.addi %add3A_54, %add3A_55 : i32
      %select_n3A_57 = arith.constant true
      %select_n3A_58 = arith.constant 0 : i32
      %select_n3A_59 = arith.select %select_n3A_57, %add3A_56, %select_n3A_58 : i32
      "tpu.trace_stop"() : () -> ()
      %scan3A = arith.constant 0 : i32
      %scan3A_60 = arith.constant 0 : i32
      %scan3A_61 = arith.constant 0 : i32
      %scan3A_62 = arith.constant 0 : i32
      %scan3A_63 = arith.constant 0 : i32
      %scan3A_64 = arith.constant 10 : i32
      %scan3A_65 = arith.addi %scan3A_63, %scan3A_64 : i32
      %scan3A_66 = arith.constant 1 : i32
      %scan3A_67:5 = scf.for %scan3A_121 = %scan3A_63 to %scan3A_65 step %scan3A_66 iter_args(%scan3A_122 = %select_n3A_59, %scan3A_123 = %scan3A, %scan3A_124 = %scan3A_60, %scan3A_125 = %scan3A_61, %scan3A_126 = %scan3A_62) -> (i32, i32, i32, i32, i32)  : i32 {
        %eq3A_127 = arith.constant 0 : i32
        %eq3A_128 = arith.cmpi eq, %scan3A_121, %eq3A_127 : i32
        %eq3A_129 = arith.constant 9 : i32
        %eq3A_130 = arith.cmpi eq, %scan3A_121, %eq3A_129 : i32
        %add3A_131 = arith.addi %scan3A_126, %mul3A_6 : i32
        %sub3A_132 = arith.constant 1 : i32
        %sub3A_133 = arith.subi %scan3A_126, %sub3A_132 : i32
        %select_n3A_134 = arith.constant true
        %select_n3A_135 = arith.select %select_n3A_134, %sub3A_133, %scan3A_126 : i32
        %eq3A_136 = arith.constant -1 : i32
        %eq3A_137 = arith.cmpi eq, %select_n3A_135, %eq3A_136 : i32
        %select_n3A_138 = arith.constant 9 : i32
        %select_n3A_139 = arith.select %eq3A_137, %select_n3A_138, %select_n3A_135 : i32
        %add3A_140 = arith.addi %select_n3A_139, %mul3A_6 : i32
        %add3A_141 = arith.constant 1 : i32
        %add3A_142 = arith.addi %scan3A_126, %add3A_141 : i32
        %select_n3A_143 = arith.constant true
        %select_n3A_144 = arith.select %select_n3A_143, %add3A_142, %scan3A_126 : i32
        %eq3A_145 = arith.constant 10 : i32
        %eq3A_146 = arith.cmpi eq, %select_n3A_144, %eq3A_145 : i32
        %select_n3A_147 = arith.constant 0 : i32
        %select_n3A_148 = arith.select %eq3A_146, %select_n3A_147, %select_n3A_144 : i32
        %add3A_149 = arith.addi %select_n3A_148, %mul3A_6 : i32
        %add3A_150 = arith.constant 1 : i32
        %add3A_151 = arith.addi %select_n3A_148, %add3A_150 : i32
        %select_n3A_152 = arith.constant true
        %select_n3A_153 = arith.select %select_n3A_152, %add3A_151, %select_n3A_148 : i32
        %eq3A_154 = arith.constant 10 : i32
        %eq3A_155 = arith.cmpi eq, %select_n3A_153, %eq3A_154 : i32
        %select_n3A_156 = arith.constant 0 : i32
        %select_n3A_157 = arith.select %eq3A_155, %select_n3A_156, %select_n3A_153 : i32
        %add3A_158 = arith.addi %select_n3A_157, %mul3A_6 : i32
        %ne3A = arith.cmpi ne, %add3A_131, %add3A_149 : i32
        %or3A = arith.constant false
        %or3A_159 = arith.ori %or3A, %ne3A : i1
        %ge3A = arith.constant 9 : i32
        %ge3A_160 = arith.cmpi sge, %scan3A_121, %ge3A : i32
        %not3A = arith.constant true
        %not3A_161 = arith.xori %ge3A_160, %not3A : i1
        %and3A = arith.andi %or3A_159, %not3A_161 : i1
        %convert_element_type3A = arith.extui %and3A : i1 to i32
        %cond3A = arith.constant 0 : i32
        %cond3A_162 = arith.cmpi ne, %convert_element_type3A, %cond3A : i32
        scf.if %cond3A_162 {
          "tpu.trace_start"() <{level = 10 : i32, message = "ep_copy_in"}> : () -> ()
          %rem3A_264 = arith.constant 2 : i32
          %rem3A_265 = arith.remui %scan3A_122, %rem3A_264 : i32
          %mul3A_266 = arith.constant 128 : i32
          %mul3A_267 = arith.muli %mul3A_266, %add3A_149 : i32
          %dma_start3A_268 = arith.constant 0 : i32
          %dma_start3A_269 = arith.constant 0 : i32
          %dma_start3A_270 = tpu.memref_slice %run_scoped3A[%rem3A_265, %dma_start3A_268, %dma_start3A_269] : memref<2x1x128xi32, #tpu.memory_space<vmem>> -> memref<1x1x128xi32, #tpu.memory_space<vmem>>
          %dma_start3A_271 = tpu.memref_squeeze %dma_start3A_270 : memref<1x1x128xi32, #tpu.memory_space<vmem>> -> memref<1x128xi32, #tpu.memory_space<vmem>>
          %dma_start3A_272 = arith.constant 0 : i32
          %dma_start3A_273 = tpu.memref_slice %arg3[%dma_start3A_272, %mul3A_267] : memref<1x40960xi32, #tpu.memory_space<hbm>> -> memref<1x128xi32, #tpu.memory_space<hbm>>
          %dma_start3A_274 = tpu.memref_slice %run_scoped3A_7[%rem3A_265] : memref<2x!tpu.dma_semaphore, #tpu.memory_space<semaphore_mem>> -> memref<1x!tpu.dma_semaphore, #tpu.memory_space<semaphore_mem>>
          %dma_start3A_275 = tpu.memref_squeeze %dma_start3A_274 : memref<1x!tpu.dma_semaphore, #tpu.memory_space<semaphore_mem>> -> memref<!tpu.dma_semaphore, #tpu.memory_space<semaphore_mem>>
          %dma_start3A_276 = arith.constant 0 : i32
          %dma_start3A_277 = arith.constant 0 : i32
          %dma_start3A_278 = tpu.memref_slice %run_scoped3A[%rem3A_265, %dma_start3A_276, %dma_start3A_277] : memref<2x1x128xi32, #tpu.memory_space<vmem>> -> memref<1x1x128xi32, #tpu.memory_space<vmem>>
          %dma_start3A_279 = tpu.memref_squeeze %dma_start3A_278 : memref<1x1x128xi32, #tpu.memory_space<vmem>> -> memref<1x128xi32, #tpu.memory_space<vmem>>
          %dma_start3A_280 = arith.constant 0 : i32
          %dma_start3A_281 = tpu.memref_slice %arg3[%dma_start3A_280, %mul3A_267] : memref<1x40960xi32, #tpu.memory_space<hbm>> -> memref<1x128xi32, #tpu.memory_space<hbm>>
          tpu.enqueue_dma source(%dma_start3A_281 : memref<1x128xi32, #tpu.memory_space<hbm>>) target(%dma_start3A_279 : memref<1x128xi32, #tpu.memory_space<vmem>>) target_semaphore(%dma_start3A_275 : memref<!tpu.dma_semaphore, #tpu.memory_space<semaphore_mem>>)
          "tpu.trace_stop"() : () -> ()
        } else {
        }
        %and3A_163 = arith.constant true
        %and3A_164 = arith.andi %and3A, %and3A_163 : i1
        %add3A_165 = arith.constant 1 : i32
        %add3A_166 = arith.addi %scan3A_122, %add3A_165 : i32
        %select_n3A_167 = arith.select %and3A_164, %add3A_166, %scan3A_122 : i32
        %ne3A_168 = arith.cmpi ne, %add3A_131, %add3A_149 : i32
        %or3A_169 = arith.constant false
        %or3A_170 = arith.ori %or3A_169, %ne3A_168 : i1
        %or3A_171 = arith.constant false
        %or3A_172 = arith.ori %or3A_170, %or3A_171 : i1
        %ge3A_173 = arith.constant 9 : i32
        %ge3A_174 = arith.cmpi sge, %scan3A_121, %ge3A_173 : i32
        %not3A_175 = arith.constant true
        %not3A_176 = arith.xori %ge3A_174, %not3A_175 : i1
        %and3A_177 = arith.andi %or3A_172, %not3A_176 : i1
        %ne3A_178 = arith.cmpi ne, %add3A_131, %add3A_140 : i32
        %or3A_179 = arith.constant false
        %or3A_180 = arith.ori %or3A_179, %ne3A_178 : i1
        %or3A_181 = arith.ori %or3A_180, %eq3A_128 : i1
        %convert_element_type3A_182 = arith.extui %or3A_181 : i1 to i32
        %cond3A_183 = arith.constant 0 : i32
        %cond3A_184 = arith.cmpi ne, %convert_element_type3A_182, %cond3A_183 : i32
        scf.if %cond3A_184 {
          "tpu.trace_start"() <{level = 10 : i32, message = "ep_wait_in"}> : () -> ()
          %mul3A_264 = arith.constant 128 : i32
          %mul3A_265 = arith.muli %mul3A_264, %add3A_131 : i32
          %rem3A_266 = arith.constant 2 : i32
          %rem3A_267 = arith.remui %scan3A_123, %rem3A_266 : i32
          %dma_wait3A_268 = arith.constant 0 : i32
          %dma_wait3A_269 = arith.constant 0 : i32
          %dma_wait3A_270 = tpu.memref_slice %run_scoped3A[%rem3A_267, %dma_wait3A_268, %dma_wait3A_269] : memref<2x1x128xi32, #tpu.memory_space<vmem>> -> memref<1x1x128xi32, #tpu.memory_space<vmem>>
          %dma_wait3A_271 = tpu.memref_squeeze %dma_wait3A_270 : memref<1x1x128xi32, #tpu.memory_space<vmem>> -> memref<1x128xi32, #tpu.memory_space<vmem>>
          %dma_wait3A_272 = arith.constant 0 : i32
          %dma_wait3A_273 = tpu.memref_slice %arg3[%dma_wait3A_272, %mul3A_265] : memref<1x40960xi32, #tpu.memory_space<hbm>> -> memref<1x128xi32, #tpu.memory_space<hbm>>
          %dma_wait3A_274 = tpu.memref_slice %run_scoped3A_7[%rem3A_267] : memref<2x!tpu.dma_semaphore, #tpu.memory_space<semaphore_mem>> -> memref<1x!tpu.dma_semaphore, #tpu.memory_space<semaphore_mem>>
          %dma_wait3A_275 = tpu.memref_squeeze %dma_wait3A_274 : memref<1x!tpu.dma_semaphore, #tpu.memory_space<semaphore_mem>> -> memref<!tpu.dma_semaphore, #tpu.memory_space<semaphore_mem>>
          %dma_wait3A_276 = arith.constant 0 : i32
          %dma_wait3A_277 = arith.constant 0 : i32
          %dma_wait3A_278 = tpu.memref_slice %run_scoped3A[%rem3A_267, %dma_wait3A_276, %dma_wait3A_277] : memref<2x1x128xi32, #tpu.memory_space<vmem>> -> memref<1x1x128xi32, #tpu.memory_space<vmem>>
          %dma_wait3A_279 = tpu.memref_squeeze %dma_wait3A_278 : memref<1x1x128xi32, #tpu.memory_space<vmem>> -> memref<1x128xi32, #tpu.memory_space<vmem>>
          %dma_wait3A_280 = arith.constant 0 : i32
          %dma_wait3A_281 = tpu.memref_slice %arg3[%dma_wait3A_280, %mul3A_265] : memref<1x40960xi32, #tpu.memory_space<hbm>> -> memref<1x128xi32, #tpu.memory_space<hbm>>
          tpu.wait_dma2 semaphore(%dma_wait3A_275 : memref<!tpu.dma_semaphore, #tpu.memory_space<semaphore_mem>>) src(%dma_wait3A_281 : memref<1x128xi32, #tpu.memory_space<hbm>>) dst(%dma_wait3A_279 : memref<1x128xi32, #tpu.memory_space<vmem>>)
          "tpu.trace_stop"() : () -> ()
        } else {
        }
        %ne3A_185 = arith.cmpi ne, %add3A_131, %add3A_140 : i32
        %or3A_186 = arith.constant false
        %or3A_187 = arith.ori %or3A_186, %ne3A_185 : i1
        %or3A_188 = arith.constant false
        %or3A_189 = arith.ori %or3A_187, %or3A_188 : i1
        %or3A_190 = arith.ori %or3A_189, %eq3A_128 : i1
        %convert_element_type3A_191 = arith.extui %or3A_190 : i1 to i32
        %cond3A_192 = arith.constant 0 : i32
        %cond3A_193 = arith.cmpi ne, %convert_element_type3A_191, %cond3A_192 : i32
        scf.if %cond3A_193 {
        } else {
        }
        %rem3A_194 = arith.constant 2 : i32
        %rem3A_195 = arith.remui %scan3A_123, %rem3A_194 : i32
        %rem3A_196 = arith.constant 2 : i32
        %rem3A_197 = arith.remui %scan3A_124, %rem3A_196 : i32
        %run_scoped3A_198 = arith.constant 0 : i32
        "tpu.trace_start"() <{level = 10 : i32, message = "ep_run_kernel"}> : () -> ()
        "tpu.region"() ({
          %run_scoped3A_264 = tpu.sem_alloc : memref<!tpu.dma_semaphore, #tpu.memory_space<semaphore_mem>>
          %dma_start3A_265 = arith.constant 0 : i32
          %dma_start3A_266 = arith.constant 0 : i32
          %dma_start3A_267 = tpu.memref_slice %run_scoped3A_8[%rem3A_197, %dma_start3A_265, %dma_start3A_266] : memref<2x128x128xf32, #tpu.memory_space<vmem>> -> memref<1x128x128xf32, #tpu.memory_space<vmem>>
          %dma_start3A_268 = tpu.memref_squeeze %dma_start3A_267 : memref<1x128x128xf32, #tpu.memory_space<vmem>> -> memref<128x128xf32, #tpu.memory_space<vmem>>
          %dma_start3A_269 = arith.constant 0 : i32
          %dma_start3A_270 = arith.constant 0 : i32
          %dma_start3A_271 = tpu.memref_slice %run_scoped3A[%rem3A_195, %dma_start3A_269, %dma_start3A_270] : memref<2x1x128xi32, #tpu.memory_space<vmem>> -> memref<1x1x128xi32, #tpu.memory_space<vmem>>
          %dma_start3A_272 = tpu.memref_squeeze %dma_start3A_271 : memref<1x1x128xi32, #tpu.memory_space<vmem>> -> memref<1x128xi32, #tpu.memory_space<vmem>>
          %dma_start3A_273 = arith.constant 0 : i32
          %dma_start3A_274 = tpu.memref_slice %dma_start3A_272[%run_scoped3A_198, %dma_start3A_273] : memref<1x128xi32, #tpu.memory_space<vmem>> -> memref<1x128xi32, #tpu.memory_space<vmem>>
          %dma_start3A_275 = tpu.memref_squeeze %dma_start3A_274 : memref<1x128xi32, #tpu.memory_space<vmem>> -> memref<128xi32, #tpu.memory_space<vmem>>
          %dma_start3A_276 = arith.constant 0 : i32
          %dma_start3A_277 = arith.constant 0 : i32
          %dma_start3A_278 = tpu.memref_slice %arg2[%dma_start3A_276, %dma_start3A_277] : memref<100000x128xf32, #tpu.memory_space<hbm>> -> memref<100000x128xf32, #tpu.memory_space<hbm>>
          tpu.enqueue_indirect_dma source(%dma_start3A_278 : memref<100000x128xf32, #tpu.memory_space<hbm>>) target(%dma_start3A_268 : memref<128x128xf32, #tpu.memory_space<vmem>>) offsets(%dma_start3A_275 : memref<128xi32, #tpu.memory_space<vmem>>) semaphore(%run_scoped3A_264 : memref<!tpu.dma_semaphore, #tpu.memory_space<semaphore_mem>>)
          %dma_wait3A_279 = arith.constant 0 : i32
          %dma_wait3A_280 = arith.constant 0 : i32
          %dma_wait3A_281 = tpu.memref_slice %run_scoped3A_8[%rem3A_197, %dma_wait3A_279, %dma_wait3A_280] : memref<2x128x128xf32, #tpu.memory_space<vmem>> -> memref<1x128x128xf32, #tpu.memory_space<vmem>>
          %dma_wait3A_282 = tpu.memref_squeeze %dma_wait3A_281 : memref<1x128x128xf32, #tpu.memory_space<vmem>> -> memref<128x128xf32, #tpu.memory_space<vmem>>
          %dma_wait3A_283 = arith.constant 0 : i32
          %dma_wait3A_284 = arith.constant 0 : i32
          %dma_wait3A_285 = tpu.memref_slice %run_scoped3A[%rem3A_195, %dma_wait3A_283, %dma_wait3A_284] : memref<2x1x128xi32, #tpu.memory_space<vmem>> -> memref<1x1x128xi32, #tpu.memory_space<vmem>>
          %dma_wait3A_286 = tpu.memref_squeeze %dma_wait3A_285 : memref<1x1x128xi32, #tpu.memory_space<vmem>> -> memref<1x128xi32, #tpu.memory_space<vmem>>
          %dma_wait3A_287 = arith.constant 0 : i32
          %dma_wait3A_288 = tpu.memref_slice %dma_wait3A_286[%run_scoped3A_198, %dma_wait3A_287] : memref<1x128xi32, #tpu.memory_space<vmem>> -> memref<1x128xi32, #tpu.memory_space<vmem>>
          %dma_wait3A_289 = tpu.memref_squeeze %dma_wait3A_288 : memref<1x128xi32, #tpu.memory_space<vmem>> -> memref<128xi32, #tpu.memory_space<vmem>>
          %dma_wait3A_290 = arith.constant 0 : i32
          %dma_wait3A_291 = arith.constant 0 : i32
          %dma_wait3A_292 = tpu.memref_slice %arg2[%dma_wait3A_290, %dma_wait3A_291] : memref<100000x128xf32, #tpu.memory_space<hbm>> -> memref<100000x128xf32, #tpu.memory_space<hbm>>
          tpu.wait_indirect_dma semaphore(%run_scoped3A_264 : memref<!tpu.dma_semaphore, #tpu.memory_space<semaphore_mem>>) src(%dma_wait3A_292 : memref<100000x128xf32, #tpu.memory_space<hbm>>) dst(%dma_wait3A_282 : memref<128x128xf32, #tpu.memory_space<vmem>>)
          tpu.yield
        }) : () -> ()
        "tpu.trace_stop"() : () -> ()
        %ne3A_199 = arith.cmpi ne, %add3A_131, %add3A_149 : i32
        %or3A_200 = arith.constant false
        %or3A_201 = arith.ori %or3A_200, %ne3A_199 : i1
        %or3A_202 = arith.ori %or3A_201, %eq3A_130 : i1
        %convert_element_type3A_203 = arith.extui %or3A_202 : i1 to i32
        %cond3A_204 = arith.constant 0 : i32
        %cond3A_205 = arith.cmpi ne, %convert_element_type3A_203, %cond3A_204 : i32
        scf.if %cond3A_205 {
        } else {
        }
        %and3A_206 = arith.constant false
        %and3A_207 = arith.andi %or3A_202, %and3A_206 : i1
        %ne3A_208 = arith.cmpi ne, %add3A_131, %add3A_149 : i32
        %or3A_209 = arith.constant false
        %or3A_210 = arith.ori %or3A_209, %ne3A_208 : i1
        %or3A_211 = arith.constant false
        %or3A_212 = arith.ori %or3A_210, %or3A_211 : i1
        %or3A_213 = arith.ori %or3A_212, %eq3A_130 : i1
        %convert_element_type3A_214 = arith.extui %or3A_213 : i1 to i32
        %cond3A_215 = arith.constant 0 : i32
        %cond3A_216 = arith.cmpi ne, %convert_element_type3A_214, %cond3A_215 : i32
        scf.if %cond3A_216 {
          "tpu.trace_start"() <{level = 10 : i32, message = "ep_copy_out"}> : () -> ()
          %rem3A_264 = arith.constant 2 : i32
          %rem3A_265 = arith.remui %scan3A_124, %rem3A_264 : i32
          %mul3A_266 = arith.constant 128 : i32
          %mul3A_267 = arith.muli %mul3A_266, %add3A_131 : i32
          %dma_start3A_268 = arith.constant 0 : i32
          %dma_start3A_269 = arith.constant 0 : i32
          %dma_start3A_270 = tpu.memref_slice %run_scoped3A_8[%rem3A_265, %dma_start3A_268, %dma_start3A_269] : memref<2x128x128xf32, #tpu.memory_space<vmem>> -> memref<1x128x128xf32, #tpu.memory_space<vmem>>
          %dma_start3A_271 = tpu.memref_squeeze %dma_start3A_270 : memref<1x128x128xf32, #tpu.memory_space<vmem>> -> memref<128x128xf32, #tpu.memory_space<vmem>>
          %dma_start3A_272 = arith.constant 0 : i32
          %dma_start3A_273 = tpu.memref_slice %arg4[%mul3A_267, %dma_start3A_272] : memref<40960x128xf32, #tpu.memory_space<hbm>> -> memref<128x128xf32, #tpu.memory_space<hbm>>
          %dma_start3A_274 = tpu.memref_slice %run_scoped3A_9[%rem3A_265] : memref<2x!tpu.dma_semaphore, #tpu.memory_space<semaphore_mem>> -> memref<1x!tpu.dma_semaphore, #tpu.memory_space<semaphore_mem>>
          %dma_start3A_275 = tpu.memref_squeeze %dma_start3A_274 : memref<1x!tpu.dma_semaphore, #tpu.memory_space<semaphore_mem>> -> memref<!tpu.dma_semaphore, #tpu.memory_space<semaphore_mem>>
          %dma_start3A_276 = arith.constant 0 : i32
          %dma_start3A_277 = tpu.memref_slice %arg4[%mul3A_267, %dma_start3A_276] : memref<40960x128xf32, #tpu.memory_space<hbm>> -> memref<128x128xf32, #tpu.memory_space<hbm>>
          %dma_start3A_278 = arith.constant 0 : i32
          %dma_start3A_279 = arith.constant 0 : i32
          %dma_start3A_280 = tpu.memref_slice %run_scoped3A_8[%rem3A_265, %dma_start3A_278, %dma_start3A_279] : memref<2x128x128xf32, #tpu.memory_space<vmem>> -> memref<1x128x128xf32, #tpu.memory_space<vmem>>
          %dma_start3A_281 = tpu.memref_squeeze %dma_start3A_280 : memref<1x128x128xf32, #tpu.memory_space<vmem>> -> memref<128x128xf32, #tpu.memory_space<vmem>>
          tpu.enqueue_dma source(%dma_start3A_281 : memref<128x128xf32, #tpu.memory_space<vmem>>) target(%dma_start3A_277 : memref<128x128xf32, #tpu.memory_space<hbm>>) target_semaphore(%dma_start3A_275 : memref<!tpu.dma_semaphore, #tpu.memory_space<semaphore_mem>>)
          "tpu.trace_stop"() : () -> ()
        } else {
        }
        %and3A_217 = arith.constant true
        %and3A_218 = arith.andi %or3A_213, %and3A_217 : i1
        %add3A_219 = arith.constant 1 : i32
        %add3A_220 = arith.addi %scan3A_124, %add3A_219 : i32
        %select_n3A_221 = arith.select %and3A_218, %add3A_220, %scan3A_124 : i32
        %ne3A_222 = arith.cmpi ne, %add3A_131, %add3A_140 : i32
        %or3A_223 = arith.constant false
        %or3A_224 = arith.ori %or3A_223, %ne3A_222 : i1
        %not3A_225 = arith.constant true
        %not3A_226 = arith.xori %eq3A_128, %not3A_225 : i1
        %and3A_227 = arith.andi %or3A_224, %not3A_226 : i1
        %convert_element_type3A_228 = arith.extui %and3A_227 : i1 to i32
        %cond3A_229 = arith.constant 0 : i32
        %cond3A_230 = arith.cmpi ne, %convert_element_type3A_228, %cond3A_229 : i32
        scf.if %cond3A_230 {
        } else {
        }
        %and3A_231 = arith.constant false
        %and3A_232 = arith.andi %and3A_227, %and3A_231 : i1
        %ne3A_233 = arith.cmpi ne, %add3A_131, %add3A_140 : i32
        %or3A_234 = arith.constant false
        %or3A_235 = arith.ori %or3A_234, %ne3A_233 : i1
        %or3A_236 = arith.constant false
        %or3A_237 = arith.ori %or3A_235, %or3A_236 : i1
        %not3A_238 = arith.constant true
        %not3A_239 = arith.xori %eq3A_128, %not3A_238 : i1
        %and3A_240 = arith.andi %or3A_237, %not3A_239 : i1
        %convert_element_type3A_241 = arith.extui %and3A_240 : i1 to i32
        %cond3A_242 = arith.constant 0 : i32
        %cond3A_243 = arith.cmpi ne, %convert_element_type3A_241, %cond3A_242 : i32
        scf.if %cond3A_243 {
          "tpu.trace_start"() <{level = 10 : i32, message = "ep_wait_out"}> : () -> ()
          %rem3A_264 = arith.constant 2 : i32
          %rem3A_265 = arith.remui %scan3A_125, %rem3A_264 : i32
          %mul3A_266 = arith.constant 128 : i32
          %mul3A_267 = arith.muli %mul3A_266, %add3A_140 : i32
          %dma_wait3A_268 = arith.constant 0 : i32
          %dma_wait3A_269 = arith.constant 0 : i32
          %dma_wait3A_270 = tpu.memref_slice %run_scoped3A_8[%rem3A_265, %dma_wait3A_268, %dma_wait3A_269] : memref<2x128x128xf32, #tpu.memory_space<vmem>> -> memref<1x128x128xf32, #tpu.memory_space<vmem>>
          %dma_wait3A_271 = tpu.memref_squeeze %dma_wait3A_270 : memref<1x128x128xf32, #tpu.memory_space<vmem>> -> memref<128x128xf32, #tpu.memory_space<vmem>>
          %dma_wait3A_272 = arith.constant 0 : i32
          %dma_wait3A_273 = tpu.memref_slice %arg4[%mul3A_267, %dma_wait3A_272] : memref<40960x128xf32, #tpu.memory_space<hbm>> -> memref<128x128xf32, #tpu.memory_space<hbm>>
          %dma_wait3A_274 = tpu.memref_slice %run_scoped3A_9[%rem3A_265] : memref<2x!tpu.dma_semaphore, #tpu.memory_space<semaphore_mem>> -> memref<1x!tpu.dma_semaphore, #tpu.memory_space<semaphore_mem>>
          %dma_wait3A_275 = tpu.memref_squeeze %dma_wait3A_274 : memref<1x!tpu.dma_semaphore, #tpu.memory_space<semaphore_mem>> -> memref<!tpu.dma_semaphore, #tpu.memory_space<semaphore_mem>>
          %dma_wait3A_276 = arith.constant 0 : i32
          %dma_wait3A_277 = tpu.memref_slice %arg4[%mul3A_267, %dma_wait3A_276] : memref<40960x128xf32, #tpu.memory_space<hbm>> -> memref<128x128xf32, #tpu.memory_space<hbm>>
          %dma_wait3A_278 = arith.constant 0 : i32
          %dma_wait3A_279 = arith.constant 0 : i32
          %dma_wait3A_280 = tpu.memref_slice %run_scoped3A_8[%rem3A_265, %dma_wait3A_278, %dma_wait3A_279] : memref<2x128x128xf32, #tpu.memory_space<vmem>> -> memref<1x128x128xf32, #tpu.memory_space<vmem>>
          %dma_wait3A_281 = tpu.memref_squeeze %dma_wait3A_280 : memref<1x128x128xf32, #tpu.memory_space<vmem>> -> memref<128x128xf32, #tpu.memory_space<vmem>>
          tpu.wait_dma2 semaphore(%dma_wait3A_275 : memref<!tpu.dma_semaphore, #tpu.memory_space<semaphore_mem>>) src(%dma_wait3A_281 : memref<128x128xf32, #tpu.memory_space<vmem>>) dst(%dma_wait3A_277 : memref<128x128xf32, #tpu.memory_space<hbm>>)
          "tpu.trace_stop"() : () -> ()
        } else {
        }
        %and3A_244 = arith.constant true
        %and3A_245 = arith.andi %and3A_240, %and3A_244 : i1
        %add3A_246 = arith.constant 1 : i32
        %add3A_247 = arith.addi %scan3A_125, %add3A_246 : i32
        %select_n3A_248 = arith.select %and3A_245, %add3A_247, %scan3A_125 : i32
        %ne3A_249 = arith.cmpi ne, %add3A_131, %add3A_149 : i32
        %or3A_250 = arith.constant false
        %or3A_251 = arith.ori %or3A_250, %ne3A_249 : i1
        %or3A_252 = arith.ori %or3A_251, %eq3A_130 : i1
        %add3A_253 = arith.constant 1 : i32
        %add3A_254 = arith.addi %scan3A_123, %add3A_253 : i32
        %select_n3A_255 = arith.select %or3A_252, %add3A_254, %scan3A_123 : i32
        %add3A_256 = arith.constant 1 : i32
        %add3A_257 = arith.addi %scan3A_126, %add3A_256 : i32
        %select_n3A_258 = arith.constant true
        %select_n3A_259 = arith.select %select_n3A_258, %add3A_257, %scan3A_126 : i32
        %eq3A_260 = arith.constant 10 : i32
        %eq3A_261 = arith.cmpi eq, %select_n3A_259, %eq3A_260 : i32
        %select_n3A_262 = arith.constant 0 : i32
        %select_n3A_263 = arith.select %eq3A_261, %select_n3A_262, %select_n3A_259 : i32
        scf.yield %select_n3A_167, %select_n3A_255, %select_n3A_221, %select_n3A_248, %select_n3A_263 : i32, i32, i32, i32, i32
      }
      %scan3A_68 = arith.constant 10 : i32
      %sub3A = arith.constant 1 : i32
      %sub3A_69 = arith.subi %scan3A_67#4, %sub3A : i32
      %select_n3A_70 = arith.constant true
      %select_n3A_71 = arith.select %select_n3A_70, %sub3A_69, %scan3A_67#4 : i32
      %eq3A_72 = arith.constant -1 : i32
      %eq3A_73 = arith.cmpi eq, %select_n3A_71, %eq3A_72 : i32
      %select_n3A_74 = arith.constant 9 : i32
      %select_n3A_75 = arith.select %eq3A_73, %select_n3A_74, %select_n3A_71 : i32
      %add3A_76 = arith.addi %select_n3A_75, %mul3A_6 : i32
      %sub3A_77 = arith.constant 1 : i32
      %sub3A_78 = arith.subi %select_n3A_75, %sub3A_77 : i32
      %select_n3A_79 = arith.constant true
      %select_n3A_80 = arith.select %select_n3A_79, %sub3A_78, %select_n3A_75 : i32
      %eq3A_81 = arith.constant -1 : i32
      %eq3A_82 = arith.cmpi eq, %select_n3A_80, %eq3A_81 : i32
      %select_n3A_83 = arith.constant 9 : i32
      %select_n3A_84 = arith.select %eq3A_82, %select_n3A_83, %select_n3A_80 : i32
      %add3A_85 = arith.addi %select_n3A_84, %mul3A_6 : i32
      %add3A_86 = arith.constant 1 : i32
      %add3A_87 = arith.addi %select_n3A_75, %add3A_86 : i32
      %select_n3A_88 = arith.constant true
      %select_n3A_89 = arith.select %select_n3A_88, %add3A_87, %select_n3A_75 : i32
      %eq3A_90 = arith.constant 10 : i32
      %eq3A_91 = arith.cmpi eq, %select_n3A_89, %eq3A_90 : i32
      %select_n3A_92 = arith.constant 0 : i32
      %select_n3A_93 = arith.select %eq3A_91, %select_n3A_92, %select_n3A_89 : i32
      %add3A_94 = arith.addi %select_n3A_93, %mul3A_6 : i32
      %add3A_95 = arith.constant 1 : i32
      %add3A_96 = arith.addi %select_n3A_93, %add3A_95 : i32
      %select_n3A_97 = arith.constant true
      %select_n3A_98 = arith.select %select_n3A_97, %add3A_96, %select_n3A_93 : i32
      %eq3A_99 = arith.constant 10 : i32
      %eq3A_100 = arith.cmpi eq, %select_n3A_98, %eq3A_99 : i32
      %select_n3A_101 = arith.constant 0 : i32
      %select_n3A_102 = arith.select %eq3A_100, %select_n3A_101, %select_n3A_98 : i32
      %add3A_103 = arith.addi %select_n3A_102, %mul3A_6 : i32
      "tpu.trace_start"() <{level = 10 : i32, message = "ep_finalize"}> : () -> ()
      %rem3A_104 = arith.constant 2 : i32
      %rem3A_105 = arith.remui %scan3A_67#3, %rem3A_104 : i32
      %mul3A_106 = arith.constant 128 : i32
      %mul3A_107 = arith.muli %mul3A_106, %add3A_76 : i32
      %dma_wait3A = arith.constant 0 : i32
      %dma_wait3A_108 = arith.constant 0 : i32
      %dma_wait3A_109 = tpu.memref_slice %run_scoped3A_8[%rem3A_105, %dma_wait3A, %dma_wait3A_108] : memref<2x128x128xf32, #tpu.memory_space<vmem>> -> memref<1x128x128xf32, #tpu.memory_space<vmem>>
      %dma_wait3A_110 = tpu.memref_squeeze %dma_wait3A_109 : memref<1x128x128xf32, #tpu.memory_space<vmem>> -> memref<128x128xf32, #tpu.memory_space<vmem>>
      %dma_wait3A_111 = arith.constant 0 : i32
      %dma_wait3A_112 = tpu.memref_slice %arg4[%mul3A_107, %dma_wait3A_111] : memref<40960x128xf32, #tpu.memory_space<hbm>> -> memref<128x128xf32, #tpu.memory_space<hbm>>
      %dma_wait3A_113 = tpu.memref_slice %run_scoped3A_9[%rem3A_105] : memref<2x!tpu.dma_semaphore, #tpu.memory_space<semaphore_mem>> -> memref<1x!tpu.dma_semaphore, #tpu.memory_space<semaphore_mem>>
      %dma_wait3A_114 = tpu.memref_squeeze %dma_wait3A_113 : memref<1x!tpu.dma_semaphore, #tpu.memory_space<semaphore_mem>> -> memref<!tpu.dma_semaphore, #tpu.memory_space<semaphore_mem>>
      %dma_wait3A_115 = arith.constant 0 : i32
      %dma_wait3A_116 = tpu.memref_slice %arg4[%mul3A_107, %dma_wait3A_115] : memref<40960x128xf32, #tpu.memory_space<hbm>> -> memref<128x128xf32, #tpu.memory_space<hbm>>
      %dma_wait3A_117 = arith.constant 0 : i32
      %dma_wait3A_118 = arith.constant 0 : i32
      %dma_wait3A_119 = tpu.memref_slice %run_scoped3A_8[%rem3A_105, %dma_wait3A_117, %dma_wait3A_118] : memref<2x128x128xf32, #tpu.memory_space<vmem>> -> memref<1x128x128xf32, #tpu.memory_space<vmem>>
      %dma_wait3A_120 = tpu.memref_squeeze %dma_wait3A_119 : memref<1x128x128xf32, #tpu.memory_space<vmem>> -> memref<128x128xf32, #tpu.memory_space<vmem>>
      tpu.wait_dma2 semaphore(%dma_wait3A_114 : memref<!tpu.dma_semaphore, #tpu.memory_space<semaphore_mem>>) src(%dma_wait3A_120 : memref<128x128xf32, #tpu.memory_space<vmem>>) dst(%dma_wait3A_116 : memref<128x128xf32, #tpu.memory_space<hbm>>)
      "tpu.trace_stop"() : () -> ()
      tpu.yield
    }) : () -> ()
    return
  }
}

module attributes {stable_mosaic.version = 14 : i64} {
  func.func @_gru_chunk_body(%arg0: i32, %arg1: i32, %arg2: memref<8x512x128xf32, #tpu.memory_space<vmem>>, %arg3: memref<256x512xf32, #tpu.memory_space<vmem>>, %arg4: memref<1x512xf32, #tpu.memory_space<vmem>>, %arg5: memref<512x8x128xf32, #tpu.memory_space<vmem>>, %arg6: memref<512x128xf32, #tpu.memory_space<vmem>>, %arg7: memref<512x128xf32, #tpu.memory_space<vmem>>) attributes {dimension_semantics = [#tpu.dimension_semantics<arbitrary>, #tpu.dimension_semantics<arbitrary>], iteration_bounds = array<i64: 2, 5>, scalar_prefetch = 0 : i64, scratch_operands = 1 : i64, tpu.core_type = #tpu.core_type<tc>, window_params = [{transform_indices = @transform_0, window_bounds = array<i64: 8, 512, 128>}, {pipeline_mode = #tpu.pipeline_mode<synchronous>, transform_indices = @transform_1, window_bounds = array<i64: 256, 512>}, {pipeline_mode = #tpu.pipeline_mode<synchronous>, transform_indices = @transform_2, window_bounds = array<i64: 1, 512>}, {transform_indices = @transform_3, window_bounds = array<i64: 512, 8, 128>}, {transform_indices = @transform_4, window_bounds = array<i64: 512, 128>}]} {
    %eq3A = arith.constant 0 : i32
    %eq3A_0 = arith.cmpi eq, %arg1, %eq3A : i32
    %convert_element_type3A = arith.extui %eq3A_0 : i1 to i32
    %cond3A = arith.constant 0 : i32
    %cond3A_1 = arith.cmpi ne, %convert_element_type3A, %cond3A : i32
    scf.if %cond3A_1 {
      %broadcast_in_dim3A = arith.constant 0.000000e+00 : f32
      %broadcast_in_dim3A_272 = vector.broadcast %broadcast_in_dim3A : f32 to vector<512x128xf32>
      %swap3A_273 = arith.constant 0 : index
      %swap3A_274 = arith.constant 0 : index
      %swap3A_275 = vector.load %arg7[%swap3A_273, %swap3A_274] : memref<512x128xf32, #tpu.memory_space<vmem>>, vector<512x128xf32>
      tpu.vector_store %arg7[%swap3A_273, %swap3A_274], %broadcast_in_dim3A_272 {strides = array<i32>} : memref<512x128xf32, #tpu.memory_space<vmem>>, vector<512x128xf32>,
    } else {
    }
    %get3A = arith.constant 0 : index
    %get3A_2 = arith.constant 0 : index
    %get3A_3 = vector.load %arg7[%get3A, %get3A_2] : memref<512x128xf32, #tpu.memory_space<vmem>>, vector<512x128xf32>
    %get3A_4 = arith.constant 0 : index
    %get3A_5 = arith.constant 0 : index
    %get3A_6 = vector.load %arg3[%get3A_4, %get3A_5] : memref<256x512xf32, #tpu.memory_space<vmem>>, vector<256x512xf32>
    %get3A_7 = arith.constant 0 : index
    %get3A_8 = arith.constant 0 : index
    %get3A_9 = vector.load %arg4[%get3A_7, %get3A_8] : memref<1x512xf32, #tpu.memory_space<vmem>>, vector<1x512xf32>
    %get3A_10 = arith.constant 0 : index
    %get3A_11 = arith.constant 0 : index
    %get3A_12 = arith.constant 0 : index
    %get3A_13 = vector.load %arg2[%get3A_10, %get3A_11, %get3A_12] : memref<8x512x128xf32, #tpu.memory_space<vmem>>, vector<1x512x128xf32>
    %get3A_14 = vector.shape_cast %get3A_13 : vector<1x512x128xf32> to vector<512x128xf32>
    %concatenate3A = tpu.concatenate %get3A_14, %get3A_3 in 1 : vector<512x128xf32>, vector<512x128xf32> -> vector<512x256xf32>
    %dot_general3A = arith.constant dense<0.000000e+00> : vector<512x512xf32>
    %dot_general3A_15 = tpu.matmul %concatenate3A, %get3A_6, %dot_general3A {dimension_numbers = #tpu.dot_dimension_numbers<[1], [0], [0], [1], [0, 0, 1, 1], [], []>, transpose_lhs_hint = false} : vector<512x256xf32>, vector<256x512xf32>, vector<512x512xf32> -> vector<512x512xf32>
    %add3A = vector.broadcast %get3A_9 : vector<1x512xf32> to vector<512x512xf32>
    %add3A_16 = arith.addf %dot_general3A_15, %add3A : vector<512x512xf32>
    %slice3A = vector.extract_strided_slice %add3A_16 {offsets = [0, 0], sizes = [512, 128], strides = [1, 1]} : vector<512x512xf32> to vector<512x128xf32>
    %tanh3A = math.tanh %slice3A : vector<512x128xf32>
    %slice3A_17 = vector.extract_strided_slice %add3A_16 {offsets = [0, 128], sizes = [512, 128], strides = [1, 1]} : vector<512x512xf32> to vector<512x128xf32>
    %tanh3A_18 = math.tanh %slice3A_17 : vector<512x128xf32>
    %slice3A_19 = vector.extract_strided_slice %add3A_16 {offsets = [0, 384], sizes = [512, 128], strides = [1, 1]} : vector<512x512xf32> to vector<512x128xf32>
    %slice3A_20 = vector.extract_strided_slice %add3A_16 {offsets = [0, 256], sizes = [512, 128], strides = [1, 1]} : vector<512x512xf32> to vector<512x128xf32>
    %add3A_21 = arith.addf %slice3A_20, %slice3A_19 : vector<512x128xf32>
    %mul3A = arith.mulf %tanh3A, %slice3A_19 : vector<512x128xf32>
    %add3A_22 = arith.addf %add3A_21, %mul3A : vector<512x128xf32>
    %tanh3A_23 = math.tanh %add3A_22 : vector<512x128xf32>
    %sub3A = arith.subf %get3A_3, %tanh3A_23 : vector<512x128xf32>
    %mul3A_24 = arith.mulf %tanh3A_18, %sub3A : vector<512x128xf32>
    %add3A_25 = arith.addf %sub3A, %mul3A_24 : vector<512x128xf32>
    %mul3A_26 = arith.constant 5.000000e-01 : f32
    %mul3A_27 = vector.broadcast %mul3A_26 : f32 to vector<512x128xf32>
    %mul3A_28 = arith.mulf %mul3A_27, %add3A_25 : vector<512x128xf32>
    %add3A_29 = arith.addf %tanh3A_23, %mul3A_28 : vector<512x128xf32>
    %swap3A = arith.constant 0 : index
    %swap3A_30 = arith.constant 0 : index
    %swap3A_31 = arith.constant 0 : index
    %swap3A_32 = vector.load %arg5[%swap3A, %swap3A_30, %swap3A_31] : memref<512x8x128xf32, #tpu.memory_space<vmem>>, vector<512x1x128xf32>
    %swap3A_33 = vector.shape_cast %swap3A_32 : vector<512x1x128xf32> to vector<512x128xf32>
    %swap3A_34 = vector.shape_cast %add3A_29 : vector<512x128xf32> to vector<512x1x128xf32>
    tpu.vector_store %arg5[%swap3A, %swap3A_30, %swap3A_31], %swap3A_34 {strides = array<i32>} : memref<512x8x128xf32, #tpu.memory_space<vmem>>, vector<512x1x128xf32>,
    %get3A_35 = arith.constant 1 : index
    %get3A_36 = arith.constant 0 : index
    %get3A_37 = arith.constant 0 : index
    %get3A_38 = vector.load %arg2[%get3A_35, %get3A_36, %get3A_37] : memref<8x512x128xf32, #tpu.memory_space<vmem>>, vector<1x512x128xf32>
    %get3A_39 = vector.shape_cast %get3A_38 : vector<1x512x128xf32> to vector<512x128xf32>
    %concatenate3A_40 = tpu.concatenate %get3A_39, %add3A_29 in 1 : vector<512x128xf32>, vector<512x128xf32> -> vector<512x256xf32>
    %dot_general3A_41 = arith.constant dense<0.000000e+00> : vector<512x512xf32>
    %dot_general3A_42 = tpu.matmul %concatenate3A_40, %get3A_6, %dot_general3A_41 {dimension_numbers = #tpu.dot_dimension_numbers<[1], [0], [0], [1], [0, 0, 1, 1], [], []>, transpose_lhs_hint = false} : vector<512x256xf32>, vector<256x512xf32>, vector<512x512xf32> -> vector<512x512xf32>
    %add3A_43 = vector.broadcast %get3A_9 : vector<1x512xf32> to vector<512x512xf32>
    %add3A_44 = arith.addf %dot_general3A_42, %add3A_43 : vector<512x512xf32>
    %slice3A_45 = vector.extract_strided_slice %add3A_44 {offsets = [0, 0], sizes = [512, 128], strides = [1, 1]} : vector<512x512xf32> to vector<512x128xf32>
    %tanh3A_46 = math.tanh %slice3A_45 : vector<512x128xf32>
    %slice3A_47 = vector.extract_strided_slice %add3A_44 {offsets = [0, 128], sizes = [512, 128], strides = [1, 1]} : vector<512x512xf32> to vector<512x128xf32>
    %tanh3A_48 = math.tanh %slice3A_47 : vector<512x128xf32>
    %slice3A_49 = vector.extract_strided_slice %add3A_44 {offsets = [0, 384], sizes = [512, 128], strides = [1, 1]} : vector<512x512xf32> to vector<512x128xf32>
    %slice3A_50 = vector.extract_strided_slice %add3A_44 {offsets = [0, 256], sizes = [512, 128], strides = [1, 1]} : vector<512x512xf32> to vector<512x128xf32>
    %add3A_51 = arith.addf %slice3A_50, %slice3A_49 : vector<512x128xf32>
    %mul3A_52 = arith.mulf %tanh3A_46, %slice3A_49 : vector<512x128xf32>
    %add3A_53 = arith.addf %add3A_51, %mul3A_52 : vector<512x128xf32>
    %tanh3A_54 = math.tanh %add3A_53 : vector<512x128xf32>
    %sub3A_55 = arith.subf %add3A_29, %tanh3A_54 : vector<512x128xf32>
    %mul3A_56 = arith.mulf %tanh3A_48, %sub3A_55 : vector<512x128xf32>
    %add3A_57 = arith.addf %sub3A_55, %mul3A_56 : vector<512x128xf32>
    %mul3A_58 = arith.constant 5.000000e-01 : f32
    %mul3A_59 = vector.broadcast %mul3A_58 : f32 to vector<512x128xf32>
    %mul3A_60 = arith.mulf %mul3A_59, %add3A_57 : vector<512x128xf32>
    %add3A_61 = arith.addf %tanh3A_54, %mul3A_60 : vector<512x128xf32>
    %swap3A_62 = arith.constant 0 : index
    %swap3A_63 = arith.constant 1 : index
    %swap3A_64 = arith.constant 0 : index
    %swap3A_65 = vector.load %arg5[%swap3A_62, %swap3A_63, %swap3A_64] : memref<512x8x128xf32, #tpu.memory_space<vmem>>, vector<512x1x128xf32>
    %swap3A_66 = vector.shape_cast %swap3A_65 : vector<512x1x128xf32> to vector<512x128xf32>
    %swap3A_67 = vector.shape_cast %add3A_61 : vector<512x128xf32> to vector<512x1x128xf32>
    tpu.vector_store %arg5[%swap3A_62, %swap3A_63, %swap3A_64], %swap3A_67 {strides = array<i32>} : memref<512x8x128xf32, #tpu.memory_space<vmem>>, vector<512x1x128xf32>,
    %get3A_68 = arith.constant 2 : index
    %get3A_69 = arith.constant 0 : index
    %get3A_70 = arith.constant 0 : index
    %get3A_71 = vector.load %arg2[%get3A_68, %get3A_69, %get3A_70] : memref<8x512x128xf32, #tpu.memory_space<vmem>>, vector<1x512x128xf32>
    %get3A_72 = vector.shape_cast %get3A_71 : vector<1x512x128xf32> to vector<512x128xf32>
    %concatenate3A_73 = tpu.concatenate %get3A_72, %add3A_61 in 1 : vector<512x128xf32>, vector<512x128xf32> -> vector<512x256xf32>
    %dot_general3A_74 = arith.constant dense<0.000000e+00> : vector<512x512xf32>
    %dot_general3A_75 = tpu.matmul %concatenate3A_73, %get3A_6, %dot_general3A_74 {dimension_numbers = #tpu.dot_dimension_numbers<[1], [0], [0], [1], [0, 0, 1, 1], [], []>, transpose_lhs_hint = false} : vector<512x256xf32>, vector<256x512xf32>, vector<512x512xf32> -> vector<512x512xf32>
    %add3A_76 = vector.broadcast %get3A_9 : vector<1x512xf32> to vector<512x512xf32>
    %add3A_77 = arith.addf %dot_general3A_75, %add3A_76 : vector<512x512xf32>
    %slice3A_78 = vector.extract_strided_slice %add3A_77 {offsets = [0, 0], sizes = [512, 128], strides = [1, 1]} : vector<512x512xf32> to vector<512x128xf32>
    %tanh3A_79 = math.tanh %slice3A_78 : vector<512x128xf32>
    %slice3A_80 = vector.extract_strided_slice %add3A_77 {offsets = [0, 128], sizes = [512, 128], strides = [1, 1]} : vector<512x512xf32> to vector<512x128xf32>
    %tanh3A_81 = math.tanh %slice3A_80 : vector<512x128xf32>
    %slice3A_82 = vector.extract_strided_slice %add3A_77 {offsets = [0, 384], sizes = [512, 128], strides = [1, 1]} : vector<512x512xf32> to vector<512x128xf32>
    %slice3A_83 = vector.extract_strided_slice %add3A_77 {offsets = [0, 256], sizes = [512, 128], strides = [1, 1]} : vector<512x512xf32> to vector<512x128xf32>
    %add3A_84 = arith.addf %slice3A_83, %slice3A_82 : vector<512x128xf32>
    %mul3A_85 = arith.mulf %tanh3A_79, %slice3A_82 : vector<512x128xf32>
    %add3A_86 = arith.addf %add3A_84, %mul3A_85 : vector<512x128xf32>
    %tanh3A_87 = math.tanh %add3A_86 : vector<512x128xf32>
    %sub3A_88 = arith.subf %add3A_61, %tanh3A_87 : vector<512x128xf32>
    %mul3A_89 = arith.mulf %tanh3A_81, %sub3A_88 : vector<512x128xf32>
    %add3A_90 = arith.addf %sub3A_88, %mul3A_89 : vector<512x128xf32>
    %mul3A_91 = arith.constant 5.000000e-01 : f32
    %mul3A_92 = vector.broadcast %mul3A_91 : f32 to vector<512x128xf32>
    %mul3A_93 = arith.mulf %mul3A_92, %add3A_90 : vector<512x128xf32>
    %add3A_94 = arith.addf %tanh3A_87, %mul3A_93 : vector<512x128xf32>
    %swap3A_95 = arith.constant 0 : index
    %swap3A_96 = arith.constant 2 : index
    %swap3A_97 = arith.constant 0 : index
    %swap3A_98 = vector.load %arg5[%swap3A_95, %swap3A_96, %swap3A_97] : memref<512x8x128xf32, #tpu.memory_space<vmem>>, vector<512x1x128xf32>
    %swap3A_99 = vector.shape_cast %swap3A_98 : vector<512x1x128xf32> to vector<512x128xf32>
    %swap3A_100 = vector.shape_cast %add3A_94 : vector<512x128xf32> to vector<512x1x128xf32>
    tpu.vector_store %arg5[%swap3A_95, %swap3A_96, %swap3A_97], %swap3A_100 {strides = array<i32>} : memref<512x8x128xf32, #tpu.memory_space<vmem>>, vector<512x1x128xf32>,
    %get3A_101 = arith.constant 3 : index
    %get3A_102 = arith.constant 0 : index
    %get3A_103 = arith.constant 0 : index
    %get3A_104 = vector.load %arg2[%get3A_101, %get3A_102, %get3A_103] : memref<8x512x128xf32, #tpu.memory_space<vmem>>, vector<1x512x128xf32>
    %get3A_105 = vector.shape_cast %get3A_104 : vector<1x512x128xf32> to vector<512x128xf32>
    %concatenate3A_106 = tpu.concatenate %get3A_105, %add3A_94 in 1 : vector<512x128xf32>, vector<512x128xf32> -> vector<512x256xf32>
    %dot_general3A_107 = arith.constant dense<0.000000e+00> : vector<512x512xf32>
    %dot_general3A_108 = tpu.matmul %concatenate3A_106, %get3A_6, %dot_general3A_107 {dimension_numbers = #tpu.dot_dimension_numbers<[1], [0], [0], [1], [0, 0, 1, 1], [], []>, transpose_lhs_hint = false} : vector<512x256xf32>, vector<256x512xf32>, vector<512x512xf32> -> vector<512x512xf32>
    %add3A_109 = vector.broadcast %get3A_9 : vector<1x512xf32> to vector<512x512xf32>
    %add3A_110 = arith.addf %dot_general3A_108, %add3A_109 : vector<512x512xf32>
    %slice3A_111 = vector.extract_strided_slice %add3A_110 {offsets = [0, 0], sizes = [512, 128], strides = [1, 1]} : vector<512x512xf32> to vector<512x128xf32>
    %tanh3A_112 = math.tanh %slice3A_111 : vector<512x128xf32>
    %slice3A_113 = vector.extract_strided_slice %add3A_110 {offsets = [0, 128], sizes = [512, 128], strides = [1, 1]} : vector<512x512xf32> to vector<512x128xf32>
    %tanh3A_114 = math.tanh %slice3A_113 : vector<512x128xf32>
    %slice3A_115 = vector.extract_strided_slice %add3A_110 {offsets = [0, 384], sizes = [512, 128], strides = [1, 1]} : vector<512x512xf32> to vector<512x128xf32>
    %slice3A_116 = vector.extract_strided_slice %add3A_110 {offsets = [0, 256], sizes = [512, 128], strides = [1, 1]} : vector<512x512xf32> to vector<512x128xf32>
    %add3A_117 = arith.addf %slice3A_116, %slice3A_115 : vector<512x128xf32>
    %mul3A_118 = arith.mulf %tanh3A_112, %slice3A_115 : vector<512x128xf32>
    %add3A_119 = arith.addf %add3A_117, %mul3A_118 : vector<512x128xf32>
    %tanh3A_120 = math.tanh %add3A_119 : vector<512x128xf32>
    %sub3A_121 = arith.subf %add3A_94, %tanh3A_120 : vector<512x128xf32>
    %mul3A_122 = arith.mulf %tanh3A_114, %sub3A_121 : vector<512x128xf32>
    %add3A_123 = arith.addf %sub3A_121, %mul3A_122 : vector<512x128xf32>
    %mul3A_124 = arith.constant 5.000000e-01 : f32
    %mul3A_125 = vector.broadcast %mul3A_124 : f32 to vector<512x128xf32>
    %mul3A_126 = arith.mulf %mul3A_125, %add3A_123 : vector<512x128xf32>
    %add3A_127 = arith.addf %tanh3A_120, %mul3A_126 : vector<512x128xf32>
    %swap3A_128 = arith.constant 0 : index
    %swap3A_129 = arith.constant 3 : index
    %swap3A_130 = arith.constant 0 : index
    %swap3A_131 = vector.load %arg5[%swap3A_128, %swap3A_129, %swap3A_130] : memref<512x8x128xf32, #tpu.memory_space<vmem>>, vector<512x1x128xf32>
    %swap3A_132 = vector.shape_cast %swap3A_131 : vector<512x1x128xf32> to vector<512x128xf32>
    %swap3A_133 = vector.shape_cast %add3A_127 : vector<512x128xf32> to vector<512x1x128xf32>
    tpu.vector_store %arg5[%swap3A_128, %swap3A_129, %swap3A_130], %swap3A_133 {strides = array<i32>} : memref<512x8x128xf32, #tpu.memory_space<vmem>>, vector<512x1x128xf32>,
    %get3A_134 = arith.constant 4 : index
    %get3A_135 = arith.constant 0 : index
    %get3A_136 = arith.constant 0 : index
    %get3A_137 = vector.load %arg2[%get3A_134, %get3A_135, %get3A_136] : memref<8x512x128xf32, #tpu.memory_space<vmem>>, vector<1x512x128xf32>
    %get3A_138 = vector.shape_cast %get3A_137 : vector<1x512x128xf32> to vector<512x128xf32>
    %concatenate3A_139 = tpu.concatenate %get3A_138, %add3A_127 in 1 : vector<512x128xf32>, vector<512x128xf32> -> vector<512x256xf32>
    %dot_general3A_140 = arith.constant dense<0.000000e+00> : vector<512x512xf32>
    %dot_general3A_141 = tpu.matmul %concatenate3A_139, %get3A_6, %dot_general3A_140 {dimension_numbers = #tpu.dot_dimension_numbers<[1], [0], [0], [1], [0, 0, 1, 1], [], []>, transpose_lhs_hint = false} : vector<512x256xf32>, vector<256x512xf32>, vector<512x512xf32> -> vector<512x512xf32>
    %add3A_142 = vector.broadcast %get3A_9 : vector<1x512xf32> to vector<512x512xf32>
    %add3A_143 = arith.addf %dot_general3A_141, %add3A_142 : vector<512x512xf32>
    %slice3A_144 = vector.extract_strided_slice %add3A_143 {offsets = [0, 0], sizes = [512, 128], strides = [1, 1]} : vector<512x512xf32> to vector<512x128xf32>
    %tanh3A_145 = math.tanh %slice3A_144 : vector<512x128xf32>
    %slice3A_146 = vector.extract_strided_slice %add3A_143 {offsets = [0, 128], sizes = [512, 128], strides = [1, 1]} : vector<512x512xf32> to vector<512x128xf32>
    %tanh3A_147 = math.tanh %slice3A_146 : vector<512x128xf32>
    %slice3A_148 = vector.extract_strided_slice %add3A_143 {offsets = [0, 384], sizes = [512, 128], strides = [1, 1]} : vector<512x512xf32> to vector<512x128xf32>
    %slice3A_149 = vector.extract_strided_slice %add3A_143 {offsets = [0, 256], sizes = [512, 128], strides = [1, 1]} : vector<512x512xf32> to vector<512x128xf32>
    %add3A_150 = arith.addf %slice3A_149, %slice3A_148 : vector<512x128xf32>
    %mul3A_151 = arith.mulf %tanh3A_145, %slice3A_148 : vector<512x128xf32>
    %add3A_152 = arith.addf %add3A_150, %mul3A_151 : vector<512x128xf32>
    %tanh3A_153 = math.tanh %add3A_152 : vector<512x128xf32>
    %sub3A_154 = arith.subf %add3A_127, %tanh3A_153 : vector<512x128xf32>
    %mul3A_155 = arith.mulf %tanh3A_147, %sub3A_154 : vector<512x128xf32>
    %add3A_156 = arith.addf %sub3A_154, %mul3A_155 : vector<512x128xf32>
    %mul3A_157 = arith.constant 5.000000e-01 : f32
    %mul3A_158 = vector.broadcast %mul3A_157 : f32 to vector<512x128xf32>
    %mul3A_159 = arith.mulf %mul3A_158, %add3A_156 : vector<512x128xf32>
    %add3A_160 = arith.addf %tanh3A_153, %mul3A_159 : vector<512x128xf32>
    %swap3A_161 = arith.constant 0 : index
    %swap3A_162 = arith.constant 4 : index
    %swap3A_163 = arith.constant 0 : index
    %swap3A_164 = vector.load %arg5[%swap3A_161, %swap3A_162, %swap3A_163] : memref<512x8x128xf32, #tpu.memory_space<vmem>>, vector<512x1x128xf32>
    %swap3A_165 = vector.shape_cast %swap3A_164 : vector<512x1x128xf32> to vector<512x128xf32>
    %swap3A_166 = vector.shape_cast %add3A_160 : vector<512x128xf32> to vector<512x1x128xf32>
    tpu.vector_store %arg5[%swap3A_161, %swap3A_162, %swap3A_163], %swap3A_166 {strides = array<i32>} : memref<512x8x128xf32, #tpu.memory_space<vmem>>, vector<512x1x128xf32>,
    %get3A_167 = arith.constant 5 : index
    %get3A_168 = arith.constant 0 : index
    %get3A_169 = arith.constant 0 : index
    %get3A_170 = vector.load %arg2[%get3A_167, %get3A_168, %get3A_169] : memref<8x512x128xf32, #tpu.memory_space<vmem>>, vector<1x512x128xf32>
    %get3A_171 = vector.shape_cast %get3A_170 : vector<1x512x128xf32> to vector<512x128xf32>
    %concatenate3A_172 = tpu.concatenate %get3A_171, %add3A_160 in 1 : vector<512x128xf32>, vector<512x128xf32> -> vector<512x256xf32>
    %dot_general3A_173 = arith.constant dense<0.000000e+00> : vector<512x512xf32>
    %dot_general3A_174 = tpu.matmul %concatenate3A_172, %get3A_6, %dot_general3A_173 {dimension_numbers = #tpu.dot_dimension_numbers<[1], [0], [0], [1], [0, 0, 1, 1], [], []>, transpose_lhs_hint = false} : vector<512x256xf32>, vector<256x512xf32>, vector<512x512xf32> -> vector<512x512xf32>
    %add3A_175 = vector.broadcast %get3A_9 : vector<1x512xf32> to vector<512x512xf32>
    %add3A_176 = arith.addf %dot_general3A_174, %add3A_175 : vector<512x512xf32>
    %slice3A_177 = vector.extract_strided_slice %add3A_176 {offsets = [0, 0], sizes = [512, 128], strides = [1, 1]} : vector<512x512xf32> to vector<512x128xf32>
    %tanh3A_178 = math.tanh %slice3A_177 : vector<512x128xf32>
    %slice3A_179 = vector.extract_strided_slice %add3A_176 {offsets = [0, 128], sizes = [512, 128], strides = [1, 1]} : vector<512x512xf32> to vector<512x128xf32>
    %tanh3A_180 = math.tanh %slice3A_179 : vector<512x128xf32>
    %slice3A_181 = vector.extract_strided_slice %add3A_176 {offsets = [0, 384], sizes = [512, 128], strides = [1, 1]} : vector<512x512xf32> to vector<512x128xf32>
    %slice3A_182 = vector.extract_strided_slice %add3A_176 {offsets = [0, 256], sizes = [512, 128], strides = [1, 1]} : vector<512x512xf32> to vector<512x128xf32>
    %add3A_183 = arith.addf %slice3A_182, %slice3A_181 : vector<512x128xf32>
    %mul3A_184 = arith.mulf %tanh3A_178, %slice3A_181 : vector<512x128xf32>
    %add3A_185 = arith.addf %add3A_183, %mul3A_184 : vector<512x128xf32>
    %tanh3A_186 = math.tanh %add3A_185 : vector<512x128xf32>
    %sub3A_187 = arith.subf %add3A_160, %tanh3A_186 : vector<512x128xf32>
    %mul3A_188 = arith.mulf %tanh3A_180, %sub3A_187 : vector<512x128xf32>
    %add3A_189 = arith.addf %sub3A_187, %mul3A_188 : vector<512x128xf32>
    %mul3A_190 = arith.constant 5.000000e-01 : f32
    %mul3A_191 = vector.broadcast %mul3A_190 : f32 to vector<512x128xf32>
    %mul3A_192 = arith.mulf %mul3A_191, %add3A_189 : vector<512x128xf32>
    %add3A_193 = arith.addf %tanh3A_186, %mul3A_192 : vector<512x128xf32>
    %swap3A_194 = arith.constant 0 : index
    %swap3A_195 = arith.constant 5 : index
    %swap3A_196 = arith.constant 0 : index
    %swap3A_197 = vector.load %arg5[%swap3A_194, %swap3A_195, %swap3A_196] : memref<512x8x128xf32, #tpu.memory_space<vmem>>, vector<512x1x128xf32>
    %swap3A_198 = vector.shape_cast %swap3A_197 : vector<512x1x128xf32> to vector<512x128xf32>
    %swap3A_199 = vector.shape_cast %add3A_193 : vector<512x128xf32> to vector<512x1x128xf32>
    tpu.vector_store %arg5[%swap3A_194, %swap3A_195, %swap3A_196], %swap3A_199 {strides = array<i32>} : memref<512x8x128xf32, #tpu.memory_space<vmem>>, vector<512x1x128xf32>,
    %get3A_200 = arith.constant 6 : index
    %get3A_201 = arith.constant 0 : index
    %get3A_202 = arith.constant 0 : index
    %get3A_203 = vector.load %arg2[%get3A_200, %get3A_201, %get3A_202] : memref<8x512x128xf32, #tpu.memory_space<vmem>>, vector<1x512x128xf32>
    %get3A_204 = vector.shape_cast %get3A_203 : vector<1x512x128xf32> to vector<512x128xf32>
    %concatenate3A_205 = tpu.concatenate %get3A_204, %add3A_193 in 1 : vector<512x128xf32>, vector<512x128xf32> -> vector<512x256xf32>
    %dot_general3A_206 = arith.constant dense<0.000000e+00> : vector<512x512xf32>
    %dot_general3A_207 = tpu.matmul %concatenate3A_205, %get3A_6, %dot_general3A_206 {dimension_numbers = #tpu.dot_dimension_numbers<[1], [0], [0], [1], [0, 0, 1, 1], [], []>, transpose_lhs_hint = false} : vector<512x256xf32>, vector<256x512xf32>, vector<512x512xf32> -> vector<512x512xf32>
    %add3A_208 = vector.broadcast %get3A_9 : vector<1x512xf32> to vector<512x512xf32>
    %add3A_209 = arith.addf %dot_general3A_207, %add3A_208 : vector<512x512xf32>
    %slice3A_210 = vector.extract_strided_slice %add3A_209 {offsets = [0, 0], sizes = [512, 128], strides = [1, 1]} : vector<512x512xf32> to vector<512x128xf32>
    %tanh3A_211 = math.tanh %slice3A_210 : vector<512x128xf32>
    %slice3A_212 = vector.extract_strided_slice %add3A_209 {offsets = [0, 128], sizes = [512, 128], strides = [1, 1]} : vector<512x512xf32> to vector<512x128xf32>
    %tanh3A_213 = math.tanh %slice3A_212 : vector<512x128xf32>
    %slice3A_214 = vector.extract_strided_slice %add3A_209 {offsets = [0, 384], sizes = [512, 128], strides = [1, 1]} : vector<512x512xf32> to vector<512x128xf32>
    %slice3A_215 = vector.extract_strided_slice %add3A_209 {offsets = [0, 256], sizes = [512, 128], strides = [1, 1]} : vector<512x512xf32> to vector<512x128xf32>
    %add3A_216 = arith.addf %slice3A_215, %slice3A_214 : vector<512x128xf32>
    %mul3A_217 = arith.mulf %tanh3A_211, %slice3A_214 : vector<512x128xf32>
    %add3A_218 = arith.addf %add3A_216, %mul3A_217 : vector<512x128xf32>
    %tanh3A_219 = math.tanh %add3A_218 : vector<512x128xf32>
    %sub3A_220 = arith.subf %add3A_193, %tanh3A_219 : vector<512x128xf32>
    %mul3A_221 = arith.mulf %tanh3A_213, %sub3A_220 : vector<512x128xf32>
    %add3A_222 = arith.addf %sub3A_220, %mul3A_221 : vector<512x128xf32>
    %mul3A_223 = arith.constant 5.000000e-01 : f32
    %mul3A_224 = vector.broadcast %mul3A_223 : f32 to vector<512x128xf32>
    %mul3A_225 = arith.mulf %mul3A_224, %add3A_222 : vector<512x128xf32>
    %add3A_226 = arith.addf %tanh3A_219, %mul3A_225 : vector<512x128xf32>
    %swap3A_227 = arith.constant 0 : index
    %swap3A_228 = arith.constant 6 : index
    %swap3A_229 = arith.constant 0 : index
    %swap3A_230 = vector.load %arg5[%swap3A_227, %swap3A_228, %swap3A_229] : memref<512x8x128xf32, #tpu.memory_space<vmem>>, vector<512x1x128xf32>
    %swap3A_231 = vector.shape_cast %swap3A_230 : vector<512x1x128xf32> to vector<512x128xf32>
    %swap3A_232 = vector.shape_cast %add3A_226 : vector<512x128xf32> to vector<512x1x128xf32>
    tpu.vector_store %arg5[%swap3A_227, %swap3A_228, %swap3A_229], %swap3A_232 {strides = array<i32>} : memref<512x8x128xf32, #tpu.memory_space<vmem>>, vector<512x1x128xf32>,
    %get3A_233 = arith.constant 7 : index
    %get3A_234 = arith.constant 0 : index
    %get3A_235 = arith.constant 0 : index
    %get3A_236 = vector.load %arg2[%get3A_233, %get3A_234, %get3A_235] : memref<8x512x128xf32, #tpu.memory_space<vmem>>, vector<1x512x128xf32>
    %get3A_237 = vector.shape_cast %get3A_236 : vector<1x512x128xf32> to vector<512x128xf32>
    %concatenate3A_238 = tpu.concatenate %get3A_237, %add3A_226 in 1 : vector<512x128xf32>, vector<512x128xf32> -> vector<512x256xf32>
    %dot_general3A_239 = arith.constant dense<0.000000e+00> : vector<512x512xf32>
    %dot_general3A_240 = tpu.matmul %concatenate3A_238, %get3A_6, %dot_general3A_239 {dimension_numbers = #tpu.dot_dimension_numbers<[1], [0], [0], [1], [0, 0, 1, 1], [], []>, transpose_lhs_hint = false} : vector<512x256xf32>, vector<256x512xf32>, vector<512x512xf32> -> vector<512x512xf32>
    %add3A_241 = vector.broadcast %get3A_9 : vector<1x512xf32> to vector<512x512xf32>
    %add3A_242 = arith.addf %dot_general3A_240, %add3A_241 : vector<512x512xf32>
    %slice3A_243 = vector.extract_strided_slice %add3A_242 {offsets = [0, 0], sizes = [512, 128], strides = [1, 1]} : vector<512x512xf32> to vector<512x128xf32>
    %tanh3A_244 = math.tanh %slice3A_243 : vector<512x128xf32>
    %slice3A_245 = vector.extract_strided_slice %add3A_242 {offsets = [0, 128], sizes = [512, 128], strides = [1, 1]} : vector<512x512xf32> to vector<512x128xf32>
    %tanh3A_246 = math.tanh %slice3A_245 : vector<512x128xf32>
    %slice3A_247 = vector.extract_strided_slice %add3A_242 {offsets = [0, 384], sizes = [512, 128], strides = [1, 1]} : vector<512x512xf32> to vector<512x128xf32>
    %slice3A_248 = vector.extract_strided_slice %add3A_242 {offsets = [0, 256], sizes = [512, 128], strides = [1, 1]} : vector<512x512xf32> to vector<512x128xf32>
    %add3A_249 = arith.addf %slice3A_248, %slice3A_247 : vector<512x128xf32>
    %mul3A_250 = arith.mulf %tanh3A_244, %slice3A_247 : vector<512x128xf32>
    %add3A_251 = arith.addf %add3A_249, %mul3A_250 : vector<512x128xf32>
    %tanh3A_252 = math.tanh %add3A_251 : vector<512x128xf32>
    %sub3A_253 = arith.subf %add3A_226, %tanh3A_252 : vector<512x128xf32>
    %mul3A_254 = arith.mulf %tanh3A_246, %sub3A_253 : vector<512x128xf32>
    %add3A_255 = arith.addf %sub3A_253, %mul3A_254 : vector<512x128xf32>
    %mul3A_256 = arith.constant 5.000000e-01 : f32
    %mul3A_257 = vector.broadcast %mul3A_256 : f32 to vector<512x128xf32>
    %mul3A_258 = arith.mulf %mul3A_257, %add3A_255 : vector<512x128xf32>
    %add3A_259 = arith.addf %tanh3A_252, %mul3A_258 : vector<512x128xf32>
    %swap3A_260 = arith.constant 0 : index
    %swap3A_261 = arith.constant 7 : index
    %swap3A_262 = arith.constant 0 : index
    %swap3A_263 = vector.load %arg5[%swap3A_260, %swap3A_261, %swap3A_262] : memref<512x8x128xf32, #tpu.memory_space<vmem>>, vector<512x1x128xf32>
    %swap3A_264 = vector.shape_cast %swap3A_263 : vector<512x1x128xf32> to vector<512x128xf32>
    %swap3A_265 = vector.shape_cast %add3A_259 : vector<512x128xf32> to vector<512x1x128xf32>
    tpu.vector_store %arg5[%swap3A_260, %swap3A_261, %swap3A_262], %swap3A_265 {strides = array<i32>} : memref<512x8x128xf32, #tpu.memory_space<vmem>>, vector<512x1x128xf32>,
    %swap3A_266 = arith.constant 0 : index
    %swap3A_267 = arith.constant 0 : index
    %swap3A_268 = vector.load %arg7[%swap3A_266, %swap3A_267] : memref<512x128xf32, #tpu.memory_space<vmem>>, vector<512x128xf32>
    tpu.vector_store %arg7[%swap3A_266, %swap3A_267], %add3A_259 {strides = array<i32>} : memref<512x128xf32, #tpu.memory_space<vmem>>, vector<512x128xf32>,
    %swap3A_269 = arith.constant 0 : index
    %swap3A_270 = arith.constant 0 : index
    %swap3A_271 = vector.load %arg6[%swap3A_269, %swap3A_270] : memref<512x128xf32, #tpu.memory_space<vmem>>, vector<512x128xf32>
    tpu.vector_store %arg6[%swap3A_269, %swap3A_270], %add3A_259 {strides = array<i32>} : memref<512x128xf32, #tpu.memory_space<vmem>>, vector<512x128xf32>,
    return
  }
  func.func @transform_0(%arg0: i32, %arg1: i32) -> (i32, i32, i32) {
    %c0_i32 = arith.constant 0 : i32
    %c0_i32_0 = arith.constant 0 : i32
    return %arg1, %arg0, %c0_i32 : i32, i32, i32
  }
  func.func @transform_1(%arg0: i32, %arg1: i32) -> (i32, i32) {
    %c0_i32 = arith.constant 0 : i32
    %c0_i32_0 = arith.constant 0 : i32
    %c0_i32_1 = arith.constant 0 : i32
    return %c0_i32, %c0_i32_0 : i32, i32
  }
  func.func @transform_2(%arg0: i32, %arg1: i32) -> (i32, i32) {
    %c0_i32 = arith.constant 0 : i32
    %c0_i32_0 = arith.constant 0 : i32
    %c0_i32_1 = arith.constant 0 : i32
    return %c0_i32, %c0_i32_0 : i32, i32
  }
  func.func @transform_3(%arg0: i32, %arg1: i32) -> (i32, i32, i32) {
    %add3A = arith.constant 0 : i32
    %add3A_0 = arith.addi %arg1, %add3A : i32
    %c0_i32 = arith.constant 0 : i32
    %c0_i32_1 = arith.constant 0 : i32
    return %arg0, %add3A_0, %c0_i32 : i32, i32, i32
  }
  func.func @transform_4(%arg0: i32, %arg1: i32) -> (i32, i32) {
    %c0_i32 = arith.constant 0 : i32
    %c0_i32_0 = arith.constant 0 : i32
    return %arg0, %c0_i32 : i32, i32
  }
}

module attributes {stable_mosaic.version = 14 : i64} {
  func.func @_gru_chunk_body(%arg0: i32, %arg1: i32, %arg2: memref<8x512x128xf32, #tpu.memory_space<vmem>>, %arg3: memref<256x512xf32, #tpu.memory_space<vmem>>, %arg4: memref<1x512xf32, #tpu.memory_space<vmem>>, %arg5: memref<512x128xf32, #tpu.memory_space<vmem>>, %arg6: memref<1024x200x128xf32, #tpu.memory_space<any>>, %arg7: memref<512x8x128xf32, #tpu.memory_space<vmem>>, %arg8: memref<512x128xf32, #tpu.memory_space<vmem>>, %arg9: memref<512x128xf32, #tpu.memory_space<vmem>>) attributes {dimension_semantics = [#tpu.dimension_semantics<arbitrary>, #tpu.dimension_semantics<arbitrary>], iteration_bounds = array<i64: 2, 5>, scalar_prefetch = 0 : i64, scratch_operands = 1 : i64, tpu.core_type = #tpu.core_type<tc>, window_params = [{transform_indices = @transform_0, window_bounds = array<i64: 8, 512, 128>}, {pipeline_mode = #tpu.pipeline_mode<synchronous>, transform_indices = @transform_1, window_bounds = array<i64: 256, 512>}, {pipeline_mode = #tpu.pipeline_mode<synchronous>, transform_indices = @transform_2, window_bounds = array<i64: 1, 512>}, {transform_indices = @transform_3, window_bounds = array<i64: 512, 128>}, {}, {transform_indices = @transform_5, window_bounds = array<i64: 512, 8, 128>}, {transform_indices = @transform_6, window_bounds = array<i64: 512, 128>}]} {
    %eq3A = arith.constant 0 : i32
    %eq3A_0 = arith.cmpi eq, %arg1, %eq3A : i32
    %convert_element_type3A = arith.extui %eq3A_0 : i1 to i32
    %cond3A = arith.constant 0 : i32
    %cond3A_1 = arith.cmpi ne, %convert_element_type3A, %cond3A : i32
    scf.if %cond3A_1 {
      %get3A_272 = arith.constant 0 : index
      %get3A_273 = arith.constant 0 : index
      %get3A_274 = vector.load %arg5[%get3A_272, %get3A_273] : memref<512x128xf32, #tpu.memory_space<vmem>>, vector<512x128xf32>
      %swap3A_275 = arith.constant 0 : index
      %swap3A_276 = arith.constant 0 : index
      %swap3A_277 = vector.load %arg9[%swap3A_275, %swap3A_276] : memref<512x128xf32, #tpu.memory_space<vmem>>, vector<512x128xf32>
      tpu.vector_store %arg9[%swap3A_275, %swap3A_276], %get3A_274 {strides = array<i32>} : memref<512x128xf32, #tpu.memory_space<vmem>>, vector<512x128xf32>,
    } else {
    }
    %get3A = arith.constant 0 : index
    %get3A_2 = arith.constant 0 : index
    %get3A_3 = vector.load %arg9[%get3A, %get3A_2] : memref<512x128xf32, #tpu.memory_space<vmem>>, vector<512x128xf32>
    %get3A_4 = arith.constant 0 : index
    %get3A_5 = arith.constant 0 : index
    %get3A_6 = vector.load %arg3[%get3A_4, %get3A_5] : memref<256x512xf32, #tpu.memory_space<vmem>>, vector<256x512xf32>
    %get3A_7 = arith.constant 0 : index
    %get3A_8 = arith.constant 0 : index
    %get3A_9 = vector.load %arg4[%get3A_7, %get3A_8] : memref<1x512xf32, #tpu.memory_space<vmem>>, vector<1x512xf32>
    %get3A_10 = arith.constant 0 : index
    %get3A_11 = arith.constant 0 : index
    %get3A_12 = arith.constant 0 : index
    %get3A_13 = vector.load %arg2[%get3A_10, %get3A_11, %get3A_12] : memref<8x512x128xf32, #tpu.memory_space<vmem>>, vector<1x512x128xf32>
    %get3A_14 = vector.shape_cast %get3A_13 : vector<1x512x128xf32> to vector<512x128xf32>
    %concatenate3A = tpu.concatenate %get3A_14, %get3A_3 in 1 : vector<512x128xf32>, vector<512x128xf32> -> vector<512x256xf32>
    %dot_general3A = arith.constant dense<0.000000e+00> : vector<512x512xf32>
    %dot_general3A_15 = tpu.matmul %concatenate3A, %get3A_6, %dot_general3A {dimension_numbers = #tpu.dot_dimension_numbers<[1], [0], [0], [1], [0, 0, 1, 1], [], []>, transpose_lhs_hint = false} : vector<512x256xf32>, vector<256x512xf32>, vector<512x512xf32> -> vector<512x512xf32>
    %add3A = vector.broadcast %get3A_9 : vector<1x512xf32> to vector<512x512xf32>
    %add3A_16 = arith.addf %dot_general3A_15, %add3A : vector<512x512xf32>
    %slice3A = vector.extract_strided_slice %add3A_16 {offsets = [0, 0], sizes = [512, 128], strides = [1, 1]} : vector<512x512xf32> to vector<512x128xf32>
    %tanh3A = math.tanh %slice3A : vector<512x128xf32>
    %slice3A_17 = vector.extract_strided_slice %add3A_16 {offsets = [0, 128], sizes = [512, 128], strides = [1, 1]} : vector<512x512xf32> to vector<512x128xf32>
    %tanh3A_18 = math.tanh %slice3A_17 : vector<512x128xf32>
    %slice3A_19 = vector.extract_strided_slice %add3A_16 {offsets = [0, 384], sizes = [512, 128], strides = [1, 1]} : vector<512x512xf32> to vector<512x128xf32>
    %slice3A_20 = vector.extract_strided_slice %add3A_16 {offsets = [0, 256], sizes = [512, 128], strides = [1, 1]} : vector<512x512xf32> to vector<512x128xf32>
    %add3A_21 = arith.addf %slice3A_20, %slice3A_19 : vector<512x128xf32>
    %mul3A = arith.mulf %tanh3A, %slice3A_19 : vector<512x128xf32>
    %add3A_22 = arith.addf %add3A_21, %mul3A : vector<512x128xf32>
    %tanh3A_23 = math.tanh %add3A_22 : vector<512x128xf32>
    %sub3A = arith.subf %get3A_3, %tanh3A_23 : vector<512x128xf32>
    %mul3A_24 = arith.mulf %tanh3A_18, %sub3A : vector<512x128xf32>
    %add3A_25 = arith.addf %sub3A, %mul3A_24 : vector<512x128xf32>
    %mul3A_26 = arith.constant 5.000000e-01 : f32
    %mul3A_27 = vector.broadcast %mul3A_26 : f32 to vector<512x128xf32>
    %mul3A_28 = arith.mulf %mul3A_27, %add3A_25 : vector<512x128xf32>
    %add3A_29 = arith.addf %tanh3A_23, %mul3A_28 : vector<512x128xf32>
    %swap3A = arith.constant 0 : index
    %swap3A_30 = arith.constant 0 : index
    %swap3A_31 = arith.constant 0 : index
    %swap3A_32 = vector.load %arg7[%swap3A, %swap3A_30, %swap3A_31] : memref<512x8x128xf32, #tpu.memory_space<vmem>>, vector<512x1x128xf32>
    %swap3A_33 = vector.shape_cast %swap3A_32 : vector<512x1x128xf32> to vector<512x128xf32>
    %swap3A_34 = vector.shape_cast %add3A_29 : vector<512x128xf32> to vector<512x1x128xf32>
    tpu.vector_store %arg7[%swap3A, %swap3A_30, %swap3A_31], %swap3A_34 {strides = array<i32>} : memref<512x8x128xf32, #tpu.memory_space<vmem>>, vector<512x1x128xf32>,
    %get3A_35 = arith.constant 1 : index
    %get3A_36 = arith.constant 0 : index
    %get3A_37 = arith.constant 0 : index
    %get3A_38 = vector.load %arg2[%get3A_35, %get3A_36, %get3A_37] : memref<8x512x128xf32, #tpu.memory_space<vmem>>, vector<1x512x128xf32>
    %get3A_39 = vector.shape_cast %get3A_38 : vector<1x512x128xf32> to vector<512x128xf32>
    %concatenate3A_40 = tpu.concatenate %get3A_39, %add3A_29 in 1 : vector<512x128xf32>, vector<512x128xf32> -> vector<512x256xf32>
    %dot_general3A_41 = arith.constant dense<0.000000e+00> : vector<512x512xf32>
    %dot_general3A_42 = tpu.matmul %concatenate3A_40, %get3A_6, %dot_general3A_41 {dimension_numbers = #tpu.dot_dimension_numbers<[1], [0], [0], [1], [0, 0, 1, 1], [], []>, transpose_lhs_hint = false} : vector<512x256xf32>, vector<256x512xf32>, vector<512x512xf32> -> vector<512x512xf32>
    %add3A_43 = vector.broadcast %get3A_9 : vector<1x512xf32> to vector<512x512xf32>
    %add3A_44 = arith.addf %dot_general3A_42, %add3A_43 : vector<512x512xf32>
    %slice3A_45 = vector.extract_strided_slice %add3A_44 {offsets = [0, 0], sizes = [512, 128], strides = [1, 1]} : vector<512x512xf32> to vector<512x128xf32>
    %tanh3A_46 = math.tanh %slice3A_45 : vector<512x128xf32>
    %slice3A_47 = vector.extract_strided_slice %add3A_44 {offsets = [0, 128], sizes = [512, 128], strides = [1, 1]} : vector<512x512xf32> to vector<512x128xf32>
    %tanh3A_48 = math.tanh %slice3A_47 : vector<512x128xf32>
    %slice3A_49 = vector.extract_strided_slice %add3A_44 {offsets = [0, 384], sizes = [512, 128], strides = [1, 1]} : vector<512x512xf32> to vector<512x128xf32>
    %slice3A_50 = vector.extract_strided_slice %add3A_44 {offsets = [0, 256], sizes = [512, 128], strides = [1, 1]} : vector<512x512xf32> to vector<512x128xf32>
    %add3A_51 = arith.addf %slice3A_50, %slice3A_49 : vector<512x128xf32>
    %mul3A_52 = arith.mulf %tanh3A_46, %slice3A_49 : vector<512x128xf32>
    %add3A_53 = arith.addf %add3A_51, %mul3A_52 : vector<512x128xf32>
    %tanh3A_54 = math.tanh %add3A_53 : vector<512x128xf32>
    %sub3A_55 = arith.subf %add3A_29, %tanh3A_54 : vector<512x128xf32>
    %mul3A_56 = arith.mulf %tanh3A_48, %sub3A_55 : vector<512x128xf32>
    %add3A_57 = arith.addf %sub3A_55, %mul3A_56 : vector<512x128xf32>
    %mul3A_58 = arith.constant 5.000000e-01 : f32
    %mul3A_59 = vector.broadcast %mul3A_58 : f32 to vector<512x128xf32>
    %mul3A_60 = arith.mulf %mul3A_59, %add3A_57 : vector<512x128xf32>
    %add3A_61 = arith.addf %tanh3A_54, %mul3A_60 : vector<512x128xf32>
    %swap3A_62 = arith.constant 0 : index
    %swap3A_63 = arith.constant 1 : index
    %swap3A_64 = arith.constant 0 : index
    %swap3A_65 = vector.load %arg7[%swap3A_62, %swap3A_63, %swap3A_64] : memref<512x8x128xf32, #tpu.memory_space<vmem>>, vector<512x1x128xf32>
    %swap3A_66 = vector.shape_cast %swap3A_65 : vector<512x1x128xf32> to vector<512x128xf32>
    %swap3A_67 = vector.shape_cast %add3A_61 : vector<512x128xf32> to vector<512x1x128xf32>
    tpu.vector_store %arg7[%swap3A_62, %swap3A_63, %swap3A_64], %swap3A_67 {strides = array<i32>} : memref<512x8x128xf32, #tpu.memory_space<vmem>>, vector<512x1x128xf32>,
    %get3A_68 = arith.constant 2 : index
    %get3A_69 = arith.constant 0 : index
    %get3A_70 = arith.constant 0 : index
    %get3A_71 = vector.load %arg2[%get3A_68, %get3A_69, %get3A_70] : memref<8x512x128xf32, #tpu.memory_space<vmem>>, vector<1x512x128xf32>
    %get3A_72 = vector.shape_cast %get3A_71 : vector<1x512x128xf32> to vector<512x128xf32>
    %concatenate3A_73 = tpu.concatenate %get3A_72, %add3A_61 in 1 : vector<512x128xf32>, vector<512x128xf32> -> vector<512x256xf32>
    %dot_general3A_74 = arith.constant dense<0.000000e+00> : vector<512x512xf32>
    %dot_general3A_75 = tpu.matmul %concatenate3A_73, %get3A_6, %dot_general3A_74 {dimension_numbers = #tpu.dot_dimension_numbers<[1], [0], [0], [1], [0, 0, 1, 1], [], []>, transpose_lhs_hint = false} : vector<512x256xf32>, vector<256x512xf32>, vector<512x512xf32> -> vector<512x512xf32>
    %add3A_76 = vector.broadcast %get3A_9 : vector<1x512xf32> to vector<512x512xf32>
    %add3A_77 = arith.addf %dot_general3A_75, %add3A_76 : vector<512x512xf32>
    %slice3A_78 = vector.extract_strided_slice %add3A_77 {offsets = [0, 0], sizes = [512, 128], strides = [1, 1]} : vector<512x512xf32> to vector<512x128xf32>
    %tanh3A_79 = math.tanh %slice3A_78 : vector<512x128xf32>
    %slice3A_80 = vector.extract_strided_slice %add3A_77 {offsets = [0, 128], sizes = [512, 128], strides = [1, 1]} : vector<512x512xf32> to vector<512x128xf32>
    %tanh3A_81 = math.tanh %slice3A_80 : vector<512x128xf32>
    %slice3A_82 = vector.extract_strided_slice %add3A_77 {offsets = [0, 384], sizes = [512, 128], strides = [1, 1]} : vector<512x512xf32> to vector<512x128xf32>
    %slice3A_83 = vector.extract_strided_slice %add3A_77 {offsets = [0, 256], sizes = [512, 128], strides = [1, 1]} : vector<512x512xf32> to vector<512x128xf32>
    %add3A_84 = arith.addf %slice3A_83, %slice3A_82 : vector<512x128xf32>
    %mul3A_85 = arith.mulf %tanh3A_79, %slice3A_82 : vector<512x128xf32>
    %add3A_86 = arith.addf %add3A_84, %mul3A_85 : vector<512x128xf32>
    %tanh3A_87 = math.tanh %add3A_86 : vector<512x128xf32>
    %sub3A_88 = arith.subf %add3A_61, %tanh3A_87 : vector<512x128xf32>
    %mul3A_89 = arith.mulf %tanh3A_81, %sub3A_88 : vector<512x128xf32>
    %add3A_90 = arith.addf %sub3A_88, %mul3A_89 : vector<512x128xf32>
    %mul3A_91 = arith.constant 5.000000e-01 : f32
    %mul3A_92 = vector.broadcast %mul3A_91 : f32 to vector<512x128xf32>
    %mul3A_93 = arith.mulf %mul3A_92, %add3A_90 : vector<512x128xf32>
    %add3A_94 = arith.addf %tanh3A_87, %mul3A_93 : vector<512x128xf32>
    %swap3A_95 = arith.constant 0 : index
    %swap3A_96 = arith.constant 2 : index
    %swap3A_97 = arith.constant 0 : index
    %swap3A_98 = vector.load %arg7[%swap3A_95, %swap3A_96, %swap3A_97] : memref<512x8x128xf32, #tpu.memory_space<vmem>>, vector<512x1x128xf32>
    %swap3A_99 = vector.shape_cast %swap3A_98 : vector<512x1x128xf32> to vector<512x128xf32>
    %swap3A_100 = vector.shape_cast %add3A_94 : vector<512x128xf32> to vector<512x1x128xf32>
    tpu.vector_store %arg7[%swap3A_95, %swap3A_96, %swap3A_97], %swap3A_100 {strides = array<i32>} : memref<512x8x128xf32, #tpu.memory_space<vmem>>, vector<512x1x128xf32>,
    %get3A_101 = arith.constant 3 : index
    %get3A_102 = arith.constant 0 : index
    %get3A_103 = arith.constant 0 : index
    %get3A_104 = vector.load %arg2[%get3A_101, %get3A_102, %get3A_103] : memref<8x512x128xf32, #tpu.memory_space<vmem>>, vector<1x512x128xf32>
    %get3A_105 = vector.shape_cast %get3A_104 : vector<1x512x128xf32> to vector<512x128xf32>
    %concatenate3A_106 = tpu.concatenate %get3A_105, %add3A_94 in 1 : vector<512x128xf32>, vector<512x128xf32> -> vector<512x256xf32>
    %dot_general3A_107 = arith.constant dense<0.000000e+00> : vector<512x512xf32>
    %dot_general3A_108 = tpu.matmul %concatenate3A_106, %get3A_6, %dot_general3A_107 {dimension_numbers = #tpu.dot_dimension_numbers<[1], [0], [0], [1], [0, 0, 1, 1], [], []>, transpose_lhs_hint = false} : vector<512x256xf32>, vector<256x512xf32>, vector<512x512xf32> -> vector<512x512xf32>
    %add3A_109 = vector.broadcast %get3A_9 : vector<1x512xf32> to vector<512x512xf32>
    %add3A_110 = arith.addf %dot_general3A_108, %add3A_109 : vector<512x512xf32>
    %slice3A_111 = vector.extract_strided_slice %add3A_110 {offsets = [0, 0], sizes = [512, 128], strides = [1, 1]} : vector<512x512xf32> to vector<512x128xf32>
    %tanh3A_112 = math.tanh %slice3A_111 : vector<512x128xf32>
    %slice3A_113 = vector.extract_strided_slice %add3A_110 {offsets = [0, 128], sizes = [512, 128], strides = [1, 1]} : vector<512x512xf32> to vector<512x128xf32>
    %tanh3A_114 = math.tanh %slice3A_113 : vector<512x128xf32>
    %slice3A_115 = vector.extract_strided_slice %add3A_110 {offsets = [0, 384], sizes = [512, 128], strides = [1, 1]} : vector<512x512xf32> to vector<512x128xf32>
    %slice3A_116 = vector.extract_strided_slice %add3A_110 {offsets = [0, 256], sizes = [512, 128], strides = [1, 1]} : vector<512x512xf32> to vector<512x128xf32>
    %add3A_117 = arith.addf %slice3A_116, %slice3A_115 : vector<512x128xf32>
    %mul3A_118 = arith.mulf %tanh3A_112, %slice3A_115 : vector<512x128xf32>
    %add3A_119 = arith.addf %add3A_117, %mul3A_118 : vector<512x128xf32>
    %tanh3A_120 = math.tanh %add3A_119 : vector<512x128xf32>
    %sub3A_121 = arith.subf %add3A_94, %tanh3A_120 : vector<512x128xf32>
    %mul3A_122 = arith.mulf %tanh3A_114, %sub3A_121 : vector<512x128xf32>
    %add3A_123 = arith.addf %sub3A_121, %mul3A_122 : vector<512x128xf32>
    %mul3A_124 = arith.constant 5.000000e-01 : f32
    %mul3A_125 = vector.broadcast %mul3A_124 : f32 to vector<512x128xf32>
    %mul3A_126 = arith.mulf %mul3A_125, %add3A_123 : vector<512x128xf32>
    %add3A_127 = arith.addf %tanh3A_120, %mul3A_126 : vector<512x128xf32>
    %swap3A_128 = arith.constant 0 : index
    %swap3A_129 = arith.constant 3 : index
    %swap3A_130 = arith.constant 0 : index
    %swap3A_131 = vector.load %arg7[%swap3A_128, %swap3A_129, %swap3A_130] : memref<512x8x128xf32, #tpu.memory_space<vmem>>, vector<512x1x128xf32>
    %swap3A_132 = vector.shape_cast %swap3A_131 : vector<512x1x128xf32> to vector<512x128xf32>
    %swap3A_133 = vector.shape_cast %add3A_127 : vector<512x128xf32> to vector<512x1x128xf32>
    tpu.vector_store %arg7[%swap3A_128, %swap3A_129, %swap3A_130], %swap3A_133 {strides = array<i32>} : memref<512x8x128xf32, #tpu.memory_space<vmem>>, vector<512x1x128xf32>,
    %get3A_134 = arith.constant 4 : index
    %get3A_135 = arith.constant 0 : index
    %get3A_136 = arith.constant 0 : index
    %get3A_137 = vector.load %arg2[%get3A_134, %get3A_135, %get3A_136] : memref<8x512x128xf32, #tpu.memory_space<vmem>>, vector<1x512x128xf32>
    %get3A_138 = vector.shape_cast %get3A_137 : vector<1x512x128xf32> to vector<512x128xf32>
    %concatenate3A_139 = tpu.concatenate %get3A_138, %add3A_127 in 1 : vector<512x128xf32>, vector<512x128xf32> -> vector<512x256xf32>
    %dot_general3A_140 = arith.constant dense<0.000000e+00> : vector<512x512xf32>
    %dot_general3A_141 = tpu.matmul %concatenate3A_139, %get3A_6, %dot_general3A_140 {dimension_numbers = #tpu.dot_dimension_numbers<[1], [0], [0], [1], [0, 0, 1, 1], [], []>, transpose_lhs_hint = false} : vector<512x256xf32>, vector<256x512xf32>, vector<512x512xf32> -> vector<512x512xf32>
    %add3A_142 = vector.broadcast %get3A_9 : vector<1x512xf32> to vector<512x512xf32>
    %add3A_143 = arith.addf %dot_general3A_141, %add3A_142 : vector<512x512xf32>
    %slice3A_144 = vector.extract_strided_slice %add3A_143 {offsets = [0, 0], sizes = [512, 128], strides = [1, 1]} : vector<512x512xf32> to vector<512x128xf32>
    %tanh3A_145 = math.tanh %slice3A_144 : vector<512x128xf32>
    %slice3A_146 = vector.extract_strided_slice %add3A_143 {offsets = [0, 128], sizes = [512, 128], strides = [1, 1]} : vector<512x512xf32> to vector<512x128xf32>
    %tanh3A_147 = math.tanh %slice3A_146 : vector<512x128xf32>
    %slice3A_148 = vector.extract_strided_slice %add3A_143 {offsets = [0, 384], sizes = [512, 128], strides = [1, 1]} : vector<512x512xf32> to vector<512x128xf32>
    %slice3A_149 = vector.extract_strided_slice %add3A_143 {offsets = [0, 256], sizes = [512, 128], strides = [1, 1]} : vector<512x512xf32> to vector<512x128xf32>
    %add3A_150 = arith.addf %slice3A_149, %slice3A_148 : vector<512x128xf32>
    %mul3A_151 = arith.mulf %tanh3A_145, %slice3A_148 : vector<512x128xf32>
    %add3A_152 = arith.addf %add3A_150, %mul3A_151 : vector<512x128xf32>
    %tanh3A_153 = math.tanh %add3A_152 : vector<512x128xf32>
    %sub3A_154 = arith.subf %add3A_127, %tanh3A_153 : vector<512x128xf32>
    %mul3A_155 = arith.mulf %tanh3A_147, %sub3A_154 : vector<512x128xf32>
    %add3A_156 = arith.addf %sub3A_154, %mul3A_155 : vector<512x128xf32>
    %mul3A_157 = arith.constant 5.000000e-01 : f32
    %mul3A_158 = vector.broadcast %mul3A_157 : f32 to vector<512x128xf32>
    %mul3A_159 = arith.mulf %mul3A_158, %add3A_156 : vector<512x128xf32>
    %add3A_160 = arith.addf %tanh3A_153, %mul3A_159 : vector<512x128xf32>
    %swap3A_161 = arith.constant 0 : index
    %swap3A_162 = arith.constant 4 : index
    %swap3A_163 = arith.constant 0 : index
    %swap3A_164 = vector.load %arg7[%swap3A_161, %swap3A_162, %swap3A_163] : memref<512x8x128xf32, #tpu.memory_space<vmem>>, vector<512x1x128xf32>
    %swap3A_165 = vector.shape_cast %swap3A_164 : vector<512x1x128xf32> to vector<512x128xf32>
    %swap3A_166 = vector.shape_cast %add3A_160 : vector<512x128xf32> to vector<512x1x128xf32>
    tpu.vector_store %arg7[%swap3A_161, %swap3A_162, %swap3A_163], %swap3A_166 {strides = array<i32>} : memref<512x8x128xf32, #tpu.memory_space<vmem>>, vector<512x1x128xf32>,
    %get3A_167 = arith.constant 5 : index
    %get3A_168 = arith.constant 0 : index
    %get3A_169 = arith.constant 0 : index
    %get3A_170 = vector.load %arg2[%get3A_167, %get3A_168, %get3A_169] : memref<8x512x128xf32, #tpu.memory_space<vmem>>, vector<1x512x128xf32>
    %get3A_171 = vector.shape_cast %get3A_170 : vector<1x512x128xf32> to vector<512x128xf32>
    %concatenate3A_172 = tpu.concatenate %get3A_171, %add3A_160 in 1 : vector<512x128xf32>, vector<512x128xf32> -> vector<512x256xf32>
    %dot_general3A_173 = arith.constant dense<0.000000e+00> : vector<512x512xf32>
    %dot_general3A_174 = tpu.matmul %concatenate3A_172, %get3A_6, %dot_general3A_173 {dimension_numbers = #tpu.dot_dimension_numbers<[1], [0], [0], [1], [0, 0, 1, 1], [], []>, transpose_lhs_hint = false} : vector<512x256xf32>, vector<256x512xf32>, vector<512x512xf32> -> vector<512x512xf32>
    %add3A_175 = vector.broadcast %get3A_9 : vector<1x512xf32> to vector<512x512xf32>
    %add3A_176 = arith.addf %dot_general3A_174, %add3A_175 : vector<512x512xf32>
    %slice3A_177 = vector.extract_strided_slice %add3A_176 {offsets = [0, 0], sizes = [512, 128], strides = [1, 1]} : vector<512x512xf32> to vector<512x128xf32>
    %tanh3A_178 = math.tanh %slice3A_177 : vector<512x128xf32>
    %slice3A_179 = vector.extract_strided_slice %add3A_176 {offsets = [0, 128], sizes = [512, 128], strides = [1, 1]} : vector<512x512xf32> to vector<512x128xf32>
    %tanh3A_180 = math.tanh %slice3A_179 : vector<512x128xf32>
    %slice3A_181 = vector.extract_strided_slice %add3A_176 {offsets = [0, 384], sizes = [512, 128], strides = [1, 1]} : vector<512x512xf32> to vector<512x128xf32>
    %slice3A_182 = vector.extract_strided_slice %add3A_176 {offsets = [0, 256], sizes = [512, 128], strides = [1, 1]} : vector<512x512xf32> to vector<512x128xf32>
    %add3A_183 = arith.addf %slice3A_182, %slice3A_181 : vector<512x128xf32>
    %mul3A_184 = arith.mulf %tanh3A_178, %slice3A_181 : vector<512x128xf32>
    %add3A_185 = arith.addf %add3A_183, %mul3A_184 : vector<512x128xf32>
    %tanh3A_186 = math.tanh %add3A_185 : vector<512x128xf32>
    %sub3A_187 = arith.subf %add3A_160, %tanh3A_186 : vector<512x128xf32>
    %mul3A_188 = arith.mulf %tanh3A_180, %sub3A_187 : vector<512x128xf32>
    %add3A_189 = arith.addf %sub3A_187, %mul3A_188 : vector<512x128xf32>
    %mul3A_190 = arith.constant 5.000000e-01 : f32
    %mul3A_191 = vector.broadcast %mul3A_190 : f32 to vector<512x128xf32>
    %mul3A_192 = arith.mulf %mul3A_191, %add3A_189 : vector<512x128xf32>
    %add3A_193 = arith.addf %tanh3A_186, %mul3A_192 : vector<512x128xf32>
    %swap3A_194 = arith.constant 0 : index
    %swap3A_195 = arith.constant 5 : index
    %swap3A_196 = arith.constant 0 : index
    %swap3A_197 = vector.load %arg7[%swap3A_194, %swap3A_195, %swap3A_196] : memref<512x8x128xf32, #tpu.memory_space<vmem>>, vector<512x1x128xf32>
    %swap3A_198 = vector.shape_cast %swap3A_197 : vector<512x1x128xf32> to vector<512x128xf32>
    %swap3A_199 = vector.shape_cast %add3A_193 : vector<512x128xf32> to vector<512x1x128xf32>
    tpu.vector_store %arg7[%swap3A_194, %swap3A_195, %swap3A_196], %swap3A_199 {strides = array<i32>} : memref<512x8x128xf32, #tpu.memory_space<vmem>>, vector<512x1x128xf32>,
    %get3A_200 = arith.constant 6 : index
    %get3A_201 = arith.constant 0 : index
    %get3A_202 = arith.constant 0 : index
    %get3A_203 = vector.load %arg2[%get3A_200, %get3A_201, %get3A_202] : memref<8x512x128xf32, #tpu.memory_space<vmem>>, vector<1x512x128xf32>
    %get3A_204 = vector.shape_cast %get3A_203 : vector<1x512x128xf32> to vector<512x128xf32>
    %concatenate3A_205 = tpu.concatenate %get3A_204, %add3A_193 in 1 : vector<512x128xf32>, vector<512x128xf32> -> vector<512x256xf32>
    %dot_general3A_206 = arith.constant dense<0.000000e+00> : vector<512x512xf32>
    %dot_general3A_207 = tpu.matmul %concatenate3A_205, %get3A_6, %dot_general3A_206 {dimension_numbers = #tpu.dot_dimension_numbers<[1], [0], [0], [1], [0, 0, 1, 1], [], []>, transpose_lhs_hint = false} : vector<512x256xf32>, vector<256x512xf32>, vector<512x512xf32> -> vector<512x512xf32>
    %add3A_208 = vector.broadcast %get3A_9 : vector<1x512xf32> to vector<512x512xf32>
    %add3A_209 = arith.addf %dot_general3A_207, %add3A_208 : vector<512x512xf32>
    %slice3A_210 = vector.extract_strided_slice %add3A_209 {offsets = [0, 0], sizes = [512, 128], strides = [1, 1]} : vector<512x512xf32> to vector<512x128xf32>
    %tanh3A_211 = math.tanh %slice3A_210 : vector<512x128xf32>
    %slice3A_212 = vector.extract_strided_slice %add3A_209 {offsets = [0, 128], sizes = [512, 128], strides = [1, 1]} : vector<512x512xf32> to vector<512x128xf32>
    %tanh3A_213 = math.tanh %slice3A_212 : vector<512x128xf32>
    %slice3A_214 = vector.extract_strided_slice %add3A_209 {offsets = [0, 384], sizes = [512, 128], strides = [1, 1]} : vector<512x512xf32> to vector<512x128xf32>
    %slice3A_215 = vector.extract_strided_slice %add3A_209 {offsets = [0, 256], sizes = [512, 128], strides = [1, 1]} : vector<512x512xf32> to vector<512x128xf32>
    %add3A_216 = arith.addf %slice3A_215, %slice3A_214 : vector<512x128xf32>
    %mul3A_217 = arith.mulf %tanh3A_211, %slice3A_214 : vector<512x128xf32>
    %add3A_218 = arith.addf %add3A_216, %mul3A_217 : vector<512x128xf32>
    %tanh3A_219 = math.tanh %add3A_218 : vector<512x128xf32>
    %sub3A_220 = arith.subf %add3A_193, %tanh3A_219 : vector<512x128xf32>
    %mul3A_221 = arith.mulf %tanh3A_213, %sub3A_220 : vector<512x128xf32>
    %add3A_222 = arith.addf %sub3A_220, %mul3A_221 : vector<512x128xf32>
    %mul3A_223 = arith.constant 5.000000e-01 : f32
    %mul3A_224 = vector.broadcast %mul3A_223 : f32 to vector<512x128xf32>
    %mul3A_225 = arith.mulf %mul3A_224, %add3A_222 : vector<512x128xf32>
    %add3A_226 = arith.addf %tanh3A_219, %mul3A_225 : vector<512x128xf32>
    %swap3A_227 = arith.constant 0 : index
    %swap3A_228 = arith.constant 6 : index
    %swap3A_229 = arith.constant 0 : index
    %swap3A_230 = vector.load %arg7[%swap3A_227, %swap3A_228, %swap3A_229] : memref<512x8x128xf32, #tpu.memory_space<vmem>>, vector<512x1x128xf32>
    %swap3A_231 = vector.shape_cast %swap3A_230 : vector<512x1x128xf32> to vector<512x128xf32>
    %swap3A_232 = vector.shape_cast %add3A_226 : vector<512x128xf32> to vector<512x1x128xf32>
    tpu.vector_store %arg7[%swap3A_227, %swap3A_228, %swap3A_229], %swap3A_232 {strides = array<i32>} : memref<512x8x128xf32, #tpu.memory_space<vmem>>, vector<512x1x128xf32>,
    %get3A_233 = arith.constant 7 : index
    %get3A_234 = arith.constant 0 : index
    %get3A_235 = arith.constant 0 : index
    %get3A_236 = vector.load %arg2[%get3A_233, %get3A_234, %get3A_235] : memref<8x512x128xf32, #tpu.memory_space<vmem>>, vector<1x512x128xf32>
    %get3A_237 = vector.shape_cast %get3A_236 : vector<1x512x128xf32> to vector<512x128xf32>
    %concatenate3A_238 = tpu.concatenate %get3A_237, %add3A_226 in 1 : vector<512x128xf32>, vector<512x128xf32> -> vector<512x256xf32>
    %dot_general3A_239 = arith.constant dense<0.000000e+00> : vector<512x512xf32>
    %dot_general3A_240 = tpu.matmul %concatenate3A_238, %get3A_6, %dot_general3A_239 {dimension_numbers = #tpu.dot_dimension_numbers<[1], [0], [0], [1], [0, 0, 1, 1], [], []>, transpose_lhs_hint = false} : vector<512x256xf32>, vector<256x512xf32>, vector<512x512xf32> -> vector<512x512xf32>
    %add3A_241 = vector.broadcast %get3A_9 : vector<1x512xf32> to vector<512x512xf32>
    %add3A_242 = arith.addf %dot_general3A_240, %add3A_241 : vector<512x512xf32>
    %slice3A_243 = vector.extract_strided_slice %add3A_242 {offsets = [0, 0], sizes = [512, 128], strides = [1, 1]} : vector<512x512xf32> to vector<512x128xf32>
    %tanh3A_244 = math.tanh %slice3A_243 : vector<512x128xf32>
    %slice3A_245 = vector.extract_strided_slice %add3A_242 {offsets = [0, 128], sizes = [512, 128], strides = [1, 1]} : vector<512x512xf32> to vector<512x128xf32>
    %tanh3A_246 = math.tanh %slice3A_245 : vector<512x128xf32>
    %slice3A_247 = vector.extract_strided_slice %add3A_242 {offsets = [0, 384], sizes = [512, 128], strides = [1, 1]} : vector<512x512xf32> to vector<512x128xf32>
    %slice3A_248 = vector.extract_strided_slice %add3A_242 {offsets = [0, 256], sizes = [512, 128], strides = [1, 1]} : vector<512x512xf32> to vector<512x128xf32>
    %add3A_249 = arith.addf %slice3A_248, %slice3A_247 : vector<512x128xf32>
    %mul3A_250 = arith.mulf %tanh3A_244, %slice3A_247 : vector<512x128xf32>
    %add3A_251 = arith.addf %add3A_249, %mul3A_250 : vector<512x128xf32>
    %tanh3A_252 = math.tanh %add3A_251 : vector<512x128xf32>
    %sub3A_253 = arith.subf %add3A_226, %tanh3A_252 : vector<512x128xf32>
    %mul3A_254 = arith.mulf %tanh3A_246, %sub3A_253 : vector<512x128xf32>
    %add3A_255 = arith.addf %sub3A_253, %mul3A_254 : vector<512x128xf32>
    %mul3A_256 = arith.constant 5.000000e-01 : f32
    %mul3A_257 = vector.broadcast %mul3A_256 : f32 to vector<512x128xf32>
    %mul3A_258 = arith.mulf %mul3A_257, %add3A_255 : vector<512x128xf32>
    %add3A_259 = arith.addf %tanh3A_252, %mul3A_258 : vector<512x128xf32>
    %swap3A_260 = arith.constant 0 : index
    %swap3A_261 = arith.constant 7 : index
    %swap3A_262 = arith.constant 0 : index
    %swap3A_263 = vector.load %arg7[%swap3A_260, %swap3A_261, %swap3A_262] : memref<512x8x128xf32, #tpu.memory_space<vmem>>, vector<512x1x128xf32>
    %swap3A_264 = vector.shape_cast %swap3A_263 : vector<512x1x128xf32> to vector<512x128xf32>
    %swap3A_265 = vector.shape_cast %add3A_259 : vector<512x128xf32> to vector<512x1x128xf32>
    tpu.vector_store %arg7[%swap3A_260, %swap3A_261, %swap3A_262], %swap3A_265 {strides = array<i32>} : memref<512x8x128xf32, #tpu.memory_space<vmem>>, vector<512x1x128xf32>,
    %swap3A_266 = arith.constant 0 : index
    %swap3A_267 = arith.constant 0 : index
    %swap3A_268 = vector.load %arg9[%swap3A_266, %swap3A_267] : memref<512x128xf32, #tpu.memory_space<vmem>>, vector<512x128xf32>
    tpu.vector_store %arg9[%swap3A_266, %swap3A_267], %add3A_259 {strides = array<i32>} : memref<512x128xf32, #tpu.memory_space<vmem>>, vector<512x128xf32>,
    %swap3A_269 = arith.constant 0 : index
    %swap3A_270 = arith.constant 0 : index
    %swap3A_271 = vector.load %arg8[%swap3A_269, %swap3A_270] : memref<512x128xf32, #tpu.memory_space<vmem>>, vector<512x128xf32>
    tpu.vector_store %arg8[%swap3A_269, %swap3A_270], %add3A_259 {strides = array<i32>} : memref<512x128xf32, #tpu.memory_space<vmem>>, vector<512x128xf32>,
    return
  }
  func.func @transform_0(%arg0: i32, %arg1: i32) -> (i32, i32, i32) {
    %c0_i32 = arith.constant 0 : i32
    %c0_i32_0 = arith.constant 0 : i32
    return %arg1, %arg0, %c0_i32 : i32, i32, i32
  }
  func.func @transform_1(%arg0: i32, %arg1: i32) -> (i32, i32) {
    %c0_i32 = arith.constant 0 : i32
    %c0_i32_0 = arith.constant 0 : i32
    %c0_i32_1 = arith.constant 0 : i32
    return %c0_i32, %c0_i32_0 : i32, i32
  }
  func.func @transform_2(%arg0: i32, %arg1: i32) -> (i32, i32) {
    %c0_i32 = arith.constant 0 : i32
    %c0_i32_0 = arith.constant 0 : i32
    %c0_i32_1 = arith.constant 0 : i32
    return %c0_i32, %c0_i32_0 : i32, i32
  }
  func.func @transform_3(%arg0: i32, %arg1: i32) -> (i32, i32) {
    %c0_i32 = arith.constant 0 : i32
    %c0_i32_0 = arith.constant 0 : i32
    return %arg0, %c0_i32 : i32, i32
  }
  func.func @transform_5(%arg0: i32, %arg1: i32) -> (i32, i32, i32) {
    %add3A = arith.constant 5 : i32
    %add3A_0 = arith.addi %arg1, %add3A : i32
    %c0_i32 = arith.constant 0 : i32
    %c0_i32_1 = arith.constant 0 : i32
    return %arg0, %add3A_0, %c0_i32 : i32, i32, i32
  }
  func.func @transform_6(%arg0: i32, %arg1: i32) -> (i32, i32) {
    %c0_i32 = arith.constant 0 : i32
    %c0_i32_0 = arith.constant 0 : i32
    return %arg0, %c0_i32 : i32, i32
  }
}

module attributes {stable_mosaic.version = 14 : i64} {
  func.func @_gru_chunk_body(%arg0: i32, %arg1: i32, %arg2: memref<8x512x128xf32, #tpu.memory_space<vmem>>, %arg3: memref<256x512xf32, #tpu.memory_space<vmem>>, %arg4: memref<1x512xf32, #tpu.memory_space<vmem>>, %arg5: memref<512x128xf32, #tpu.memory_space<vmem>>, %arg6: memref<1024x200x128xf32, #tpu.memory_space<any>>, %arg7: memref<512x8x128xf32, #tpu.memory_space<vmem>>, %arg8: memref<512x128xf32, #tpu.memory_space<vmem>>, %arg9: memref<512x128xf32, #tpu.memory_space<vmem>>) attributes {dimension_semantics = [#tpu.dimension_semantics<arbitrary>, #tpu.dimension_semantics<arbitrary>], iteration_bounds = array<i64: 2, 5>, scalar_prefetch = 0 : i64, scratch_operands = 1 : i64, tpu.core_type = #tpu.core_type<tc>, window_params = [{transform_indices = @transform_0, window_bounds = array<i64: 8, 512, 128>}, {pipeline_mode = #tpu.pipeline_mode<synchronous>, transform_indices = @transform_1, window_bounds = array<i64: 256, 512>}, {pipeline_mode = #tpu.pipeline_mode<synchronous>, transform_indices = @transform_2, window_bounds = array<i64: 1, 512>}, {transform_indices = @transform_3, window_bounds = array<i64: 512, 128>}, {}, {transform_indices = @transform_5, window_bounds = array<i64: 512, 8, 128>}, {transform_indices = @transform_6, window_bounds = array<i64: 512, 128>}]} {
    %eq3A = arith.constant 0 : i32
    %eq3A_0 = arith.cmpi eq, %arg1, %eq3A : i32
    %convert_element_type3A = arith.extui %eq3A_0 : i1 to i32
    %cond3A = arith.constant 0 : i32
    %cond3A_1 = arith.cmpi ne, %convert_element_type3A, %cond3A : i32
    scf.if %cond3A_1 {
      %get3A_272 = arith.constant 0 : index
      %get3A_273 = arith.constant 0 : index
      %get3A_274 = vector.load %arg5[%get3A_272, %get3A_273] : memref<512x128xf32, #tpu.memory_space<vmem>>, vector<512x128xf32>
      %swap3A_275 = arith.constant 0 : index
      %swap3A_276 = arith.constant 0 : index
      %swap3A_277 = vector.load %arg9[%swap3A_275, %swap3A_276] : memref<512x128xf32, #tpu.memory_space<vmem>>, vector<512x128xf32>
      tpu.vector_store %arg9[%swap3A_275, %swap3A_276], %get3A_274 {strides = array<i32>} : memref<512x128xf32, #tpu.memory_space<vmem>>, vector<512x128xf32>,
    } else {
    }
    %get3A = arith.constant 0 : index
    %get3A_2 = arith.constant 0 : index
    %get3A_3 = vector.load %arg9[%get3A, %get3A_2] : memref<512x128xf32, #tpu.memory_space<vmem>>, vector<512x128xf32>
    %get3A_4 = arith.constant 0 : index
    %get3A_5 = arith.constant 0 : index
    %get3A_6 = vector.load %arg3[%get3A_4, %get3A_5] : memref<256x512xf32, #tpu.memory_space<vmem>>, vector<256x512xf32>
    %get3A_7 = arith.constant 0 : index
    %get3A_8 = arith.constant 0 : index
    %get3A_9 = vector.load %arg4[%get3A_7, %get3A_8] : memref<1x512xf32, #tpu.memory_space<vmem>>, vector<1x512xf32>
    %get3A_10 = arith.constant 0 : index
    %get3A_11 = arith.constant 0 : index
    %get3A_12 = arith.constant 0 : index
    %get3A_13 = vector.load %arg2[%get3A_10, %get3A_11, %get3A_12] : memref<8x512x128xf32, #tpu.memory_space<vmem>>, vector<1x512x128xf32>
    %get3A_14 = vector.shape_cast %get3A_13 : vector<1x512x128xf32> to vector<512x128xf32>
    %concatenate3A = tpu.concatenate %get3A_14, %get3A_3 in 1 : vector<512x128xf32>, vector<512x128xf32> -> vector<512x256xf32>
    %dot_general3A = arith.constant dense<0.000000e+00> : vector<512x512xf32>
    %dot_general3A_15 = tpu.matmul %concatenate3A, %get3A_6, %dot_general3A {dimension_numbers = #tpu.dot_dimension_numbers<[1], [0], [0], [1], [0, 0, 1, 1], [], []>, transpose_lhs_hint = false} : vector<512x256xf32>, vector<256x512xf32>, vector<512x512xf32> -> vector<512x512xf32>
    %add3A = vector.broadcast %get3A_9 : vector<1x512xf32> to vector<512x512xf32>
    %add3A_16 = arith.addf %dot_general3A_15, %add3A : vector<512x512xf32>
    %slice3A = vector.extract_strided_slice %add3A_16 {offsets = [0, 0], sizes = [512, 128], strides = [1, 1]} : vector<512x512xf32> to vector<512x128xf32>
    %tanh3A = math.tanh %slice3A : vector<512x128xf32>
    %slice3A_17 = vector.extract_strided_slice %add3A_16 {offsets = [0, 128], sizes = [512, 128], strides = [1, 1]} : vector<512x512xf32> to vector<512x128xf32>
    %tanh3A_18 = math.tanh %slice3A_17 : vector<512x128xf32>
    %slice3A_19 = vector.extract_strided_slice %add3A_16 {offsets = [0, 384], sizes = [512, 128], strides = [1, 1]} : vector<512x512xf32> to vector<512x128xf32>
    %slice3A_20 = vector.extract_strided_slice %add3A_16 {offsets = [0, 256], sizes = [512, 128], strides = [1, 1]} : vector<512x512xf32> to vector<512x128xf32>
    %add3A_21 = arith.addf %slice3A_20, %slice3A_19 : vector<512x128xf32>
    %mul3A = arith.mulf %tanh3A, %slice3A_19 : vector<512x128xf32>
    %add3A_22 = arith.addf %add3A_21, %mul3A : vector<512x128xf32>
    %tanh3A_23 = math.tanh %add3A_22 : vector<512x128xf32>
    %sub3A = arith.subf %get3A_3, %tanh3A_23 : vector<512x128xf32>
    %mul3A_24 = arith.mulf %tanh3A_18, %sub3A : vector<512x128xf32>
    %add3A_25 = arith.addf %sub3A, %mul3A_24 : vector<512x128xf32>
    %mul3A_26 = arith.constant 5.000000e-01 : f32
    %mul3A_27 = vector.broadcast %mul3A_26 : f32 to vector<512x128xf32>
    %mul3A_28 = arith.mulf %mul3A_27, %add3A_25 : vector<512x128xf32>
    %add3A_29 = arith.addf %tanh3A_23, %mul3A_28 : vector<512x128xf32>
    %swap3A = arith.constant 0 : index
    %swap3A_30 = arith.constant 0 : index
    %swap3A_31 = arith.constant 0 : index
    %swap3A_32 = vector.load %arg7[%swap3A, %swap3A_30, %swap3A_31] : memref<512x8x128xf32, #tpu.memory_space<vmem>>, vector<512x1x128xf32>
    %swap3A_33 = vector.shape_cast %swap3A_32 : vector<512x1x128xf32> to vector<512x128xf32>
    %swap3A_34 = vector.shape_cast %add3A_29 : vector<512x128xf32> to vector<512x1x128xf32>
    tpu.vector_store %arg7[%swap3A, %swap3A_30, %swap3A_31], %swap3A_34 {strides = array<i32>} : memref<512x8x128xf32, #tpu.memory_space<vmem>>, vector<512x1x128xf32>,
    %get3A_35 = arith.constant 1 : index
    %get3A_36 = arith.constant 0 : index
    %get3A_37 = arith.constant 0 : index
    %get3A_38 = vector.load %arg2[%get3A_35, %get3A_36, %get3A_37] : memref<8x512x128xf32, #tpu.memory_space<vmem>>, vector<1x512x128xf32>
    %get3A_39 = vector.shape_cast %get3A_38 : vector<1x512x128xf32> to vector<512x128xf32>
    %concatenate3A_40 = tpu.concatenate %get3A_39, %add3A_29 in 1 : vector<512x128xf32>, vector<512x128xf32> -> vector<512x256xf32>
    %dot_general3A_41 = arith.constant dense<0.000000e+00> : vector<512x512xf32>
    %dot_general3A_42 = tpu.matmul %concatenate3A_40, %get3A_6, %dot_general3A_41 {dimension_numbers = #tpu.dot_dimension_numbers<[1], [0], [0], [1], [0, 0, 1, 1], [], []>, transpose_lhs_hint = false} : vector<512x256xf32>, vector<256x512xf32>, vector<512x512xf32> -> vector<512x512xf32>
    %add3A_43 = vector.broadcast %get3A_9 : vector<1x512xf32> to vector<512x512xf32>
    %add3A_44 = arith.addf %dot_general3A_42, %add3A_43 : vector<512x512xf32>
    %slice3A_45 = vector.extract_strided_slice %add3A_44 {offsets = [0, 0], sizes = [512, 128], strides = [1, 1]} : vector<512x512xf32> to vector<512x128xf32>
    %tanh3A_46 = math.tanh %slice3A_45 : vector<512x128xf32>
    %slice3A_47 = vector.extract_strided_slice %add3A_44 {offsets = [0, 128], sizes = [512, 128], strides = [1, 1]} : vector<512x512xf32> to vector<512x128xf32>
    %tanh3A_48 = math.tanh %slice3A_47 : vector<512x128xf32>
    %slice3A_49 = vector.extract_strided_slice %add3A_44 {offsets = [0, 384], sizes = [512, 128], strides = [1, 1]} : vector<512x512xf32> to vector<512x128xf32>
    %slice3A_50 = vector.extract_strided_slice %add3A_44 {offsets = [0, 256], sizes = [512, 128], strides = [1, 1]} : vector<512x512xf32> to vector<512x128xf32>
    %add3A_51 = arith.addf %slice3A_50, %slice3A_49 : vector<512x128xf32>
    %mul3A_52 = arith.mulf %tanh3A_46, %slice3A_49 : vector<512x128xf32>
    %add3A_53 = arith.addf %add3A_51, %mul3A_52 : vector<512x128xf32>
    %tanh3A_54 = math.tanh %add3A_53 : vector<512x128xf32>
    %sub3A_55 = arith.subf %add3A_29, %tanh3A_54 : vector<512x128xf32>
    %mul3A_56 = arith.mulf %tanh3A_48, %sub3A_55 : vector<512x128xf32>
    %add3A_57 = arith.addf %sub3A_55, %mul3A_56 : vector<512x128xf32>
    %mul3A_58 = arith.constant 5.000000e-01 : f32
    %mul3A_59 = vector.broadcast %mul3A_58 : f32 to vector<512x128xf32>
    %mul3A_60 = arith.mulf %mul3A_59, %add3A_57 : vector<512x128xf32>
    %add3A_61 = arith.addf %tanh3A_54, %mul3A_60 : vector<512x128xf32>
    %swap3A_62 = arith.constant 0 : index
    %swap3A_63 = arith.constant 1 : index
    %swap3A_64 = arith.constant 0 : index
    %swap3A_65 = vector.load %arg7[%swap3A_62, %swap3A_63, %swap3A_64] : memref<512x8x128xf32, #tpu.memory_space<vmem>>, vector<512x1x128xf32>
    %swap3A_66 = vector.shape_cast %swap3A_65 : vector<512x1x128xf32> to vector<512x128xf32>
    %swap3A_67 = vector.shape_cast %add3A_61 : vector<512x128xf32> to vector<512x1x128xf32>
    tpu.vector_store %arg7[%swap3A_62, %swap3A_63, %swap3A_64], %swap3A_67 {strides = array<i32>} : memref<512x8x128xf32, #tpu.memory_space<vmem>>, vector<512x1x128xf32>,
    %get3A_68 = arith.constant 2 : index
    %get3A_69 = arith.constant 0 : index
    %get3A_70 = arith.constant 0 : index
    %get3A_71 = vector.load %arg2[%get3A_68, %get3A_69, %get3A_70] : memref<8x512x128xf32, #tpu.memory_space<vmem>>, vector<1x512x128xf32>
    %get3A_72 = vector.shape_cast %get3A_71 : vector<1x512x128xf32> to vector<512x128xf32>
    %concatenate3A_73 = tpu.concatenate %get3A_72, %add3A_61 in 1 : vector<512x128xf32>, vector<512x128xf32> -> vector<512x256xf32>
    %dot_general3A_74 = arith.constant dense<0.000000e+00> : vector<512x512xf32>
    %dot_general3A_75 = tpu.matmul %concatenate3A_73, %get3A_6, %dot_general3A_74 {dimension_numbers = #tpu.dot_dimension_numbers<[1], [0], [0], [1], [0, 0, 1, 1], [], []>, transpose_lhs_hint = false} : vector<512x256xf32>, vector<256x512xf32>, vector<512x512xf32> -> vector<512x512xf32>
    %add3A_76 = vector.broadcast %get3A_9 : vector<1x512xf32> to vector<512x512xf32>
    %add3A_77 = arith.addf %dot_general3A_75, %add3A_76 : vector<512x512xf32>
    %slice3A_78 = vector.extract_strided_slice %add3A_77 {offsets = [0, 0], sizes = [512, 128], strides = [1, 1]} : vector<512x512xf32> to vector<512x128xf32>
    %tanh3A_79 = math.tanh %slice3A_78 : vector<512x128xf32>
    %slice3A_80 = vector.extract_strided_slice %add3A_77 {offsets = [0, 128], sizes = [512, 128], strides = [1, 1]} : vector<512x512xf32> to vector<512x128xf32>
    %tanh3A_81 = math.tanh %slice3A_80 : vector<512x128xf32>
    %slice3A_82 = vector.extract_strided_slice %add3A_77 {offsets = [0, 384], sizes = [512, 128], strides = [1, 1]} : vector<512x512xf32> to vector<512x128xf32>
    %slice3A_83 = vector.extract_strided_slice %add3A_77 {offsets = [0, 256], sizes = [512, 128], strides = [1, 1]} : vector<512x512xf32> to vector<512x128xf32>
    %add3A_84 = arith.addf %slice3A_83, %slice3A_82 : vector<512x128xf32>
    %mul3A_85 = arith.mulf %tanh3A_79, %slice3A_82 : vector<512x128xf32>
    %add3A_86 = arith.addf %add3A_84, %mul3A_85 : vector<512x128xf32>
    %tanh3A_87 = math.tanh %add3A_86 : vector<512x128xf32>
    %sub3A_88 = arith.subf %add3A_61, %tanh3A_87 : vector<512x128xf32>
    %mul3A_89 = arith.mulf %tanh3A_81, %sub3A_88 : vector<512x128xf32>
    %add3A_90 = arith.addf %sub3A_88, %mul3A_89 : vector<512x128xf32>
    %mul3A_91 = arith.constant 5.000000e-01 : f32
    %mul3A_92 = vector.broadcast %mul3A_91 : f32 to vector<512x128xf32>
    %mul3A_93 = arith.mulf %mul3A_92, %add3A_90 : vector<512x128xf32>
    %add3A_94 = arith.addf %tanh3A_87, %mul3A_93 : vector<512x128xf32>
    %swap3A_95 = arith.constant 0 : index
    %swap3A_96 = arith.constant 2 : index
    %swap3A_97 = arith.constant 0 : index
    %swap3A_98 = vector.load %arg7[%swap3A_95, %swap3A_96, %swap3A_97] : memref<512x8x128xf32, #tpu.memory_space<vmem>>, vector<512x1x128xf32>
    %swap3A_99 = vector.shape_cast %swap3A_98 : vector<512x1x128xf32> to vector<512x128xf32>
    %swap3A_100 = vector.shape_cast %add3A_94 : vector<512x128xf32> to vector<512x1x128xf32>
    tpu.vector_store %arg7[%swap3A_95, %swap3A_96, %swap3A_97], %swap3A_100 {strides = array<i32>} : memref<512x8x128xf32, #tpu.memory_space<vmem>>, vector<512x1x128xf32>,
    %get3A_101 = arith.constant 3 : index
    %get3A_102 = arith.constant 0 : index
    %get3A_103 = arith.constant 0 : index
    %get3A_104 = vector.load %arg2[%get3A_101, %get3A_102, %get3A_103] : memref<8x512x128xf32, #tpu.memory_space<vmem>>, vector<1x512x128xf32>
    %get3A_105 = vector.shape_cast %get3A_104 : vector<1x512x128xf32> to vector<512x128xf32>
    %concatenate3A_106 = tpu.concatenate %get3A_105, %add3A_94 in 1 : vector<512x128xf32>, vector<512x128xf32> -> vector<512x256xf32>
    %dot_general3A_107 = arith.constant dense<0.000000e+00> : vector<512x512xf32>
    %dot_general3A_108 = tpu.matmul %concatenate3A_106, %get3A_6, %dot_general3A_107 {dimension_numbers = #tpu.dot_dimension_numbers<[1], [0], [0], [1], [0, 0, 1, 1], [], []>, transpose_lhs_hint = false} : vector<512x256xf32>, vector<256x512xf32>, vector<512x512xf32> -> vector<512x512xf32>
    %add3A_109 = vector.broadcast %get3A_9 : vector<1x512xf32> to vector<512x512xf32>
    %add3A_110 = arith.addf %dot_general3A_108, %add3A_109 : vector<512x512xf32>
    %slice3A_111 = vector.extract_strided_slice %add3A_110 {offsets = [0, 0], sizes = [512, 128], strides = [1, 1]} : vector<512x512xf32> to vector<512x128xf32>
    %tanh3A_112 = math.tanh %slice3A_111 : vector<512x128xf32>
    %slice3A_113 = vector.extract_strided_slice %add3A_110 {offsets = [0, 128], sizes = [512, 128], strides = [1, 1]} : vector<512x512xf32> to vector<512x128xf32>
    %tanh3A_114 = math.tanh %slice3A_113 : vector<512x128xf32>
    %slice3A_115 = vector.extract_strided_slice %add3A_110 {offsets = [0, 384], sizes = [512, 128], strides = [1, 1]} : vector<512x512xf32> to vector<512x128xf32>
    %slice3A_116 = vector.extract_strided_slice %add3A_110 {offsets = [0, 256], sizes = [512, 128], strides = [1, 1]} : vector<512x512xf32> to vector<512x128xf32>
    %add3A_117 = arith.addf %slice3A_116, %slice3A_115 : vector<512x128xf32>
    %mul3A_118 = arith.mulf %tanh3A_112, %slice3A_115 : vector<512x128xf32>
    %add3A_119 = arith.addf %add3A_117, %mul3A_118 : vector<512x128xf32>
    %tanh3A_120 = math.tanh %add3A_119 : vector<512x128xf32>
    %sub3A_121 = arith.subf %add3A_94, %tanh3A_120 : vector<512x128xf32>
    %mul3A_122 = arith.mulf %tanh3A_114, %sub3A_121 : vector<512x128xf32>
    %add3A_123 = arith.addf %sub3A_121, %mul3A_122 : vector<512x128xf32>
    %mul3A_124 = arith.constant 5.000000e-01 : f32
    %mul3A_125 = vector.broadcast %mul3A_124 : f32 to vector<512x128xf32>
    %mul3A_126 = arith.mulf %mul3A_125, %add3A_123 : vector<512x128xf32>
    %add3A_127 = arith.addf %tanh3A_120, %mul3A_126 : vector<512x128xf32>
    %swap3A_128 = arith.constant 0 : index
    %swap3A_129 = arith.constant 3 : index
    %swap3A_130 = arith.constant 0 : index
    %swap3A_131 = vector.load %arg7[%swap3A_128, %swap3A_129, %swap3A_130] : memref<512x8x128xf32, #tpu.memory_space<vmem>>, vector<512x1x128xf32>
    %swap3A_132 = vector.shape_cast %swap3A_131 : vector<512x1x128xf32> to vector<512x128xf32>
    %swap3A_133 = vector.shape_cast %add3A_127 : vector<512x128xf32> to vector<512x1x128xf32>
    tpu.vector_store %arg7[%swap3A_128, %swap3A_129, %swap3A_130], %swap3A_133 {strides = array<i32>} : memref<512x8x128xf32, #tpu.memory_space<vmem>>, vector<512x1x128xf32>,
    %get3A_134 = arith.constant 4 : index
    %get3A_135 = arith.constant 0 : index
    %get3A_136 = arith.constant 0 : index
    %get3A_137 = vector.load %arg2[%get3A_134, %get3A_135, %get3A_136] : memref<8x512x128xf32, #tpu.memory_space<vmem>>, vector<1x512x128xf32>
    %get3A_138 = vector.shape_cast %get3A_137 : vector<1x512x128xf32> to vector<512x128xf32>
    %concatenate3A_139 = tpu.concatenate %get3A_138, %add3A_127 in 1 : vector<512x128xf32>, vector<512x128xf32> -> vector<512x256xf32>
    %dot_general3A_140 = arith.constant dense<0.000000e+00> : vector<512x512xf32>
    %dot_general3A_141 = tpu.matmul %concatenate3A_139, %get3A_6, %dot_general3A_140 {dimension_numbers = #tpu.dot_dimension_numbers<[1], [0], [0], [1], [0, 0, 1, 1], [], []>, transpose_lhs_hint = false} : vector<512x256xf32>, vector<256x512xf32>, vector<512x512xf32> -> vector<512x512xf32>
    %add3A_142 = vector.broadcast %get3A_9 : vector<1x512xf32> to vector<512x512xf32>
    %add3A_143 = arith.addf %dot_general3A_141, %add3A_142 : vector<512x512xf32>
    %slice3A_144 = vector.extract_strided_slice %add3A_143 {offsets = [0, 0], sizes = [512, 128], strides = [1, 1]} : vector<512x512xf32> to vector<512x128xf32>
    %tanh3A_145 = math.tanh %slice3A_144 : vector<512x128xf32>
    %slice3A_146 = vector.extract_strided_slice %add3A_143 {offsets = [0, 128], sizes = [512, 128], strides = [1, 1]} : vector<512x512xf32> to vector<512x128xf32>
    %tanh3A_147 = math.tanh %slice3A_146 : vector<512x128xf32>
    %slice3A_148 = vector.extract_strided_slice %add3A_143 {offsets = [0, 384], sizes = [512, 128], strides = [1, 1]} : vector<512x512xf32> to vector<512x128xf32>
    %slice3A_149 = vector.extract_strided_slice %add3A_143 {offsets = [0, 256], sizes = [512, 128], strides = [1, 1]} : vector<512x512xf32> to vector<512x128xf32>
    %add3A_150 = arith.addf %slice3A_149, %slice3A_148 : vector<512x128xf32>
    %mul3A_151 = arith.mulf %tanh3A_145, %slice3A_148 : vector<512x128xf32>
    %add3A_152 = arith.addf %add3A_150, %mul3A_151 : vector<512x128xf32>
    %tanh3A_153 = math.tanh %add3A_152 : vector<512x128xf32>
    %sub3A_154 = arith.subf %add3A_127, %tanh3A_153 : vector<512x128xf32>
    %mul3A_155 = arith.mulf %tanh3A_147, %sub3A_154 : vector<512x128xf32>
    %add3A_156 = arith.addf %sub3A_154, %mul3A_155 : vector<512x128xf32>
    %mul3A_157 = arith.constant 5.000000e-01 : f32
    %mul3A_158 = vector.broadcast %mul3A_157 : f32 to vector<512x128xf32>
    %mul3A_159 = arith.mulf %mul3A_158, %add3A_156 : vector<512x128xf32>
    %add3A_160 = arith.addf %tanh3A_153, %mul3A_159 : vector<512x128xf32>
    %swap3A_161 = arith.constant 0 : index
    %swap3A_162 = arith.constant 4 : index
    %swap3A_163 = arith.constant 0 : index
    %swap3A_164 = vector.load %arg7[%swap3A_161, %swap3A_162, %swap3A_163] : memref<512x8x128xf32, #tpu.memory_space<vmem>>, vector<512x1x128xf32>
    %swap3A_165 = vector.shape_cast %swap3A_164 : vector<512x1x128xf32> to vector<512x128xf32>
    %swap3A_166 = vector.shape_cast %add3A_160 : vector<512x128xf32> to vector<512x1x128xf32>
    tpu.vector_store %arg7[%swap3A_161, %swap3A_162, %swap3A_163], %swap3A_166 {strides = array<i32>} : memref<512x8x128xf32, #tpu.memory_space<vmem>>, vector<512x1x128xf32>,
    %get3A_167 = arith.constant 5 : index
    %get3A_168 = arith.constant 0 : index
    %get3A_169 = arith.constant 0 : index
    %get3A_170 = vector.load %arg2[%get3A_167, %get3A_168, %get3A_169] : memref<8x512x128xf32, #tpu.memory_space<vmem>>, vector<1x512x128xf32>
    %get3A_171 = vector.shape_cast %get3A_170 : vector<1x512x128xf32> to vector<512x128xf32>
    %concatenate3A_172 = tpu.concatenate %get3A_171, %add3A_160 in 1 : vector<512x128xf32>, vector<512x128xf32> -> vector<512x256xf32>
    %dot_general3A_173 = arith.constant dense<0.000000e+00> : vector<512x512xf32>
    %dot_general3A_174 = tpu.matmul %concatenate3A_172, %get3A_6, %dot_general3A_173 {dimension_numbers = #tpu.dot_dimension_numbers<[1], [0], [0], [1], [0, 0, 1, 1], [], []>, transpose_lhs_hint = false} : vector<512x256xf32>, vector<256x512xf32>, vector<512x512xf32> -> vector<512x512xf32>
    %add3A_175 = vector.broadcast %get3A_9 : vector<1x512xf32> to vector<512x512xf32>
    %add3A_176 = arith.addf %dot_general3A_174, %add3A_175 : vector<512x512xf32>
    %slice3A_177 = vector.extract_strided_slice %add3A_176 {offsets = [0, 0], sizes = [512, 128], strides = [1, 1]} : vector<512x512xf32> to vector<512x128xf32>
    %tanh3A_178 = math.tanh %slice3A_177 : vector<512x128xf32>
    %slice3A_179 = vector.extract_strided_slice %add3A_176 {offsets = [0, 128], sizes = [512, 128], strides = [1, 1]} : vector<512x512xf32> to vector<512x128xf32>
    %tanh3A_180 = math.tanh %slice3A_179 : vector<512x128xf32>
    %slice3A_181 = vector.extract_strided_slice %add3A_176 {offsets = [0, 384], sizes = [512, 128], strides = [1, 1]} : vector<512x512xf32> to vector<512x128xf32>
    %slice3A_182 = vector.extract_strided_slice %add3A_176 {offsets = [0, 256], sizes = [512, 128], strides = [1, 1]} : vector<512x512xf32> to vector<512x128xf32>
    %add3A_183 = arith.addf %slice3A_182, %slice3A_181 : vector<512x128xf32>
    %mul3A_184 = arith.mulf %tanh3A_178, %slice3A_181 : vector<512x128xf32>
    %add3A_185 = arith.addf %add3A_183, %mul3A_184 : vector<512x128xf32>
    %tanh3A_186 = math.tanh %add3A_185 : vector<512x128xf32>
    %sub3A_187 = arith.subf %add3A_160, %tanh3A_186 : vector<512x128xf32>
    %mul3A_188 = arith.mulf %tanh3A_180, %sub3A_187 : vector<512x128xf32>
    %add3A_189 = arith.addf %sub3A_187, %mul3A_188 : vector<512x128xf32>
    %mul3A_190 = arith.constant 5.000000e-01 : f32
    %mul3A_191 = vector.broadcast %mul3A_190 : f32 to vector<512x128xf32>
    %mul3A_192 = arith.mulf %mul3A_191, %add3A_189 : vector<512x128xf32>
    %add3A_193 = arith.addf %tanh3A_186, %mul3A_192 : vector<512x128xf32>
    %swap3A_194 = arith.constant 0 : index
    %swap3A_195 = arith.constant 5 : index
    %swap3A_196 = arith.constant 0 : index
    %swap3A_197 = vector.load %arg7[%swap3A_194, %swap3A_195, %swap3A_196] : memref<512x8x128xf32, #tpu.memory_space<vmem>>, vector<512x1x128xf32>
    %swap3A_198 = vector.shape_cast %swap3A_197 : vector<512x1x128xf32> to vector<512x128xf32>
    %swap3A_199 = vector.shape_cast %add3A_193 : vector<512x128xf32> to vector<512x1x128xf32>
    tpu.vector_store %arg7[%swap3A_194, %swap3A_195, %swap3A_196], %swap3A_199 {strides = array<i32>} : memref<512x8x128xf32, #tpu.memory_space<vmem>>, vector<512x1x128xf32>,
    %get3A_200 = arith.constant 6 : index
    %get3A_201 = arith.constant 0 : index
    %get3A_202 = arith.constant 0 : index
    %get3A_203 = vector.load %arg2[%get3A_200, %get3A_201, %get3A_202] : memref<8x512x128xf32, #tpu.memory_space<vmem>>, vector<1x512x128xf32>
    %get3A_204 = vector.shape_cast %get3A_203 : vector<1x512x128xf32> to vector<512x128xf32>
    %concatenate3A_205 = tpu.concatenate %get3A_204, %add3A_193 in 1 : vector<512x128xf32>, vector<512x128xf32> -> vector<512x256xf32>
    %dot_general3A_206 = arith.constant dense<0.000000e+00> : vector<512x512xf32>
    %dot_general3A_207 = tpu.matmul %concatenate3A_205, %get3A_6, %dot_general3A_206 {dimension_numbers = #tpu.dot_dimension_numbers<[1], [0], [0], [1], [0, 0, 1, 1], [], []>, transpose_lhs_hint = false} : vector<512x256xf32>, vector<256x512xf32>, vector<512x512xf32> -> vector<512x512xf32>
    %add3A_208 = vector.broadcast %get3A_9 : vector<1x512xf32> to vector<512x512xf32>
    %add3A_209 = arith.addf %dot_general3A_207, %add3A_208 : vector<512x512xf32>
    %slice3A_210 = vector.extract_strided_slice %add3A_209 {offsets = [0, 0], sizes = [512, 128], strides = [1, 1]} : vector<512x512xf32> to vector<512x128xf32>
    %tanh3A_211 = math.tanh %slice3A_210 : vector<512x128xf32>
    %slice3A_212 = vector.extract_strided_slice %add3A_209 {offsets = [0, 128], sizes = [512, 128], strides = [1, 1]} : vector<512x512xf32> to vector<512x128xf32>
    %tanh3A_213 = math.tanh %slice3A_212 : vector<512x128xf32>
    %slice3A_214 = vector.extract_strided_slice %add3A_209 {offsets = [0, 384], sizes = [512, 128], strides = [1, 1]} : vector<512x512xf32> to vector<512x128xf32>
    %slice3A_215 = vector.extract_strided_slice %add3A_209 {offsets = [0, 256], sizes = [512, 128], strides = [1, 1]} : vector<512x512xf32> to vector<512x128xf32>
    %add3A_216 = arith.addf %slice3A_215, %slice3A_214 : vector<512x128xf32>
    %mul3A_217 = arith.mulf %tanh3A_211, %slice3A_214 : vector<512x128xf32>
    %add3A_218 = arith.addf %add3A_216, %mul3A_217 : vector<512x128xf32>
    %tanh3A_219 = math.tanh %add3A_218 : vector<512x128xf32>
    %sub3A_220 = arith.subf %add3A_193, %tanh3A_219 : vector<512x128xf32>
    %mul3A_221 = arith.mulf %tanh3A_213, %sub3A_220 : vector<512x128xf32>
    %add3A_222 = arith.addf %sub3A_220, %mul3A_221 : vector<512x128xf32>
    %mul3A_223 = arith.constant 5.000000e-01 : f32
    %mul3A_224 = vector.broadcast %mul3A_223 : f32 to vector<512x128xf32>
    %mul3A_225 = arith.mulf %mul3A_224, %add3A_222 : vector<512x128xf32>
    %add3A_226 = arith.addf %tanh3A_219, %mul3A_225 : vector<512x128xf32>
    %swap3A_227 = arith.constant 0 : index
    %swap3A_228 = arith.constant 6 : index
    %swap3A_229 = arith.constant 0 : index
    %swap3A_230 = vector.load %arg7[%swap3A_227, %swap3A_228, %swap3A_229] : memref<512x8x128xf32, #tpu.memory_space<vmem>>, vector<512x1x128xf32>
    %swap3A_231 = vector.shape_cast %swap3A_230 : vector<512x1x128xf32> to vector<512x128xf32>
    %swap3A_232 = vector.shape_cast %add3A_226 : vector<512x128xf32> to vector<512x1x128xf32>
    tpu.vector_store %arg7[%swap3A_227, %swap3A_228, %swap3A_229], %swap3A_232 {strides = array<i32>} : memref<512x8x128xf32, #tpu.memory_space<vmem>>, vector<512x1x128xf32>,
    %get3A_233 = arith.constant 7 : index
    %get3A_234 = arith.constant 0 : index
    %get3A_235 = arith.constant 0 : index
    %get3A_236 = vector.load %arg2[%get3A_233, %get3A_234, %get3A_235] : memref<8x512x128xf32, #tpu.memory_space<vmem>>, vector<1x512x128xf32>
    %get3A_237 = vector.shape_cast %get3A_236 : vector<1x512x128xf32> to vector<512x128xf32>
    %concatenate3A_238 = tpu.concatenate %get3A_237, %add3A_226 in 1 : vector<512x128xf32>, vector<512x128xf32> -> vector<512x256xf32>
    %dot_general3A_239 = arith.constant dense<0.000000e+00> : vector<512x512xf32>
    %dot_general3A_240 = tpu.matmul %concatenate3A_238, %get3A_6, %dot_general3A_239 {dimension_numbers = #tpu.dot_dimension_numbers<[1], [0], [0], [1], [0, 0, 1, 1], [], []>, transpose_lhs_hint = false} : vector<512x256xf32>, vector<256x512xf32>, vector<512x512xf32> -> vector<512x512xf32>
    %add3A_241 = vector.broadcast %get3A_9 : vector<1x512xf32> to vector<512x512xf32>
    %add3A_242 = arith.addf %dot_general3A_240, %add3A_241 : vector<512x512xf32>
    %slice3A_243 = vector.extract_strided_slice %add3A_242 {offsets = [0, 0], sizes = [512, 128], strides = [1, 1]} : vector<512x512xf32> to vector<512x128xf32>
    %tanh3A_244 = math.tanh %slice3A_243 : vector<512x128xf32>
    %slice3A_245 = vector.extract_strided_slice %add3A_242 {offsets = [0, 128], sizes = [512, 128], strides = [1, 1]} : vector<512x512xf32> to vector<512x128xf32>
    %tanh3A_246 = math.tanh %slice3A_245 : vector<512x128xf32>
    %slice3A_247 = vector.extract_strided_slice %add3A_242 {offsets = [0, 384], sizes = [512, 128], strides = [1, 1]} : vector<512x512xf32> to vector<512x128xf32>
    %slice3A_248 = vector.extract_strided_slice %add3A_242 {offsets = [0, 256], sizes = [512, 128], strides = [1, 1]} : vector<512x512xf32> to vector<512x128xf32>
    %add3A_249 = arith.addf %slice3A_248, %slice3A_247 : vector<512x128xf32>
    %mul3A_250 = arith.mulf %tanh3A_244, %slice3A_247 : vector<512x128xf32>
    %add3A_251 = arith.addf %add3A_249, %mul3A_250 : vector<512x128xf32>
    %tanh3A_252 = math.tanh %add3A_251 : vector<512x128xf32>
    %sub3A_253 = arith.subf %add3A_226, %tanh3A_252 : vector<512x128xf32>
    %mul3A_254 = arith.mulf %tanh3A_246, %sub3A_253 : vector<512x128xf32>
    %add3A_255 = arith.addf %sub3A_253, %mul3A_254 : vector<512x128xf32>
    %mul3A_256 = arith.constant 5.000000e-01 : f32
    %mul3A_257 = vector.broadcast %mul3A_256 : f32 to vector<512x128xf32>
    %mul3A_258 = arith.mulf %mul3A_257, %add3A_255 : vector<512x128xf32>
    %add3A_259 = arith.addf %tanh3A_252, %mul3A_258 : vector<512x128xf32>
    %swap3A_260 = arith.constant 0 : index
    %swap3A_261 = arith.constant 7 : index
    %swap3A_262 = arith.constant 0 : index
    %swap3A_263 = vector.load %arg7[%swap3A_260, %swap3A_261, %swap3A_262] : memref<512x8x128xf32, #tpu.memory_space<vmem>>, vector<512x1x128xf32>
    %swap3A_264 = vector.shape_cast %swap3A_263 : vector<512x1x128xf32> to vector<512x128xf32>
    %swap3A_265 = vector.shape_cast %add3A_259 : vector<512x128xf32> to vector<512x1x128xf32>
    tpu.vector_store %arg7[%swap3A_260, %swap3A_261, %swap3A_262], %swap3A_265 {strides = array<i32>} : memref<512x8x128xf32, #tpu.memory_space<vmem>>, vector<512x1x128xf32>,
    %swap3A_266 = arith.constant 0 : index
    %swap3A_267 = arith.constant 0 : index
    %swap3A_268 = vector.load %arg9[%swap3A_266, %swap3A_267] : memref<512x128xf32, #tpu.memory_space<vmem>>, vector<512x128xf32>
    tpu.vector_store %arg9[%swap3A_266, %swap3A_267], %add3A_259 {strides = array<i32>} : memref<512x128xf32, #tpu.memory_space<vmem>>, vector<512x128xf32>,
    %swap3A_269 = arith.constant 0 : index
    %swap3A_270 = arith.constant 0 : index
    %swap3A_271 = vector.load %arg8[%swap3A_269, %swap3A_270] : memref<512x128xf32, #tpu.memory_space<vmem>>, vector<512x128xf32>
    tpu.vector_store %arg8[%swap3A_269, %swap3A_270], %add3A_259 {strides = array<i32>} : memref<512x128xf32, #tpu.memory_space<vmem>>, vector<512x128xf32>,
    return
  }
  func.func @transform_0(%arg0: i32, %arg1: i32) -> (i32, i32, i32) {
    %c0_i32 = arith.constant 0 : i32
    %c0_i32_0 = arith.constant 0 : i32
    return %arg1, %arg0, %c0_i32 : i32, i32, i32
  }
  func.func @transform_1(%arg0: i32, %arg1: i32) -> (i32, i32) {
    %c0_i32 = arith.constant 0 : i32
    %c0_i32_0 = arith.constant 0 : i32
    %c0_i32_1 = arith.constant 0 : i32
    return %c0_i32, %c0_i32_0 : i32, i32
  }
  func.func @transform_2(%arg0: i32, %arg1: i32) -> (i32, i32) {
    %c0_i32 = arith.constant 0 : i32
    %c0_i32_0 = arith.constant 0 : i32
    %c0_i32_1 = arith.constant 0 : i32
    return %c0_i32, %c0_i32_0 : i32, i32
  }
  func.func @transform_3(%arg0: i32, %arg1: i32) -> (i32, i32) {
    %c0_i32 = arith.constant 0 : i32
    %c0_i32_0 = arith.constant 0 : i32
    return %arg0, %c0_i32 : i32, i32
  }
  func.func @transform_5(%arg0: i32, %arg1: i32) -> (i32, i32, i32) {
    %add3A = arith.constant 10 : i32
    %add3A_0 = arith.addi %arg1, %add3A : i32
    %c0_i32 = arith.constant 0 : i32
    %c0_i32_1 = arith.constant 0 : i32
    return %arg0, %add3A_0, %c0_i32 : i32, i32, i32
  }
  func.func @transform_6(%arg0: i32, %arg1: i32) -> (i32, i32) {
    %c0_i32 = arith.constant 0 : i32
    %c0_i32_0 = arith.constant 0 : i32
    return %arg0, %c0_i32 : i32, i32
  }
}

module attributes {stable_mosaic.version = 14 : i64} {
  func.func @_gru_chunk_body(%arg0: i32, %arg1: i32, %arg2: memref<8x512x128xf32, #tpu.memory_space<vmem>>, %arg3: memref<256x512xf32, #tpu.memory_space<vmem>>, %arg4: memref<1x512xf32, #tpu.memory_space<vmem>>, %arg5: memref<512x128xf32, #tpu.memory_space<vmem>>, %arg6: memref<1024x200x128xf32, #tpu.memory_space<any>>, %arg7: memref<512x8x128xf32, #tpu.memory_space<vmem>>, %arg8: memref<512x128xf32, #tpu.memory_space<vmem>>, %arg9: memref<512x128xf32, #tpu.memory_space<vmem>>) attributes {dimension_semantics = [#tpu.dimension_semantics<arbitrary>, #tpu.dimension_semantics<arbitrary>], iteration_bounds = array<i64: 2, 5>, scalar_prefetch = 0 : i64, scratch_operands = 1 : i64, tpu.core_type = #tpu.core_type<tc>, window_params = [{transform_indices = @transform_0, window_bounds = array<i64: 8, 512, 128>}, {pipeline_mode = #tpu.pipeline_mode<synchronous>, transform_indices = @transform_1, window_bounds = array<i64: 256, 512>}, {pipeline_mode = #tpu.pipeline_mode<synchronous>, transform_indices = @transform_2, window_bounds = array<i64: 1, 512>}, {transform_indices = @transform_3, window_bounds = array<i64: 512, 128>}, {}, {transform_indices = @transform_5, window_bounds = array<i64: 512, 8, 128>}, {transform_indices = @transform_6, window_bounds = array<i64: 512, 128>}]} {
    %eq3A = arith.constant 0 : i32
    %eq3A_0 = arith.cmpi eq, %arg1, %eq3A : i32
    %convert_element_type3A = arith.extui %eq3A_0 : i1 to i32
    %cond3A = arith.constant 0 : i32
    %cond3A_1 = arith.cmpi ne, %convert_element_type3A, %cond3A : i32
    scf.if %cond3A_1 {
      %get3A_272 = arith.constant 0 : index
      %get3A_273 = arith.constant 0 : index
      %get3A_274 = vector.load %arg5[%get3A_272, %get3A_273] : memref<512x128xf32, #tpu.memory_space<vmem>>, vector<512x128xf32>
      %swap3A_275 = arith.constant 0 : index
      %swap3A_276 = arith.constant 0 : index
      %swap3A_277 = vector.load %arg9[%swap3A_275, %swap3A_276] : memref<512x128xf32, #tpu.memory_space<vmem>>, vector<512x128xf32>
      tpu.vector_store %arg9[%swap3A_275, %swap3A_276], %get3A_274 {strides = array<i32>} : memref<512x128xf32, #tpu.memory_space<vmem>>, vector<512x128xf32>,
    } else {
    }
    %get3A = arith.constant 0 : index
    %get3A_2 = arith.constant 0 : index
    %get3A_3 = vector.load %arg9[%get3A, %get3A_2] : memref<512x128xf32, #tpu.memory_space<vmem>>, vector<512x128xf32>
    %get3A_4 = arith.constant 0 : index
    %get3A_5 = arith.constant 0 : index
    %get3A_6 = vector.load %arg3[%get3A_4, %get3A_5] : memref<256x512xf32, #tpu.memory_space<vmem>>, vector<256x512xf32>
    %get3A_7 = arith.constant 0 : index
    %get3A_8 = arith.constant 0 : index
    %get3A_9 = vector.load %arg4[%get3A_7, %get3A_8] : memref<1x512xf32, #tpu.memory_space<vmem>>, vector<1x512xf32>
    %get3A_10 = arith.constant 0 : index
    %get3A_11 = arith.constant 0 : index
    %get3A_12 = arith.constant 0 : index
    %get3A_13 = vector.load %arg2[%get3A_10, %get3A_11, %get3A_12] : memref<8x512x128xf32, #tpu.memory_space<vmem>>, vector<1x512x128xf32>
    %get3A_14 = vector.shape_cast %get3A_13 : vector<1x512x128xf32> to vector<512x128xf32>
    %concatenate3A = tpu.concatenate %get3A_14, %get3A_3 in 1 : vector<512x128xf32>, vector<512x128xf32> -> vector<512x256xf32>
    %dot_general3A = arith.constant dense<0.000000e+00> : vector<512x512xf32>
    %dot_general3A_15 = tpu.matmul %concatenate3A, %get3A_6, %dot_general3A {dimension_numbers = #tpu.dot_dimension_numbers<[1], [0], [0], [1], [0, 0, 1, 1], [], []>, transpose_lhs_hint = false} : vector<512x256xf32>, vector<256x512xf32>, vector<512x512xf32> -> vector<512x512xf32>
    %add3A = vector.broadcast %get3A_9 : vector<1x512xf32> to vector<512x512xf32>
    %add3A_16 = arith.addf %dot_general3A_15, %add3A : vector<512x512xf32>
    %slice3A = vector.extract_strided_slice %add3A_16 {offsets = [0, 0], sizes = [512, 128], strides = [1, 1]} : vector<512x512xf32> to vector<512x128xf32>
    %tanh3A = math.tanh %slice3A : vector<512x128xf32>
    %slice3A_17 = vector.extract_strided_slice %add3A_16 {offsets = [0, 128], sizes = [512, 128], strides = [1, 1]} : vector<512x512xf32> to vector<512x128xf32>
    %tanh3A_18 = math.tanh %slice3A_17 : vector<512x128xf32>
    %slice3A_19 = vector.extract_strided_slice %add3A_16 {offsets = [0, 384], sizes = [512, 128], strides = [1, 1]} : vector<512x512xf32> to vector<512x128xf32>
    %slice3A_20 = vector.extract_strided_slice %add3A_16 {offsets = [0, 256], sizes = [512, 128], strides = [1, 1]} : vector<512x512xf32> to vector<512x128xf32>
    %add3A_21 = arith.addf %slice3A_20, %slice3A_19 : vector<512x128xf32>
    %mul3A = arith.mulf %tanh3A, %slice3A_19 : vector<512x128xf32>
    %add3A_22 = arith.addf %add3A_21, %mul3A : vector<512x128xf32>
    %tanh3A_23 = math.tanh %add3A_22 : vector<512x128xf32>
    %sub3A = arith.subf %get3A_3, %tanh3A_23 : vector<512x128xf32>
    %mul3A_24 = arith.mulf %tanh3A_18, %sub3A : vector<512x128xf32>
    %add3A_25 = arith.addf %sub3A, %mul3A_24 : vector<512x128xf32>
    %mul3A_26 = arith.constant 5.000000e-01 : f32
    %mul3A_27 = vector.broadcast %mul3A_26 : f32 to vector<512x128xf32>
    %mul3A_28 = arith.mulf %mul3A_27, %add3A_25 : vector<512x128xf32>
    %add3A_29 = arith.addf %tanh3A_23, %mul3A_28 : vector<512x128xf32>
    %swap3A = arith.constant 0 : index
    %swap3A_30 = arith.constant 0 : index
    %swap3A_31 = arith.constant 0 : index
    %swap3A_32 = vector.load %arg7[%swap3A, %swap3A_30, %swap3A_31] : memref<512x8x128xf32, #tpu.memory_space<vmem>>, vector<512x1x128xf32>
    %swap3A_33 = vector.shape_cast %swap3A_32 : vector<512x1x128xf32> to vector<512x128xf32>
    %swap3A_34 = vector.shape_cast %add3A_29 : vector<512x128xf32> to vector<512x1x128xf32>
    tpu.vector_store %arg7[%swap3A, %swap3A_30, %swap3A_31], %swap3A_34 {strides = array<i32>} : memref<512x8x128xf32, #tpu.memory_space<vmem>>, vector<512x1x128xf32>,
    %get3A_35 = arith.constant 1 : index
    %get3A_36 = arith.constant 0 : index
    %get3A_37 = arith.constant 0 : index
    %get3A_38 = vector.load %arg2[%get3A_35, %get3A_36, %get3A_37] : memref<8x512x128xf32, #tpu.memory_space<vmem>>, vector<1x512x128xf32>
    %get3A_39 = vector.shape_cast %get3A_38 : vector<1x512x128xf32> to vector<512x128xf32>
    %concatenate3A_40 = tpu.concatenate %get3A_39, %add3A_29 in 1 : vector<512x128xf32>, vector<512x128xf32> -> vector<512x256xf32>
    %dot_general3A_41 = arith.constant dense<0.000000e+00> : vector<512x512xf32>
    %dot_general3A_42 = tpu.matmul %concatenate3A_40, %get3A_6, %dot_general3A_41 {dimension_numbers = #tpu.dot_dimension_numbers<[1], [0], [0], [1], [0, 0, 1, 1], [], []>, transpose_lhs_hint = false} : vector<512x256xf32>, vector<256x512xf32>, vector<512x512xf32> -> vector<512x512xf32>
    %add3A_43 = vector.broadcast %get3A_9 : vector<1x512xf32> to vector<512x512xf32>
    %add3A_44 = arith.addf %dot_general3A_42, %add3A_43 : vector<512x512xf32>
    %slice3A_45 = vector.extract_strided_slice %add3A_44 {offsets = [0, 0], sizes = [512, 128], strides = [1, 1]} : vector<512x512xf32> to vector<512x128xf32>
    %tanh3A_46 = math.tanh %slice3A_45 : vector<512x128xf32>
    %slice3A_47 = vector.extract_strided_slice %add3A_44 {offsets = [0, 128], sizes = [512, 128], strides = [1, 1]} : vector<512x512xf32> to vector<512x128xf32>
    %tanh3A_48 = math.tanh %slice3A_47 : vector<512x128xf32>
    %slice3A_49 = vector.extract_strided_slice %add3A_44 {offsets = [0, 384], sizes = [512, 128], strides = [1, 1]} : vector<512x512xf32> to vector<512x128xf32>
    %slice3A_50 = vector.extract_strided_slice %add3A_44 {offsets = [0, 256], sizes = [512, 128], strides = [1, 1]} : vector<512x512xf32> to vector<512x128xf32>
    %add3A_51 = arith.addf %slice3A_50, %slice3A_49 : vector<512x128xf32>
    %mul3A_52 = arith.mulf %tanh3A_46, %slice3A_49 : vector<512x128xf32>
    %add3A_53 = arith.addf %add3A_51, %mul3A_52 : vector<512x128xf32>
    %tanh3A_54 = math.tanh %add3A_53 : vector<512x128xf32>
    %sub3A_55 = arith.subf %add3A_29, %tanh3A_54 : vector<512x128xf32>
    %mul3A_56 = arith.mulf %tanh3A_48, %sub3A_55 : vector<512x128xf32>
    %add3A_57 = arith.addf %sub3A_55, %mul3A_56 : vector<512x128xf32>
    %mul3A_58 = arith.constant 5.000000e-01 : f32
    %mul3A_59 = vector.broadcast %mul3A_58 : f32 to vector<512x128xf32>
    %mul3A_60 = arith.mulf %mul3A_59, %add3A_57 : vector<512x128xf32>
    %add3A_61 = arith.addf %tanh3A_54, %mul3A_60 : vector<512x128xf32>
    %swap3A_62 = arith.constant 0 : index
    %swap3A_63 = arith.constant 1 : index
    %swap3A_64 = arith.constant 0 : index
    %swap3A_65 = vector.load %arg7[%swap3A_62, %swap3A_63, %swap3A_64] : memref<512x8x128xf32, #tpu.memory_space<vmem>>, vector<512x1x128xf32>
    %swap3A_66 = vector.shape_cast %swap3A_65 : vector<512x1x128xf32> to vector<512x128xf32>
    %swap3A_67 = vector.shape_cast %add3A_61 : vector<512x128xf32> to vector<512x1x128xf32>
    tpu.vector_store %arg7[%swap3A_62, %swap3A_63, %swap3A_64], %swap3A_67 {strides = array<i32>} : memref<512x8x128xf32, #tpu.memory_space<vmem>>, vector<512x1x128xf32>,
    %get3A_68 = arith.constant 2 : index
    %get3A_69 = arith.constant 0 : index
    %get3A_70 = arith.constant 0 : index
    %get3A_71 = vector.load %arg2[%get3A_68, %get3A_69, %get3A_70] : memref<8x512x128xf32, #tpu.memory_space<vmem>>, vector<1x512x128xf32>
    %get3A_72 = vector.shape_cast %get3A_71 : vector<1x512x128xf32> to vector<512x128xf32>
    %concatenate3A_73 = tpu.concatenate %get3A_72, %add3A_61 in 1 : vector<512x128xf32>, vector<512x128xf32> -> vector<512x256xf32>
    %dot_general3A_74 = arith.constant dense<0.000000e+00> : vector<512x512xf32>
    %dot_general3A_75 = tpu.matmul %concatenate3A_73, %get3A_6, %dot_general3A_74 {dimension_numbers = #tpu.dot_dimension_numbers<[1], [0], [0], [1], [0, 0, 1, 1], [], []>, transpose_lhs_hint = false} : vector<512x256xf32>, vector<256x512xf32>, vector<512x512xf32> -> vector<512x512xf32>
    %add3A_76 = vector.broadcast %get3A_9 : vector<1x512xf32> to vector<512x512xf32>
    %add3A_77 = arith.addf %dot_general3A_75, %add3A_76 : vector<512x512xf32>
    %slice3A_78 = vector.extract_strided_slice %add3A_77 {offsets = [0, 0], sizes = [512, 128], strides = [1, 1]} : vector<512x512xf32> to vector<512x128xf32>
    %tanh3A_79 = math.tanh %slice3A_78 : vector<512x128xf32>
    %slice3A_80 = vector.extract_strided_slice %add3A_77 {offsets = [0, 128], sizes = [512, 128], strides = [1, 1]} : vector<512x512xf32> to vector<512x128xf32>
    %tanh3A_81 = math.tanh %slice3A_80 : vector<512x128xf32>
    %slice3A_82 = vector.extract_strided_slice %add3A_77 {offsets = [0, 384], sizes = [512, 128], strides = [1, 1]} : vector<512x512xf32> to vector<512x128xf32>
    %slice3A_83 = vector.extract_strided_slice %add3A_77 {offsets = [0, 256], sizes = [512, 128], strides = [1, 1]} : vector<512x512xf32> to vector<512x128xf32>
    %add3A_84 = arith.addf %slice3A_83, %slice3A_82 : vector<512x128xf32>
    %mul3A_85 = arith.mulf %tanh3A_79, %slice3A_82 : vector<512x128xf32>
    %add3A_86 = arith.addf %add3A_84, %mul3A_85 : vector<512x128xf32>
    %tanh3A_87 = math.tanh %add3A_86 : vector<512x128xf32>
    %sub3A_88 = arith.subf %add3A_61, %tanh3A_87 : vector<512x128xf32>
    %mul3A_89 = arith.mulf %tanh3A_81, %sub3A_88 : vector<512x128xf32>
    %add3A_90 = arith.addf %sub3A_88, %mul3A_89 : vector<512x128xf32>
    %mul3A_91 = arith.constant 5.000000e-01 : f32
    %mul3A_92 = vector.broadcast %mul3A_91 : f32 to vector<512x128xf32>
    %mul3A_93 = arith.mulf %mul3A_92, %add3A_90 : vector<512x128xf32>
    %add3A_94 = arith.addf %tanh3A_87, %mul3A_93 : vector<512x128xf32>
    %swap3A_95 = arith.constant 0 : index
    %swap3A_96 = arith.constant 2 : index
    %swap3A_97 = arith.constant 0 : index
    %swap3A_98 = vector.load %arg7[%swap3A_95, %swap3A_96, %swap3A_97] : memref<512x8x128xf32, #tpu.memory_space<vmem>>, vector<512x1x128xf32>
    %swap3A_99 = vector.shape_cast %swap3A_98 : vector<512x1x128xf32> to vector<512x128xf32>
    %swap3A_100 = vector.shape_cast %add3A_94 : vector<512x128xf32> to vector<512x1x128xf32>
    tpu.vector_store %arg7[%swap3A_95, %swap3A_96, %swap3A_97], %swap3A_100 {strides = array<i32>} : memref<512x8x128xf32, #tpu.memory_space<vmem>>, vector<512x1x128xf32>,
    %get3A_101 = arith.constant 3 : index
    %get3A_102 = arith.constant 0 : index
    %get3A_103 = arith.constant 0 : index
    %get3A_104 = vector.load %arg2[%get3A_101, %get3A_102, %get3A_103] : memref<8x512x128xf32, #tpu.memory_space<vmem>>, vector<1x512x128xf32>
    %get3A_105 = vector.shape_cast %get3A_104 : vector<1x512x128xf32> to vector<512x128xf32>
    %concatenate3A_106 = tpu.concatenate %get3A_105, %add3A_94 in 1 : vector<512x128xf32>, vector<512x128xf32> -> vector<512x256xf32>
    %dot_general3A_107 = arith.constant dense<0.000000e+00> : vector<512x512xf32>
    %dot_general3A_108 = tpu.matmul %concatenate3A_106, %get3A_6, %dot_general3A_107 {dimension_numbers = #tpu.dot_dimension_numbers<[1], [0], [0], [1], [0, 0, 1, 1], [], []>, transpose_lhs_hint = false} : vector<512x256xf32>, vector<256x512xf32>, vector<512x512xf32> -> vector<512x512xf32>
    %add3A_109 = vector.broadcast %get3A_9 : vector<1x512xf32> to vector<512x512xf32>
    %add3A_110 = arith.addf %dot_general3A_108, %add3A_109 : vector<512x512xf32>
    %slice3A_111 = vector.extract_strided_slice %add3A_110 {offsets = [0, 0], sizes = [512, 128], strides = [1, 1]} : vector<512x512xf32> to vector<512x128xf32>
    %tanh3A_112 = math.tanh %slice3A_111 : vector<512x128xf32>
    %slice3A_113 = vector.extract_strided_slice %add3A_110 {offsets = [0, 128], sizes = [512, 128], strides = [1, 1]} : vector<512x512xf32> to vector<512x128xf32>
    %tanh3A_114 = math.tanh %slice3A_113 : vector<512x128xf32>
    %slice3A_115 = vector.extract_strided_slice %add3A_110 {offsets = [0, 384], sizes = [512, 128], strides = [1, 1]} : vector<512x512xf32> to vector<512x128xf32>
    %slice3A_116 = vector.extract_strided_slice %add3A_110 {offsets = [0, 256], sizes = [512, 128], strides = [1, 1]} : vector<512x512xf32> to vector<512x128xf32>
    %add3A_117 = arith.addf %slice3A_116, %slice3A_115 : vector<512x128xf32>
    %mul3A_118 = arith.mulf %tanh3A_112, %slice3A_115 : vector<512x128xf32>
    %add3A_119 = arith.addf %add3A_117, %mul3A_118 : vector<512x128xf32>
    %tanh3A_120 = math.tanh %add3A_119 : vector<512x128xf32>
    %sub3A_121 = arith.subf %add3A_94, %tanh3A_120 : vector<512x128xf32>
    %mul3A_122 = arith.mulf %tanh3A_114, %sub3A_121 : vector<512x128xf32>
    %add3A_123 = arith.addf %sub3A_121, %mul3A_122 : vector<512x128xf32>
    %mul3A_124 = arith.constant 5.000000e-01 : f32
    %mul3A_125 = vector.broadcast %mul3A_124 : f32 to vector<512x128xf32>
    %mul3A_126 = arith.mulf %mul3A_125, %add3A_123 : vector<512x128xf32>
    %add3A_127 = arith.addf %tanh3A_120, %mul3A_126 : vector<512x128xf32>
    %swap3A_128 = arith.constant 0 : index
    %swap3A_129 = arith.constant 3 : index
    %swap3A_130 = arith.constant 0 : index
    %swap3A_131 = vector.load %arg7[%swap3A_128, %swap3A_129, %swap3A_130] : memref<512x8x128xf32, #tpu.memory_space<vmem>>, vector<512x1x128xf32>
    %swap3A_132 = vector.shape_cast %swap3A_131 : vector<512x1x128xf32> to vector<512x128xf32>
    %swap3A_133 = vector.shape_cast %add3A_127 : vector<512x128xf32> to vector<512x1x128xf32>
    tpu.vector_store %arg7[%swap3A_128, %swap3A_129, %swap3A_130], %swap3A_133 {strides = array<i32>} : memref<512x8x128xf32, #tpu.memory_space<vmem>>, vector<512x1x128xf32>,
    %get3A_134 = arith.constant 4 : index
    %get3A_135 = arith.constant 0 : index
    %get3A_136 = arith.constant 0 : index
    %get3A_137 = vector.load %arg2[%get3A_134, %get3A_135, %get3A_136] : memref<8x512x128xf32, #tpu.memory_space<vmem>>, vector<1x512x128xf32>
    %get3A_138 = vector.shape_cast %get3A_137 : vector<1x512x128xf32> to vector<512x128xf32>
    %concatenate3A_139 = tpu.concatenate %get3A_138, %add3A_127 in 1 : vector<512x128xf32>, vector<512x128xf32> -> vector<512x256xf32>
    %dot_general3A_140 = arith.constant dense<0.000000e+00> : vector<512x512xf32>
    %dot_general3A_141 = tpu.matmul %concatenate3A_139, %get3A_6, %dot_general3A_140 {dimension_numbers = #tpu.dot_dimension_numbers<[1], [0], [0], [1], [0, 0, 1, 1], [], []>, transpose_lhs_hint = false} : vector<512x256xf32>, vector<256x512xf32>, vector<512x512xf32> -> vector<512x512xf32>
    %add3A_142 = vector.broadcast %get3A_9 : vector<1x512xf32> to vector<512x512xf32>
    %add3A_143 = arith.addf %dot_general3A_141, %add3A_142 : vector<512x512xf32>
    %slice3A_144 = vector.extract_strided_slice %add3A_143 {offsets = [0, 0], sizes = [512, 128], strides = [1, 1]} : vector<512x512xf32> to vector<512x128xf32>
    %tanh3A_145 = math.tanh %slice3A_144 : vector<512x128xf32>
    %slice3A_146 = vector.extract_strided_slice %add3A_143 {offsets = [0, 128], sizes = [512, 128], strides = [1, 1]} : vector<512x512xf32> to vector<512x128xf32>
    %tanh3A_147 = math.tanh %slice3A_146 : vector<512x128xf32>
    %slice3A_148 = vector.extract_strided_slice %add3A_143 {offsets = [0, 384], sizes = [512, 128], strides = [1, 1]} : vector<512x512xf32> to vector<512x128xf32>
    %slice3A_149 = vector.extract_strided_slice %add3A_143 {offsets = [0, 256], sizes = [512, 128], strides = [1, 1]} : vector<512x512xf32> to vector<512x128xf32>
    %add3A_150 = arith.addf %slice3A_149, %slice3A_148 : vector<512x128xf32>
    %mul3A_151 = arith.mulf %tanh3A_145, %slice3A_148 : vector<512x128xf32>
    %add3A_152 = arith.addf %add3A_150, %mul3A_151 : vector<512x128xf32>
    %tanh3A_153 = math.tanh %add3A_152 : vector<512x128xf32>
    %sub3A_154 = arith.subf %add3A_127, %tanh3A_153 : vector<512x128xf32>
    %mul3A_155 = arith.mulf %tanh3A_147, %sub3A_154 : vector<512x128xf32>
    %add3A_156 = arith.addf %sub3A_154, %mul3A_155 : vector<512x128xf32>
    %mul3A_157 = arith.constant 5.000000e-01 : f32
    %mul3A_158 = vector.broadcast %mul3A_157 : f32 to vector<512x128xf32>
    %mul3A_159 = arith.mulf %mul3A_158, %add3A_156 : vector<512x128xf32>
    %add3A_160 = arith.addf %tanh3A_153, %mul3A_159 : vector<512x128xf32>
    %swap3A_161 = arith.constant 0 : index
    %swap3A_162 = arith.constant 4 : index
    %swap3A_163 = arith.constant 0 : index
    %swap3A_164 = vector.load %arg7[%swap3A_161, %swap3A_162, %swap3A_163] : memref<512x8x128xf32, #tpu.memory_space<vmem>>, vector<512x1x128xf32>
    %swap3A_165 = vector.shape_cast %swap3A_164 : vector<512x1x128xf32> to vector<512x128xf32>
    %swap3A_166 = vector.shape_cast %add3A_160 : vector<512x128xf32> to vector<512x1x128xf32>
    tpu.vector_store %arg7[%swap3A_161, %swap3A_162, %swap3A_163], %swap3A_166 {strides = array<i32>} : memref<512x8x128xf32, #tpu.memory_space<vmem>>, vector<512x1x128xf32>,
    %get3A_167 = arith.constant 5 : index
    %get3A_168 = arith.constant 0 : index
    %get3A_169 = arith.constant 0 : index
    %get3A_170 = vector.load %arg2[%get3A_167, %get3A_168, %get3A_169] : memref<8x512x128xf32, #tpu.memory_space<vmem>>, vector<1x512x128xf32>
    %get3A_171 = vector.shape_cast %get3A_170 : vector<1x512x128xf32> to vector<512x128xf32>
    %concatenate3A_172 = tpu.concatenate %get3A_171, %add3A_160 in 1 : vector<512x128xf32>, vector<512x128xf32> -> vector<512x256xf32>
    %dot_general3A_173 = arith.constant dense<0.000000e+00> : vector<512x512xf32>
    %dot_general3A_174 = tpu.matmul %concatenate3A_172, %get3A_6, %dot_general3A_173 {dimension_numbers = #tpu.dot_dimension_numbers<[1], [0], [0], [1], [0, 0, 1, 1], [], []>, transpose_lhs_hint = false} : vector<512x256xf32>, vector<256x512xf32>, vector<512x512xf32> -> vector<512x512xf32>
    %add3A_175 = vector.broadcast %get3A_9 : vector<1x512xf32> to vector<512x512xf32>
    %add3A_176 = arith.addf %dot_general3A_174, %add3A_175 : vector<512x512xf32>
    %slice3A_177 = vector.extract_strided_slice %add3A_176 {offsets = [0, 0], sizes = [512, 128], strides = [1, 1]} : vector<512x512xf32> to vector<512x128xf32>
    %tanh3A_178 = math.tanh %slice3A_177 : vector<512x128xf32>
    %slice3A_179 = vector.extract_strided_slice %add3A_176 {offsets = [0, 128], sizes = [512, 128], strides = [1, 1]} : vector<512x512xf32> to vector<512x128xf32>
    %tanh3A_180 = math.tanh %slice3A_179 : vector<512x128xf32>
    %slice3A_181 = vector.extract_strided_slice %add3A_176 {offsets = [0, 384], sizes = [512, 128], strides = [1, 1]} : vector<512x512xf32> to vector<512x128xf32>
    %slice3A_182 = vector.extract_strided_slice %add3A_176 {offsets = [0, 256], sizes = [512, 128], strides = [1, 1]} : vector<512x512xf32> to vector<512x128xf32>
    %add3A_183 = arith.addf %slice3A_182, %slice3A_181 : vector<512x128xf32>
    %mul3A_184 = arith.mulf %tanh3A_178, %slice3A_181 : vector<512x128xf32>
    %add3A_185 = arith.addf %add3A_183, %mul3A_184 : vector<512x128xf32>
    %tanh3A_186 = math.tanh %add3A_185 : vector<512x128xf32>
    %sub3A_187 = arith.subf %add3A_160, %tanh3A_186 : vector<512x128xf32>
    %mul3A_188 = arith.mulf %tanh3A_180, %sub3A_187 : vector<512x128xf32>
    %add3A_189 = arith.addf %sub3A_187, %mul3A_188 : vector<512x128xf32>
    %mul3A_190 = arith.constant 5.000000e-01 : f32
    %mul3A_191 = vector.broadcast %mul3A_190 : f32 to vector<512x128xf32>
    %mul3A_192 = arith.mulf %mul3A_191, %add3A_189 : vector<512x128xf32>
    %add3A_193 = arith.addf %tanh3A_186, %mul3A_192 : vector<512x128xf32>
    %swap3A_194 = arith.constant 0 : index
    %swap3A_195 = arith.constant 5 : index
    %swap3A_196 = arith.constant 0 : index
    %swap3A_197 = vector.load %arg7[%swap3A_194, %swap3A_195, %swap3A_196] : memref<512x8x128xf32, #tpu.memory_space<vmem>>, vector<512x1x128xf32>
    %swap3A_198 = vector.shape_cast %swap3A_197 : vector<512x1x128xf32> to vector<512x128xf32>
    %swap3A_199 = vector.shape_cast %add3A_193 : vector<512x128xf32> to vector<512x1x128xf32>
    tpu.vector_store %arg7[%swap3A_194, %swap3A_195, %swap3A_196], %swap3A_199 {strides = array<i32>} : memref<512x8x128xf32, #tpu.memory_space<vmem>>, vector<512x1x128xf32>,
    %get3A_200 = arith.constant 6 : index
    %get3A_201 = arith.constant 0 : index
    %get3A_202 = arith.constant 0 : index
    %get3A_203 = vector.load %arg2[%get3A_200, %get3A_201, %get3A_202] : memref<8x512x128xf32, #tpu.memory_space<vmem>>, vector<1x512x128xf32>
    %get3A_204 = vector.shape_cast %get3A_203 : vector<1x512x128xf32> to vector<512x128xf32>
    %concatenate3A_205 = tpu.concatenate %get3A_204, %add3A_193 in 1 : vector<512x128xf32>, vector<512x128xf32> -> vector<512x256xf32>
    %dot_general3A_206 = arith.constant dense<0.000000e+00> : vector<512x512xf32>
    %dot_general3A_207 = tpu.matmul %concatenate3A_205, %get3A_6, %dot_general3A_206 {dimension_numbers = #tpu.dot_dimension_numbers<[1], [0], [0], [1], [0, 0, 1, 1], [], []>, transpose_lhs_hint = false} : vector<512x256xf32>, vector<256x512xf32>, vector<512x512xf32> -> vector<512x512xf32>
    %add3A_208 = vector.broadcast %get3A_9 : vector<1x512xf32> to vector<512x512xf32>
    %add3A_209 = arith.addf %dot_general3A_207, %add3A_208 : vector<512x512xf32>
    %slice3A_210 = vector.extract_strided_slice %add3A_209 {offsets = [0, 0], sizes = [512, 128], strides = [1, 1]} : vector<512x512xf32> to vector<512x128xf32>
    %tanh3A_211 = math.tanh %slice3A_210 : vector<512x128xf32>
    %slice3A_212 = vector.extract_strided_slice %add3A_209 {offsets = [0, 128], sizes = [512, 128], strides = [1, 1]} : vector<512x512xf32> to vector<512x128xf32>
    %tanh3A_213 = math.tanh %slice3A_212 : vector<512x128xf32>
    %slice3A_214 = vector.extract_strided_slice %add3A_209 {offsets = [0, 384], sizes = [512, 128], strides = [1, 1]} : vector<512x512xf32> to vector<512x128xf32>
    %slice3A_215 = vector.extract_strided_slice %add3A_209 {offsets = [0, 256], sizes = [512, 128], strides = [1, 1]} : vector<512x512xf32> to vector<512x128xf32>
    %add3A_216 = arith.addf %slice3A_215, %slice3A_214 : vector<512x128xf32>
    %mul3A_217 = arith.mulf %tanh3A_211, %slice3A_214 : vector<512x128xf32>
    %add3A_218 = arith.addf %add3A_216, %mul3A_217 : vector<512x128xf32>
    %tanh3A_219 = math.tanh %add3A_218 : vector<512x128xf32>
    %sub3A_220 = arith.subf %add3A_193, %tanh3A_219 : vector<512x128xf32>
    %mul3A_221 = arith.mulf %tanh3A_213, %sub3A_220 : vector<512x128xf32>
    %add3A_222 = arith.addf %sub3A_220, %mul3A_221 : vector<512x128xf32>
    %mul3A_223 = arith.constant 5.000000e-01 : f32
    %mul3A_224 = vector.broadcast %mul3A_223 : f32 to vector<512x128xf32>
    %mul3A_225 = arith.mulf %mul3A_224, %add3A_222 : vector<512x128xf32>
    %add3A_226 = arith.addf %tanh3A_219, %mul3A_225 : vector<512x128xf32>
    %swap3A_227 = arith.constant 0 : index
    %swap3A_228 = arith.constant 6 : index
    %swap3A_229 = arith.constant 0 : index
    %swap3A_230 = vector.load %arg7[%swap3A_227, %swap3A_228, %swap3A_229] : memref<512x8x128xf32, #tpu.memory_space<vmem>>, vector<512x1x128xf32>
    %swap3A_231 = vector.shape_cast %swap3A_230 : vector<512x1x128xf32> to vector<512x128xf32>
    %swap3A_232 = vector.shape_cast %add3A_226 : vector<512x128xf32> to vector<512x1x128xf32>
    tpu.vector_store %arg7[%swap3A_227, %swap3A_228, %swap3A_229], %swap3A_232 {strides = array<i32>} : memref<512x8x128xf32, #tpu.memory_space<vmem>>, vector<512x1x128xf32>,
    %get3A_233 = arith.constant 7 : index
    %get3A_234 = arith.constant 0 : index
    %get3A_235 = arith.constant 0 : index
    %get3A_236 = vector.load %arg2[%get3A_233, %get3A_234, %get3A_235] : memref<8x512x128xf32, #tpu.memory_space<vmem>>, vector<1x512x128xf32>
    %get3A_237 = vector.shape_cast %get3A_236 : vector<1x512x128xf32> to vector<512x128xf32>
    %concatenate3A_238 = tpu.concatenate %get3A_237, %add3A_226 in 1 : vector<512x128xf32>, vector<512x128xf32> -> vector<512x256xf32>
    %dot_general3A_239 = arith.constant dense<0.000000e+00> : vector<512x512xf32>
    %dot_general3A_240 = tpu.matmul %concatenate3A_238, %get3A_6, %dot_general3A_239 {dimension_numbers = #tpu.dot_dimension_numbers<[1], [0], [0], [1], [0, 0, 1, 1], [], []>, transpose_lhs_hint = false} : vector<512x256xf32>, vector<256x512xf32>, vector<512x512xf32> -> vector<512x512xf32>
    %add3A_241 = vector.broadcast %get3A_9 : vector<1x512xf32> to vector<512x512xf32>
    %add3A_242 = arith.addf %dot_general3A_240, %add3A_241 : vector<512x512xf32>
    %slice3A_243 = vector.extract_strided_slice %add3A_242 {offsets = [0, 0], sizes = [512, 128], strides = [1, 1]} : vector<512x512xf32> to vector<512x128xf32>
    %tanh3A_244 = math.tanh %slice3A_243 : vector<512x128xf32>
    %slice3A_245 = vector.extract_strided_slice %add3A_242 {offsets = [0, 128], sizes = [512, 128], strides = [1, 1]} : vector<512x512xf32> to vector<512x128xf32>
    %tanh3A_246 = math.tanh %slice3A_245 : vector<512x128xf32>
    %slice3A_247 = vector.extract_strided_slice %add3A_242 {offsets = [0, 384], sizes = [512, 128], strides = [1, 1]} : vector<512x512xf32> to vector<512x128xf32>
    %slice3A_248 = vector.extract_strided_slice %add3A_242 {offsets = [0, 256], sizes = [512, 128], strides = [1, 1]} : vector<512x512xf32> to vector<512x128xf32>
    %add3A_249 = arith.addf %slice3A_248, %slice3A_247 : vector<512x128xf32>
    %mul3A_250 = arith.mulf %tanh3A_244, %slice3A_247 : vector<512x128xf32>
    %add3A_251 = arith.addf %add3A_249, %mul3A_250 : vector<512x128xf32>
    %tanh3A_252 = math.tanh %add3A_251 : vector<512x128xf32>
    %sub3A_253 = arith.subf %add3A_226, %tanh3A_252 : vector<512x128xf32>
    %mul3A_254 = arith.mulf %tanh3A_246, %sub3A_253 : vector<512x128xf32>
    %add3A_255 = arith.addf %sub3A_253, %mul3A_254 : vector<512x128xf32>
    %mul3A_256 = arith.constant 5.000000e-01 : f32
    %mul3A_257 = vector.broadcast %mul3A_256 : f32 to vector<512x128xf32>
    %mul3A_258 = arith.mulf %mul3A_257, %add3A_255 : vector<512x128xf32>
    %add3A_259 = arith.addf %tanh3A_252, %mul3A_258 : vector<512x128xf32>
    %swap3A_260 = arith.constant 0 : index
    %swap3A_261 = arith.constant 7 : index
    %swap3A_262 = arith.constant 0 : index
    %swap3A_263 = vector.load %arg7[%swap3A_260, %swap3A_261, %swap3A_262] : memref<512x8x128xf32, #tpu.memory_space<vmem>>, vector<512x1x128xf32>
    %swap3A_264 = vector.shape_cast %swap3A_263 : vector<512x1x128xf32> to vector<512x128xf32>
    %swap3A_265 = vector.shape_cast %add3A_259 : vector<512x128xf32> to vector<512x1x128xf32>
    tpu.vector_store %arg7[%swap3A_260, %swap3A_261, %swap3A_262], %swap3A_265 {strides = array<i32>} : memref<512x8x128xf32, #tpu.memory_space<vmem>>, vector<512x1x128xf32>,
    %swap3A_266 = arith.constant 0 : index
    %swap3A_267 = arith.constant 0 : index
    %swap3A_268 = vector.load %arg9[%swap3A_266, %swap3A_267] : memref<512x128xf32, #tpu.memory_space<vmem>>, vector<512x128xf32>
    tpu.vector_store %arg9[%swap3A_266, %swap3A_267], %add3A_259 {strides = array<i32>} : memref<512x128xf32, #tpu.memory_space<vmem>>, vector<512x128xf32>,
    %swap3A_269 = arith.constant 0 : index
    %swap3A_270 = arith.constant 0 : index
    %swap3A_271 = vector.load %arg8[%swap3A_269, %swap3A_270] : memref<512x128xf32, #tpu.memory_space<vmem>>, vector<512x128xf32>
    tpu.vector_store %arg8[%swap3A_269, %swap3A_270], %add3A_259 {strides = array<i32>} : memref<512x128xf32, #tpu.memory_space<vmem>>, vector<512x128xf32>,
    return
  }
  func.func @transform_0(%arg0: i32, %arg1: i32) -> (i32, i32, i32) {
    %c0_i32 = arith.constant 0 : i32
    %c0_i32_0 = arith.constant 0 : i32
    return %arg1, %arg0, %c0_i32 : i32, i32, i32
  }
  func.func @transform_1(%arg0: i32, %arg1: i32) -> (i32, i32) {
    %c0_i32 = arith.constant 0 : i32
    %c0_i32_0 = arith.constant 0 : i32
    %c0_i32_1 = arith.constant 0 : i32
    return %c0_i32, %c0_i32_0 : i32, i32
  }
  func.func @transform_2(%arg0: i32, %arg1: i32) -> (i32, i32) {
    %c0_i32 = arith.constant 0 : i32
    %c0_i32_0 = arith.constant 0 : i32
    %c0_i32_1 = arith.constant 0 : i32
    return %c0_i32, %c0_i32_0 : i32, i32
  }
  func.func @transform_3(%arg0: i32, %arg1: i32) -> (i32, i32) {
    %c0_i32 = arith.constant 0 : i32
    %c0_i32_0 = arith.constant 0 : i32
    return %arg0, %c0_i32 : i32, i32
  }
  func.func @transform_5(%arg0: i32, %arg1: i32) -> (i32, i32, i32) {
    %add3A = arith.constant 15 : i32
    %add3A_0 = arith.addi %arg1, %add3A : i32
    %c0_i32 = arith.constant 0 : i32
    %c0_i32_1 = arith.constant 0 : i32
    return %arg0, %add3A_0, %c0_i32 : i32, i32, i32
  }
  func.func @transform_6(%arg0: i32, %arg1: i32) -> (i32, i32) {
    %c0_i32 = arith.constant 0 : i32
    %c0_i32_0 = arith.constant 0 : i32
    return %arg0, %c0_i32 : i32, i32
  }
}

module attributes {stable_mosaic.version = 14 : i64} {
  func.func @_gru_chunk_body(%arg0: i32, %arg1: i32, %arg2: memref<8x512x128xf32, #tpu.memory_space<vmem>>, %arg3: memref<256x512xf32, #tpu.memory_space<vmem>>, %arg4: memref<1x512xf32, #tpu.memory_space<vmem>>, %arg5: memref<512x128xf32, #tpu.memory_space<vmem>>, %arg6: memref<1024x200x128xf32, #tpu.memory_space<any>>, %arg7: memref<512x8x128xf32, #tpu.memory_space<vmem>>, %arg8: memref<512x128xf32, #tpu.memory_space<vmem>>, %arg9: memref<512x128xf32, #tpu.memory_space<vmem>>) attributes {dimension_semantics = [#tpu.dimension_semantics<arbitrary>, #tpu.dimension_semantics<arbitrary>], iteration_bounds = array<i64: 2, 5>, scalar_prefetch = 0 : i64, scratch_operands = 1 : i64, tpu.core_type = #tpu.core_type<tc>, window_params = [{transform_indices = @transform_0, window_bounds = array<i64: 8, 512, 128>}, {pipeline_mode = #tpu.pipeline_mode<synchronous>, transform_indices = @transform_1, window_bounds = array<i64: 256, 512>}, {pipeline_mode = #tpu.pipeline_mode<synchronous>, transform_indices = @transform_2, window_bounds = array<i64: 1, 512>}, {transform_indices = @transform_3, window_bounds = array<i64: 512, 128>}, {}, {transform_indices = @transform_5, window_bounds = array<i64: 512, 8, 128>}, {transform_indices = @transform_6, window_bounds = array<i64: 512, 128>}]} {
    %eq3A = arith.constant 0 : i32
    %eq3A_0 = arith.cmpi eq, %arg1, %eq3A : i32
    %convert_element_type3A = arith.extui %eq3A_0 : i1 to i32
    %cond3A = arith.constant 0 : i32
    %cond3A_1 = arith.cmpi ne, %convert_element_type3A, %cond3A : i32
    scf.if %cond3A_1 {
      %get3A_272 = arith.constant 0 : index
      %get3A_273 = arith.constant 0 : index
      %get3A_274 = vector.load %arg5[%get3A_272, %get3A_273] : memref<512x128xf32, #tpu.memory_space<vmem>>, vector<512x128xf32>
      %swap3A_275 = arith.constant 0 : index
      %swap3A_276 = arith.constant 0 : index
      %swap3A_277 = vector.load %arg9[%swap3A_275, %swap3A_276] : memref<512x128xf32, #tpu.memory_space<vmem>>, vector<512x128xf32>
      tpu.vector_store %arg9[%swap3A_275, %swap3A_276], %get3A_274 {strides = array<i32>} : memref<512x128xf32, #tpu.memory_space<vmem>>, vector<512x128xf32>,
    } else {
    }
    %get3A = arith.constant 0 : index
    %get3A_2 = arith.constant 0 : index
    %get3A_3 = vector.load %arg9[%get3A, %get3A_2] : memref<512x128xf32, #tpu.memory_space<vmem>>, vector<512x128xf32>
    %get3A_4 = arith.constant 0 : index
    %get3A_5 = arith.constant 0 : index
    %get3A_6 = vector.load %arg3[%get3A_4, %get3A_5] : memref<256x512xf32, #tpu.memory_space<vmem>>, vector<256x512xf32>
    %get3A_7 = arith.constant 0 : index
    %get3A_8 = arith.constant 0 : index
    %get3A_9 = vector.load %arg4[%get3A_7, %get3A_8] : memref<1x512xf32, #tpu.memory_space<vmem>>, vector<1x512xf32>
    %get3A_10 = arith.constant 0 : index
    %get3A_11 = arith.constant 0 : index
    %get3A_12 = arith.constant 0 : index
    %get3A_13 = vector.load %arg2[%get3A_10, %get3A_11, %get3A_12] : memref<8x512x128xf32, #tpu.memory_space<vmem>>, vector<1x512x128xf32>
    %get3A_14 = vector.shape_cast %get3A_13 : vector<1x512x128xf32> to vector<512x128xf32>
    %concatenate3A = tpu.concatenate %get3A_14, %get3A_3 in 1 : vector<512x128xf32>, vector<512x128xf32> -> vector<512x256xf32>
    %dot_general3A = arith.constant dense<0.000000e+00> : vector<512x512xf32>
    %dot_general3A_15 = tpu.matmul %concatenate3A, %get3A_6, %dot_general3A {dimension_numbers = #tpu.dot_dimension_numbers<[1], [0], [0], [1], [0, 0, 1, 1], [], []>, transpose_lhs_hint = false} : vector<512x256xf32>, vector<256x512xf32>, vector<512x512xf32> -> vector<512x512xf32>
    %add3A = vector.broadcast %get3A_9 : vector<1x512xf32> to vector<512x512xf32>
    %add3A_16 = arith.addf %dot_general3A_15, %add3A : vector<512x512xf32>
    %slice3A = vector.extract_strided_slice %add3A_16 {offsets = [0, 0], sizes = [512, 128], strides = [1, 1]} : vector<512x512xf32> to vector<512x128xf32>
    %tanh3A = math.tanh %slice3A : vector<512x128xf32>
    %slice3A_17 = vector.extract_strided_slice %add3A_16 {offsets = [0, 128], sizes = [512, 128], strides = [1, 1]} : vector<512x512xf32> to vector<512x128xf32>
    %tanh3A_18 = math.tanh %slice3A_17 : vector<512x128xf32>
    %slice3A_19 = vector.extract_strided_slice %add3A_16 {offsets = [0, 384], sizes = [512, 128], strides = [1, 1]} : vector<512x512xf32> to vector<512x128xf32>
    %slice3A_20 = vector.extract_strided_slice %add3A_16 {offsets = [0, 256], sizes = [512, 128], strides = [1, 1]} : vector<512x512xf32> to vector<512x128xf32>
    %add3A_21 = arith.addf %slice3A_20, %slice3A_19 : vector<512x128xf32>
    %mul3A = arith.mulf %tanh3A, %slice3A_19 : vector<512x128xf32>
    %add3A_22 = arith.addf %add3A_21, %mul3A : vector<512x128xf32>
    %tanh3A_23 = math.tanh %add3A_22 : vector<512x128xf32>
    %sub3A = arith.subf %get3A_3, %tanh3A_23 : vector<512x128xf32>
    %mul3A_24 = arith.mulf %tanh3A_18, %sub3A : vector<512x128xf32>
    %add3A_25 = arith.addf %sub3A, %mul3A_24 : vector<512x128xf32>
    %mul3A_26 = arith.constant 5.000000e-01 : f32
    %mul3A_27 = vector.broadcast %mul3A_26 : f32 to vector<512x128xf32>
    %mul3A_28 = arith.mulf %mul3A_27, %add3A_25 : vector<512x128xf32>
    %add3A_29 = arith.addf %tanh3A_23, %mul3A_28 : vector<512x128xf32>
    %swap3A = arith.constant 0 : index
    %swap3A_30 = arith.constant 0 : index
    %swap3A_31 = arith.constant 0 : index
    %swap3A_32 = vector.load %arg7[%swap3A, %swap3A_30, %swap3A_31] : memref<512x8x128xf32, #tpu.memory_space<vmem>>, vector<512x1x128xf32>
    %swap3A_33 = vector.shape_cast %swap3A_32 : vector<512x1x128xf32> to vector<512x128xf32>
    %swap3A_34 = vector.shape_cast %add3A_29 : vector<512x128xf32> to vector<512x1x128xf32>
    tpu.vector_store %arg7[%swap3A, %swap3A_30, %swap3A_31], %swap3A_34 {strides = array<i32>} : memref<512x8x128xf32, #tpu.memory_space<vmem>>, vector<512x1x128xf32>,
    %get3A_35 = arith.constant 1 : index
    %get3A_36 = arith.constant 0 : index
    %get3A_37 = arith.constant 0 : index
    %get3A_38 = vector.load %arg2[%get3A_35, %get3A_36, %get3A_37] : memref<8x512x128xf32, #tpu.memory_space<vmem>>, vector<1x512x128xf32>
    %get3A_39 = vector.shape_cast %get3A_38 : vector<1x512x128xf32> to vector<512x128xf32>
    %concatenate3A_40 = tpu.concatenate %get3A_39, %add3A_29 in 1 : vector<512x128xf32>, vector<512x128xf32> -> vector<512x256xf32>
    %dot_general3A_41 = arith.constant dense<0.000000e+00> : vector<512x512xf32>
    %dot_general3A_42 = tpu.matmul %concatenate3A_40, %get3A_6, %dot_general3A_41 {dimension_numbers = #tpu.dot_dimension_numbers<[1], [0], [0], [1], [0, 0, 1, 1], [], []>, transpose_lhs_hint = false} : vector<512x256xf32>, vector<256x512xf32>, vector<512x512xf32> -> vector<512x512xf32>
    %add3A_43 = vector.broadcast %get3A_9 : vector<1x512xf32> to vector<512x512xf32>
    %add3A_44 = arith.addf %dot_general3A_42, %add3A_43 : vector<512x512xf32>
    %slice3A_45 = vector.extract_strided_slice %add3A_44 {offsets = [0, 0], sizes = [512, 128], strides = [1, 1]} : vector<512x512xf32> to vector<512x128xf32>
    %tanh3A_46 = math.tanh %slice3A_45 : vector<512x128xf32>
    %slice3A_47 = vector.extract_strided_slice %add3A_44 {offsets = [0, 128], sizes = [512, 128], strides = [1, 1]} : vector<512x512xf32> to vector<512x128xf32>
    %tanh3A_48 = math.tanh %slice3A_47 : vector<512x128xf32>
    %slice3A_49 = vector.extract_strided_slice %add3A_44 {offsets = [0, 384], sizes = [512, 128], strides = [1, 1]} : vector<512x512xf32> to vector<512x128xf32>
    %slice3A_50 = vector.extract_strided_slice %add3A_44 {offsets = [0, 256], sizes = [512, 128], strides = [1, 1]} : vector<512x512xf32> to vector<512x128xf32>
    %add3A_51 = arith.addf %slice3A_50, %slice3A_49 : vector<512x128xf32>
    %mul3A_52 = arith.mulf %tanh3A_46, %slice3A_49 : vector<512x128xf32>
    %add3A_53 = arith.addf %add3A_51, %mul3A_52 : vector<512x128xf32>
    %tanh3A_54 = math.tanh %add3A_53 : vector<512x128xf32>
    %sub3A_55 = arith.subf %add3A_29, %tanh3A_54 : vector<512x128xf32>
    %mul3A_56 = arith.mulf %tanh3A_48, %sub3A_55 : vector<512x128xf32>
    %add3A_57 = arith.addf %sub3A_55, %mul3A_56 : vector<512x128xf32>
    %mul3A_58 = arith.constant 5.000000e-01 : f32
    %mul3A_59 = vector.broadcast %mul3A_58 : f32 to vector<512x128xf32>
    %mul3A_60 = arith.mulf %mul3A_59, %add3A_57 : vector<512x128xf32>
    %add3A_61 = arith.addf %tanh3A_54, %mul3A_60 : vector<512x128xf32>
    %swap3A_62 = arith.constant 0 : index
    %swap3A_63 = arith.constant 1 : index
    %swap3A_64 = arith.constant 0 : index
    %swap3A_65 = vector.load %arg7[%swap3A_62, %swap3A_63, %swap3A_64] : memref<512x8x128xf32, #tpu.memory_space<vmem>>, vector<512x1x128xf32>
    %swap3A_66 = vector.shape_cast %swap3A_65 : vector<512x1x128xf32> to vector<512x128xf32>
    %swap3A_67 = vector.shape_cast %add3A_61 : vector<512x128xf32> to vector<512x1x128xf32>
    tpu.vector_store %arg7[%swap3A_62, %swap3A_63, %swap3A_64], %swap3A_67 {strides = array<i32>} : memref<512x8x128xf32, #tpu.memory_space<vmem>>, vector<512x1x128xf32>,
    %get3A_68 = arith.constant 2 : index
    %get3A_69 = arith.constant 0 : index
    %get3A_70 = arith.constant 0 : index
    %get3A_71 = vector.load %arg2[%get3A_68, %get3A_69, %get3A_70] : memref<8x512x128xf32, #tpu.memory_space<vmem>>, vector<1x512x128xf32>
    %get3A_72 = vector.shape_cast %get3A_71 : vector<1x512x128xf32> to vector<512x128xf32>
    %concatenate3A_73 = tpu.concatenate %get3A_72, %add3A_61 in 1 : vector<512x128xf32>, vector<512x128xf32> -> vector<512x256xf32>
    %dot_general3A_74 = arith.constant dense<0.000000e+00> : vector<512x512xf32>
    %dot_general3A_75 = tpu.matmul %concatenate3A_73, %get3A_6, %dot_general3A_74 {dimension_numbers = #tpu.dot_dimension_numbers<[1], [0], [0], [1], [0, 0, 1, 1], [], []>, transpose_lhs_hint = false} : vector<512x256xf32>, vector<256x512xf32>, vector<512x512xf32> -> vector<512x512xf32>
    %add3A_76 = vector.broadcast %get3A_9 : vector<1x512xf32> to vector<512x512xf32>
    %add3A_77 = arith.addf %dot_general3A_75, %add3A_76 : vector<512x512xf32>
    %slice3A_78 = vector.extract_strided_slice %add3A_77 {offsets = [0, 0], sizes = [512, 128], strides = [1, 1]} : vector<512x512xf32> to vector<512x128xf32>
    %tanh3A_79 = math.tanh %slice3A_78 : vector<512x128xf32>
    %slice3A_80 = vector.extract_strided_slice %add3A_77 {offsets = [0, 128], sizes = [512, 128], strides = [1, 1]} : vector<512x512xf32> to vector<512x128xf32>
    %tanh3A_81 = math.tanh %slice3A_80 : vector<512x128xf32>
    %slice3A_82 = vector.extract_strided_slice %add3A_77 {offsets = [0, 384], sizes = [512, 128], strides = [1, 1]} : vector<512x512xf32> to vector<512x128xf32>
    %slice3A_83 = vector.extract_strided_slice %add3A_77 {offsets = [0, 256], sizes = [512, 128], strides = [1, 1]} : vector<512x512xf32> to vector<512x128xf32>
    %add3A_84 = arith.addf %slice3A_83, %slice3A_82 : vector<512x128xf32>
    %mul3A_85 = arith.mulf %tanh3A_79, %slice3A_82 : vector<512x128xf32>
    %add3A_86 = arith.addf %add3A_84, %mul3A_85 : vector<512x128xf32>
    %tanh3A_87 = math.tanh %add3A_86 : vector<512x128xf32>
    %sub3A_88 = arith.subf %add3A_61, %tanh3A_87 : vector<512x128xf32>
    %mul3A_89 = arith.mulf %tanh3A_81, %sub3A_88 : vector<512x128xf32>
    %add3A_90 = arith.addf %sub3A_88, %mul3A_89 : vector<512x128xf32>
    %mul3A_91 = arith.constant 5.000000e-01 : f32
    %mul3A_92 = vector.broadcast %mul3A_91 : f32 to vector<512x128xf32>
    %mul3A_93 = arith.mulf %mul3A_92, %add3A_90 : vector<512x128xf32>
    %add3A_94 = arith.addf %tanh3A_87, %mul3A_93 : vector<512x128xf32>
    %swap3A_95 = arith.constant 0 : index
    %swap3A_96 = arith.constant 2 : index
    %swap3A_97 = arith.constant 0 : index
    %swap3A_98 = vector.load %arg7[%swap3A_95, %swap3A_96, %swap3A_97] : memref<512x8x128xf32, #tpu.memory_space<vmem>>, vector<512x1x128xf32>
    %swap3A_99 = vector.shape_cast %swap3A_98 : vector<512x1x128xf32> to vector<512x128xf32>
    %swap3A_100 = vector.shape_cast %add3A_94 : vector<512x128xf32> to vector<512x1x128xf32>
    tpu.vector_store %arg7[%swap3A_95, %swap3A_96, %swap3A_97], %swap3A_100 {strides = array<i32>} : memref<512x8x128xf32, #tpu.memory_space<vmem>>, vector<512x1x128xf32>,
    %get3A_101 = arith.constant 3 : index
    %get3A_102 = arith.constant 0 : index
    %get3A_103 = arith.constant 0 : index
    %get3A_104 = vector.load %arg2[%get3A_101, %get3A_102, %get3A_103] : memref<8x512x128xf32, #tpu.memory_space<vmem>>, vector<1x512x128xf32>
    %get3A_105 = vector.shape_cast %get3A_104 : vector<1x512x128xf32> to vector<512x128xf32>
    %concatenate3A_106 = tpu.concatenate %get3A_105, %add3A_94 in 1 : vector<512x128xf32>, vector<512x128xf32> -> vector<512x256xf32>
    %dot_general3A_107 = arith.constant dense<0.000000e+00> : vector<512x512xf32>
    %dot_general3A_108 = tpu.matmul %concatenate3A_106, %get3A_6, %dot_general3A_107 {dimension_numbers = #tpu.dot_dimension_numbers<[1], [0], [0], [1], [0, 0, 1, 1], [], []>, transpose_lhs_hint = false} : vector<512x256xf32>, vector<256x512xf32>, vector<512x512xf32> -> vector<512x512xf32>
    %add3A_109 = vector.broadcast %get3A_9 : vector<1x512xf32> to vector<512x512xf32>
    %add3A_110 = arith.addf %dot_general3A_108, %add3A_109 : vector<512x512xf32>
    %slice3A_111 = vector.extract_strided_slice %add3A_110 {offsets = [0, 0], sizes = [512, 128], strides = [1, 1]} : vector<512x512xf32> to vector<512x128xf32>
    %tanh3A_112 = math.tanh %slice3A_111 : vector<512x128xf32>
    %slice3A_113 = vector.extract_strided_slice %add3A_110 {offsets = [0, 128], sizes = [512, 128], strides = [1, 1]} : vector<512x512xf32> to vector<512x128xf32>
    %tanh3A_114 = math.tanh %slice3A_113 : vector<512x128xf32>
    %slice3A_115 = vector.extract_strided_slice %add3A_110 {offsets = [0, 384], sizes = [512, 128], strides = [1, 1]} : vector<512x512xf32> to vector<512x128xf32>
    %slice3A_116 = vector.extract_strided_slice %add3A_110 {offsets = [0, 256], sizes = [512, 128], strides = [1, 1]} : vector<512x512xf32> to vector<512x128xf32>
    %add3A_117 = arith.addf %slice3A_116, %slice3A_115 : vector<512x128xf32>
    %mul3A_118 = arith.mulf %tanh3A_112, %slice3A_115 : vector<512x128xf32>
    %add3A_119 = arith.addf %add3A_117, %mul3A_118 : vector<512x128xf32>
    %tanh3A_120 = math.tanh %add3A_119 : vector<512x128xf32>
    %sub3A_121 = arith.subf %add3A_94, %tanh3A_120 : vector<512x128xf32>
    %mul3A_122 = arith.mulf %tanh3A_114, %sub3A_121 : vector<512x128xf32>
    %add3A_123 = arith.addf %sub3A_121, %mul3A_122 : vector<512x128xf32>
    %mul3A_124 = arith.constant 5.000000e-01 : f32
    %mul3A_125 = vector.broadcast %mul3A_124 : f32 to vector<512x128xf32>
    %mul3A_126 = arith.mulf %mul3A_125, %add3A_123 : vector<512x128xf32>
    %add3A_127 = arith.addf %tanh3A_120, %mul3A_126 : vector<512x128xf32>
    %swap3A_128 = arith.constant 0 : index
    %swap3A_129 = arith.constant 3 : index
    %swap3A_130 = arith.constant 0 : index
    %swap3A_131 = vector.load %arg7[%swap3A_128, %swap3A_129, %swap3A_130] : memref<512x8x128xf32, #tpu.memory_space<vmem>>, vector<512x1x128xf32>
    %swap3A_132 = vector.shape_cast %swap3A_131 : vector<512x1x128xf32> to vector<512x128xf32>
    %swap3A_133 = vector.shape_cast %add3A_127 : vector<512x128xf32> to vector<512x1x128xf32>
    tpu.vector_store %arg7[%swap3A_128, %swap3A_129, %swap3A_130], %swap3A_133 {strides = array<i32>} : memref<512x8x128xf32, #tpu.memory_space<vmem>>, vector<512x1x128xf32>,
    %get3A_134 = arith.constant 4 : index
    %get3A_135 = arith.constant 0 : index
    %get3A_136 = arith.constant 0 : index
    %get3A_137 = vector.load %arg2[%get3A_134, %get3A_135, %get3A_136] : memref<8x512x128xf32, #tpu.memory_space<vmem>>, vector<1x512x128xf32>
    %get3A_138 = vector.shape_cast %get3A_137 : vector<1x512x128xf32> to vector<512x128xf32>
    %concatenate3A_139 = tpu.concatenate %get3A_138, %add3A_127 in 1 : vector<512x128xf32>, vector<512x128xf32> -> vector<512x256xf32>
    %dot_general3A_140 = arith.constant dense<0.000000e+00> : vector<512x512xf32>
    %dot_general3A_141 = tpu.matmul %concatenate3A_139, %get3A_6, %dot_general3A_140 {dimension_numbers = #tpu.dot_dimension_numbers<[1], [0], [0], [1], [0, 0, 1, 1], [], []>, transpose_lhs_hint = false} : vector<512x256xf32>, vector<256x512xf32>, vector<512x512xf32> -> vector<512x512xf32>
    %add3A_142 = vector.broadcast %get3A_9 : vector<1x512xf32> to vector<512x512xf32>
    %add3A_143 = arith.addf %dot_general3A_141, %add3A_142 : vector<512x512xf32>
    %slice3A_144 = vector.extract_strided_slice %add3A_143 {offsets = [0, 0], sizes = [512, 128], strides = [1, 1]} : vector<512x512xf32> to vector<512x128xf32>
    %tanh3A_145 = math.tanh %slice3A_144 : vector<512x128xf32>
    %slice3A_146 = vector.extract_strided_slice %add3A_143 {offsets = [0, 128], sizes = [512, 128], strides = [1, 1]} : vector<512x512xf32> to vector<512x128xf32>
    %tanh3A_147 = math.tanh %slice3A_146 : vector<512x128xf32>
    %slice3A_148 = vector.extract_strided_slice %add3A_143 {offsets = [0, 384], sizes = [512, 128], strides = [1, 1]} : vector<512x512xf32> to vector<512x128xf32>
    %slice3A_149 = vector.extract_strided_slice %add3A_143 {offsets = [0, 256], sizes = [512, 128], strides = [1, 1]} : vector<512x512xf32> to vector<512x128xf32>
    %add3A_150 = arith.addf %slice3A_149, %slice3A_148 : vector<512x128xf32>
    %mul3A_151 = arith.mulf %tanh3A_145, %slice3A_148 : vector<512x128xf32>
    %add3A_152 = arith.addf %add3A_150, %mul3A_151 : vector<512x128xf32>
    %tanh3A_153 = math.tanh %add3A_152 : vector<512x128xf32>
    %sub3A_154 = arith.subf %add3A_127, %tanh3A_153 : vector<512x128xf32>
    %mul3A_155 = arith.mulf %tanh3A_147, %sub3A_154 : vector<512x128xf32>
    %add3A_156 = arith.addf %sub3A_154, %mul3A_155 : vector<512x128xf32>
    %mul3A_157 = arith.constant 5.000000e-01 : f32
    %mul3A_158 = vector.broadcast %mul3A_157 : f32 to vector<512x128xf32>
    %mul3A_159 = arith.mulf %mul3A_158, %add3A_156 : vector<512x128xf32>
    %add3A_160 = arith.addf %tanh3A_153, %mul3A_159 : vector<512x128xf32>
    %swap3A_161 = arith.constant 0 : index
    %swap3A_162 = arith.constant 4 : index
    %swap3A_163 = arith.constant 0 : index
    %swap3A_164 = vector.load %arg7[%swap3A_161, %swap3A_162, %swap3A_163] : memref<512x8x128xf32, #tpu.memory_space<vmem>>, vector<512x1x128xf32>
    %swap3A_165 = vector.shape_cast %swap3A_164 : vector<512x1x128xf32> to vector<512x128xf32>
    %swap3A_166 = vector.shape_cast %add3A_160 : vector<512x128xf32> to vector<512x1x128xf32>
    tpu.vector_store %arg7[%swap3A_161, %swap3A_162, %swap3A_163], %swap3A_166 {strides = array<i32>} : memref<512x8x128xf32, #tpu.memory_space<vmem>>, vector<512x1x128xf32>,
    %get3A_167 = arith.constant 5 : index
    %get3A_168 = arith.constant 0 : index
    %get3A_169 = arith.constant 0 : index
    %get3A_170 = vector.load %arg2[%get3A_167, %get3A_168, %get3A_169] : memref<8x512x128xf32, #tpu.memory_space<vmem>>, vector<1x512x128xf32>
    %get3A_171 = vector.shape_cast %get3A_170 : vector<1x512x128xf32> to vector<512x128xf32>
    %concatenate3A_172 = tpu.concatenate %get3A_171, %add3A_160 in 1 : vector<512x128xf32>, vector<512x128xf32> -> vector<512x256xf32>
    %dot_general3A_173 = arith.constant dense<0.000000e+00> : vector<512x512xf32>
    %dot_general3A_174 = tpu.matmul %concatenate3A_172, %get3A_6, %dot_general3A_173 {dimension_numbers = #tpu.dot_dimension_numbers<[1], [0], [0], [1], [0, 0, 1, 1], [], []>, transpose_lhs_hint = false} : vector<512x256xf32>, vector<256x512xf32>, vector<512x512xf32> -> vector<512x512xf32>
    %add3A_175 = vector.broadcast %get3A_9 : vector<1x512xf32> to vector<512x512xf32>
    %add3A_176 = arith.addf %dot_general3A_174, %add3A_175 : vector<512x512xf32>
    %slice3A_177 = vector.extract_strided_slice %add3A_176 {offsets = [0, 0], sizes = [512, 128], strides = [1, 1]} : vector<512x512xf32> to vector<512x128xf32>
    %tanh3A_178 = math.tanh %slice3A_177 : vector<512x128xf32>
    %slice3A_179 = vector.extract_strided_slice %add3A_176 {offsets = [0, 128], sizes = [512, 128], strides = [1, 1]} : vector<512x512xf32> to vector<512x128xf32>
    %tanh3A_180 = math.tanh %slice3A_179 : vector<512x128xf32>
    %slice3A_181 = vector.extract_strided_slice %add3A_176 {offsets = [0, 384], sizes = [512, 128], strides = [1, 1]} : vector<512x512xf32> to vector<512x128xf32>
    %slice3A_182 = vector.extract_strided_slice %add3A_176 {offsets = [0, 256], sizes = [512, 128], strides = [1, 1]} : vector<512x512xf32> to vector<512x128xf32>
    %add3A_183 = arith.addf %slice3A_182, %slice3A_181 : vector<512x128xf32>
    %mul3A_184 = arith.mulf %tanh3A_178, %slice3A_181 : vector<512x128xf32>
    %add3A_185 = arith.addf %add3A_183, %mul3A_184 : vector<512x128xf32>
    %tanh3A_186 = math.tanh %add3A_185 : vector<512x128xf32>
    %sub3A_187 = arith.subf %add3A_160, %tanh3A_186 : vector<512x128xf32>
    %mul3A_188 = arith.mulf %tanh3A_180, %sub3A_187 : vector<512x128xf32>
    %add3A_189 = arith.addf %sub3A_187, %mul3A_188 : vector<512x128xf32>
    %mul3A_190 = arith.constant 5.000000e-01 : f32
    %mul3A_191 = vector.broadcast %mul3A_190 : f32 to vector<512x128xf32>
    %mul3A_192 = arith.mulf %mul3A_191, %add3A_189 : vector<512x128xf32>
    %add3A_193 = arith.addf %tanh3A_186, %mul3A_192 : vector<512x128xf32>
    %swap3A_194 = arith.constant 0 : index
    %swap3A_195 = arith.constant 5 : index
    %swap3A_196 = arith.constant 0 : index
    %swap3A_197 = vector.load %arg7[%swap3A_194, %swap3A_195, %swap3A_196] : memref<512x8x128xf32, #tpu.memory_space<vmem>>, vector<512x1x128xf32>
    %swap3A_198 = vector.shape_cast %swap3A_197 : vector<512x1x128xf32> to vector<512x128xf32>
    %swap3A_199 = vector.shape_cast %add3A_193 : vector<512x128xf32> to vector<512x1x128xf32>
    tpu.vector_store %arg7[%swap3A_194, %swap3A_195, %swap3A_196], %swap3A_199 {strides = array<i32>} : memref<512x8x128xf32, #tpu.memory_space<vmem>>, vector<512x1x128xf32>,
    %get3A_200 = arith.constant 6 : index
    %get3A_201 = arith.constant 0 : index
    %get3A_202 = arith.constant 0 : index
    %get3A_203 = vector.load %arg2[%get3A_200, %get3A_201, %get3A_202] : memref<8x512x128xf32, #tpu.memory_space<vmem>>, vector<1x512x128xf32>
    %get3A_204 = vector.shape_cast %get3A_203 : vector<1x512x128xf32> to vector<512x128xf32>
    %concatenate3A_205 = tpu.concatenate %get3A_204, %add3A_193 in 1 : vector<512x128xf32>, vector<512x128xf32> -> vector<512x256xf32>
    %dot_general3A_206 = arith.constant dense<0.000000e+00> : vector<512x512xf32>
    %dot_general3A_207 = tpu.matmul %concatenate3A_205, %get3A_6, %dot_general3A_206 {dimension_numbers = #tpu.dot_dimension_numbers<[1], [0], [0], [1], [0, 0, 1, 1], [], []>, transpose_lhs_hint = false} : vector<512x256xf32>, vector<256x512xf32>, vector<512x512xf32> -> vector<512x512xf32>
    %add3A_208 = vector.broadcast %get3A_9 : vector<1x512xf32> to vector<512x512xf32>
    %add3A_209 = arith.addf %dot_general3A_207, %add3A_208 : vector<512x512xf32>
    %slice3A_210 = vector.extract_strided_slice %add3A_209 {offsets = [0, 0], sizes = [512, 128], strides = [1, 1]} : vector<512x512xf32> to vector<512x128xf32>
    %tanh3A_211 = math.tanh %slice3A_210 : vector<512x128xf32>
    %slice3A_212 = vector.extract_strided_slice %add3A_209 {offsets = [0, 128], sizes = [512, 128], strides = [1, 1]} : vector<512x512xf32> to vector<512x128xf32>
    %tanh3A_213 = math.tanh %slice3A_212 : vector<512x128xf32>
    %slice3A_214 = vector.extract_strided_slice %add3A_209 {offsets = [0, 384], sizes = [512, 128], strides = [1, 1]} : vector<512x512xf32> to vector<512x128xf32>
    %slice3A_215 = vector.extract_strided_slice %add3A_209 {offsets = [0, 256], sizes = [512, 128], strides = [1, 1]} : vector<512x512xf32> to vector<512x128xf32>
    %add3A_216 = arith.addf %slice3A_215, %slice3A_214 : vector<512x128xf32>
    %mul3A_217 = arith.mulf %tanh3A_211, %slice3A_214 : vector<512x128xf32>
    %add3A_218 = arith.addf %add3A_216, %mul3A_217 : vector<512x128xf32>
    %tanh3A_219 = math.tanh %add3A_218 : vector<512x128xf32>
    %sub3A_220 = arith.subf %add3A_193, %tanh3A_219 : vector<512x128xf32>
    %mul3A_221 = arith.mulf %tanh3A_213, %sub3A_220 : vector<512x128xf32>
    %add3A_222 = arith.addf %sub3A_220, %mul3A_221 : vector<512x128xf32>
    %mul3A_223 = arith.constant 5.000000e-01 : f32
    %mul3A_224 = vector.broadcast %mul3A_223 : f32 to vector<512x128xf32>
    %mul3A_225 = arith.mulf %mul3A_224, %add3A_222 : vector<512x128xf32>
    %add3A_226 = arith.addf %tanh3A_219, %mul3A_225 : vector<512x128xf32>
    %swap3A_227 = arith.constant 0 : index
    %swap3A_228 = arith.constant 6 : index
    %swap3A_229 = arith.constant 0 : index
    %swap3A_230 = vector.load %arg7[%swap3A_227, %swap3A_228, %swap3A_229] : memref<512x8x128xf32, #tpu.memory_space<vmem>>, vector<512x1x128xf32>
    %swap3A_231 = vector.shape_cast %swap3A_230 : vector<512x1x128xf32> to vector<512x128xf32>
    %swap3A_232 = vector.shape_cast %add3A_226 : vector<512x128xf32> to vector<512x1x128xf32>
    tpu.vector_store %arg7[%swap3A_227, %swap3A_228, %swap3A_229], %swap3A_232 {strides = array<i32>} : memref<512x8x128xf32, #tpu.memory_space<vmem>>, vector<512x1x128xf32>,
    %get3A_233 = arith.constant 7 : index
    %get3A_234 = arith.constant 0 : index
    %get3A_235 = arith.constant 0 : index
    %get3A_236 = vector.load %arg2[%get3A_233, %get3A_234, %get3A_235] : memref<8x512x128xf32, #tpu.memory_space<vmem>>, vector<1x512x128xf32>
    %get3A_237 = vector.shape_cast %get3A_236 : vector<1x512x128xf32> to vector<512x128xf32>
    %concatenate3A_238 = tpu.concatenate %get3A_237, %add3A_226 in 1 : vector<512x128xf32>, vector<512x128xf32> -> vector<512x256xf32>
    %dot_general3A_239 = arith.constant dense<0.000000e+00> : vector<512x512xf32>
    %dot_general3A_240 = tpu.matmul %concatenate3A_238, %get3A_6, %dot_general3A_239 {dimension_numbers = #tpu.dot_dimension_numbers<[1], [0], [0], [1], [0, 0, 1, 1], [], []>, transpose_lhs_hint = false} : vector<512x256xf32>, vector<256x512xf32>, vector<512x512xf32> -> vector<512x512xf32>
    %add3A_241 = vector.broadcast %get3A_9 : vector<1x512xf32> to vector<512x512xf32>
    %add3A_242 = arith.addf %dot_general3A_240, %add3A_241 : vector<512x512xf32>
    %slice3A_243 = vector.extract_strided_slice %add3A_242 {offsets = [0, 0], sizes = [512, 128], strides = [1, 1]} : vector<512x512xf32> to vector<512x128xf32>
    %tanh3A_244 = math.tanh %slice3A_243 : vector<512x128xf32>
    %slice3A_245 = vector.extract_strided_slice %add3A_242 {offsets = [0, 128], sizes = [512, 128], strides = [1, 1]} : vector<512x512xf32> to vector<512x128xf32>
    %tanh3A_246 = math.tanh %slice3A_245 : vector<512x128xf32>
    %slice3A_247 = vector.extract_strided_slice %add3A_242 {offsets = [0, 384], sizes = [512, 128], strides = [1, 1]} : vector<512x512xf32> to vector<512x128xf32>
    %slice3A_248 = vector.extract_strided_slice %add3A_242 {offsets = [0, 256], sizes = [512, 128], strides = [1, 1]} : vector<512x512xf32> to vector<512x128xf32>
    %add3A_249 = arith.addf %slice3A_248, %slice3A_247 : vector<512x128xf32>
    %mul3A_250 = arith.mulf %tanh3A_244, %slice3A_247 : vector<512x128xf32>
    %add3A_251 = arith.addf %add3A_249, %mul3A_250 : vector<512x128xf32>
    %tanh3A_252 = math.tanh %add3A_251 : vector<512x128xf32>
    %sub3A_253 = arith.subf %add3A_226, %tanh3A_252 : vector<512x128xf32>
    %mul3A_254 = arith.mulf %tanh3A_246, %sub3A_253 : vector<512x128xf32>
    %add3A_255 = arith.addf %sub3A_253, %mul3A_254 : vector<512x128xf32>
    %mul3A_256 = arith.constant 5.000000e-01 : f32
    %mul3A_257 = vector.broadcast %mul3A_256 : f32 to vector<512x128xf32>
    %mul3A_258 = arith.mulf %mul3A_257, %add3A_255 : vector<512x128xf32>
    %add3A_259 = arith.addf %tanh3A_252, %mul3A_258 : vector<512x128xf32>
    %swap3A_260 = arith.constant 0 : index
    %swap3A_261 = arith.constant 7 : index
    %swap3A_262 = arith.constant 0 : index
    %swap3A_263 = vector.load %arg7[%swap3A_260, %swap3A_261, %swap3A_262] : memref<512x8x128xf32, #tpu.memory_space<vmem>>, vector<512x1x128xf32>
    %swap3A_264 = vector.shape_cast %swap3A_263 : vector<512x1x128xf32> to vector<512x128xf32>
    %swap3A_265 = vector.shape_cast %add3A_259 : vector<512x128xf32> to vector<512x1x128xf32>
    tpu.vector_store %arg7[%swap3A_260, %swap3A_261, %swap3A_262], %swap3A_265 {strides = array<i32>} : memref<512x8x128xf32, #tpu.memory_space<vmem>>, vector<512x1x128xf32>,
    %swap3A_266 = arith.constant 0 : index
    %swap3A_267 = arith.constant 0 : index
    %swap3A_268 = vector.load %arg9[%swap3A_266, %swap3A_267] : memref<512x128xf32, #tpu.memory_space<vmem>>, vector<512x128xf32>
    tpu.vector_store %arg9[%swap3A_266, %swap3A_267], %add3A_259 {strides = array<i32>} : memref<512x128xf32, #tpu.memory_space<vmem>>, vector<512x128xf32>,
    %swap3A_269 = arith.constant 0 : index
    %swap3A_270 = arith.constant 0 : index
    %swap3A_271 = vector.load %arg8[%swap3A_269, %swap3A_270] : memref<512x128xf32, #tpu.memory_space<vmem>>, vector<512x128xf32>
    tpu.vector_store %arg8[%swap3A_269, %swap3A_270], %add3A_259 {strides = array<i32>} : memref<512x128xf32, #tpu.memory_space<vmem>>, vector<512x128xf32>,
    return
  }
  func.func @transform_0(%arg0: i32, %arg1: i32) -> (i32, i32, i32) {
    %c0_i32 = arith.constant 0 : i32
    %c0_i32_0 = arith.constant 0 : i32
    return %arg1, %arg0, %c0_i32 : i32, i32, i32
  }
  func.func @transform_1(%arg0: i32, %arg1: i32) -> (i32, i32) {
    %c0_i32 = arith.constant 0 : i32
    %c0_i32_0 = arith.constant 0 : i32
    %c0_i32_1 = arith.constant 0 : i32
    return %c0_i32, %c0_i32_0 : i32, i32
  }
  func.func @transform_2(%arg0: i32, %arg1: i32) -> (i32, i32) {
    %c0_i32 = arith.constant 0 : i32
    %c0_i32_0 = arith.constant 0 : i32
    %c0_i32_1 = arith.constant 0 : i32
    return %c0_i32, %c0_i32_0 : i32, i32
  }
  func.func @transform_3(%arg0: i32, %arg1: i32) -> (i32, i32) {
    %c0_i32 = arith.constant 0 : i32
    %c0_i32_0 = arith.constant 0 : i32
    return %arg0, %c0_i32 : i32, i32
  }
  func.func @transform_5(%arg0: i32, %arg1: i32) -> (i32, i32, i32) {
    %add3A = arith.constant 20 : i32
    %add3A_0 = arith.addi %arg1, %add3A : i32
    %c0_i32 = arith.constant 0 : i32
    %c0_i32_1 = arith.constant 0 : i32
    return %arg0, %add3A_0, %c0_i32 : i32, i32, i32
  }
  func.func @transform_6(%arg0: i32, %arg1: i32) -> (i32, i32) {
    %c0_i32 = arith.constant 0 : i32
    %c0_i32_0 = arith.constant 0 : i32
    return %arg0, %c0_i32 : i32, i32
  }
}

</mosaic_0001>

<sc_bundles>
// kernel: kernel.12.cloned.1.call-start
scs
__scs_entry_jumppad:
0x0: {  	(pc) =	sbr.rel $0x88, $3  }
0x1: {  	(tag) =	ssettag $0x0;
	lr =	simm.s32 $0x1  }
0x2: {  	[smem:$0x3F9B] =	sst lr;
	_ =	strace $0xD0000000  }
0x3: {  	_ = 	snop  }
0x4: {  	_ = 	snop  }
0x5: {  	_ = 	snop  }
0x6: {  	_ = 	snop  }
0x7: {  	_ = 	snop  }
__scs_overlays_trampoline_lowered:
0x8: {  	[smem:$0x3FAA] =	sst s0  }
0x9: {  	[smem:$0x3FAB] =	sst s1  }
0xa: {  	[smem:$0x3FAC] =	sst s2  }
0xb: {  	[smem:$0x3FAD] =	sst s3  }
0xc: {  	[smem:$0x3FAE] =	sst s4  }
0xd: {  	[smem:$0x3FAF] =	sst s5  }
0xe: {  	[smem:$0x3FB0] =	sst s6  }
0xf: {  	[smem:$0x3FB1] =	sst s7  }
0x10: {  	[smem:$0x3FB2] =	sst s8  }
0x11: {  	[smem:$0x3FB3] =	sst s9;
	s0 =	simm.s32 @!p0 $0x0  }
0x12: {  	s1 =	sld [smem:$0x3F99];
	s0 =	simm.s32 @p0 $0x1  }
0x13: {  	[smem:$0x3FB4] =	sst s0;
	s0 =	simm.s32 @!p1 $0x0  }
0x14: {  	s2 =	sld [smem:$0x3F98];
	s0 =	simm.s32 @p1 $0x1  }
0x15: {  	[smem:$0x3FB5] =	sst s0;
	s0 =	simm.s32 @!p2 $0x0  }
0x16: {  	s3 =	sld [smem:$0x3FDB];
	s0 =	simm.s32 @p2 $0x1  }
0x17: {  	s4 =	simm.s32 $0x1BF5;
	[smem:$0x3FB7] =	sst s0  }
0x18: {  	s0 =	sld [smem:$0x3F9A];
	_ =	swait.ge [sflag:s4], $0x0  }
0x19: {  	s7 =	sld [smem:$0x3F9B]  }
0x1a: {  	s8 =	sadd.s32 $0xFFFFE003, lr  }
0x1b: {  	s9 =	sadd.s32 $0xFFFFFEF7, lr;
	s5 =	simm.s32 $0xFFFFFFFF;
	p2 =	slt.u32 s8, $0xFFFFF086  }
0x1c: {  	p1 =	slt.u32 s9, $0xF7A;
	s5 =	simm.s32 @!p2 $0x0  }
0x1d: {  	s5 =	simm.s32 @p1 $0x1;
	p0 =	seq.s32 s7, s2  }
0x1e: {  	s7 =	smul.u32 @!p0 $0xF7A, s2;
	p2 =	seq.s32 @!p0 s5, $0x0  }
0x1f: {  	s9 =	smul.u32 $0xF7A, s1;
	s8 =	simm.s32 @!p0 $0x1BF5;
	p2 =	por !p2, p0  }
0x20: {  	[sflag:s8] =	ssyncset.s32 @!p0 $0xFFFFF086;
	s6 =	sadd.s32 @!p0 s3, s7;
	s7 =	simm.s32 @!p0 $0x108  }
0x21: {  	s3 =	sadd.s32 s3, s9;
	s6 =	sadd.s32 @!p0 $0x88, s6;
	s7 =	simm.s32 @p2 $0x1082  }
0x22: {  	[simem:s7], [sflag:s8] =	dma.local @!p0 [hbm:s6], $0xF7A  }
0x23: {  	s9 =	sor.u32 $0xD0000000, s2;
	s6 =	simm.s32 $0x108;
	_ =	swait.ge @!p0 [sflag:s8], $0x0  }
0x24: {  	s3 =	sadd.s32 $0x88, s3;
	s6 =	simm.s32 @!p1 $0x1082;
	[sflag:s4] =	ssyncset.s32 $0xFFFFF086  }
0x25: {  	[simem:s6], [sflag:s4] =	dma.local [hbm:s3], $0xF7A  }
0x26: {  	[smem:$0x3F9B] =	sst s1;
	(tag) =	ssettag s2;
	_ =	strace s9  }
0x27: {  	s1 =	sld [smem:$0x3FAB]  }
0x28: {  	s2 =	sld [smem:$0x3FAC]  }
0x29: {  	s4 =	sld [smem:$0x3FAE]  }
0x2a: {  	p0 =	seq.s32 s5, $0x0;
	s5 =	sld [smem:$0x3FAF]  }
0x2b: {  	s6 =	sld [smem:$0x3FB0]  }
0x2c: {  	s7 =	sld [smem:$0x3FB1]  }
0x2d: {  	s3 =	simm.s32 $0x108;
	s8 =	sld [smem:$0x3FB2]  }
0x2e: {  	s3 =	simm.s32 @!p0 $0x1082;
	s9 =	sld [smem:$0x3FB3]  }
0x2f: {  	lr =	sadd.s32 s0, s3;
	s0 =	sld [smem:$0x3FAA]  }
0x30: {  	s3 =	sld [smem:$0x3FAD]  }
0x31: {  	[smem:$0x3FB6] =	sst s10  }
0x32: {  	s10 =	sld [smem:$0x3FB4];
	_ =	sdelay $0x3  }
0x33: {  	p0 =	seq.s32 s10, $0x1;
	s10 =	sld [smem:$0x3FB6];
	_ =	sdelay $0x3  }
0x34: {  	[smem:$0x3FB6] =	sst s10  }
0x35: {  	s10 =	sld [smem:$0x3FB5];
	_ =	sdelay $0x3  }
0x36: {  	p1 =	seq.s32 s10, $0x1;
	s10 =	sld [smem:$0x3FB6];
	_ =	sdelay $0x3  }
0x37: {  	[smem:$0x3FB6] =	sst s10  }
0x38: {  	s10 =	sld [smem:$0x3FB7]  }
0x39: {  	_ = 	snop;
	(pc) =	sbr.ind lr, $3  }
0x3a: {  	_ = 	snop  }
0x3b: {  	_ = 	snop  }
0x3c: {  	p2 =	seq.s32 s10, $0x1;
	s10 =	sld [smem:$0x3FB6]  }
0x3d: {  	_ =	shalt  }
0x3e: {  	_ =	shalt  }
0x3f: {  	_ =	shalt  }
0x40: {  	_ =	shalt  }
0x41: {  	_ =	shalt  }
0x42: {  	_ =	shalt  }
0x43: {  	_ =	shalt  }
0x44: {  	_ =	shalt  }
0x45: {  	_ =	shalt  }
0x46: {  	_ =	shalt  }
0x47: {  	_ =	shalt  }
0x48: {  	_ =	shalt  }
0x49: {  	_ =	shalt  }
0x4a: {  	_ =	shalt  }
0x4b: {  	_ =	shalt  }
0x4c: {  	_ =	shalt  }
0x4d: {  	_ =	shalt  }
0x4e: {  	_ =	shalt  }
0x4f: {  	_ =	shalt  }
0x50: {  	_ =	shalt  }
0x51: {  	_ =	shalt  }
0x52: {  	_ =	shalt  }
0x53: {  	_ =	shalt  }
0x54: {  	_ =	shalt  }
0x55: {  	_ =	shalt  }
0x56: {  	_ =	shalt  }
0x57: {  	_ =	shalt  }
0x58: {  	_ =	shalt  }
0x59: {  	_ =	shalt  }
0x5a: {  	_ =	shalt  }
0x5b: {  	_ =	shalt  }
0x5c: {  	_ =	shalt  }
0x5d: {  	_ =	shalt  }
0x5e: {  	_ =	shalt  }
0x5f: {  	_ =	shalt  }
0x60: {  	_ =	shalt  }
0x61: {  	_ =	shalt  }
0x62: {  	_ =	shalt  }
0x63: {  	_ =	shalt  }
0x64: {  	_ =	shalt  }
0x65: {  	_ =	shalt  }
0x66: {  	_ =	shalt  }
0x67: {  	_ =	shalt  }
0x68: {  	_ =	shalt  }
0x69: {  	_ =	shalt  }
0x6a: {  	_ =	shalt  }
0x6b: {  	_ =	shalt  }
0x6c: {  	_ =	shalt  }
0x6d: {  	_ =	shalt  }
0x6e: {  	_ =	shalt  }
0x6f: {  	_ =	shalt  }
0x70: {  	_ =	shalt  }
0x71: {  	_ =	shalt  }
0x72: {  	_ =	shalt  }
0x73: {  	_ =	shalt  }
0x74: {  	_ =	shalt  }
0x75: {  	_ =	shalt  }
0x76: {  	_ =	shalt  }
0x77: {  	_ =	shalt  }
0x78: {  	_ =	shalt  }
0x79: {  	_ =	shalt  }
0x7a: {  	_ =	shalt  }
0x7b: {  	_ =	shalt  }
0x7c: {  	_ =	shalt  }
0x7d: {  	_ =	shalt  }
0x7e: {  	_ =	shalt  }
0x7f: {  	_ =	shalt  }
0x80: {  	_ =	shalt  }
0x81: {  	_ =	shalt  }
0x82: {  	_ =	shalt  }
0x83: {  	_ =	shalt  }
0x84: {  	_ =	shalt  }
0x85: {  	_ =	shalt  }
0x86: {  	_ =	shalt  }
0x87: {  	_ =	shalt  }
.Lfunc_end0:
.L_simem_size_0:
called_computation_lowered:
.L_overlay_start_0:
0x88: {  	s2 =	sld [smem:$0x3FD9]  }
0x89: {  	s3 =	sld [smem:$0x3FFE];
	_ =	sdelay $0x1  }
0x8a: {  	s1 =	srdreg.scid  }
0x8b: {  	s0 =	sand.u32 $0x1, s1  }
0x8c: {  	s17 =	sshll.u32 s0, $0xA;
	s2 =	sadd.s32 s3, s2  }
0x8d: {  	s2 =	sadd.s32 s2, s17  }
0x8e: {  	[smem:$0x3FC2] =	sst s2  }
0x8f: {  	_ = 	snop  }
0x90: {  	s2 =	sld [smem:$0x3FC8]  }
0x91: {  	s18 =	sld [smem:$0x3FD0];
	(tm) =	ssettm $0x1  }
0x92: {  	s4 =	sld [smem:$0x3FFB];
	_ =	sdelay $0x3  }
0x93: {  	_ =	strace s4  }
0x94: {  	s4 =	sld [smem:$0x3FFC];
	_ =	sdelay $0x3  }
0x95: {  	_ =	strace s4  }
0x96: {  	s4 =	sld [smem:$0x3FFD];
	_ =	sdelay $0x3  }
0x97: {  	_ =	strace s4  }
0x98: {  	_ =	strace $0x8FFFFFFF  }
0x99: {  	s19 =	sld [smem:$0x3FDB];
	_ =	sdelay $0x1  }
0x9a: {  	s5 =	simm.s32 $_scs_section_size  }
0x9b: {  	s6 =	simm.s32 $_size__tile_overlayer_lowered;
	s7 =	simm.s32 $_tile_overlayer_lowered  }
0x9c: {  	s22 =	simm.s32 $0x1BFF;
	s21 =	sshll.u32 s7, $0x1;
	s4 =	sadd.s32 s5, s19  }
0x9d: {  	s8 =	simm.s32 $0x0;
	s20 =	sshll.u32 s6, $0x1;
	s6 =	sadd.s32 s21, s4  }
0x9e: {  	[timem:s8], [sflag:s22] =	dma.local [hbm:s6], s20  }
0x9f: {  	_ =	swait.ge [sflag:s22], s20  }
0xa0: {  	s5 =	ssub.s32 $0x0, s20;
	[sflag:s22] =	ssyncset.done $0x0  }
0xa1: {  	[sflag:s22] =	ssyncadd.s32 s5;
	_ =	sdelay $0x1  }
0xa2: {  	s23 =	simm.s32 $0x1B8B  }
0xa3: {  	_ =	swait.ge [sflag:s23], $0x1  }
0xa4: {  	[sflag:s23] =	ssyncset.done $0x0  }
0xa5: {  	s25 =	simm.s32 $0x1B8E;
	s24 =	sld [smem:$0x3FFE];
	[sflag:s23] =	ssyncadd.s32 $0xFFFFFFFF  }
0xa6: {  	s26 =	simm.s32 $execute0_lowered;
	[smem:$0x3FD2] =	sst s25  }
0xa7: {  	s6 =	sshll.u32 s26, $0x1;
	_ =	strace $0x80000046;
	[dreg:$0x1] =	wrdreg $0xFFFFFFFF  }
0xa8: {  	s28 =	simm.s32 $_size_execute0_lowered;
	s4 =	sadd.s32 s4, s6;
	[dreg:$0x0] =	wrdreg $0x0  }
0xa9: {  	s6 =	sshll.u32 s28, $0x1;
	[dreg:$0x2] =	wrdreg s4  }
0xaa: {  	[dreg:$0x3] =	wrdreg s6  }
0xab: {  	[dreg:$0x4] =	wrdreg $0xC0  }
0xac: {  	_ =	task [dreg:s8], $0x5FFFF  }
0xad: {  	[dreg:$0x1] =	wrdreg $0xFFFFFFFF  }
0xae: {  	[dreg:$0x0] =	wrdreg $0x60  }
0xaf: {  	[dreg:$0x2] =	wrdreg s2  }
0xb0: {  	[dreg:$0x3] =	wrdreg s24  }
0xb1: {  	[dreg:$0x4] =	wrdreg s18  }
0xb2: {  	[dreg:$0x5] =	wrdreg $0x9  }
0xb3: {  	_ =	task.clear_ibuf [dreg:s8], $0x6FFFF;
	_ =	strace $0x90000046  }
0xb4: {  	s29 =	simm.s32 $0x9;
	_ =	strace $0x8000004F  }
0xb5: {  	_ =	swait.ge [sflag:s29], $0x1  }
0xb6: {  	[sflag:s29] =	ssyncadd.s32 $0xFFFFFFFF  }
0xb7: {  	_ =	strace $0x9000004F  }
0xb8: {  	_ =	sfence  }
0xb9: {  	s30 =	sld [smem:$0x0];
	_ =	sdelay $0x2  }
0xba: {  	s31 =	sshll.u32 s1, $0xD;
	s1 =	sshrl.u32 s1, $0x2  }
0xbb: {  	s3 =	sand.u32 $0x4000, s31;
	s1 =	sadd.s32 s1, s30  }
0xbc: {  	s0 =	sor.u32 s3, s0;
	s1 =	sshll.u32 s1, $0x11  }
0xbd: {  	s0 =	sor.u32 s1, s0  }
0xbe: {  	s0 =	sadd.s32 $0x8F2B, s0  }
0xbf: {  	[sflag:s0] =	ssyncadd.remote.s32 $0x1  }
0xc0: {  	_ =	sfence.sel $0xFFFF  }
0xc1: {  	[dreg:$0x0] =	wrdreg $0xFFFFFFFF;
	(pc) =	sbr.abs _section_cstart, $3  }
0xc2: {  	[dreg:$0x1] =	wrdreg $0xFFFFFFFF  }
0xc3: {  	_ =	task.clear_ibuf [dreg:s8], $0x2FFFF;
	_ =	strace $0x9FFFFFFF  }
0xc4: {  	(tm) =	ssettm $0x7FFFFFFF  }
0xc5: {  	_ =	shalt  }
tec
execute0_lowered:
.L_overlay_start_1:
0x0: {  	(tag) =	ssettag $0x1  }
0x1: {  	s0 =	rddreg [dreg:$0x0]  }
0x2: {  	s3 =	rddreg [dreg:$0x1]  }
0x3: {  	s31 =	rddreg [dreg:$0x2];
	s1 =	srdreg.scid  }
0x4: {  	s2 =	simm.s32 $0x0;
	s8 =	simm.s32 $0x80;
	[dreg:$0x4] =	wrdreg s0  }
0x5: {  	s9 =	simm.s32 $0x4;
	s10 =	simm.s32 $0x0;
	[dreg:$0x6] =	wrdreg s31  }
0x6: {  	s4 =	sand.u32 $0x1, s1;
	s0 =	rddreg [dreg:$0x3];
	s1 =	stileid.u32  }
0x7: {  	[smem:$0x7FF] =	sst s2;
	s3 =	sadd.s32 $0x3800, s3;
	s5 =	sshll.u32 s4, $0x4  }
0x8: {  	s4 =	ssub.s32 $0x2, s4;
	_ =	strace $0x80000047;
	s5 =	sor.u32 s1, s5  }
0x9: {  	[dreg:$0x5] =	wrdreg s8;
	s6 =	sshrl.u32 s4, $0x1;
	s7 =	smul.u32 $0xA0, s5  }
0xa: {  	s8 =	simm.s32 $0x5;
	s6 =	ssub.s32 s4, s6;
	s4 =	smul.u32 $0xA, s5  }
0xb: {  	s6 =	smax.u32 s6, $0x1;
	s5 =	sadd.s32 s3, s7;
	s7 =	simm.s32 $0x1  }
.LBB2_1:
0xc: {  	_ =	strace $0x80000048;
	s11 =	simm.s32 $0x1;
	p0 =	por $0x0, $0x0  }
0xd: {  	[tilespmem:s2], [sflag:$0x1] =	stream.linear.gather [hbm4b:s5+s2], $0x80, $0x200038;
	[tilespmem:$0x8100] =	vst v63  }
0xe: {  	s11 =	simm.s32 @p0 $0x0  }
0xf: {  	p4 =	por $0x1, $0x1;
	s20 =	sand.u32 $0x1, s2;
	p1 =	sne.s32 s11, $0x0  }
0x10: {  	p2 =	por $0x1, $0x1;
	s18 =	simm.s32 $0x8;
	p0 =	por !p4, !p1  }
0x11: {  	s16 =	simm.s32 $0x0;
	p5 =	por $0x0, $0x0;
	p0 =	por !p0, !p0  }
0x12: {  	s23 =	sadd.s32 $0x0, s4;
	s30 =	sadd.s32 $0x1, s20;
	s12 =	sadd.s32 @p0 s4, s11  }
0x13: {  	_ =	strace $0x90000048;
	s13 =	sand.u32 @p0 $0x1, s7;
	s12 =	sshll.u32 @p0 s12, $0x4  }
0x14: {  	_ =	strace @p0 $0x80000049;
	s15 =	simm.s32 @p0 $0x0;
	s12 =	sand.u32 @p0 $0x1FFFFFF0, s12  }
0x15: {  	s14 =	sshll.u32 @p0 s13, $0x7;
	s13 =	sadd.s32 @p0 $0x1, s13;
	s12 =	sadd.s32 @p0 s3, s12  }
0x16: {  	[tilespmem:s14], [sflag:s13] =	stream.linear.gather @p0 [hbm4b:s12+s15], $0x80, $0x200038;
	[tilespmem:$0x8100] =	vst v63  }
0x17: {  	p3 =	por p2, p2;
	s21 =	sshll.u32 s20, $0xE;
	_ =	strace @p0 $0x90000049  }
0x18: {  	s16 =	sand.u32 $0x80, s16;
	p2 =	por p5, p5;
	_ =	strace $0x8000004A  }
0x19: {  	s17 =	sadd.s32 $0x1, s11;
	s22 =	sor.u32 $0x100, s21;
	_ =	swait.ge [sflag:s30], $0x80  }
0x1a: {  	s21 =	simm.s32 $0x1;
	p6 =	por p1, p1;
	[sflag:s30] =	ssyncset.done $0x0  }
0x1b: {  	p1 =	por p3, p3;
	p4 =	por $0x1, $0x1;
	[sflag:s30] =	ssyncadd.s32 $0xFFFFFF80  }
0x1c: {  	s12 =	simm.s32 $0x9;
	s15 =	sand.u32 @!p3 $0x1, s2;
	_ =	strace $0x9000004A  }
0x1d: {  	s13 =	simm.s32 $0x1;
	p3 =	seq.s32 s17, $0xA;
	_ =	strace $0x8000004B  }
0x1e: {  	s13 =	simm.s32 @!p0 $0x0;
	s17 =	simm.s32 @p3 $0x0;
	s19 =	rddreg [dreg:$0x5]  }
0x1f: {  	p0 =	por $0x0, $0x0;
	s14 =	sadd.s32 $0x1, s13;
	s31 =	rddreg [dreg:$0x4]  }
0x20: {  	[tilespmem:s22], [sflag:$0x5] =	stream.indirect.gather [hbm4b:s31+s19], $0x80, s16, s19, $0x2000b8;
	[tilespmem:$0x8100] =	vst v63  }
0x21: {  	p3 =	sne.s32 s11, s17;
	s21 =	simm.s32 @!p0 $0x0;
	_ =	swait.ge [sflag:s8], $0x4000  }
0x22: {  	p5 =	por !p4, !p3;
	p4 =	por $0x0, $0x0;
	[sflag:s8] =	ssyncset.done $0x0  }
0x23: {  	s13 =	simm.s32 $0x0;
	p6 =	por p4, p6;
	[sflag:s8] =	ssyncadd.s32 $0xFFFFC000  }
0x24: {  	s16 =	simm.s32 $0x0;
	s19 =	simm.s32 $0x0;
	_ =	strace $0x9000004B  }
.LBB2_2:
0x25: {  	_ =	strace @p6 $0x8000004C;
	s13 =	sadd.s32 s21, s13;
	s21 =	smov.u32 s12  }
0x26: {  	s12 =	smov.u32 s18;
	s18 =	sadd.s32 $0xFFFFFFFF, s18;
	p0 =	por p3, p3  }
0x27: {  	s28 =	sshll.u32 @p6 s23, $0xB;
	s20 =	sadd.s32 @p6 $0x3, s20;
	s24 =	simm.s32 @!p0 $0x0  }
0x28: {  	s25 =	rddreg [dreg:$0x6];
	s28 =	sand.u32 @p6 $0x1FFFF800, s28;
	s24 =	simm.s32 @p0 $0x1  }
0x29: {  	s25 =	sadd.s32 @p6 s25, s28;
	s28 =	simm.s32 @p6 $0x0;
	p0 =	sne.s32 s18, $0x0  }
0x2a: {  	[hbm4b:s25+s28] =	stream.linear.scatter @p6 [tilespmem:s22], [sflag:s20], $0x4000, $0x200038;
	[tilespmem:$0x8100] =	vst v63  }
0x2b: {  	s20 =	sadd.s32 @!p1 $0x3, s15;
	s15 =	simm.s32 @!p0 $0x0  }
0x2c: {  	s26 =	simm.s32 $0x1;
	[smem:$0x7FC] =	sst s24;
	s15 =	simm.s32 @p0 $0x1  }
0x2d: {  	s26 =	simm.s32 @!p6 $0x0;
	_ =	strace @p6 $0x9000004C;
	[smem:$0x7FD] =	sst s15  }
0x2e: {  	p5 =	por !p5, !p5;
	s19 =	sadd.s32 s26, s19;
	_ =	strace @!p1 $0x8000004D  }
0x2f: {  	s24 =	sand.u32 @!p2 $0x1, s13;
	s22 =	sand.u32 @p5 $0x1, s14;
	_ =	swait.ge @!p1 [sflag:s20], $0x4000  }
0x30: {  	s15 =	smov.u32 s24;
	s24 =	sadd.s32 @p5 s4, s17;
	[sflag:s20] =	ssyncset.done @!p1 $0x0  }
0x31: {  	s25 =	sshll.u32 @p5 s22, $0x7;
	s24 =	sshll.u32 @p5 s24, $0x4;
	[sflag:s20] =	ssyncadd.s32 @!p1 $0xFFFFC000  }
0x32: {  	s20 =	sadd.s32 @p5 $0x1, s22;
	s22 =	sand.u32 @p5 $0x1FFFFFF0, s24;
	_ =	strace @!p1 $0x9000004D  }
0x33: {  	s24 =	simm.s32 @p5 $0x0;
	s22 =	sadd.s32 @p5 s3, s22;
	_ =	strace @p5 $0x80000049  }
0x34: {  	[tilespmem:s25], [sflag:s20] =	stream.linear.gather @p5 [hbm4b:s22+s24], $0x80, $0x200038;
	[tilespmem:$0x8100] =	vst v63  }
0x35: {  	s16 =	sadd.s32 s26, s16;
	s26 =	sand.u32 $0x1, s19;
	_ =	strace @p5 $0x90000049  }
0x36: {  	s24 =	sadd.s32 $0x1, s26;
	_ =	strace $0x8000004A  }
0x37: {  	_ =	swait.ge [sflag:s24], $0x80  }
0x38: {  	[sflag:s24] =	ssyncset.done $0x0  }
0x39: {  	s20 =	simm.s32 $0x1;
	[sflag:s24] =	ssyncadd.s32 $0xFFFFFF80  }
0x3a: {  	s20 =	simm.s32 @!p5 $0x0;
	_ =	strace $0x9000004A  }
0x3b: {  	s14 =	sadd.s32 s20, s14;
	s20 =	sand.u32 $0x1, s16;
	_ =	strace $0x8000004B  }
0x3c: {  	s29 =	sshll.u32 s19, $0x7;
	s25 =	sshll.u32 s20, $0xE;
	s26 =	rddreg [dreg:$0x5]  }
0x3d: {  	s29 =	sand.u32 $0x80, s29;
	s22 =	sor.u32 $0x100, s25;
	s30 =	rddreg [dreg:$0x4]  }
0x3e: {  	[tilespmem:s22], [sflag:$0x5] =	stream.indirect.gather [hbm4b:s30+s26], $0x80, s29, s26, $0x2000b8;
	[tilespmem:$0x8100] =	vst v63  }
0x3f: {  	_ =	swait.ge [sflag:s8], $0x4000  }
0x40: {  	s31 =	sadd.s32 $0x1, s17;
	[sflag:s8] =	ssyncset.done $0x0  }
0x41: {  	s23 =	sadd.s32 s4, s11;
	s11 =	smov.u32 s17;
	[sflag:s8] =	ssyncadd.s32 $0xFFFFC000  }
0x42: {  	p3 =	seq.s32 s31, $0xA;
	s17 =	smov.u32 s31;
	_ =	strace $0x9000004B  }
0x43: {  	s17 =	simm.s32 @p3 $0x0;
	s31 =	sld [smem:$0x7FD]  }
0x44: {  	p6 =	sne.s32 s12, $0x1;
	p0 =	sne.s32 s21, $0xA;
	p3 =	sne.s32 s11, s17  }
0x45: {  	p5 =	por !p6, !p3;
	p6 =	seq.s32 s21, $0x1;
	s21 =	simm.s32 $0x1  }
0x46: {  	s21 =	simm.s32 @!p0 $0x0;
	p0 =	seq.s32 s31, $0x1  }
.Ltmp0:
0x47: {  	s30 =	sld [smem:$0x7FC];
	(pc) =	sbr.rel @p0 .LBB2_2-.Ltmp0, $4  }
0x48: {  	_ = 	snop  }
0x49: {  	p4 =	seq.s32 s12, $0xA  }
0x4a: {  	p1 =	por p2, p2;
	p2 =	por p4, p4;
	p4 =	seq.s32 s30, $0x1  }
0x4b: {  	p6 =	por p6, p4  }
0x4c: {  	_ =	strace @p6 $0x8000004C;
	s23 =	sshll.u32 @p6 s23, $0xB  }
0x4d: {  	s18 =	rddreg [dreg:$0x6];
	s23 =	sand.u32 @p6 $0x1FFFF800, s23  }
0x4e: {  	s20 =	sadd.s32 @p6 $0x3, s20;
	s18 =	sadd.s32 @p6 s18, s23;
	s23 =	simm.s32 @p6 $0x0  }
0x4f: {  	[hbm4b:s18+s23] =	stream.linear.scatter @p6 [tilespmem:s22], [sflag:s20], $0x4000, $0x200038;
	[tilespmem:$0x8100] =	vst v63  }
0x50: {  	p0 =	por !p5, !p5;
	_ =	strace @p6 $0x9000004C  }
0x51: {  	s15 =	sadd.s32 @!p1 $0x3, s15;
	s17 =	sadd.s32 @p0 s4, s17;
	_ =	strace @!p1 $0x8000004D  }
0x52: {  	s14 =	sand.u32 @p0 $0x1, s14;
	s17 =	sshll.u32 @p0 s17, $0x4;
	_ =	swait.ge @!p1 [sflag:s15], $0x4000  }
0x53: {  	s18 =	simm.s32 $0x1;
	s20 =	sshll.u32 @p0 s14, $0x7;
	[sflag:s15] =	ssyncset.done @!p1 $0x0  }
0x54: {  	s14 =	sadd.s32 @p0 $0x1, s14;
	s18 =	simm.s32 @!p6 $0x0;
	[sflag:s15] =	ssyncadd.s32 @!p1 $0xFFFFC000  }
0x55: {  	s19 =	sadd.s32 s18, s19;
	s15 =	sand.u32 @p0 $0x1FFFFFF0, s17;
	_ =	strace @!p1 $0x9000004D  }
0x56: {  	s17 =	simm.s32 @p0 $0x0;
	s15 =	sadd.s32 @p0 s3, s15;
	_ =	strace @p0 $0x80000049  }
0x57: {  	[tilespmem:s20], [sflag:s14] =	stream.linear.gather @p0 [hbm4b:s15+s17], $0x80, $0x200038;
	[tilespmem:$0x8100] =	vst v63  }
0x58: {  	s25 =	sand.u32 $0x1, s19;
	_ =	strace @p0 $0x90000049  }
0x59: {  	s14 =	sadd.s32 $0x1, s25;
	_ =	strace $0x8000004A  }
0x5a: {  	_ =	swait.ge [sflag:s14], $0x80  }
0x5b: {  	[sflag:s14] =	ssyncset.done $0x0  }
0x5c: {  	[sflag:s14] =	ssyncadd.s32 $0xFFFFFF80  }
0x5d: {  	s26 =	sadd.s32 s18, s16;
	_ =	strace $0x9000004A  }
0x5e: {  	s14 =	sand.u32 $0x1, s26;
	_ =	strace $0x8000004B  }
0x5f: {  	s30 =	sshll.u32 s19, $0x7;
	s31 =	sshll.u32 s14, $0xE;
	s28 =	rddreg [dreg:$0x5]  }
0x60: {  	s17 =	sand.u32 $0x80, s30;
	s18 =	sor.u32 $0x100, s31;
	s29 =	rddreg [dreg:$0x4]  }
0x61: {  	[tilespmem:s18], [sflag:$0x5] =	stream.indirect.gather [hbm4b:s29+s28], $0x80, s17, s28, $0x2000b8;
	[tilespmem:$0x8100] =	vst v63  }
0x62: {  	_ =	swait.ge [sflag:s8], $0x4000  }
0x63: {  	[sflag:s8] =	ssyncset.done $0x0  }
0x64: {  	p5 =	por p3, p3;
	p6 =	seq.s32 s12, $0x1;
	[sflag:s8] =	ssyncadd.s32 $0xFFFFC000  }
0x65: {  	s11 =	sadd.s32 s4, s11;
	p0 =	por p6, p5;
	_ =	strace $0x9000004B  }
0x66: {  	s11 =	sshll.u32 @p0 s11, $0xB;
	_ =	strace @p0 $0x8000004C  }
0x67: {  	s13 =	sadd.s32 s21, s13;
	s11 =	sand.u32 @p0 $0x1FFFF800, s11;
	s12 =	rddreg [dreg:$0x6]  }
0x68: {  	s14 =	sadd.s32 @p0 $0x3, s14;
	s11 =	sadd.s32 @p0 s12, s11;
	s12 =	simm.s32 @p0 $0x0  }
0x69: {  	[hbm4b:s11+s12] =	stream.linear.scatter @p0 [tilespmem:s18], [sflag:s14], $0x4000, $0x200038;
	[tilespmem:$0x8100] =	vst v63  }
0x6a: {  	p1 =	por p2, p2;
	s11 =	sand.u32 @!p2 $0x1, s13;
	_ =	strace @p0 $0x9000004C  }
0x6b: {  	s11 =	sadd.s32 @!p1 $0x3, s11;
	_ =	strace @!p1 $0x8000004D  }
0x6c: {  	_ =	swait.ge @!p1 [sflag:s11], $0x4000  }
0x6d: {  	[sflag:s11] =	ssyncset.done @!p1 $0x0  }
0x6e: {  	s10 =	sadd.s32 $0x1, s10;
	[sflag:s11] =	ssyncadd.s32 @!p1 $0xFFFFC000  }
0x6f: {  	p0 =	sne.s32 s10, s6;
	_ =	strace @!p1 $0x9000004D  }
.Ltmp1:
0x70: {  	_ =	strace $0x8000004E;
	(pc) =	sbr.rel @p0 .LBB2_1-.Ltmp1, $4  }
0x71: {  	_ =	swait.ge [sflag:s9], $0x4000  }
0x72: {  	[sflag:s9] =	ssyncset.done $0x0  }
0x73: {  	[sflag:s9] =	ssyncadd.s32 $0xFFFFC000  }
0x74: {  	_ =	strace $0x9000004E  }
0x75: {  	_ =	sfence.sel $0x180000  }
0x76: {  	[bflag:$0x0] =	sbarrier.arrive $0xFFFF  }
0x77: {  	p0 =	sne.s32 s1, $0x0;
	_ =	strace $0x90000047  }
0x78: {  	s0 =	sadd.s32 @!p0 $0x100000, s0;
	[bflag:$0x2] =	sbarrier.arrive $0xFFFF  }
0x79: {  	[sflag:s0] =	ssyncadd.tile.s32 @!p0 $0x1;
	_ =	shalt  }
.Lfunc_end2:
_tile_overlayer_lowered:
.L_overlay_start_2:
0x7a: {  	(tag) =	ssettag $0x2  }
0x7b: {  	s0 =	rddreg [dreg:$0x0];
	s2 =	stileid.u32  }
0x7c: {  	s1 =	rddreg [dreg:$0x1];
	p0 =	sne.s32 s2, $0x0  }
0x7d: {  	s3 =	rddreg [dreg:$0x2];
	[bflag:$0x3] =	sbarrier.arrive $0xFFFF;
	s2 =	simm.s32 @!p0 $0x1C01  }
0x7e: {  	[timem:s3], [sflag:s2] =	dma.local @!p0 [hbm:s0], s1  }
0x7f: {  	s0 =	simm.s32 @!p0 $0x1  }
0x80: {  	_ =	swait.ge @!p0 [sflag:s0], s1  }
0x81: {  	s1 =	ssub.s32 @!p0 $0x0, s1;
	[sflag:s0] =	ssyncset.done @!p0 $0x0  }
0x82: {  	[sflag:s0] =	ssyncadd.s32 @!p0 s1  }
0x83: {  	[bflag:$0x3] =	sbarrier.arrive $0xFFFF  }
0x84: {  	_ =	shalt  }

// kernel: kernel.15.cloned.1.call-start
scs
__scs_entry_jumppad:
0x0: {  	(pc) =	sbr.rel $0x88, $3  }
0x1: {  	(tag) =	ssettag $0x0;
	lr =	simm.s32 $0x1  }
0x2: {  	[smem:$0x3F9B] =	sst lr;
	_ =	strace $0xD0000000  }
0x3: {  	_ = 	snop  }
0x4: {  	_ = 	snop  }
0x5: {  	_ = 	snop  }
0x6: {  	_ = 	snop  }
0x7: {  	_ = 	snop  }
__scs_overlays_trampoline_lowered:
0x8: {  	[smem:$0x3FAA] =	sst s0  }
0x9: {  	[smem:$0x3FAB] =	sst s1  }
0xa: {  	[smem:$0x3FAC] =	sst s2  }
0xb: {  	[smem:$0x3FAD] =	sst s3  }
0xc: {  	[smem:$0x3FAE] =	sst s4  }
0xd: {  	[smem:$0x3FAF] =	sst s5  }
0xe: {  	[smem:$0x3FB0] =	sst s6  }
0xf: {  	[smem:$0x3FB1] =	sst s7  }
0x10: {  	[smem:$0x3FB2] =	sst s8  }
0x11: {  	[smem:$0x3FB3] =	sst s9;
	s0 =	simm.s32 @!p0 $0x0  }
0x12: {  	s1 =	sld [smem:$0x3F99];
	s0 =	simm.s32 @p0 $0x1  }
0x13: {  	[smem:$0x3FB4] =	sst s0;
	s0 =	simm.s32 @!p1 $0x0  }
0x14: {  	s2 =	sld [smem:$0x3F98];
	s0 =	simm.s32 @p1 $0x1  }
0x15: {  	[smem:$0x3FB5] =	sst s0;
	s0 =	simm.s32 @!p2 $0x0  }
0x16: {  	s3 =	sld [smem:$0x3FDB];
	s0 =	simm.s32 @p2 $0x1  }
0x17: {  	s4 =	simm.s32 $0x1BF5;
	[smem:$0x3FB7] =	sst s0  }
0x18: {  	s0 =	sld [smem:$0x3F9A];
	_ =	swait.ge [sflag:s4], $0x0  }
0x19: {  	s7 =	sld [smem:$0x3F9B]  }
0x1a: {  	s8 =	sadd.s32 $0xFFFFE003, lr  }
0x1b: {  	s9 =	sadd.s32 $0xFFFFFEF7, lr;
	s5 =	simm.s32 $0xFFFFFFFF;
	p2 =	slt.u32 s8, $0xFFFFF086  }
0x1c: {  	p1 =	slt.u32 s9, $0xF7A;
	s5 =	simm.s32 @!p2 $0x0  }
0x1d: {  	s5 =	simm.s32 @p1 $0x1;
	p0 =	seq.s32 s7, s2  }
0x1e: {  	s7 =	smul.u32 @!p0 $0xF7A, s2;
	p2 =	seq.s32 @!p0 s5, $0x0  }
0x1f: {  	s9 =	smul.u32 $0xF7A, s1;
	s8 =	simm.s32 @!p0 $0x1BF5;
	p2 =	por !p2, p0  }
0x20: {  	[sflag:s8] =	ssyncset.s32 @!p0 $0xFFFFF086;
	s6 =	sadd.s32 @!p0 s3, s7;
	s7 =	simm.s32 @!p0 $0x108  }
0x21: {  	s3 =	sadd.s32 s3, s9;
	s6 =	sadd.s32 @!p0 $0x88, s6;
	s7 =	simm.s32 @p2 $0x1082  }
0x22: {  	[simem:s7], [sflag:s8] =	dma.local @!p0 [hbm:s6], $0xF7A  }
0x23: {  	s9 =	sor.u32 $0xD0000000, s2;
	s6 =	simm.s32 $0x108;
	_ =	swait.ge @!p0 [sflag:s8], $0x0  }
0x24: {  	s3 =	sadd.s32 $0x88, s3;
	s6 =	simm.s32 @!p1 $0x1082;
	[sflag:s4] =	ssyncset.s32 $0xFFFFF086  }
0x25: {  	[simem:s6], [sflag:s4] =	dma.local [hbm:s3], $0xF7A  }
0x26: {  	[smem:$0x3F9B] =	sst s1;
	(tag) =	ssettag s2;
	_ =	strace s9  }
0x27: {  	s1 =	sld [smem:$0x3FAB]  }
0x28: {  	s2 =	sld [smem:$0x3FAC]  }
0x29: {  	s4 =	sld [smem:$0x3FAE]  }
0x2a: {  	p0 =	seq.s32 s5, $0x0;
	s5 =	sld [smem:$0x3FAF]  }
0x2b: {  	s6 =	sld [smem:$0x3FB0]  }
0x2c: {  	s7 =	sld [smem:$0x3FB1]  }
0x2d: {  	s3 =	simm.s32 $0x108;
	s8 =	sld [smem:$0x3FB2]  }
0x2e: {  	s3 =	simm.s32 @!p0 $0x1082;
	s9 =	sld [smem:$0x3FB3]  }
0x2f: {  	lr =	sadd.s32 s0, s3;
	s0 =	sld [smem:$0x3FAA]  }
0x30: {  	s3 =	sld [smem:$0x3FAD]  }
0x31: {  	[smem:$0x3FB6] =	sst s10  }
0x32: {  	s10 =	sld [smem:$0x3FB4];
	_ =	sdelay $0x3  }
0x33: {  	p0 =	seq.s32 s10, $0x1;
	s10 =	sld [smem:$0x3FB6];
	_ =	sdelay $0x3  }
0x34: {  	[smem:$0x3FB6] =	sst s10  }
0x35: {  	s10 =	sld [smem:$0x3FB5];
	_ =	sdelay $0x3  }
0x36: {  	p1 =	seq.s32 s10, $0x1;
	s10 =	sld [smem:$0x3FB6];
	_ =	sdelay $0x3  }
0x37: {  	[smem:$0x3FB6] =	sst s10  }
0x38: {  	s10 =	sld [smem:$0x3FB7]  }
0x39: {  	_ = 	snop;
	(pc) =	sbr.ind lr, $3  }
0x3a: {  	_ = 	snop  }
0x3b: {  	_ = 	snop  }
0x3c: {  	p2 =	seq.s32 s10, $0x1;
	s10 =	sld [smem:$0x3FB6]  }
0x3d: {  	_ =	shalt  }
0x3e: {  	_ =	shalt  }
0x3f: {  	_ =	shalt  }
0x40: {  	_ =	shalt  }
0x41: {  	_ =	shalt  }
0x42: {  	_ =	shalt  }
0x43: {  	_ =	shalt  }
0x44: {  	_ =	shalt  }
0x45: {  	_ =	shalt  }
0x46: {  	_ =	shalt  }
0x47: {  	_ =	shalt  }
0x48: {  	_ =	shalt  }
0x49: {  	_ =	shalt  }
0x4a: {  	_ =	shalt  }
0x4b: {  	_ =	shalt  }
0x4c: {  	_ =	shalt  }
0x4d: {  	_ =	shalt  }
0x4e: {  	_ =	shalt  }
0x4f: {  	_ =	shalt  }
0x50: {  	_ =	shalt  }
0x51: {  	_ =	shalt  }
0x52: {  	_ =	shalt  }
0x53: {  	_ =	shalt  }
0x54: {  	_ =	shalt  }
0x55: {  	_ =	shalt  }
0x56: {  	_ =	shalt  }
0x57: {  	_ =	shalt  }
0x58: {  	_ =	shalt  }
0x59: {  	_ =	shalt  }
0x5a: {  	_ =	shalt  }
0x5b: {  	_ =	shalt  }
0x5c: {  	_ =	shalt  }
0x5d: {  	_ =	shalt  }
0x5e: {  	_ =	shalt  }
0x5f: {  	_ =	shalt  }
0x60: {  	_ =	shalt  }
0x61: {  	_ =	shalt  }
0x62: {  	_ =	shalt  }
0x63: {  	_ =	shalt  }
0x64: {  	_ =	shalt  }
0x65: {  	_ =	shalt  }
0x66: {  	_ =	shalt  }
0x67: {  	_ =	shalt  }
0x68: {  	_ =	shalt  }
0x69: {  	_ =	shalt  }
0x6a: {  	_ =	shalt  }
0x6b: {  	_ =	shalt  }
0x6c: {  	_ =	shalt  }
0x6d: {  	_ =	shalt  }
0x6e: {  	_ =	shalt  }
0x6f: {  	_ =	shalt  }
0x70: {  	_ =	shalt  }
0x71: {  	_ =	shalt  }
0x72: {  	_ =	shalt  }
0x73: {  	_ =	shalt  }
0x74: {  	_ =	shalt  }
0x75: {  	_ =	shalt  }
0x76: {  	_ =	shalt  }
0x77: {  	_ =	shalt  }
0x78: {  	_ =	shalt  }
0x79: {  	_ =	shalt  }
0x7a: {  	_ =	shalt  }
0x7b: {  	_ =	shalt  }
0x7c: {  	_ =	shalt  }
0x7d: {  	_ =	shalt  }
0x7e: {  	_ =	shalt  }
0x7f: {  	_ =	shalt  }
0x80: {  	_ =	shalt  }
0x81: {  	_ =	shalt  }
0x82: {  	_ =	shalt  }
0x83: {  	_ =	shalt  }
0x84: {  	_ =	shalt  }
0x85: {  	_ =	shalt  }
0x86: {  	_ =	shalt  }
0x87: {  	_ =	shalt  }
.Lfunc_end0:
.L_simem_size_0:
called_computation.1_lowered:
.L_overlay_start_0:
0x88: {  	s2 =	sld [smem:$0x3FD9]  }
0x89: {  	s3 =	sld [smem:$0x3FFE];
	_ =	sdelay $0x1  }
0x8a: {  	s1 =	srdreg.scid  }
0x8b: {  	s0 =	sand.u32 $0x1, s1  }
0x8c: {  	s17 =	sshll.u32 s0, $0xA;
	s2 =	sadd.s32 s3, s2  }
0x8d: {  	s2 =	sadd.s32 s2, s17  }
0x8e: {  	[smem:$0x3FC2] =	sst s2  }
0x8f: {  	_ = 	snop  }
0x90: {  	s18 =	sld [smem:$0x3FC8];
	(tm) =	ssettm $0x1  }
0x91: {  	s19 =	sld [smem:$0x3FFB];
	_ =	sdelay $0x3  }
0x92: {  	_ =	strace s19  }
0x93: {  	s2 =	sld [smem:$0x3FFC];
	_ =	sdelay $0x3  }
0x94: {  	_ =	strace s2  }
0x95: {  	s2 =	sld [smem:$0x3FFD];
	_ =	sdelay $0x3  }
0x96: {  	_ =	strace s2  }
0x97: {  	_ =	strace $0x8FFFFFFF  }
0x98: {  	s20 =	sld [smem:$0x3FDB];
	_ =	sdelay $0x1  }
0x99: {  	s4 =	simm.s32 $_scs_section_size  }
0x9a: {  	s5 =	simm.s32 $_size__tile_overlayer_lowered;
	s6 =	simm.s32 $_tile_overlayer_lowered  }
0x9b: {  	s7 =	simm.s32 $0x1BFF;
	s21 =	sshll.u32 s6, $0x1;
	s4 =	sadd.s32 s4, s20  }
0x9c: {  	s22 =	simm.s32 $0x0;
	s5 =	sshll.u32 s5, $0x1;
	s6 =	sadd.s32 s21, s4  }
0x9d: {  	[timem:s22], [sflag:s7] =	dma.local [hbm:s6], s5  }
0x9e: {  	_ =	swait.ge [sflag:s7], s5  }
0x9f: {  	s5 =	ssub.s32 $0x0, s5;
	[sflag:s7] =	ssyncset.done $0x0  }
0xa0: {  	[sflag:s7] =	ssyncadd.s32 s5;
	_ =	sdelay $0x1  }
0xa1: {  	s23 =	simm.s32 $0x1B8B  }
0xa2: {  	_ =	swait.ge [sflag:s23], $0x1  }
0xa3: {  	[sflag:s23] =	ssyncset.done $0x0  }
0xa4: {  	[sflag:s23] =	ssyncadd.s32 $0xFFFFFFFF  }
0xa5: {  	s5 =	sld [smem:$0x0]  }
0xa6: {  	s6 =	sand.u32 $0xFFFFFFFE, s1  }
0xa7: {  	p0 =	sne.s32 s1, s6  }
0xa8: {  	s6 =	sshll.u32 @p0 s6, $0xE  }
0xa9: {  	s6 =	sadd.s32 @p0 $0x11B8D, s6;
	s7 =	sshll.u32 @p0 s5, $0x11  }
0xaa: {  	s6 =	sor.u32 @p0 s7, s6  }
0xab: {  	[sflag:s6] =	ssyncadd.remote.s32 @p0 $0x1;
	_ =	sdelay $0x1  }
0xac: {  	s6 =	simm.s32 @p0 $0x1B8D  }
0xad: {  	_ =	swait.eq @p0 [sflag:s6], $0x1  }
0xae: {  	[sflag:s6] =	ssyncadd.s32 @p0 $0xFFFFFFFF  }
0xaf: {  	s7 =	sshll.u32 @!p0 s1, $0xE  }
0xb0: {  	s7 =	sor.u32 @!p0 $0x4000, s7;
	s6 =	simm.s32 @!p0 $0x1B8D  }
0xb1: {  	s5 =	sshll.u32 @!p0 s5, $0x11;
	s7 =	sadd.s32 @!p0 $0x11B8D, s7;
	_ =	swait.eq @!p0 [sflag:s6], $0x1  }
0xb2: {  	s5 =	sor.u32 @!p0 s5, s7;
	[sflag:s6] =	ssyncadd.s32 @!p0 $0xFFFFFFFF  }
0xb3: {  	s25 =	simm.s32 $0x1B8E;
	s24 =	sld [smem:$0x3FFE];
	[sflag:s5] =	ssyncadd.remote.s32 @!p0 $0x1  }
0xb4: {  	s26 =	simm.s32 $execute0_lowered;
	[smem:$0x3FD2] =	sst s25  }
0xb5: {  	s6 =	sshll.u32 s26, $0x1;
	_ =	strace $0x80000050;
	[dreg:$0x1] =	wrdreg $0xFFFFFFFF  }
0xb6: {  	s28 =	simm.s32 $_size_execute0_lowered;
	s4 =	sadd.s32 s4, s6;
	[dreg:$0x0] =	wrdreg $0x0  }
0xb7: {  	s6 =	sshll.u32 s28, $0x1;
	[dreg:$0x2] =	wrdreg s4  }
0xb8: {  	[dreg:$0x3] =	wrdreg s6  }
0xb9: {  	[dreg:$0x4] =	wrdreg $0xC0  }
0xba: {  	_ =	task [dreg:s22], $0x5FFFF  }
0xbb: {  	[dreg:$0x1] =	wrdreg $0xFFFFFFFF  }
0xbc: {  	[dreg:$0x0] =	wrdreg $0x60  }
0xbd: {  	[dreg:$0x2] =	wrdreg s18  }
0xbe: {  	[dreg:$0x3] =	wrdreg s24  }
0xbf: {  	[dreg:$0x4] =	wrdreg $0xA  }
0xc0: {  	_ =	task.clear_ibuf [dreg:s22], $0x5FFFF;
	_ =	strace $0x90000050  }
0xc1: {  	s29 =	simm.s32 $0xA;
	_ =	strace $0x80000059  }
0xc2: {  	_ =	swait.ge [sflag:s29], $0x1  }
0xc3: {  	[sflag:s29] =	ssyncadd.s32 $0xFFFFFFFF  }
0xc4: {  	_ =	strace $0x90000059  }
0xc5: {  	_ =	sfence  }
0xc6: {  	s30 =	sld [smem:$0x0];
	_ =	sdelay $0x2  }
0xc7: {  	s31 =	sshll.u32 s1, $0xD;
	s1 =	sshrl.u32 s1, $0x2  }
0xc8: {  	s4 =	sand.u32 $0x4000, s31;
	s1 =	sadd.s32 s1, s30  }
0xc9: {  	s0 =	sor.u32 s4, s0;
	s1 =	sshll.u32 s1, $0x11  }
0xca: {  	s0 =	sor.u32 s1, s0  }
0xcb: {  	s0 =	sadd.s32 $0x8F2B, s0  }
0xcc: {  	[sflag:s0] =	ssyncadd.remote.s32 $0x1  }
0xcd: {  	_ =	sfence.sel $0xFFFF  }
0xce: {  	[dreg:$0x0] =	wrdreg $0xFFFFFFFF;
	(pc) =	sbr.abs _section_cstart, $3  }
0xcf: {  	[dreg:$0x1] =	wrdreg $0xFFFFFFFF  }
0xd0: {  	_ =	task.clear_ibuf [dreg:s22], $0x2FFFF;
	_ =	strace $0x9FFFFFFF  }
0xd1: {  	(tm) =	ssettm $0x7FFFFFFF  }
tec
execute0_lowered:
.L_overlay_start_1:
0x0: {  	(tag) =	ssettag $0x1  }
0x1: {  	s0 =	rddreg [dreg:$0x0]  }
0x2: {  	s3 =	rddreg [dreg:$0x1];
	s1 =	srdreg.scid;
	s2 =	simm.s32 $0x0  }
0x3: {  	s31 =	simm.s32 $0x80;
	s9 =	simm.s32 $0x4;
	[dreg:$0x3] =	wrdreg s0  }
0x4: {  	s10 =	simm.s32 $0x0;
	s0 =	rddreg [dreg:$0x2];
	s4 =	sand.u32 $0x1, s1  }
0x5: {  	[smem:$0x7FF] =	sst s2;
	s1 =	stileid.u32;
	s6 =	sadd.s32 $0x9C00, s3  }
0x6: {  	s3 =	sadd.s32 $0x4C00, s3;
	s5 =	sshll.u32 s4, $0x4;
	_ =	strace $0x80000051  }
0x7: {  	s4 =	ssub.s32 $0x2, s4;
	[dreg:$0x5] =	wrdreg s6;
	s5 =	sor.u32 s1, s5  }
0x8: {  	[dreg:$0x4] =	wrdreg s31;
	s7 =	sshrl.u32 s4, $0x1;
	s8 =	smul.u32 $0xA0, s5  }
0x9: {  	s30 =	ssub.s32 s4, s7;
	s4 =	smul.u32 $0xA, s5;
	s7 =	simm.s32 $0x1  }
0xa: {  	s6 =	smax.u32 s30, $0x1;
	s5 =	sadd.s32 s3, s8;
	s8 =	simm.s32 $0x5  }
.LBB2_1:
0xb: {  	_ =	strace $0x80000052;
	s11 =	simm.s32 $0x1;
	p0 =	por $0x0, $0x0  }
0xc: {  	[tilespmem:s2], [sflag:$0x1] =	stream.linear.gather [hbm4b:s5+s2], $0x80, $0x200038;
	[tilespmem:$0x8100] =	vst v63  }
0xd: {  	s11 =	simm.s32 @p0 $0x0  }
0xe: {  	p4 =	por $0x1, $0x1;
	s20 =	sand.u32 $0x1, s2;
	p1 =	sne.s32 s11, $0x0  }
0xf: {  	p2 =	por $0x1, $0x1;
	s18 =	simm.s32 $0x8;
	p0 =	por !p4, !p1  }
0x10: {  	s16 =	simm.s32 $0x0;
	p5 =	por $0x0, $0x0;
	p0 =	por !p0, !p0  }
0x11: {  	s23 =	sadd.s32 $0x0, s4;
	s30 =	sadd.s32 $0x1, s20;
	s12 =	sadd.s32 @p0 s4, s11  }
0x12: {  	_ =	strace $0x90000052;
	s13 =	sand.u32 @p0 $0x1, s7;
	s12 =	sshll.u32 @p0 s12, $0x4  }
0x13: {  	_ =	strace @p0 $0x80000053;
	s15 =	simm.s32 @p0 $0x0;
	s12 =	sand.u32 @p0 $0x1FFFFFF0, s12  }
0x14: {  	s14 =	sshll.u32 @p0 s13, $0x7;
	s13 =	sadd.s32 @p0 $0x1, s13;
	s12 =	sadd.s32 @p0 s3, s12  }
0x15: {  	[tilespmem:s14], [sflag:s13] =	stream.linear.gather @p0 [hbm4b:s12+s15], $0x80, $0x200038;
	[tilespmem:$0x8100] =	vst v63  }
0x16: {  	p3 =	por p2, p2;
	s21 =	sshll.u32 s20, $0xE;
	_ =	strace @p0 $0x90000053  }
0x17: {  	s16 =	sand.u32 $0x80, s16;
	p2 =	por p5, p5;
	_ =	strace $0x80000054  }
0x18: {  	s17 =	sadd.s32 $0x1, s11;
	s22 =	sor.u32 $0x100, s21;
	_ =	swait.ge [sflag:s30], $0x80  }
0x19: {  	s21 =	simm.s32 $0x1;
	p6 =	por p1, p1;
	[sflag:s30] =	ssyncset.done $0x0  }
0x1a: {  	p1 =	por p3, p3;
	p4 =	por $0x1, $0x1;
	[sflag:s30] =	ssyncadd.s32 $0xFFFFFF80  }
0x1b: {  	s12 =	simm.s32 $0x9;
	s15 =	sand.u32 @!p3 $0x1, s2;
	_ =	strace $0x90000054  }
0x1c: {  	s13 =	simm.s32 $0x1;
	p3 =	seq.s32 s17, $0xA;
	_ =	strace $0x80000055  }
0x1d: {  	s13 =	simm.s32 @!p0 $0x0;
	s17 =	simm.s32 @p3 $0x0;
	s19 =	rddreg [dreg:$0x4]  }
0x1e: {  	p0 =	por $0x0, $0x0;
	s14 =	sadd.s32 $0x1, s13;
	s31 =	rddreg [dreg:$0x3]  }
0x1f: {  	[tilespmem:s22], [sflag:$0x5] =	stream.indirect.gather [hbm4b:s31+s19], $0x80, s16, s19, $0x2000b8;
	[tilespmem:$0x8100] =	vst v63  }
0x20: {  	p3 =	sne.s32 s11, s17;
	s21 =	simm.s32 @!p0 $0x0;
	_ =	swait.ge [sflag:s8], $0x4000  }
0x21: {  	p5 =	por !p4, !p3;
	p4 =	por $0x0, $0x0;
	[sflag:s8] =	ssyncset.done $0x0  }
0x22: {  	s13 =	simm.s32 $0x0;
	p6 =	por p4, p6;
	[sflag:s8] =	ssyncadd.s32 $0xFFFFC000  }
0x23: {  	s16 =	simm.s32 $0x0;
	s19 =	simm.s32 $0x0;
	_ =	strace $0x90000055  }
.LBB2_2:
0x24: {  	_ =	strace @p6 $0x80000056;
	s13 =	sadd.s32 s21, s13;
	s21 =	smov.u32 s12  }
0x25: {  	s12 =	smov.u32 s18;
	s18 =	sadd.s32 $0xFFFFFFFF, s18;
	p0 =	por p3, p3  }
0x26: {  	s28 =	sshll.u32 @p6 s23, $0xB;
	s20 =	sadd.s32 @p6 $0x3, s20;
	s24 =	simm.s32 @!p0 $0x0  }
0x27: {  	s25 =	rddreg [dreg:$0x5];
	s28 =	sand.u32 @p6 $0x1FFFF800, s28;
	s24 =	simm.s32 @p0 $0x1  }
0x28: {  	s25 =	sadd.s32 @p6 s25, s28;
	s28 =	simm.s32 @p6 $0x0;
	p0 =	sne.s32 s18, $0x0  }
0x29: {  	[hbm4b:s25+s28] =	stream.linear.scatter @p6 [tilespmem:s22], [sflag:s20], $0x4000, $0x200038;
	[tilespmem:$0x8100] =	vst v63  }
0x2a: {  	s20 =	sadd.s32 @!p1 $0x3, s15;
	s15 =	simm.s32 @!p0 $0x0  }
0x2b: {  	s26 =	simm.s32 $0x1;
	[smem:$0x7FC] =	sst s24;
	s15 =	simm.s32 @p0 $0x1  }
0x2c: {  	s26 =	simm.s32 @!p6 $0x0;
	_ =	strace @p6 $0x90000056;
	[smem:$0x7FD] =	sst s15  }
0x2d: {  	p5 =	por !p5, !p5;
	s19 =	sadd.s32 s26, s19;
	_ =	strace @!p1 $0x80000057  }
0x2e: {  	s24 =	sand.u32 @!p2 $0x1, s13;
	s22 =	sand.u32 @p5 $0x1, s14;
	_ =	swait.ge @!p1 [sflag:s20], $0x4000  }
0x2f: {  	s15 =	smov.u32 s24;
	s24 =	sadd.s32 @p5 s4, s17;
	[sflag:s20] =	ssyncset.done @!p1 $0x0  }
0x30: {  	s25 =	sshll.u32 @p5 s22, $0x7;
	s24 =	sshll.u32 @p5 s24, $0x4;
	[sflag:s20] =	ssyncadd.s32 @!p1 $0xFFFFC000  }
0x31: {  	s20 =	sadd.s32 @p5 $0x1, s22;
	s22 =	sand.u32 @p5 $0x1FFFFFF0, s24;
	_ =	strace @!p1 $0x90000057  }
0x32: {  	s24 =	simm.s32 @p5 $0x0;
	s22 =	sadd.s32 @p5 s3, s22;
	_ =	strace @p5 $0x80000053  }
0x33: {  	[tilespmem:s25], [sflag:s20] =	stream.linear.gather @p5 [hbm4b:s22+s24], $0x80, $0x200038;
	[tilespmem:$0x8100] =	vst v63  }
0x34: {  	s16 =	sadd.s32 s26, s16;
	s26 =	sand.u32 $0x1, s19;
	_ =	strace @p5 $0x90000053  }
0x35: {  	s24 =	sadd.s32 $0x1, s26;
	_ =	strace $0x80000054  }
0x36: {  	_ =	swait.ge [sflag:s24], $0x80  }
0x37: {  	[sflag:s24] =	ssyncset.done $0x0  }
0x38: {  	s20 =	simm.s32 $0x1;
	[sflag:s24] =	ssyncadd.s32 $0xFFFFFF80  }
0x39: {  	s20 =	simm.s32 @!p5 $0x0;
	_ =	strace $0x90000054  }
0x3a: {  	s14 =	sadd.s32 s20, s14;
	s20 =	sand.u32 $0x1, s16;
	_ =	strace $0x80000055  }
0x3b: {  	s29 =	sshll.u32 s19, $0x7;
	s25 =	sshll.u32 s20, $0xE;
	s26 =	rddreg [dreg:$0x4]  }
0x3c: {  	s29 =	sand.u32 $0x80, s29;
	s22 =	sor.u32 $0x100, s25;
	s30 =	rddreg [dreg:$0x3]  }
0x3d: {  	[tilespmem:s22], [sflag:$0x5] =	stream.indirect.gather [hbm4b:s30+s26], $0x80, s29, s26, $0x2000b8;
	[tilespmem:$0x8100] =	vst v63  }
0x3e: {  	_ =	swait.ge [sflag:s8], $0x4000  }
0x3f: {  	s31 =	sadd.s32 $0x1, s17;
	[sflag:s8] =	ssyncset.done $0x0  }
0x40: {  	s23 =	sadd.s32 s4, s11;
	s11 =	smov.u32 s17;
	[sflag:s8] =	ssyncadd.s32 $0xFFFFC000  }
0x41: {  	p3 =	seq.s32 s31, $0xA;
	s17 =	smov.u32 s31;
	_ =	strace $0x90000055  }
0x42: {  	s17 =	simm.s32 @p3 $0x0;
	s31 =	sld [smem:$0x7FD]  }
0x43: {  	p6 =	sne.s32 s12, $0x1;
	p0 =	sne.s32 s21, $0xA;
	p3 =	sne.s32 s11, s17  }
0x44: {  	p5 =	por !p6, !p3;
	p6 =	seq.s32 s21, $0x1;
	s21 =	simm.s32 $0x1  }
0x45: {  	s21 =	simm.s32 @!p0 $0x0;
	p0 =	seq.s32 s31, $0x1  }
.Ltmp0:
0x46: {  	s30 =	sld [smem:$0x7FC];
	(pc) =	sbr.rel @p0 .LBB2_2-.Ltmp0, $4  }
0x47: {  	_ = 	snop  }
0x48: {  	p4 =	seq.s32 s12, $0xA  }
0x49: {  	p1 =	por p2, p2;
	p2 =	por p4, p4;
	p4 =	seq.s32 s30, $0x1  }
0x4a: {  	p6 =	por p6, p4  }
0x4b: {  	_ =	strace @p6 $0x80000056;
	s23 =	sshll.u32 @p6 s23, $0xB  }
0x4c: {  	s18 =	rddreg [dreg:$0x5];
	s23 =	sand.u32 @p6 $0x1FFFF800, s23  }
0x4d: {  	s20 =	sadd.s32 @p6 $0x3, s20;
	s18 =	sadd.s32 @p6 s18, s23;
	s23 =	simm.s32 @p6 $0x0  }
0x4e: {  	[hbm4b:s18+s23] =	stream.linear.scatter @p6 [tilespmem:s22], [sflag:s20], $0x4000, $0x200038;
	[tilespmem:$0x8100] =	vst v63  }
0x4f: {  	p0 =	por !p5, !p5;
	_ =	strace @p6 $0x90000056  }
0x50: {  	s15 =	sadd.s32 @!p1 $0x3, s15;
	s17 =	sadd.s32 @p0 s4, s17;
	_ =	strace @!p1 $0x80000057  }
0x51: {  	s14 =	sand.u32 @p0 $0x1, s14;
	s17 =	sshll.u32 @p0 s17, $0x4;
	_ =	swait.ge @!p1 [sflag:s15], $0x4000  }
0x52: {  	s18 =	simm.s32 $0x1;
	s20 =	sshll.u32 @p0 s14, $0x7;
	[sflag:s15] =	ssyncset.done @!p1 $0x0  }
0x53: {  	s14 =	sadd.s32 @p0 $0x1, s14;
	s18 =	simm.s32 @!p6 $0x0;
	[sflag:s15] =	ssyncadd.s32 @!p1 $0xFFFFC000  }
0x54: {  	s19 =	sadd.s32 s18, s19;
	s15 =	sand.u32 @p0 $0x1FFFFFF0, s17;
	_ =	strace @!p1 $0x90000057  }
0x55: {  	s17 =	simm.s32 @p0 $0x0;
	s15 =	sadd.s32 @p0 s3, s15;
	_ =	strace @p0 $0x80000053  }
0x56: {  	[tilespmem:s20], [sflag:s14] =	stream.linear.gather @p0 [hbm4b:s15+s17], $0x80, $0x200038;
	[tilespmem:$0x8100] =	vst v63  }
0x57: {  	s25 =	sand.u32 $0x1, s19;
	_ =	strace @p0 $0x90000053  }
0x58: {  	s14 =	sadd.s32 $0x1, s25;
	_ =	strace $0x80000054  }
0x59: {  	_ =	swait.ge [sflag:s14], $0x80  }
0x5a: {  	[sflag:s14] =	ssyncset.done $0x0  }
0x5b: {  	[sflag:s14] =	ssyncadd.s32 $0xFFFFFF80  }
0x5c: {  	s26 =	sadd.s32 s18, s16;
	_ =	strace $0x90000054  }
0x5d: {  	s14 =	sand.u32 $0x1, s26;
	_ =	strace $0x80000055  }
0x5e: {  	s30 =	sshll.u32 s19, $0x7;
	s31 =	sshll.u32 s14, $0xE;
	s28 =	rddreg [dreg:$0x4]  }
0x5f: {  	s17 =	sand.u32 $0x80, s30;
	s18 =	sor.u32 $0x100, s31;
	s29 =	rddreg [dreg:$0x3]  }
0x60: {  	[tilespmem:s18], [sflag:$0x5] =	stream.indirect.gather [hbm4b:s29+s28], $0x80, s17, s28, $0x2000b8;
	[tilespmem:$0x8100] =	vst v63  }
0x61: {  	_ =	swait.ge [sflag:s8], $0x4000  }
0x62: {  	[sflag:s8] =	ssyncset.done $0x0  }
0x63: {  	p5 =	por p3, p3;
	p6 =	seq.s32 s12, $0x1;
	[sflag:s8] =	ssyncadd.s32 $0xFFFFC000  }
0x64: {  	s11 =	sadd.s32 s4, s11;
	p0 =	por p6, p5;
	_ =	strace $0x90000055  }
0x65: {  	s11 =	sshll.u32 @p0 s11, $0xB;
	_ =	strace @p0 $0x80000056  }
0x66: {  	s13 =	sadd.s32 s21, s13;
	s11 =	sand.u32 @p0 $0x1FFFF800, s11;
	s12 =	rddreg [dreg:$0x5]  }
0x67: {  	s14 =	sadd.s32 @p0 $0x3, s14;
	s11 =	sadd.s32 @p0 s12, s11;
	s12 =	simm.s32 @p0 $0x0  }
0x68: {  	[hbm4b:s11+s12] =	stream.linear.scatter @p0 [tilespmem:s18], [sflag:s14], $0x4000, $0x200038;
	[tilespmem:$0x8100] =	vst v63  }
0x69: {  	p1 =	por p2, p2;
	s11 =	sand.u32 @!p2 $0x1, s13;
	_ =	strace @p0 $0x90000056  }
0x6a: {  	s11 =	sadd.s32 @!p1 $0x3, s11;
	_ =	strace @!p1 $0x80000057  }
0x6b: {  	_ =	swait.ge @!p1 [sflag:s11], $0x4000  }
0x6c: {  	[sflag:s11] =	ssyncset.done @!p1 $0x0  }
0x6d: {  	s10 =	sadd.s32 $0x1, s10;
	[sflag:s11] =	ssyncadd.s32 @!p1 $0xFFFFC000  }
0x6e: {  	p0 =	sne.s32 s10, s6;
	_ =	strace @!p1 $0x90000057  }
.Ltmp1:
0x6f: {  	_ =	strace $0x80000058;
	(pc) =	sbr.rel @p0 .LBB2_1-.Ltmp1, $4  }
0x70: {  	_ =	swait.ge [sflag:s9], $0x4000  }
0x71: {  	[sflag:s9] =	ssyncset.done $0x0  }
0x72: {  	[sflag:s9] =	ssyncadd.s32 $0xFFFFC000  }
0x73: {  	_ =	strace $0x90000058  }
0x74: {  	_ =	sfence.sel $0x180000  }
0x75: {  	[bflag:$0x0] =	sbarrier.arrive $0xFFFF  }
0x76: {  	p0 =	sne.s32 s1, $0x0;
	_ =	strace $0x90000051  }
0x77: {  	s0 =	sadd.s32 @!p0 $0x100000, s0;
	[bflag:$0x2] =	sbarrier.arrive $0xFFFF  }
0x78: {  	[sflag:s0] =	ssyncadd.tile.s32 @!p0 $0x1;
	_ =	shalt  }
.Lfunc_end2:
_tile_overlayer_lowered:
.L_overlay_start_2:
0x79: {  	(tag) =	ssettag $0x2  }
0x7a: {  	s0 =	rddreg [dreg:$0x0];
	s2 =	stileid.u32  }
0x7b: {  	s1 =	rddreg [dreg:$0x1];
	p0 =	sne.s32 s2, $0x0  }
0x7c: {  	s3 =	rddreg [dreg:$0x2];
	[bflag:$0x3] =	sbarrier.arrive $0xFFFF;
	s2 =	simm.s32 @!p0 $0x1C01  }
0x7d: {  	[timem:s3], [sflag:s2] =	dma.local @!p0 [hbm:s0], s1  }
0x7e: {  	s0 =	simm.s32 @!p0 $0x1  }
0x7f: {  	_ =	swait.ge @!p0 [sflag:s0], s1  }
0x80: {  	s1 =	ssub.s32 @!p0 $0x0, s1;
	[sflag:s0] =	ssyncset.done @!p0 $0x0  }
0x81: {  	[sflag:s0] =	ssyncadd.s32 @!p0 s1  }
0x82: {  	[bflag:$0x3] =	sbarrier.arrive $0xFFFF  }
0x83: {  	_ =	shalt  }

// kernel: kernel.18.cloned.1.call-start
scs
__scs_entry_jumppad:
0x0: {  	(pc) =	sbr.rel $0x88, $3  }
0x1: {  	(tag) =	ssettag $0x0;
	lr =	simm.s32 $0x1  }
0x2: {  	[smem:$0x3F9B] =	sst lr;
	_ =	strace $0xD0000000  }
0x3: {  	_ = 	snop  }
0x4: {  	_ = 	snop  }
0x5: {  	_ = 	snop  }
0x6: {  	_ = 	snop  }
0x7: {  	_ = 	snop  }
__scs_overlays_trampoline_lowered:
0x8: {  	[smem:$0x3FAA] =	sst s0  }
0x9: {  	[smem:$0x3FAB] =	sst s1  }
0xa: {  	[smem:$0x3FAC] =	sst s2  }
0xb: {  	[smem:$0x3FAD] =	sst s3  }
0xc: {  	[smem:$0x3FAE] =	sst s4  }
0xd: {  	[smem:$0x3FAF] =	sst s5  }
0xe: {  	[smem:$0x3FB0] =	sst s6  }
0xf: {  	[smem:$0x3FB1] =	sst s7  }
0x10: {  	[smem:$0x3FB2] =	sst s8  }
0x11: {  	[smem:$0x3FB3] =	sst s9;
	s0 =	simm.s32 @!p0 $0x0  }
0x12: {  	s1 =	sld [smem:$0x3F99];
	s0 =	simm.s32 @p0 $0x1  }
0x13: {  	[smem:$0x3FB4] =	sst s0;
	s0 =	simm.s32 @!p1 $0x0  }
0x14: {  	s2 =	sld [smem:$0x3F98];
	s0 =	simm.s32 @p1 $0x1  }
0x15: {  	[smem:$0x3FB5] =	sst s0;
	s0 =	simm.s32 @!p2 $0x0  }
0x16: {  	s3 =	sld [smem:$0x3FDB];
	s0 =	simm.s32 @p2 $0x1  }
0x17: {  	s4 =	simm.s32 $0x1BF5;
	[smem:$0x3FB7] =	sst s0  }
0x18: {  	s0 =	sld [smem:$0x3F9A];
	_ =	swait.ge [sflag:s4], $0x0  }
0x19: {  	s7 =	sld [smem:$0x3F9B]  }
0x1a: {  	s8 =	sadd.s32 $0xFFFFE003, lr  }
0x1b: {  	s9 =	sadd.s32 $0xFFFFFEF7, lr;
	s5 =	simm.s32 $0xFFFFFFFF;
	p2 =	slt.u32 s8, $0xFFFFF086  }
0x1c: {  	p1 =	slt.u32 s9, $0xF7A;
	s5 =	simm.s32 @!p2 $0x0  }
0x1d: {  	s5 =	simm.s32 @p1 $0x1;
	p0 =	seq.s32 s7, s2  }
0x1e: {  	s7 =	smul.u32 @!p0 $0xF7A, s2;
	p2 =	seq.s32 @!p0 s5, $0x0  }
0x1f: {  	s9 =	smul.u32 $0xF7A, s1;
	s8 =	simm.s32 @!p0 $0x1BF5;
	p2 =	por !p2, p0  }
0x20: {  	[sflag:s8] =	ssyncset.s32 @!p0 $0xFFFFF086;
	s6 =	sadd.s32 @!p0 s3, s7;
	s7 =	simm.s32 @!p0 $0x108  }
0x21: {  	s3 =	sadd.s32 s3, s9;
	s6 =	sadd.s32 @!p0 $0x88, s6;
	s7 =	simm.s32 @p2 $0x1082  }
0x22: {  	[simem:s7], [sflag:s8] =	dma.local @!p0 [hbm:s6], $0xF7A  }
0x23: {  	s9 =	sor.u32 $0xD0000000, s2;
	s6 =	simm.s32 $0x108;
	_ =	swait.ge @!p0 [sflag:s8], $0x0  }
0x24: {  	s3 =	sadd.s32 $0x88, s3;
	s6 =	simm.s32 @!p1 $0x1082;
	[sflag:s4] =	ssyncset.s32 $0xFFFFF086  }
0x25: {  	[simem:s6], [sflag:s4] =	dma.local [hbm:s3], $0xF7A  }
0x26: {  	[smem:$0x3F9B] =	sst s1;
	(tag) =	ssettag s2;
	_ =	strace s9  }
0x27: {  	s1 =	sld [smem:$0x3FAB]  }
0x28: {  	s2 =	sld [smem:$0x3FAC]  }
0x29: {  	s4 =	sld [smem:$0x3FAE]  }
0x2a: {  	p0 =	seq.s32 s5, $0x0;
	s5 =	sld [smem:$0x3FAF]  }
0x2b: {  	s6 =	sld [smem:$0x3FB0]  }
0x2c: {  	s7 =	sld [smem:$0x3FB1]  }
0x2d: {  	s3 =	simm.s32 $0x108;
	s8 =	sld [smem:$0x3FB2]  }
0x2e: {  	s3 =	simm.s32 @!p0 $0x1082;
	s9 =	sld [smem:$0x3FB3]  }
0x2f: {  	lr =	sadd.s32 s0, s3;
	s0 =	sld [smem:$0x3FAA]  }
0x30: {  	s3 =	sld [smem:$0x3FAD]  }
0x31: {  	[smem:$0x3FB6] =	sst s10  }
0x32: {  	s10 =	sld [smem:$0x3FB4];
	_ =	sdelay $0x3  }
0x33: {  	p0 =	seq.s32 s10, $0x1;
	s10 =	sld [smem:$0x3FB6];
	_ =	sdelay $0x3  }
0x34: {  	[smem:$0x3FB6] =	sst s10  }
0x35: {  	s10 =	sld [smem:$0x3FB5];
	_ =	sdelay $0x3  }
0x36: {  	p1 =	seq.s32 s10, $0x1;
	s10 =	sld [smem:$0x3FB6];
	_ =	sdelay $0x3  }
0x37: {  	[smem:$0x3FB6] =	sst s10  }
0x38: {  	s10 =	sld [smem:$0x3FB7]  }
0x39: {  	_ = 	snop;
	(pc) =	sbr.ind lr, $3  }
0x3a: {  	_ = 	snop  }
0x3b: {  	_ = 	snop  }
0x3c: {  	p2 =	seq.s32 s10, $0x1;
	s10 =	sld [smem:$0x3FB6]  }
0x3d: {  	_ =	shalt  }
0x3e: {  	_ =	shalt  }
0x3f: {  	_ =	shalt  }
0x40: {  	_ =	shalt  }
0x41: {  	_ =	shalt  }
0x42: {  	_ =	shalt  }
0x43: {  	_ =	shalt  }
0x44: {  	_ =	shalt  }
0x45: {  	_ =	shalt  }
0x46: {  	_ =	shalt  }
0x47: {  	_ =	shalt  }
0x48: {  	_ =	shalt  }
0x49: {  	_ =	shalt  }
0x4a: {  	_ =	shalt  }
0x4b: {  	_ =	shalt  }
0x4c: {  	_ =	shalt  }
0x4d: {  	_ =	shalt  }
0x4e: {  	_ =	shalt  }
0x4f: {  	_ =	shalt  }
0x50: {  	_ =	shalt  }
0x51: {  	_ =	shalt  }
0x52: {  	_ =	shalt  }
0x53: {  	_ =	shalt  }
0x54: {  	_ =	shalt  }
0x55: {  	_ =	shalt  }
0x56: {  	_ =	shalt  }
0x57: {  	_ =	shalt  }
0x58: {  	_ =	shalt  }
0x59: {  	_ =	shalt  }
0x5a: {  	_ =	shalt  }
0x5b: {  	_ =	shalt  }
0x5c: {  	_ =	shalt  }
0x5d: {  	_ =	shalt  }
0x5e: {  	_ =	shalt  }
0x5f: {  	_ =	shalt  }
0x60: {  	_ =	shalt  }
0x61: {  	_ =	shalt  }
0x62: {  	_ =	shalt  }
0x63: {  	_ =	shalt  }
0x64: {  	_ =	shalt  }
0x65: {  	_ =	shalt  }
0x66: {  	_ =	shalt  }
0x67: {  	_ =	shalt  }
0x68: {  	_ =	shalt  }
0x69: {  	_ =	shalt  }
0x6a: {  	_ =	shalt  }
0x6b: {  	_ =	shalt  }
0x6c: {  	_ =	shalt  }
0x6d: {  	_ =	shalt  }
0x6e: {  	_ =	shalt  }
0x6f: {  	_ =	shalt  }
0x70: {  	_ =	shalt  }
0x71: {  	_ =	shalt  }
0x72: {  	_ =	shalt  }
0x73: {  	_ =	shalt  }
0x74: {  	_ =	shalt  }
0x75: {  	_ =	shalt  }
0x76: {  	_ =	shalt  }
0x77: {  	_ =	shalt  }
0x78: {  	_ =	shalt  }
0x79: {  	_ =	shalt  }
0x7a: {  	_ =	shalt  }
0x7b: {  	_ =	shalt  }
0x7c: {  	_ =	shalt  }
0x7d: {  	_ =	shalt  }
0x7e: {  	_ =	shalt  }
0x7f: {  	_ =	shalt  }
0x80: {  	_ =	shalt  }
0x81: {  	_ =	shalt  }
0x82: {  	_ =	shalt  }
0x83: {  	_ =	shalt  }
0x84: {  	_ =	shalt  }
0x85: {  	_ =	shalt  }
0x86: {  	_ =	shalt  }
0x87: {  	_ =	shalt  }
.Lfunc_end0:
.L_simem_size_0:
called_computation.2_lowered:
.L_overlay_start_0:
0x88: {  	s2 =	sld [smem:$0x3FD9]  }
0x89: {  	s3 =	sld [smem:$0x3FFE];
	_ =	sdelay $0x1  }
0x8a: {  	s1 =	srdreg.scid  }
0x8b: {  	s0 =	sand.u32 $0x1, s1  }
0x8c: {  	s17 =	sshll.u32 s0, $0xA;
	s2 =	sadd.s32 s3, s2  }
0x8d: {  	s2 =	sadd.s32 s2, s17  }
0x8e: {  	[smem:$0x3FC2] =	sst s2  }
0x8f: {  	_ = 	snop  }
0x90: {  	s18 =	sld [smem:$0x3FC8];
	(tm) =	ssettm $0x1  }
0x91: {  	s19 =	sld [smem:$0x3FFB];
	_ =	sdelay $0x3  }
0x92: {  	_ =	strace s19  }
0x93: {  	s2 =	sld [smem:$0x3FFC];
	_ =	sdelay $0x3  }
0x94: {  	_ =	strace s2  }
0x95: {  	s2 =	sld [smem:$0x3FFD];
	_ =	sdelay $0x3  }
0x96: {  	_ =	strace s2  }
0x97: {  	_ =	strace $0x8FFFFFFF  }
0x98: {  	s20 =	sld [smem:$0x3FDB];
	_ =	sdelay $0x1  }
0x99: {  	s4 =	simm.s32 $_scs_section_size  }
0x9a: {  	s5 =	simm.s32 $_size__tile_overlayer_lowered;
	s6 =	simm.s32 $_tile_overlayer_lowered  }
0x9b: {  	s7 =	simm.s32 $0x1BFF;
	s21 =	sshll.u32 s6, $0x1;
	s4 =	sadd.s32 s4, s20  }
0x9c: {  	s22 =	simm.s32 $0x0;
	s5 =	sshll.u32 s5, $0x1;
	s6 =	sadd.s32 s21, s4  }
0x9d: {  	[timem:s22], [sflag:s7] =	dma.local [hbm:s6], s5  }
0x9e: {  	_ =	swait.ge [sflag:s7], s5  }
0x9f: {  	s5 =	ssub.s32 $0x0, s5;
	[sflag:s7] =	ssyncset.done $0x0  }
0xa0: {  	[sflag:s7] =	ssyncadd.s32 s5;
	_ =	sdelay $0x1  }
0xa1: {  	s23 =	simm.s32 $0x1B8B  }
0xa2: {  	_ =	swait.ge [sflag:s23], $0x1  }
0xa3: {  	[sflag:s23] =	ssyncset.done $0x0  }
0xa4: {  	[sflag:s23] =	ssyncadd.s32 $0xFFFFFFFF  }
0xa5: {  	s5 =	sld [smem:$0x0]  }
0xa6: {  	s6 =	sand.u32 $0xFFFFFFFE, s1  }
0xa7: {  	p0 =	sne.s32 s1, s6  }
0xa8: {  	s6 =	sshll.u32 @p0 s6, $0xE  }
0xa9: {  	s6 =	sadd.s32 @p0 $0x11B8D, s6;
	s7 =	sshll.u32 @p0 s5, $0x11  }
0xaa: {  	s6 =	sor.u32 @p0 s7, s6  }
0xab: {  	[sflag:s6] =	ssyncadd.remote.s32 @p0 $0x1;
	_ =	sdelay $0x1  }
0xac: {  	s6 =	simm.s32 @p0 $0x1B8D  }
0xad: {  	_ =	swait.eq @p0 [sflag:s6], $0x1  }
0xae: {  	[sflag:s6] =	ssyncadd.s32 @p0 $0xFFFFFFFF  }
0xaf: {  	s7 =	sshll.u32 @!p0 s1, $0xE  }
0xb0: {  	s7 =	sor.u32 @!p0 $0x4000, s7;
	s6 =	simm.s32 @!p0 $0x1B8D  }
0xb1: {  	s5 =	sshll.u32 @!p0 s5, $0x11;
	s7 =	sadd.s32 @!p0 $0x11B8D, s7;
	_ =	swait.eq @!p0 [sflag:s6], $0x1  }
0xb2: {  	s5 =	sor.u32 @!p0 s5, s7;
	[sflag:s6] =	ssyncadd.s32 @!p0 $0xFFFFFFFF  }
0xb3: {  	s25 =	simm.s32 $0x1B8E;
	s24 =	sld [smem:$0x3FFE];
	[sflag:s5] =	ssyncadd.remote.s32 @!p0 $0x1  }
0xb4: {  	s26 =	simm.s32 $execute0_lowered;
	[smem:$0x3FD2] =	sst s25  }
0xb5: {  	s6 =	sshll.u32 s26, $0x1;
	_ =	strace $0x8000005A;
	[dreg:$0x1] =	wrdreg $0xFFFFFFFF  }
0xb6: {  	s28 =	simm.s32 $_size_execute0_lowered;
	s4 =	sadd.s32 s4, s6;
	[dreg:$0x0] =	wrdreg $0x0  }
0xb7: {  	s6 =	sshll.u32 s28, $0x1;
	[dreg:$0x2] =	wrdreg s4  }
0xb8: {  	[dreg:$0x3] =	wrdreg s6  }
0xb9: {  	[dreg:$0x4] =	wrdreg $0xC0  }
0xba: {  	_ =	task [dreg:s22], $0x5FFFF  }
0xbb: {  	[dreg:$0x1] =	wrdreg $0xFFFFFFFF  }
0xbc: {  	[dreg:$0x0] =	wrdreg $0x60  }
0xbd: {  	[dreg:$0x2] =	wrdreg s18  }
0xbe: {  	[dreg:$0x3] =	wrdreg s24  }
0xbf: {  	[dreg:$0x4] =	wrdreg $0xB  }
0xc0: {  	_ =	task.clear_ibuf [dreg:s22], $0x5FFFF;
	_ =	strace $0x9000005A  }
0xc1: {  	s29 =	simm.s32 $0xB;
	_ =	strace $0x80000063  }
0xc2: {  	_ =	swait.ge [sflag:s29], $0x1  }
0xc3: {  	[sflag:s29] =	ssyncadd.s32 $0xFFFFFFFF  }
0xc4: {  	_ =	strace $0x90000063  }
0xc5: {  	_ =	sfence  }
0xc6: {  	s30 =	sld [smem:$0x0];
	_ =	sdelay $0x2  }
0xc7: {  	s31 =	sshll.u32 s1, $0xD;
	s1 =	sshrl.u32 s1, $0x2  }
0xc8: {  	s4 =	sand.u32 $0x4000, s31;
	s1 =	sadd.s32 s1, s30  }
0xc9: {  	s0 =	sor.u32 s4, s0;
	s1 =	sshll.u32 s1, $0x11  }
0xca: {  	s0 =	sor.u32 s1, s0  }
0xcb: {  	s0 =	sadd.s32 $0x8F2B, s0  }
0xcc: {  	[sflag:s0] =	ssyncadd.remote.s32 $0x1  }
0xcd: {  	_ =	sfence.sel $0xFFFF  }
0xce: {  	[dreg:$0x0] =	wrdreg $0xFFFFFFFF;
	(pc) =	sbr.abs _section_cstart, $3  }
0xcf: {  	[dreg:$0x1] =	wrdreg $0xFFFFFFFF  }
0xd0: {  	_ =	task.clear_ibuf [dreg:s22], $0x2FFFF;
	_ =	strace $0x9FFFFFFF  }
0xd1: {  	(tm) =	ssettm $0x7FFFFFFF  }
tec
execute0_lowered:
.L_overlay_start_1:
0x0: {  	(tag) =	ssettag $0x1  }
0x1: {  	s0 =	rddreg [dreg:$0x0]  }
0x2: {  	s3 =	rddreg [dreg:$0x1];
	s1 =	srdreg.scid;
	s2 =	simm.s32 $0x0  }
0x3: {  	s31 =	simm.s32 $0x80;
	s9 =	simm.s32 $0x4;
	[dreg:$0x3] =	wrdreg s0  }
0x4: {  	s10 =	simm.s32 $0x0;
	s0 =	rddreg [dreg:$0x2];
	s4 =	sand.u32 $0x1, s1  }
0x5: {  	[smem:$0x7FF] =	sst s2;
	s1 =	stileid.u32;
	s6 =	sadd.s32 $0xA9C00, s3  }
0x6: {  	s3 =	sadd.s32 $0x6000, s3;
	s5 =	sshll.u32 s4, $0x4;
	_ =	strace $0x8000005B  }
0x7: {  	s4 =	ssub.s32 $0x2, s4;
	[dreg:$0x5] =	wrdreg s6;
	s5 =	sor.u32 s1, s5  }
0x8: {  	[dreg:$0x4] =	wrdreg s31;
	s7 =	sshrl.u32 s4, $0x1;
	s8 =	smul.u32 $0xA0, s5  }
0x9: {  	s30 =	ssub.s32 s4, s7;
	s4 =	smul.u32 $0xA, s5;
	s7 =	simm.s32 $0x1  }
0xa: {  	s6 =	smax.u32 s30, $0x1;
	s5 =	sadd.s32 s3, s8;
	s8 =	simm.s32 $0x5  }
.LBB2_1:
0xb: {  	_ =	strace $0x8000005C;
	s11 =	simm.s32 $0x1;
	p0 =	por $0x0, $0x0  }
0xc: {  	[tilespmem:s2], [sflag:$0x1] =	stream.linear.gather [hbm4b:s5+s2], $0x80, $0x200038;
	[tilespmem:$0x8100] =	vst v63  }
0xd: {  	s11 =	simm.s32 @p0 $0x0  }
0xe: {  	p4 =	por $0x1, $0x1;
	s20 =	sand.u32 $0x1, s2;
	p1 =	sne.s32 s11, $0x0  }
0xf: {  	p2 =	por $0x1, $0x1;
	s18 =	simm.s32 $0x8;
	p0 =	por !p4, !p1  }
0x10: {  	s16 =	simm.s32 $0x0;
	p5 =	por $0x0, $0x0;
	p0 =	por !p0, !p0  }
0x11: {  	s23 =	sadd.s32 $0x0, s4;
	s30 =	sadd.s32 $0x1, s20;
	s12 =	sadd.s32 @p0 s4, s11  }
0x12: {  	_ =	strace $0x9000005C;
	s13 =	sand.u32 @p0 $0x1, s7;
	s12 =	sshll.u32 @p0 s12, $0x4  }
0x13: {  	_ =	strace @p0 $0x8000005D;
	s15 =	simm.s32 @p0 $0x0;
	s12 =	sand.u32 @p0 $0x1FFFFFF0, s12  }
0x14: {  	s14 =	sshll.u32 @p0 s13, $0x7;
	s13 =	sadd.s32 @p0 $0x1, s13;
	s12 =	sadd.s32 @p0 s3, s12  }
0x15: {  	[tilespmem:s14], [sflag:s13] =	stream.linear.gather @p0 [hbm4b:s12+s15], $0x80, $0x200038;
	[tilespmem:$0x8100] =	vst v63  }
0x16: {  	p3 =	por p2, p2;
	s21 =	sshll.u32 s20, $0xE;
	_ =	strace @p0 $0x9000005D  }
0x17: {  	s16 =	sand.u32 $0x80, s16;
	p2 =	por p5, p5;
	_ =	strace $0x8000005E  }
0x18: {  	s17 =	sadd.s32 $0x1, s11;
	s22 =	sor.u32 $0x100, s21;
	_ =	swait.ge [sflag:s30], $0x80  }
0x19: {  	s21 =	simm.s32 $0x1;
	p6 =	por p1, p1;
	[sflag:s30] =	ssyncset.done $0x0  }
0x1a: {  	p1 =	por p3, p3;
	p4 =	por $0x1, $0x1;
	[sflag:s30] =	ssyncadd.s32 $0xFFFFFF80  }
0x1b: {  	s12 =	simm.s32 $0x9;
	s15 =	sand.u32 @!p3 $0x1, s2;
	_ =	strace $0x9000005E  }
0x1c: {  	s13 =	simm.s32 $0x1;
	p3 =	seq.s32 s17, $0xA;
	_ =	strace $0x8000005F  }
0x1d: {  	s13 =	simm.s32 @!p0 $0x0;
	s17 =	simm.s32 @p3 $0x0;
	s19 =	rddreg [dreg:$0x4]  }
0x1e: {  	p0 =	por $0x0, $0x0;
	s14 =	sadd.s32 $0x1, s13;
	s31 =	rddreg [dreg:$0x3]  }
0x1f: {  	[tilespmem:s22], [sflag:$0x5] =	stream.indirect.gather [hbm4b:s31+s19], $0x80, s16, s19, $0x2000b8;
	[tilespmem:$0x8100] =	vst v63  }
0x20: {  	p3 =	sne.s32 s11, s17;
	s21 =	simm.s32 @!p0 $0x0;
	_ =	swait.ge [sflag:s8], $0x4000  }
0x21: {  	p5 =	por !p4, !p3;
	p4 =	por $0x0, $0x0;
	[sflag:s8] =	ssyncset.done $0x0  }
0x22: {  	s13 =	simm.s32 $0x0;
	p6 =	por p4, p6;
	[sflag:s8] =	ssyncadd.s32 $0xFFFFC000  }
0x23: {  	s16 =	simm.s32 $0x0;
	s19 =	simm.s32 $0x0;
	_ =	strace $0x9000005F  }
.LBB2_2:
0x24: {  	_ =	strace @p6 $0x80000060;
	s13 =	sadd.s32 s21, s13;
	s21 =	smov.u32 s12  }
0x25: {  	s12 =	smov.u32 s18;
	s18 =	sadd.s32 $0xFFFFFFFF, s18;
	p0 =	por p3, p3  }
0x26: {  	s28 =	sshll.u32 @p6 s23, $0xB;
	s20 =	sadd.s32 @p6 $0x3, s20;
	s24 =	simm.s32 @!p0 $0x0  }
0x27: {  	s25 =	rddreg [dreg:$0x5];
	s28 =	sand.u32 @p6 $0x1FFFF800, s28;
	s24 =	simm.s32 @p0 $0x1  }
0x28: {  	s25 =	sadd.s32 @p6 s25, s28;
	s28 =	simm.s32 @p6 $0x0;
	p0 =	sne.s32 s18, $0x0  }
0x29: {  	[hbm4b:s25+s28] =	stream.linear.scatter @p6 [tilespmem:s22], [sflag:s20], $0x4000, $0x200038;
	[tilespmem:$0x8100] =	vst v63  }
0x2a: {  	s20 =	sadd.s32 @!p1 $0x3, s15;
	s15 =	simm.s32 @!p0 $0x0  }
0x2b: {  	s26 =	simm.s32 $0x1;
	[smem:$0x7FC] =	sst s24;
	s15 =	simm.s32 @p0 $0x1  }
0x2c: {  	s26 =	simm.s32 @!p6 $0x0;
	_ =	strace @p6 $0x90000060;
	[smem:$0x7FD] =	sst s15  }
0x2d: {  	p5 =	por !p5, !p5;
	s19 =	sadd.s32 s26, s19;
	_ =	strace @!p1 $0x80000061  }
0x2e: {  	s24 =	sand.u32 @!p2 $0x1, s13;
	s22 =	sand.u32 @p5 $0x1, s14;
	_ =	swait.ge @!p1 [sflag:s20], $0x4000  }
0x2f: {  	s15 =	smov.u32 s24;
	s24 =	sadd.s32 @p5 s4, s17;
	[sflag:s20] =	ssyncset.done @!p1 $0x0  }
0x30: {  	s25 =	sshll.u32 @p5 s22, $0x7;
	s24 =	sshll.u32 @p5 s24, $0x4;
	[sflag:s20] =	ssyncadd.s32 @!p1 $0xFFFFC000  }
0x31: {  	s20 =	sadd.s32 @p5 $0x1, s22;
	s22 =	sand.u32 @p5 $0x1FFFFFF0, s24;
	_ =	strace @!p1 $0x90000061  }
0x32: {  	s24 =	simm.s32 @p5 $0x0;
	s22 =	sadd.s32 @p5 s3, s22;
	_ =	strace @p5 $0x8000005D  }
0x33: {  	[tilespmem:s25], [sflag:s20] =	stream.linear.gather @p5 [hbm4b:s22+s24], $0x80, $0x200038;
	[tilespmem:$0x8100] =	vst v63  }
0x34: {  	s16 =	sadd.s32 s26, s16;
	s26 =	sand.u32 $0x1, s19;
	_ =	strace @p5 $0x9000005D  }
0x35: {  	s24 =	sadd.s32 $0x1, s26;
	_ =	strace $0x8000005E  }
0x36: {  	_ =	swait.ge [sflag:s24], $0x80  }
0x37: {  	[sflag:s24] =	ssyncset.done $0x0  }
0x38: {  	s20 =	simm.s32 $0x1;
	[sflag:s24] =	ssyncadd.s32 $0xFFFFFF80  }
0x39: {  	s20 =	simm.s32 @!p5 $0x0;
	_ =	strace $0x9000005E  }
0x3a: {  	s14 =	sadd.s32 s20, s14;
	s20 =	sand.u32 $0x1, s16;
	_ =	strace $0x8000005F  }
0x3b: {  	s29 =	sshll.u32 s19, $0x7;
	s25 =	sshll.u32 s20, $0xE;
	s26 =	rddreg [dreg:$0x4]  }
0x3c: {  	s29 =	sand.u32 $0x80, s29;
	s22 =	sor.u32 $0x100, s25;
	s30 =	rddreg [dreg:$0x3]  }
0x3d: {  	[tilespmem:s22], [sflag:$0x5] =	stream.indirect.gather [hbm4b:s30+s26], $0x80, s29, s26, $0x2000b8;
	[tilespmem:$0x8100] =	vst v63  }
0x3e: {  	_ =	swait.ge [sflag:s8], $0x4000  }
0x3f: {  	s31 =	sadd.s32 $0x1, s17;
	[sflag:s8] =	ssyncset.done $0x0  }
0x40: {  	s23 =	sadd.s32 s4, s11;
	s11 =	smov.u32 s17;
	[sflag:s8] =	ssyncadd.s32 $0xFFFFC000  }
0x41: {  	p3 =	seq.s32 s31, $0xA;
	s17 =	smov.u32 s31;
	_ =	strace $0x9000005F  }
0x42: {  	s17 =	simm.s32 @p3 $0x0;
	s31 =	sld [smem:$0x7FD]  }
0x43: {  	p6 =	sne.s32 s12, $0x1;
	p0 =	sne.s32 s21, $0xA;
	p3 =	sne.s32 s11, s17  }
0x44: {  	p5 =	por !p6, !p3;
	p6 =	seq.s32 s21, $0x1;
	s21 =	simm.s32 $0x1  }
0x45: {  	s21 =	simm.s32 @!p0 $0x0;
	p0 =	seq.s32 s31, $0x1  }
.Ltmp0:
0x46: {  	s30 =	sld [smem:$0x7FC];
	(pc) =	sbr.rel @p0 .LBB2_2-.Ltmp0, $4  }
0x47: {  	_ = 	snop  }
0x48: {  	p4 =	seq.s32 s12, $0xA  }
0x49: {  	p1 =	por p2, p2;
	p2 =	por p4, p4;
	p4 =	seq.s32 s30, $0x1  }
0x4a: {  	p6 =	por p6, p4  }
0x4b: {  	_ =	strace @p6 $0x80000060;
	s23 =	sshll.u32 @p6 s23, $0xB  }
0x4c: {  	s18 =	rddreg [dreg:$0x5];
	s23 =	sand.u32 @p6 $0x1FFFF800, s23  }
0x4d: {  	s20 =	sadd.s32 @p6 $0x3, s20;
	s18 =	sadd.s32 @p6 s18, s23;
	s23 =	simm.s32 @p6 $0x0  }
0x4e: {  	[hbm4b:s18+s23] =	stream.linear.scatter @p6 [tilespmem:s22], [sflag:s20], $0x4000, $0x200038;
	[tilespmem:$0x8100] =	vst v63  }
0x4f: {  	p0 =	por !p5, !p5;
	_ =	strace @p6 $0x90000060  }
0x50: {  	s15 =	sadd.s32 @!p1 $0x3, s15;
	s17 =	sadd.s32 @p0 s4, s17;
	_ =	strace @!p1 $0x80000061  }
0x51: {  	s14 =	sand.u32 @p0 $0x1, s14;
	s17 =	sshll.u32 @p0 s17, $0x4;
	_ =	swait.ge @!p1 [sflag:s15], $0x4000  }
0x52: {  	s18 =	simm.s32 $0x1;
	s20 =	sshll.u32 @p0 s14, $0x7;
	[sflag:s15] =	ssyncset.done @!p1 $0x0  }
0x53: {  	s14 =	sadd.s32 @p0 $0x1, s14;
	s18 =	simm.s32 @!p6 $0x0;
	[sflag:s15] =	ssyncadd.s32 @!p1 $0xFFFFC000  }
0x54: {  	s19 =	sadd.s32 s18, s19;
	s15 =	sand.u32 @p0 $0x1FFFFFF0, s17;
	_ =	strace @!p1 $0x90000061  }
0x55: {  	s17 =	simm.s32 @p0 $0x0;
	s15 =	sadd.s32 @p0 s3, s15;
	_ =	strace @p0 $0x8000005D  }
0x56: {  	[tilespmem:s20], [sflag:s14] =	stream.linear.gather @p0 [hbm4b:s15+s17], $0x80, $0x200038;
	[tilespmem:$0x8100] =	vst v63  }
0x57: {  	s25 =	sand.u32 $0x1, s19;
	_ =	strace @p0 $0x9000005D  }
0x58: {  	s14 =	sadd.s32 $0x1, s25;
	_ =	strace $0x8000005E  }
0x59: {  	_ =	swait.ge [sflag:s14], $0x80  }
0x5a: {  	[sflag:s14] =	ssyncset.done $0x0  }
0x5b: {  	[sflag:s14] =	ssyncadd.s32 $0xFFFFFF80  }
0x5c: {  	s26 =	sadd.s32 s18, s16;
	_ =	strace $0x9000005E  }
0x5d: {  	s14 =	sand.u32 $0x1, s26;
	_ =	strace $0x8000005F  }
0x5e: {  	s30 =	sshll.u32 s19, $0x7;
	s31 =	sshll.u32 s14, $0xE;
	s28 =	rddreg [dreg:$0x4]  }
0x5f: {  	s17 =	sand.u32 $0x80, s30;
	s18 =	sor.u32 $0x100, s31;
	s29 =	rddreg [dreg:$0x3]  }
0x60: {  	[tilespmem:s18], [sflag:$0x5] =	stream.indirect.gather [hbm4b:s29+s28], $0x80, s17, s28, $0x2000b8;
	[tilespmem:$0x8100] =	vst v63  }
0x61: {  	_ =	swait.ge [sflag:s8], $0x4000  }
0x62: {  	[sflag:s8] =	ssyncset.done $0x0  }
0x63: {  	p5 =	por p3, p3;
	p6 =	seq.s32 s12, $0x1;
	[sflag:s8] =	ssyncadd.s32 $0xFFFFC000  }
0x64: {  	s11 =	sadd.s32 s4, s11;
	p0 =	por p6, p5;
	_ =	strace $0x9000005F  }
0x65: {  	s11 =	sshll.u32 @p0 s11, $0xB;
	_ =	strace @p0 $0x80000060  }
0x66: {  	s13 =	sadd.s32 s21, s13;
	s11 =	sand.u32 @p0 $0x1FFFF800, s11;
	s12 =	rddreg [dreg:$0x5]  }
0x67: {  	s14 =	sadd.s32 @p0 $0x3, s14;
	s11 =	sadd.s32 @p0 s12, s11;
	s12 =	simm.s32 @p0 $0x0  }
0x68: {  	[hbm4b:s11+s12] =	stream.linear.scatter @p0 [tilespmem:s18], [sflag:s14], $0x4000, $0x200038;
	[tilespmem:$0x8100] =	vst v63  }
0x69: {  	p1 =	por p2, p2;
	s11 =	sand.u32 @!p2 $0x1, s13;
	_ =	strace @p0 $0x90000060  }
0x6a: {  	s11 =	sadd.s32 @!p1 $0x3, s11;
	_ =	strace @!p1 $0x80000061  }
0x6b: {  	_ =	swait.ge @!p1 [sflag:s11], $0x4000  }
0x6c: {  	[sflag:s11] =	ssyncset.done @!p1 $0x0  }
0x6d: {  	s10 =	sadd.s32 $0x1, s10;
	[sflag:s11] =	ssyncadd.s32 @!p1 $0xFFFFC000  }
0x6e: {  	p0 =	sne.s32 s10, s6;
	_ =	strace @!p1 $0x90000061  }
.Ltmp1:
0x6f: {  	_ =	strace $0x80000062;
	(pc) =	sbr.rel @p0 .LBB2_1-.Ltmp1, $4  }
0x70: {  	_ =	swait.ge [sflag:s9], $0x4000  }
0x71: {  	[sflag:s9] =	ssyncset.done $0x0  }
0x72: {  	[sflag:s9] =	ssyncadd.s32 $0xFFFFC000  }
0x73: {  	_ =	strace $0x90000062  }
0x74: {  	_ =	sfence.sel $0x180000  }
0x75: {  	[bflag:$0x0] =	sbarrier.arrive $0xFFFF  }
0x76: {  	p0 =	sne.s32 s1, $0x0;
	_ =	strace $0x9000005B  }
0x77: {  	s0 =	sadd.s32 @!p0 $0x100000, s0;
	[bflag:$0x2] =	sbarrier.arrive $0xFFFF  }
0x78: {  	[sflag:s0] =	ssyncadd.tile.s32 @!p0 $0x1;
	_ =	shalt  }
.Lfunc_end2:
_tile_overlayer_lowered:
.L_overlay_start_2:
0x79: {  	(tag) =	ssettag $0x2  }
0x7a: {  	s0 =	rddreg [dreg:$0x0];
	s2 =	stileid.u32  }
0x7b: {  	s1 =	rddreg [dreg:$0x1];
	p0 =	sne.s32 s2, $0x0  }
0x7c: {  	s3 =	rddreg [dreg:$0x2];
	[bflag:$0x3] =	sbarrier.arrive $0xFFFF;
	s2 =	simm.s32 @!p0 $0x1C01  }
0x7d: {  	[timem:s3], [sflag:s2] =	dma.local @!p0 [hbm:s0], s1  }
0x7e: {  	s0 =	simm.s32 @!p0 $0x1  }
0x7f: {  	_ =	swait.ge @!p0 [sflag:s0], s1  }
0x80: {  	s1 =	ssub.s32 @!p0 $0x0, s1;
	[sflag:s0] =	ssyncset.done @!p0 $0x0  }
0x81: {  	[sflag:s0] =	ssyncadd.s32 @!p0 s1  }
0x82: {  	[bflag:$0x3] =	sbarrier.arrive $0xFFFF  }
0x83: {  	_ =	shalt  }

// kernel: kernel.21.cloned.1.call-start
scs
__scs_entry_jumppad:
0x0: {  	(pc) =	sbr.rel $0x88, $3  }
0x1: {  	(tag) =	ssettag $0x0;
	lr =	simm.s32 $0x1  }
0x2: {  	[smem:$0x3F9B] =	sst lr;
	_ =	strace $0xD0000000  }
0x3: {  	_ = 	snop  }
0x4: {  	_ = 	snop  }
0x5: {  	_ = 	snop  }
0x6: {  	_ = 	snop  }
0x7: {  	_ = 	snop  }
__scs_overlays_trampoline_lowered:
0x8: {  	[smem:$0x3FAA] =	sst s0  }
0x9: {  	[smem:$0x3FAB] =	sst s1  }
0xa: {  	[smem:$0x3FAC] =	sst s2  }
0xb: {  	[smem:$0x3FAD] =	sst s3  }
0xc: {  	[smem:$0x3FAE] =	sst s4  }
0xd: {  	[smem:$0x3FAF] =	sst s5  }
0xe: {  	[smem:$0x3FB0] =	sst s6  }
0xf: {  	[smem:$0x3FB1] =	sst s7  }
0x10: {  	[smem:$0x3FB2] =	sst s8  }
0x11: {  	[smem:$0x3FB3] =	sst s9;
	s0 =	simm.s32 @!p0 $0x0  }
0x12: {  	s1 =	sld [smem:$0x3F99];
	s0 =	simm.s32 @p0 $0x1  }
0x13: {  	[smem:$0x3FB4] =	sst s0;
	s0 =	simm.s32 @!p1 $0x0  }
0x14: {  	s2 =	sld [smem:$0x3F98];
	s0 =	simm.s32 @p1 $0x1  }
0x15: {  	[smem:$0x3FB5] =	sst s0;
	s0 =	simm.s32 @!p2 $0x0  }
0x16: {  	s3 =	sld [smem:$0x3FDB];
	s0 =	simm.s32 @p2 $0x1  }
0x17: {  	s4 =	simm.s32 $0x1BF5;
	[smem:$0x3FB7] =	sst s0  }
0x18: {  	s0 =	sld [smem:$0x3F9A];
	_ =	swait.ge [sflag:s4], $0x0  }
0x19: {  	s7 =	sld [smem:$0x3F9B]  }
0x1a: {  	s8 =	sadd.s32 $0xFFFFE003, lr  }
0x1b: {  	s9 =	sadd.s32 $0xFFFFFEF7, lr;
	s5 =	simm.s32 $0xFFFFFFFF;
	p2 =	slt.u32 s8, $0xFFFFF086  }
0x1c: {  	p1 =	slt.u32 s9, $0xF7A;
	s5 =	simm.s32 @!p2 $0x0  }
0x1d: {  	s5 =	simm.s32 @p1 $0x1;
	p0 =	seq.s32 s7, s2  }
0x1e: {  	s7 =	smul.u32 @!p0 $0xF7A, s2;
	p2 =	seq.s32 @!p0 s5, $0x0  }
0x1f: {  	s9 =	smul.u32 $0xF7A, s1;
	s8 =	simm.s32 @!p0 $0x1BF5;
	p2 =	por !p2, p0  }
0x20: {  	[sflag:s8] =	ssyncset.s32 @!p0 $0xFFFFF086;
	s6 =	sadd.s32 @!p0 s3, s7;
	s7 =	simm.s32 @!p0 $0x108  }
0x21: {  	s3 =	sadd.s32 s3, s9;
	s6 =	sadd.s32 @!p0 $0x88, s6;
	s7 =	simm.s32 @p2 $0x1082  }
0x22: {  	[simem:s7], [sflag:s8] =	dma.local @!p0 [hbm:s6], $0xF7A  }
0x23: {  	s9 =	sor.u32 $0xD0000000, s2;
	s6 =	simm.s32 $0x108;
	_ =	swait.ge @!p0 [sflag:s8], $0x0  }
0x24: {  	s3 =	sadd.s32 $0x88, s3;
	s6 =	simm.s32 @!p1 $0x1082;
	[sflag:s4] =	ssyncset.s32 $0xFFFFF086  }
0x25: {  	[simem:s6], [sflag:s4] =	dma.local [hbm:s3], $0xF7A  }
0x26: {  	[smem:$0x3F9B] =	sst s1;
	(tag) =	ssettag s2;
	_ =	strace s9  }
0x27: {  	s1 =	sld [smem:$0x3FAB]  }
0x28: {  	s2 =	sld [smem:$0x3FAC]  }
0x29: {  	s4 =	sld [smem:$0x3FAE]  }
0x2a: {  	p0 =	seq.s32 s5, $0x0;
	s5 =	sld [smem:$0x3FAF]  }
0x2b: {  	s6 =	sld [smem:$0x3FB0]  }
0x2c: {  	s7 =	sld [smem:$0x3FB1]  }
0x2d: {  	s3 =	simm.s32 $0x108;
	s8 =	sld [smem:$0x3FB2]  }
0x2e: {  	s3 =	simm.s32 @!p0 $0x1082;
	s9 =	sld [smem:$0x3FB3]  }
0x2f: {  	lr =	sadd.s32 s0, s3;
	s0 =	sld [smem:$0x3FAA]  }
0x30: {  	s3 =	sld [smem:$0x3FAD]  }
0x31: {  	[smem:$0x3FB6] =	sst s10  }
0x32: {  	s10 =	sld [smem:$0x3FB4];
	_ =	sdelay $0x3  }
0x33: {  	p0 =	seq.s32 s10, $0x1;
	s10 =	sld [smem:$0x3FB6];
	_ =	sdelay $0x3  }
0x34: {  	[smem:$0x3FB6] =	sst s10  }
0x35: {  	s10 =	sld [smem:$0x3FB5];
	_ =	sdelay $0x3  }
0x36: {  	p1 =	seq.s32 s10, $0x1;
	s10 =	sld [smem:$0x3FB6];
	_ =	sdelay $0x3  }
0x37: {  	[smem:$0x3FB6] =	sst s10  }
0x38: {  	s10 =	sld [smem:$0x3FB7]  }
0x39: {  	_ = 	snop;
	(pc) =	sbr.ind lr, $3  }
0x3a: {  	_ = 	snop  }
0x3b: {  	_ = 	snop  }
0x3c: {  	p2 =	seq.s32 s10, $0x1;
	s10 =	sld [smem:$0x3FB6]  }
0x3d: {  	_ =	shalt  }
0x3e: {  	_ =	shalt  }
0x3f: {  	_ =	shalt  }
0x40: {  	_ =	shalt  }
0x41: {  	_ =	shalt  }
0x42: {  	_ =	shalt  }
0x43: {  	_ =	shalt  }
0x44: {  	_ =	shalt  }
0x45: {  	_ =	shalt  }
0x46: {  	_ =	shalt  }
0x47: {  	_ =	shalt  }
0x48: {  	_ =	shalt  }
0x49: {  	_ =	shalt  }
0x4a: {  	_ =	shalt  }
0x4b: {  	_ =	shalt  }
0x4c: {  	_ =	shalt  }
0x4d: {  	_ =	shalt  }
0x4e: {  	_ =	shalt  }
0x4f: {  	_ =	shalt  }
0x50: {  	_ =	shalt  }
0x51: {  	_ =	shalt  }
0x52: {  	_ =	shalt  }
0x53: {  	_ =	shalt  }
0x54: {  	_ =	shalt  }
0x55: {  	_ =	shalt  }
0x56: {  	_ =	shalt  }
0x57: {  	_ =	shalt  }
0x58: {  	_ =	shalt  }
0x59: {  	_ =	shalt  }
0x5a: {  	_ =	shalt  }
0x5b: {  	_ =	shalt  }
0x5c: {  	_ =	shalt  }
0x5d: {  	_ =	shalt  }
0x5e: {  	_ =	shalt  }
0x5f: {  	_ =	shalt  }
0x60: {  	_ =	shalt  }
0x61: {  	_ =	shalt  }
0x62: {  	_ =	shalt  }
0x63: {  	_ =	shalt  }
0x64: {  	_ =	shalt  }
0x65: {  	_ =	shalt  }
0x66: {  	_ =	shalt  }
0x67: {  	_ =	shalt  }
0x68: {  	_ =	shalt  }
0x69: {  	_ =	shalt  }
0x6a: {  	_ =	shalt  }
0x6b: {  	_ =	shalt  }
0x6c: {  	_ =	shalt  }
0x6d: {  	_ =	shalt  }
0x6e: {  	_ =	shalt  }
0x6f: {  	_ =	shalt  }
0x70: {  	_ =	shalt  }
0x71: {  	_ =	shalt  }
0x72: {  	_ =	shalt  }
0x73: {  	_ =	shalt  }
0x74: {  	_ =	shalt  }
0x75: {  	_ =	shalt  }
0x76: {  	_ =	shalt  }
0x77: {  	_ =	shalt  }
0x78: {  	_ =	shalt  }
0x79: {  	_ =	shalt  }
0x7a: {  	_ =	shalt  }
0x7b: {  	_ =	shalt  }
0x7c: {  	_ =	shalt  }
0x7d: {  	_ =	shalt  }
0x7e: {  	_ =	shalt  }
0x7f: {  	_ =	shalt  }
0x80: {  	_ =	shalt  }
0x81: {  	_ =	shalt  }
0x82: {  	_ =	shalt  }
0x83: {  	_ =	shalt  }
0x84: {  	_ =	shalt  }
0x85: {  	_ =	shalt  }
0x86: {  	_ =	shalt  }
0x87: {  	_ =	shalt  }
.Lfunc_end0:
.L_simem_size_0:
called_computation.3_lowered:
.L_overlay_start_0:
0x88: {  	s2 =	sld [smem:$0x3FD9]  }
0x89: {  	s3 =	sld [smem:$0x3FFE];
	_ =	sdelay $0x1  }
0x8a: {  	s1 =	srdreg.scid  }
0x8b: {  	s0 =	sand.u32 $0x1, s1  }
0x8c: {  	s17 =	sshll.u32 s0, $0xA;
	s2 =	sadd.s32 s3, s2  }
0x8d: {  	s2 =	sadd.s32 s2, s17  }
0x8e: {  	[smem:$0x3FC2] =	sst s2  }
0x8f: {  	_ = 	snop  }
0x90: {  	s18 =	sld [smem:$0x3FC8];
	(tm) =	ssettm $0x1  }
0x91: {  	s19 =	sld [smem:$0x3FFB];
	_ =	sdelay $0x3  }
0x92: {  	_ =	strace s19  }
0x93: {  	s2 =	sld [smem:$0x3FFC];
	_ =	sdelay $0x3  }
0x94: {  	_ =	strace s2  }
0x95: {  	s2 =	sld [smem:$0x3FFD];
	_ =	sdelay $0x3  }
0x96: {  	_ =	strace s2  }
0x97: {  	_ =	strace $0x8FFFFFFF  }
0x98: {  	s20 =	sld [smem:$0x3FDB];
	_ =	sdelay $0x1  }
0x99: {  	s4 =	simm.s32 $_scs_section_size  }
0x9a: {  	s5 =	simm.s32 $_size__tile_overlayer_lowered;
	s6 =	simm.s32 $_tile_overlayer_lowered  }
0x9b: {  	s7 =	simm.s32 $0x1BFF;
	s21 =	sshll.u32 s6, $0x1;
	s4 =	sadd.s32 s4, s20  }
0x9c: {  	s22 =	simm.s32 $0x0;
	s5 =	sshll.u32 s5, $0x1;
	s6 =	sadd.s32 s21, s4  }
0x9d: {  	[timem:s22], [sflag:s7] =	dma.local [hbm:s6], s5  }
0x9e: {  	_ =	swait.ge [sflag:s7], s5  }
0x9f: {  	s5 =	ssub.s32 $0x0, s5;
	[sflag:s7] =	ssyncset.done $0x0  }
0xa0: {  	[sflag:s7] =	ssyncadd.s32 s5;
	_ =	sdelay $0x1  }
0xa1: {  	s23 =	simm.s32 $0x1B8B  }
0xa2: {  	_ =	swait.ge [sflag:s23], $0x1  }
0xa3: {  	[sflag:s23] =	ssyncset.done $0x0  }
0xa4: {  	[sflag:s23] =	ssyncadd.s32 $0xFFFFFFFF  }
0xa5: {  	s5 =	sld [smem:$0x0]  }
0xa6: {  	s6 =	sand.u32 $0xFFFFFFFE, s1  }
0xa7: {  	p0 =	sne.s32 s1, s6  }
0xa8: {  	s6 =	sshll.u32 @p0 s6, $0xE  }
0xa9: {  	s6 =	sadd.s32 @p0 $0x11B8D, s6;
	s7 =	sshll.u32 @p0 s5, $0x11  }
0xaa: {  	s6 =	sor.u32 @p0 s7, s6  }
0xab: {  	[sflag:s6] =	ssyncadd.remote.s32 @p0 $0x1;
	_ =	sdelay $0x1  }
0xac: {  	s6 =	simm.s32 @p0 $0x1B8D  }
0xad: {  	_ =	swait.eq @p0 [sflag:s6], $0x1  }
0xae: {  	[sflag:s6] =	ssyncadd.s32 @p0 $0xFFFFFFFF  }
0xaf: {  	s7 =	sshll.u32 @!p0 s1, $0xE  }
0xb0: {  	s7 =	sor.u32 @!p0 $0x4000, s7;
	s6 =	simm.s32 @!p0 $0x1B8D  }
0xb1: {  	s5 =	sshll.u32 @!p0 s5, $0x11;
	s7 =	sadd.s32 @!p0 $0x11B8D, s7;
	_ =	swait.eq @!p0 [sflag:s6], $0x1  }
0xb2: {  	s5 =	sor.u32 @!p0 s5, s7;
	[sflag:s6] =	ssyncadd.s32 @!p0 $0xFFFFFFFF  }
0xb3: {  	s25 =	simm.s32 $0x1B8E;
	s24 =	sld [smem:$0x3FFE];
	[sflag:s5] =	ssyncadd.remote.s32 @!p0 $0x1  }
0xb4: {  	s26 =	simm.s32 $execute0_lowered;
	[smem:$0x3FD2] =	sst s25  }
0xb5: {  	s6 =	sshll.u32 s26, $0x1;
	_ =	strace $0x80000064;
	[dreg:$0x1] =	wrdreg $0xFFFFFFFF  }
0xb6: {  	s28 =	simm.s32 $_size_execute0_lowered;
	s4 =	sadd.s32 s4, s6;
	[dreg:$0x0] =	wrdreg $0x0  }
0xb7: {  	s6 =	sshll.u32 s28, $0x1;
	[dreg:$0x2] =	wrdreg s4  }
0xb8: {  	[dreg:$0x3] =	wrdreg s6  }
0xb9: {  	[dreg:$0x4] =	wrdreg $0xC0  }
0xba: {  	_ =	task [dreg:s22], $0x5FFFF  }
0xbb: {  	[dreg:$0x1] =	wrdreg $0xFFFFFFFF  }
0xbc: {  	[dreg:$0x0] =	wrdreg $0x60  }
0xbd: {  	[dreg:$0x2] =	wrdreg s18  }
0xbe: {  	[dreg:$0x3] =	wrdreg s24  }
0xbf: {  	[dreg:$0x4] =	wrdreg $0xC  }
0xc0: {  	_ =	task.clear_ibuf [dreg:s22], $0x5FFFF;
	_ =	strace $0x90000064  }
0xc1: {  	s29 =	simm.s32 $0xC;
	_ =	strace $0x8000006D  }
0xc2: {  	_ =	swait.ge [sflag:s29], $0x1  }
0xc3: {  	[sflag:s29] =	ssyncadd.s32 $0xFFFFFFFF  }
0xc4: {  	_ =	strace $0x9000006D  }
0xc5: {  	_ =	sfence  }
0xc6: {  	s30 =	sld [smem:$0x0];
	_ =	sdelay $0x2  }
0xc7: {  	s31 =	sshll.u32 s1, $0xD;
	s1 =	sshrl.u32 s1, $0x2  }
0xc8: {  	s4 =	sand.u32 $0x4000, s31;
	s1 =	sadd.s32 s1, s30  }
0xc9: {  	s0 =	sor.u32 s4, s0;
	s1 =	sshll.u32 s1, $0x11  }
0xca: {  	s0 =	sor.u32 s1, s0  }
0xcb: {  	s0 =	sadd.s32 $0x8F2B, s0  }
0xcc: {  	[sflag:s0] =	ssyncadd.remote.s32 $0x1  }
0xcd: {  	_ =	sfence.sel $0xFFFF  }
0xce: {  	[dreg:$0x0] =	wrdreg $0xFFFFFFFF;
	(pc) =	sbr.abs _section_cstart, $3  }
0xcf: {  	[dreg:$0x1] =	wrdreg $0xFFFFFFFF  }
0xd0: {  	_ =	task.clear_ibuf [dreg:s22], $0x2FFFF;
	_ =	strace $0x9FFFFFFF  }
0xd1: {  	(tm) =	ssettm $0x7FFFFFFF  }
tec
execute0_lowered:
.L_overlay_start_1:
0x0: {  	(tag) =	ssettag $0x1  }
0x1: {  	s0 =	rddreg [dreg:$0x0]  }
0x2: {  	s3 =	rddreg [dreg:$0x1];
	s1 =	srdreg.scid;
	s2 =	simm.s32 $0x0  }
0x3: {  	s31 =	simm.s32 $0x80;
	s9 =	simm.s32 $0x4;
	[dreg:$0x3] =	wrdreg s0  }
0x4: {  	s10 =	simm.s32 $0x0;
	s0 =	rddreg [dreg:$0x2];
	s4 =	sand.u32 $0x1, s1  }
0x5: {  	[smem:$0x7FF] =	sst s2;
	s1 =	stileid.u32;
	s6 =	sadd.s32 $0x149C00, s3  }
0x6: {  	s3 =	sadd.s32 $0x7400, s3;
	s5 =	sshll.u32 s4, $0x4;
	_ =	strace $0x80000065  }
0x7: {  	s4 =	ssub.s32 $0x2, s4;
	[dreg:$0x5] =	wrdreg s6;
	s5 =	sor.u32 s1, s5  }
0x8: {  	[dreg:$0x4] =	wrdreg s31;
	s7 =	sshrl.u32 s4, $0x1;
	s8 =	smul.u32 $0xA0, s5  }
0x9: {  	s30 =	ssub.s32 s4, s7;
	s4 =	smul.u32 $0xA, s5;
	s7 =	simm.s32 $0x1  }
0xa: {  	s6 =	smax.u32 s30, $0x1;
	s5 =	sadd.s32 s3, s8;
	s8 =	simm.s32 $0x5  }
.LBB2_1:
0xb: {  	_ =	strace $0x80000066;
	s11 =	simm.s32 $0x1;
	p0 =	por $0x0, $0x0  }
0xc: {  	[tilespmem:s2], [sflag:$0x1] =	stream.linear.gather [hbm4b:s5+s2], $0x80, $0x200038;
	[tilespmem:$0x8100] =	vst v63  }
0xd: {  	s11 =	simm.s32 @p0 $0x0  }
0xe: {  	p4 =	por $0x1, $0x1;
	s20 =	sand.u32 $0x1, s2;
	p1 =	sne.s32 s11, $0x0  }
0xf: {  	p2 =	por $0x1, $0x1;
	s18 =	simm.s32 $0x8;
	p0 =	por !p4, !p1  }
0x10: {  	s16 =	simm.s32 $0x0;
	p5 =	por $0x0, $0x0;
	p0 =	por !p0, !p0  }
0x11: {  	s23 =	sadd.s32 $0x0, s4;
	s30 =	sadd.s32 $0x1, s20;
	s12 =	sadd.s32 @p0 s4, s11  }
0x12: {  	_ =	strace $0x90000066;
	s13 =	sand.u32 @p0 $0x1, s7;
	s12 =	sshll.u32 @p0 s12, $0x4  }
0x13: {  	_ =	strace @p0 $0x80000067;
	s15 =	simm.s32 @p0 $0x0;
	s12 =	sand.u32 @p0 $0x1FFFFFF0, s12  }
0x14: {  	s14 =	sshll.u32 @p0 s13, $0x7;
	s13 =	sadd.s32 @p0 $0x1, s13;
	s12 =	sadd.s32 @p0 s3, s12  }
0x15: {  	[tilespmem:s14], [sflag:s13] =	stream.linear.gather @p0 [hbm4b:s12+s15], $0x80, $0x200038;
	[tilespmem:$0x8100] =	vst v63  }
0x16: {  	p3 =	por p2, p2;
	s21 =	sshll.u32 s20, $0xE;
	_ =	strace @p0 $0x90000067  }
0x17: {  	s16 =	sand.u32 $0x80, s16;
	p2 =	por p5, p5;
	_ =	strace $0x80000068  }
0x18: {  	s17 =	sadd.s32 $0x1, s11;
	s22 =	sor.u32 $0x100, s21;
	_ =	swait.ge [sflag:s30], $0x80  }
0x19: {  	s21 =	simm.s32 $0x1;
	p6 =	por p1, p1;
	[sflag:s30] =	ssyncset.done $0x0  }
0x1a: {  	p1 =	por p3, p3;
	p4 =	por $0x1, $0x1;
	[sflag:s30] =	ssyncadd.s32 $0xFFFFFF80  }
0x1b: {  	s12 =	simm.s32 $0x9;
	s15 =	sand.u32 @!p3 $0x1, s2;
	_ =	strace $0x90000068  }
0x1c: {  	s13 =	simm.s32 $0x1;
	p3 =	seq.s32 s17, $0xA;
	_ =	strace $0x80000069  }
0x1d: {  	s13 =	simm.s32 @!p0 $0x0;
	s17 =	simm.s32 @p3 $0x0;
	s19 =	rddreg [dreg:$0x4]  }
0x1e: {  	p0 =	por $0x0, $0x0;
	s14 =	sadd.s32 $0x1, s13;
	s31 =	rddreg [dreg:$0x3]  }
0x1f: {  	[tilespmem:s22], [sflag:$0x5] =	stream.indirect.gather [hbm4b:s31+s19], $0x80, s16, s19, $0x2000b8;
	[tilespmem:$0x8100] =	vst v63  }
0x20: {  	p3 =	sne.s32 s11, s17;
	s21 =	simm.s32 @!p0 $0x0;
	_ =	swait.ge [sflag:s8], $0x4000  }
0x21: {  	p5 =	por !p4, !p3;
	p4 =	por $0x0, $0x0;
	[sflag:s8] =	ssyncset.done $0x0  }
0x22: {  	s13 =	simm.s32 $0x0;
	p6 =	por p4, p6;
	[sflag:s8] =	ssyncadd.s32 $0xFFFFC000  }
0x23: {  	s16 =	simm.s32 $0x0;
	s19 =	simm.s32 $0x0;
	_ =	strace $0x90000069  }
.LBB2_2:
0x24: {  	_ =	strace @p6 $0x8000006A;
	s13 =	sadd.s32 s21, s13;
	s21 =	smov.u32 s12  }
0x25: {  	s12 =	smov.u32 s18;
	s18 =	sadd.s32 $0xFFFFFFFF, s18;
	p0 =	por p3, p3  }
0x26: {  	s28 =	sshll.u32 @p6 s23, $0xB;
	s20 =	sadd.s32 @p6 $0x3, s20;
	s24 =	simm.s32 @!p0 $0x0  }
0x27: {  	s25 =	rddreg [dreg:$0x5];
	s28 =	sand.u32 @p6 $0x1FFFF800, s28;
	s24 =	simm.s32 @p0 $0x1  }
0x28: {  	s25 =	sadd.s32 @p6 s25, s28;
	s28 =	simm.s32 @p6 $0x0;
	p0 =	sne.s32 s18, $0x0  }
0x29: {  	[hbm4b:s25+s28] =	stream.linear.scatter @p6 [tilespmem:s22], [sflag:s20], $0x4000, $0x200038;
	[tilespmem:$0x8100] =	vst v63  }
0x2a: {  	s20 =	sadd.s32 @!p1 $0x3, s15;
	s15 =	simm.s32 @!p0 $0x0  }
0x2b: {  	s26 =	simm.s32 $0x1;
	[smem:$0x7FC] =	sst s24;
	s15 =	simm.s32 @p0 $0x1  }
0x2c: {  	s26 =	simm.s32 @!p6 $0x0;
	_ =	strace @p6 $0x9000006A;
	[smem:$0x7FD] =	sst s15  }
0x2d: {  	p5 =	por !p5, !p5;
	s19 =	sadd.s32 s26, s19;
	_ =	strace @!p1 $0x8000006B  }
0x2e: {  	s24 =	sand.u32 @!p2 $0x1, s13;
	s22 =	sand.u32 @p5 $0x1, s14;
	_ =	swait.ge @!p1 [sflag:s20], $0x4000  }
0x2f: {  	s15 =	smov.u32 s24;
	s24 =	sadd.s32 @p5 s4, s17;
	[sflag:s20] =	ssyncset.done @!p1 $0x0  }
0x30: {  	s25 =	sshll.u32 @p5 s22, $0x7;
	s24 =	sshll.u32 @p5 s24, $0x4;
	[sflag:s20] =	ssyncadd.s32 @!p1 $0xFFFFC000  }
0x31: {  	s20 =	sadd.s32 @p5 $0x1, s22;
	s22 =	sand.u32 @p5 $0x1FFFFFF0, s24;
	_ =	strace @!p1 $0x9000006B  }
0x32: {  	s24 =	simm.s32 @p5 $0x0;
	s22 =	sadd.s32 @p5 s3, s22;
	_ =	strace @p5 $0x80000067  }
0x33: {  	[tilespmem:s25], [sflag:s20] =	stream.linear.gather @p5 [hbm4b:s22+s24], $0x80, $0x200038;
	[tilespmem:$0x8100] =	vst v63  }
0x34: {  	s16 =	sadd.s32 s26, s16;
	s26 =	sand.u32 $0x1, s19;
	_ =	strace @p5 $0x90000067  }
0x35: {  	s24 =	sadd.s32 $0x1, s26;
	_ =	strace $0x80000068  }
0x36: {  	_ =	swait.ge [sflag:s24], $0x80  }
0x37: {  	[sflag:s24] =	ssyncset.done $0x0  }
0x38: {  	s20 =	simm.s32 $0x1;
	[sflag:s24] =	ssyncadd.s32 $0xFFFFFF80  }
0x39: {  	s20 =	simm.s32 @!p5 $0x0;
	_ =	strace $0x90000068  }
0x3a: {  	s14 =	sadd.s32 s20, s14;
	s20 =	sand.u32 $0x1, s16;
	_ =	strace $0x80000069  }
0x3b: {  	s29 =	sshll.u32 s19, $0x7;
	s25 =	sshll.u32 s20, $0xE;
	s26 =	rddreg [dreg:$0x4]  }
0x3c: {  	s29 =	sand.u32 $0x80, s29;
	s22 =	sor.u32 $0x100, s25;
	s30 =	rddreg [dreg:$0x3]  }
0x3d: {  	[tilespmem:s22], [sflag:$0x5] =	stream.indirect.gather [hbm4b:s30+s26], $0x80, s29, s26, $0x2000b8;
	[tilespmem:$0x8100] =	vst v63  }
0x3e: {  	_ =	swait.ge [sflag:s8], $0x4000  }
0x3f: {  	s31 =	sadd.s32 $0x1, s17;
	[sflag:s8] =	ssyncset.done $0x0  }
0x40: {  	s23 =	sadd.s32 s4, s11;
	s11 =	smov.u32 s17;
	[sflag:s8] =	ssyncadd.s32 $0xFFFFC000  }
0x41: {  	p3 =	seq.s32 s31, $0xA;
	s17 =	smov.u32 s31;
	_ =	strace $0x90000069  }
0x42: {  	s17 =	simm.s32 @p3 $0x0;
	s31 =	sld [smem:$0x7FD]  }
0x43: {  	p6 =	sne.s32 s12, $0x1;
	p0 =	sne.s32 s21, $0xA;
	p3 =	sne.s32 s11, s17  }
0x44: {  	p5 =	por !p6, !p3;
	p6 =	seq.s32 s21, $0x1;
	s21 =	simm.s32 $0x1  }
0x45: {  	s21 =	simm.s32 @!p0 $0x0;
	p0 =	seq.s32 s31, $0x1  }
.Ltmp0:
0x46: {  	s30 =	sld [smem:$0x7FC];
	(pc) =	sbr.rel @p0 .LBB2_2-.Ltmp0, $4  }
0x47: {  	_ = 	snop  }
0x48: {  	p4 =	seq.s32 s12, $0xA  }
0x49: {  	p1 =	por p2, p2;
	p2 =	por p4, p4;
	p4 =	seq.s32 s30, $0x1  }
0x4a: {  	p6 =	por p6, p4  }
0x4b: {  	_ =	strace @p6 $0x8000006A;
	s23 =	sshll.u32 @p6 s23, $0xB  }
0x4c: {  	s18 =	rddreg [dreg:$0x5];
	s23 =	sand.u32 @p6 $0x1FFFF800, s23  }
0x4d: {  	s20 =	sadd.s32 @p6 $0x3, s20;
	s18 =	sadd.s32 @p6 s18, s23;
	s23 =	simm.s32 @p6 $0x0  }
0x4e: {  	[hbm4b:s18+s23] =	stream.linear.scatter @p6 [tilespmem:s22], [sflag:s20], $0x4000, $0x200038;
	[tilespmem:$0x8100] =	vst v63  }
0x4f: {  	p0 =	por !p5, !p5;
	_ =	strace @p6 $0x9000006A  }
0x50: {  	s15 =	sadd.s32 @!p1 $0x3, s15;
	s17 =	sadd.s32 @p0 s4, s17;
	_ =	strace @!p1 $0x8000006B  }
0x51: {  	s14 =	sand.u32 @p0 $0x1, s14;
	s17 =	sshll.u32 @p0 s17, $0x4;
	_ =	swait.ge @!p1 [sflag:s15], $0x4000  }
0x52: {  	s18 =	simm.s32 $0x1;
	s20 =	sshll.u32 @p0 s14, $0x7;
	[sflag:s15] =	ssyncset.done @!p1 $0x0  }
0x53: {  	s14 =	sadd.s32 @p0 $0x1, s14;
	s18 =	simm.s32 @!p6 $0x0;
	[sflag:s15] =	ssyncadd.s32 @!p1 $0xFFFFC000  }
0x54: {  	s19 =	sadd.s32 s18, s19;
	s15 =	sand.u32 @p0 $0x1FFFFFF0, s17;
	_ =	strace @!p1 $0x9000006B  }
0x55: {  	s17 =	simm.s32 @p0 $0x0;
	s15 =	sadd.s32 @p0 s3, s15;
	_ =	strace @p0 $0x80000067  }
0x56: {  	[tilespmem:s20], [sflag:s14] =	stream.linear.gather @p0 [hbm4b:s15+s17], $0x80, $0x200038;
	[tilespmem:$0x8100] =	vst v63  }
0x57: {  	s25 =	sand.u32 $0x1, s19;
	_ =	strace @p0 $0x90000067  }
0x58: {  	s14 =	sadd.s32 $0x1, s25;
	_ =	strace $0x80000068  }
0x59: {  	_ =	swait.ge [sflag:s14], $0x80  }
0x5a: {  	[sflag:s14] =	ssyncset.done $0x0  }
0x5b: {  	[sflag:s14] =	ssyncadd.s32 $0xFFFFFF80  }
0x5c: {  	s26 =	sadd.s32 s18, s16;
	_ =	strace $0x90000068  }
0x5d: {  	s14 =	sand.u32 $0x1, s26;
	_ =	strace $0x80000069  }
0x5e: {  	s30 =	sshll.u32 s19, $0x7;
	s31 =	sshll.u32 s14, $0xE;
	s28 =	rddreg [dreg:$0x4]  }
0x5f: {  	s17 =	sand.u32 $0x80, s30;
	s18 =	sor.u32 $0x100, s31;
	s29 =	rddreg [dreg:$0x3]  }
0x60: {  	[tilespmem:s18], [sflag:$0x5] =	stream.indirect.gather [hbm4b:s29+s28], $0x80, s17, s28, $0x2000b8;
	[tilespmem:$0x8100] =	vst v63  }
0x61: {  	_ =	swait.ge [sflag:s8], $0x4000  }
0x62: {  	[sflag:s8] =	ssyncset.done $0x0  }
0x63: {  	p5 =	por p3, p3;
	p6 =	seq.s32 s12, $0x1;
	[sflag:s8] =	ssyncadd.s32 $0xFFFFC000  }
0x64: {  	s11 =	sadd.s32 s4, s11;
	p0 =	por p6, p5;
	_ =	strace $0x90000069  }
0x65: {  	s11 =	sshll.u32 @p0 s11, $0xB;
	_ =	strace @p0 $0x8000006A  }
0x66: {  	s13 =	sadd.s32 s21, s13;
	s11 =	sand.u32 @p0 $0x1FFFF800, s11;
	s12 =	rddreg [dreg:$0x5]  }
0x67: {  	s14 =	sadd.s32 @p0 $0x3, s14;
	s11 =	sadd.s32 @p0 s12, s11;
	s12 =	simm.s32 @p0 $0x0  }
0x68: {  	[hbm4b:s11+s12] =	stream.linear.scatter @p0 [tilespmem:s18], [sflag:s14], $0x4000, $0x200038;
	[tilespmem:$0x8100] =	vst v63  }
0x69: {  	p1 =	por p2, p2;
	s11 =	sand.u32 @!p2 $0x1, s13;
	_ =	strace @p0 $0x9000006A  }
0x6a: {  	s11 =	sadd.s32 @!p1 $0x3, s11;
	_ =	strace @!p1 $0x8000006B  }
0x6b: {  	_ =	swait.ge @!p1 [sflag:s11], $0x4000  }
0x6c: {  	[sflag:s11] =	ssyncset.done @!p1 $0x0  }
0x6d: {  	s10 =	sadd.s32 $0x1, s10;
	[sflag:s11] =	ssyncadd.s32 @!p1 $0xFFFFC000  }
0x6e: {  	p0 =	sne.s32 s10, s6;
	_ =	strace @!p1 $0x9000006B  }
.Ltmp1:
0x6f: {  	_ =	strace $0x8000006C;
	(pc) =	sbr.rel @p0 .LBB2_1-.Ltmp1, $4  }
0x70: {  	_ =	swait.ge [sflag:s9], $0x4000  }
0x71: {  	[sflag:s9] =	ssyncset.done $0x0  }
0x72: {  	[sflag:s9] =	ssyncadd.s32 $0xFFFFC000  }
0x73: {  	_ =	strace $0x9000006C  }
0x74: {  	_ =	sfence.sel $0x180000  }
0x75: {  	[bflag:$0x0] =	sbarrier.arrive $0xFFFF  }
0x76: {  	p0 =	sne.s32 s1, $0x0;
	_ =	strace $0x90000065  }
0x77: {  	s0 =	sadd.s32 @!p0 $0x100000, s0;
	[bflag:$0x2] =	sbarrier.arrive $0xFFFF  }
0x78: {  	[sflag:s0] =	ssyncadd.tile.s32 @!p0 $0x1;
	_ =	shalt  }
.Lfunc_end2:
_tile_overlayer_lowered:
.L_overlay_start_2:
0x79: {  	(tag) =	ssettag $0x2  }
0x7a: {  	s0 =	rddreg [dreg:$0x0];
	s2 =	stileid.u32  }
0x7b: {  	s1 =	rddreg [dreg:$0x1];
	p0 =	sne.s32 s2, $0x0  }
0x7c: {  	s3 =	rddreg [dreg:$0x2];
	[bflag:$0x3] =	sbarrier.arrive $0xFFFF;
	s2 =	simm.s32 @!p0 $0x1C01  }
0x7d: {  	[timem:s3], [sflag:s2] =	dma.local @!p0 [hbm:s0], s1  }
0x7e: {  	s0 =	simm.s32 @!p0 $0x1  }
0x7f: {  	_ =	swait.ge @!p0 [sflag:s0], s1  }
0x80: {  	s1 =	ssub.s32 @!p0 $0x0, s1;
	[sflag:s0] =	ssyncset.done @!p0 $0x0  }
0x81: {  	[sflag:s0] =	ssyncadd.s32 @!p0 s1  }
0x82: {  	[bflag:$0x3] =	sbarrier.arrive $0xFFFF  }
0x83: {  	_ =	shalt  }

// kernel: kernel.24.cloned.1.call-start
scs
__scs_entry_jumppad:
0x0: {  	(pc) =	sbr.rel $0x88, $3  }
0x1: {  	(tag) =	ssettag $0x0;
	lr =	simm.s32 $0x1  }
0x2: {  	[smem:$0x3F9B] =	sst lr;
	_ =	strace $0xD0000000  }
0x3: {  	_ = 	snop  }
0x4: {  	_ = 	snop  }
0x5: {  	_ = 	snop  }
0x6: {  	_ = 	snop  }
0x7: {  	_ = 	snop  }
__scs_overlays_trampoline_lowered:
0x8: {  	[smem:$0x3FAA] =	sst s0  }
0x9: {  	[smem:$0x3FAB] =	sst s1  }
0xa: {  	[smem:$0x3FAC] =	sst s2  }
0xb: {  	[smem:$0x3FAD] =	sst s3  }
0xc: {  	[smem:$0x3FAE] =	sst s4  }
0xd: {  	[smem:$0x3FAF] =	sst s5  }
0xe: {  	[smem:$0x3FB0] =	sst s6  }
0xf: {  	[smem:$0x3FB1] =	sst s7  }
0x10: {  	[smem:$0x3FB2] =	sst s8  }
0x11: {  	[smem:$0x3FB3] =	sst s9;
	s0 =	simm.s32 @!p0 $0x0  }
0x12: {  	s1 =	sld [smem:$0x3F99];
	s0 =	simm.s32 @p0 $0x1  }
0x13: {  	[smem:$0x3FB4] =	sst s0;
	s0 =	simm.s32 @!p1 $0x0  }
0x14: {  	s2 =	sld [smem:$0x3F98];
	s0 =	simm.s32 @p1 $0x1  }
0x15: {  	[smem:$0x3FB5] =	sst s0;
	s0 =	simm.s32 @!p2 $0x0  }
0x16: {  	s3 =	sld [smem:$0x3FDB];
	s0 =	simm.s32 @p2 $0x1  }
0x17: {  	s4 =	simm.s32 $0x1BF5;
	[smem:$0x3FB7] =	sst s0  }
0x18: {  	s0 =	sld [smem:$0x3F9A];
	_ =	swait.ge [sflag:s4], $0x0  }
0x19: {  	s7 =	sld [smem:$0x3F9B]  }
0x1a: {  	s8 =	sadd.s32 $0xFFFFE003, lr  }
0x1b: {  	s9 =	sadd.s32 $0xFFFFFEF7, lr;
	s5 =	simm.s32 $0xFFFFFFFF;
	p2 =	slt.u32 s8, $0xFFFFF086  }
0x1c: {  	p1 =	slt.u32 s9, $0xF7A;
	s5 =	simm.s32 @!p2 $0x0  }
0x1d: {  	s5 =	simm.s32 @p1 $0x1;
	p0 =	seq.s32 s7, s2  }
0x1e: {  	s7 =	smul.u32 @!p0 $0xF7A, s2;
	p2 =	seq.s32 @!p0 s5, $0x0  }
0x1f: {  	s9 =	smul.u32 $0xF7A, s1;
	s8 =	simm.s32 @!p0 $0x1BF5;
	p2 =	por !p2, p0  }
0x20: {  	[sflag:s8] =	ssyncset.s32 @!p0 $0xFFFFF086;
	s6 =	sadd.s32 @!p0 s3, s7;
	s7 =	simm.s32 @!p0 $0x108  }
0x21: {  	s3 =	sadd.s32 s3, s9;
	s6 =	sadd.s32 @!p0 $0x88, s6;
	s7 =	simm.s32 @p2 $0x1082  }
0x22: {  	[simem:s7], [sflag:s8] =	dma.local @!p0 [hbm:s6], $0xF7A  }
0x23: {  	s9 =	sor.u32 $0xD0000000, s2;
	s6 =	simm.s32 $0x108;
	_ =	swait.ge @!p0 [sflag:s8], $0x0  }
0x24: {  	s3 =	sadd.s32 $0x88, s3;
	s6 =	simm.s32 @!p1 $0x1082;
	[sflag:s4] =	ssyncset.s32 $0xFFFFF086  }
0x25: {  	[simem:s6], [sflag:s4] =	dma.local [hbm:s3], $0xF7A  }
0x26: {  	[smem:$0x3F9B] =	sst s1;
	(tag) =	ssettag s2;
	_ =	strace s9  }
0x27: {  	s1 =	sld [smem:$0x3FAB]  }
0x28: {  	s2 =	sld [smem:$0x3FAC]  }
0x29: {  	s4 =	sld [smem:$0x3FAE]  }
0x2a: {  	p0 =	seq.s32 s5, $0x0;
	s5 =	sld [smem:$0x3FAF]  }
0x2b: {  	s6 =	sld [smem:$0x3FB0]  }
0x2c: {  	s7 =	sld [smem:$0x3FB1]  }
0x2d: {  	s3 =	simm.s32 $0x108;
	s8 =	sld [smem:$0x3FB2]  }
0x2e: {  	s3 =	simm.s32 @!p0 $0x1082;
	s9 =	sld [smem:$0x3FB3]  }
0x2f: {  	lr =	sadd.s32 s0, s3;
	s0 =	sld [smem:$0x3FAA]  }
0x30: {  	s3 =	sld [smem:$0x3FAD]  }
0x31: {  	[smem:$0x3FB6] =	sst s10  }
0x32: {  	s10 =	sld [smem:$0x3FB4];
	_ =	sdelay $0x3  }
0x33: {  	p0 =	seq.s32 s10, $0x1;
	s10 =	sld [smem:$0x3FB6];
	_ =	sdelay $0x3  }
0x34: {  	[smem:$0x3FB6] =	sst s10  }
0x35: {  	s10 =	sld [smem:$0x3FB5];
	_ =	sdelay $0x3  }
0x36: {  	p1 =	seq.s32 s10, $0x1;
	s10 =	sld [smem:$0x3FB6];
	_ =	sdelay $0x3  }
0x37: {  	[smem:$0x3FB6] =	sst s10  }
0x38: {  	s10 =	sld [smem:$0x3FB7]  }
0x39: {  	_ = 	snop;
	(pc) =	sbr.ind lr, $3  }
0x3a: {  	_ = 	snop  }
0x3b: {  	_ = 	snop  }
0x3c: {  	p2 =	seq.s32 s10, $0x1;
	s10 =	sld [smem:$0x3FB6]  }
0x3d: {  	_ =	shalt  }
0x3e: {  	_ =	shalt  }
0x3f: {  	_ =	shalt  }
0x40: {  	_ =	shalt  }
0x41: {  	_ =	shalt  }
0x42: {  	_ =	shalt  }
0x43: {  	_ =	shalt  }
0x44: {  	_ =	shalt  }
0x45: {  	_ =	shalt  }
0x46: {  	_ =	shalt  }
0x47: {  	_ =	shalt  }
0x48: {  	_ =	shalt  }
0x49: {  	_ =	shalt  }
0x4a: {  	_ =	shalt  }
0x4b: {  	_ =	shalt  }
0x4c: {  	_ =	shalt  }
0x4d: {  	_ =	shalt  }
0x4e: {  	_ =	shalt  }
0x4f: {  	_ =	shalt  }
0x50: {  	_ =	shalt  }
0x51: {  	_ =	shalt  }
0x52: {  	_ =	shalt  }
0x53: {  	_ =	shalt  }
0x54: {  	_ =	shalt  }
0x55: {  	_ =	shalt  }
0x56: {  	_ =	shalt  }
0x57: {  	_ =	shalt  }
0x58: {  	_ =	shalt  }
0x59: {  	_ =	shalt  }
0x5a: {  	_ =	shalt  }
0x5b: {  	_ =	shalt  }
0x5c: {  	_ =	shalt  }
0x5d: {  	_ =	shalt  }
0x5e: {  	_ =	shalt  }
0x5f: {  	_ =	shalt  }
0x60: {  	_ =	shalt  }
0x61: {  	_ =	shalt  }
0x62: {  	_ =	shalt  }
0x63: {  	_ =	shalt  }
0x64: {  	_ =	shalt  }
0x65: {  	_ =	shalt  }
0x66: {  	_ =	shalt  }
0x67: {  	_ =	shalt  }
0x68: {  	_ =	shalt  }
0x69: {  	_ =	shalt  }
0x6a: {  	_ =	shalt  }
0x6b: {  	_ =	shalt  }
0x6c: {  	_ =	shalt  }
0x6d: {  	_ =	shalt  }
0x6e: {  	_ =	shalt  }
0x6f: {  	_ =	shalt  }
0x70: {  	_ =	shalt  }
0x71: {  	_ =	shalt  }
0x72: {  	_ =	shalt  }
0x73: {  	_ =	shalt  }
0x74: {  	_ =	shalt  }
0x75: {  	_ =	shalt  }
0x76: {  	_ =	shalt  }
0x77: {  	_ =	shalt  }
0x78: {  	_ =	shalt  }
0x79: {  	_ =	shalt  }
0x7a: {  	_ =	shalt  }
0x7b: {  	_ =	shalt  }
0x7c: {  	_ =	shalt  }
0x7d: {  	_ =	shalt  }
0x7e: {  	_ =	shalt  }
0x7f: {  	_ =	shalt  }
0x80: {  	_ =	shalt  }
0x81: {  	_ =	shalt  }
0x82: {  	_ =	shalt  }
0x83: {  	_ =	shalt  }
0x84: {  	_ =	shalt  }
0x85: {  	_ =	shalt  }
0x86: {  	_ =	shalt  }
0x87: {  	_ =	shalt  }
.Lfunc_end0:
.L_simem_size_0:
called_computation.4_lowered:
.L_overlay_start_0:
0x88: {  	s2 =	sld [smem:$0x3FD9]  }
0x89: {  	s3 =	sld [smem:$0x3FFE];
	_ =	sdelay $0x1  }
0x8a: {  	s1 =	srdreg.scid  }
0x8b: {  	s0 =	sand.u32 $0x1, s1  }
0x8c: {  	s17 =	sshll.u32 s0, $0xA;
	s2 =	sadd.s32 s3, s2  }
0x8d: {  	s2 =	sadd.s32 s2, s17  }
0x8e: {  	[smem:$0x3FC2] =	sst s2  }
0x8f: {  	_ = 	snop  }
0x90: {  	s18 =	sld [smem:$0x3FC8];
	(tm) =	ssettm $0x1  }
0x91: {  	s19 =	sld [smem:$0x3FFB];
	_ =	sdelay $0x3  }
0x92: {  	_ =	strace s19  }
0x93: {  	s2 =	sld [smem:$0x3FFC];
	_ =	sdelay $0x3  }
0x94: {  	_ =	strace s2  }
0x95: {  	s2 =	sld [smem:$0x3FFD];
	_ =	sdelay $0x3  }
0x96: {  	_ =	strace s2  }
0x97: {  	_ =	strace $0x8FFFFFFF  }
0x98: {  	s20 =	sld [smem:$0x3FDB];
	_ =	sdelay $0x1  }
0x99: {  	s4 =	simm.s32 $_scs_section_size  }
0x9a: {  	s5 =	simm.s32 $_size__tile_overlayer_lowered;
	s6 =	simm.s32 $_tile_overlayer_lowered  }
0x9b: {  	s7 =	simm.s32 $0x1BFF;
	s21 =	sshll.u32 s6, $0x1;
	s4 =	sadd.s32 s4, s20  }
0x9c: {  	s22 =	simm.s32 $0x0;
	s5 =	sshll.u32 s5, $0x1;
	s6 =	sadd.s32 s21, s4  }
0x9d: {  	[timem:s22], [sflag:s7] =	dma.local [hbm:s6], s5  }
0x9e: {  	_ =	swait.ge [sflag:s7], s5  }
0x9f: {  	s5 =	ssub.s32 $0x0, s5;
	[sflag:s7] =	ssyncset.done $0x0  }
0xa0: {  	[sflag:s7] =	ssyncadd.s32 s5;
	_ =	sdelay $0x1  }
0xa1: {  	s23 =	simm.s32 $0x1B8B  }
0xa2: {  	_ =	swait.ge [sflag:s23], $0x1  }
0xa3: {  	[sflag:s23] =	ssyncset.done $0x0  }
0xa4: {  	[sflag:s23] =	ssyncadd.s32 $0xFFFFFFFF  }
0xa5: {  	s5 =	sld [smem:$0x0]  }
0xa6: {  	s6 =	sand.u32 $0xFFFFFFFE, s1  }
0xa7: {  	p0 =	sne.s32 s1, s6  }
0xa8: {  	s6 =	sshll.u32 @p0 s6, $0xE  }
0xa9: {  	s6 =	sadd.s32 @p0 $0x11B8D, s6;
	s7 =	sshll.u32 @p0 s5, $0x11  }
0xaa: {  	s6 =	sor.u32 @p0 s7, s6  }
0xab: {  	[sflag:s6] =	ssyncadd.remote.s32 @p0 $0x1;
	_ =	sdelay $0x1  }
0xac: {  	s6 =	simm.s32 @p0 $0x1B8D  }
0xad: {  	_ =	swait.eq @p0 [sflag:s6], $0x1  }
0xae: {  	[sflag:s6] =	ssyncadd.s32 @p0 $0xFFFFFFFF  }
0xaf: {  	s7 =	sshll.u32 @!p0 s1, $0xE  }
0xb0: {  	s7 =	sor.u32 @!p0 $0x4000, s7;
	s6 =	simm.s32 @!p0 $0x1B8D  }
0xb1: {  	s5 =	sshll.u32 @!p0 s5, $0x11;
	s7 =	sadd.s32 @!p0 $0x11B8D, s7;
	_ =	swait.eq @!p0 [sflag:s6], $0x1  }
0xb2: {  	s5 =	sor.u32 @!p0 s5, s7;
	[sflag:s6] =	ssyncadd.s32 @!p0 $0xFFFFFFFF  }
0xb3: {  	s25 =	simm.s32 $0x1B8E;
	s24 =	sld [smem:$0x3FFE];
	[sflag:s5] =	ssyncadd.remote.s32 @!p0 $0x1  }
0xb4: {  	s26 =	simm.s32 $execute0_lowered;
	[smem:$0x3FD2] =	sst s25  }
0xb5: {  	s6 =	sshll.u32 s26, $0x1;
	_ =	strace $0x8000006E;
	[dreg:$0x1] =	wrdreg $0xFFFFFFFF  }
0xb6: {  	s28 =	simm.s32 $_size_execute0_lowered;
	s4 =	sadd.s32 s4, s6;
	[dreg:$0x0] =	wrdreg $0x0  }
0xb7: {  	s6 =	sshll.u32 s28, $0x1;
	[dreg:$0x2] =	wrdreg s4  }
0xb8: {  	[dreg:$0x3] =	wrdreg s6  }
0xb9: {  	[dreg:$0x4] =	wrdreg $0xC0  }
0xba: {  	_ =	task [dreg:s22], $0x5FFFF  }
0xbb: {  	[dreg:$0x1] =	wrdreg $0xFFFFFFFF  }
0xbc: {  	[dreg:$0x0] =	wrdreg $0x60  }
0xbd: {  	[dreg:$0x2] =	wrdreg s18  }
0xbe: {  	[dreg:$0x3] =	wrdreg s24  }
0xbf: {  	[dreg:$0x4] =	wrdreg $0xD  }
0xc0: {  	_ =	task.clear_ibuf [dreg:s22], $0x5FFFF;
	_ =	strace $0x9000006E  }
0xc1: {  	s29 =	simm.s32 $0xD;
	_ =	strace $0x80000077  }
0xc2: {  	_ =	swait.ge [sflag:s29], $0x1  }
0xc3: {  	[sflag:s29] =	ssyncadd.s32 $0xFFFFFFFF  }
0xc4: {  	_ =	strace $0x90000077  }
0xc5: {  	_ =	sfence  }
0xc6: {  	s30 =	sld [smem:$0x0];
	_ =	sdelay $0x2  }
0xc7: {  	s31 =	sshll.u32 s1, $0xD;
	s1 =	sshrl.u32 s1, $0x2  }
0xc8: {  	s4 =	sand.u32 $0x4000, s31;
	s1 =	sadd.s32 s1, s30  }
0xc9: {  	s0 =	sor.u32 s4, s0;
	s1 =	sshll.u32 s1, $0x11  }
0xca: {  	s0 =	sor.u32 s1, s0  }
0xcb: {  	s0 =	sadd.s32 $0x8F2B, s0  }
0xcc: {  	[sflag:s0] =	ssyncadd.remote.s32 $0x1  }
0xcd: {  	_ =	sfence.sel $0xFFFF  }
0xce: {  	[dreg:$0x0] =	wrdreg $0xFFFFFFFF;
	(pc) =	sbr.abs _section_cstart, $3  }
0xcf: {  	[dreg:$0x1] =	wrdreg $0xFFFFFFFF  }
0xd0: {  	_ =	task.clear_ibuf [dreg:s22], $0x2FFFF;
	_ =	strace $0x9FFFFFFF  }
0xd1: {  	(tm) =	ssettm $0x7FFFFFFF  }
tec
execute0_lowered:
.L_overlay_start_1:
0x0: {  	(tag) =	ssettag $0x1  }
0x1: {  	s0 =	rddreg [dreg:$0x0]  }
0x2: {  	s3 =	rddreg [dreg:$0x1];
	s1 =	srdreg.scid;
	s2 =	simm.s32 $0x0  }
0x3: {  	s31 =	simm.s32 $0x80;
	s9 =	simm.s32 $0x4;
	[dreg:$0x3] =	wrdreg s0  }
0x4: {  	s10 =	simm.s32 $0x0;
	s0 =	rddreg [dreg:$0x2];
	s4 =	sand.u32 $0x1, s1  }
0x5: {  	[smem:$0x7FF] =	sst s2;
	s1 =	stileid.u32;
	s6 =	sadd.s32 $0x1E9C00, s3  }
0x6: {  	s3 =	sadd.s32 $0x8800, s3;
	s5 =	sshll.u32 s4, $0x4;
	_ =	strace $0x8000006F  }
0x7: {  	s4 =	ssub.s32 $0x2, s4;
	[dreg:$0x5] =	wrdreg s6;
	s5 =	sor.u32 s1, s5  }
0x8: {  	[dreg:$0x4] =	wrdreg s31;
	s7 =	sshrl.u32 s4, $0x1;
	s8 =	smul.u32 $0xA0, s5  }
0x9: {  	s30 =	ssub.s32 s4, s7;
	s4 =	smul.u32 $0xA, s5;
	s7 =	simm.s32 $0x1  }
0xa: {  	s6 =	smax.u32 s30, $0x1;
	s5 =	sadd.s32 s3, s8;
	s8 =	simm.s32 $0x5  }
.LBB2_1:
0xb: {  	_ =	strace $0x80000070;
	s11 =	simm.s32 $0x1;
	p0 =	por $0x0, $0x0  }
0xc: {  	[tilespmem:s2], [sflag:$0x1] =	stream.linear.gather [hbm4b:s5+s2], $0x80, $0x200038;
	[tilespmem:$0x8100] =	vst v63  }
0xd: {  	s11 =	simm.s32 @p0 $0x0  }
0xe: {  	p4 =	por $0x1, $0x1;
	s20 =	sand.u32 $0x1, s2;
	p1 =	sne.s32 s11, $0x0  }
0xf: {  	p2 =	por $0x1, $0x1;
	s18 =	simm.s32 $0x8;
	p0 =	por !p4, !p1  }
0x10: {  	s16 =	simm.s32 $0x0;
	p5 =	por $0x0, $0x0;
	p0 =	por !p0, !p0  }
0x11: {  	s23 =	sadd.s32 $0x0, s4;
	s30 =	sadd.s32 $0x1, s20;
	s12 =	sadd.s32 @p0 s4, s11  }
0x12: {  	_ =	strace $0x90000070;
	s13 =	sand.u32 @p0 $0x1, s7;
	s12 =	sshll.u32 @p0 s12, $0x4  }
0x13: {  	_ =	strace @p0 $0x80000071;
	s15 =	simm.s32 @p0 $0x0;
	s12 =	sand.u32 @p0 $0x1FFFFFF0, s12  }
0x14: {  	s14 =	sshll.u32 @p0 s13, $0x7;
	s13 =	sadd.s32 @p0 $0x1, s13;
	s12 =	sadd.s32 @p0 s3, s12  }
0x15: {  	[tilespmem:s14], [sflag:s13] =	stream.linear.gather @p0 [hbm4b:s12+s15], $0x80, $0x200038;
	[tilespmem:$0x8100] =	vst v63  }
0x16: {  	p3 =	por p2, p2;
	s21 =	sshll.u32 s20, $0xE;
	_ =	strace @p0 $0x90000071  }
0x17: {  	s16 =	sand.u32 $0x80, s16;
	p2 =	por p5, p5;
	_ =	strace $0x80000072  }
0x18: {  	s17 =	sadd.s32 $0x1, s11;
	s22 =	sor.u32 $0x100, s21;
	_ =	swait.ge [sflag:s30], $0x80  }
0x19: {  	s21 =	simm.s32 $0x1;
	p6 =	por p1, p1;
	[sflag:s30] =	ssyncset.done $0x0  }
0x1a: {  	p1 =	por p3, p3;
	p4 =	por $0x1, $0x1;
	[sflag:s30] =	ssyncadd.s32 $0xFFFFFF80  }
0x1b: {  	s12 =	simm.s32 $0x9;
	s15 =	sand.u32 @!p3 $0x1, s2;
	_ =	strace $0x90000072  }
0x1c: {  	s13 =	simm.s32 $0x1;
	p3 =	seq.s32 s17, $0xA;
	_ =	strace $0x80000073  }
0x1d: {  	s13 =	simm.s32 @!p0 $0x0;
	s17 =	simm.s32 @p3 $0x0;
	s19 =	rddreg [dreg:$0x4]  }
0x1e: {  	p0 =	por $0x0, $0x0;
	s14 =	sadd.s32 $0x1, s13;
	s31 =	rddreg [dreg:$0x3]  }
0x1f: {  	[tilespmem:s22], [sflag:$0x5] =	stream.indirect.gather [hbm4b:s31+s19], $0x80, s16, s19, $0x2000b8;
	[tilespmem:$0x8100] =	vst v63  }
0x20: {  	p3 =	sne.s32 s11, s17;
	s21 =	simm.s32 @!p0 $0x0;
	_ =	swait.ge [sflag:s8], $0x4000  }
0x21: {  	p5 =	por !p4, !p3;
	p4 =	por $0x0, $0x0;
	[sflag:s8] =	ssyncset.done $0x0  }
0x22: {  	s13 =	simm.s32 $0x0;
	p6 =	por p4, p6;
	[sflag:s8] =	ssyncadd.s32 $0xFFFFC000  }
0x23: {  	s16 =	simm.s32 $0x0;
	s19 =	simm.s32 $0x0;
	_ =	strace $0x90000073  }
.LBB2_2:
0x24: {  	_ =	strace @p6 $0x80000074;
	s13 =	sadd.s32 s21, s13;
	s21 =	smov.u32 s12  }
0x25: {  	s12 =	smov.u32 s18;
	s18 =	sadd.s32 $0xFFFFFFFF, s18;
	p0 =	por p3, p3  }
0x26: {  	s28 =	sshll.u32 @p6 s23, $0xB;
	s20 =	sadd.s32 @p6 $0x3, s20;
	s24 =	simm.s32 @!p0 $0x0  }
0x27: {  	s25 =	rddreg [dreg:$0x5];
	s28 =	sand.u32 @p6 $0x1FFFF800, s28;
	s24 =	simm.s32 @p0 $0x1  }
0x28: {  	s25 =	sadd.s32 @p6 s25, s28;
	s28 =	simm.s32 @p6 $0x0;
	p0 =	sne.s32 s18, $0x0  }
0x29: {  	[hbm4b:s25+s28] =	stream.linear.scatter @p6 [tilespmem:s22], [sflag:s20], $0x4000, $0x200038;
	[tilespmem:$0x8100] =	vst v63  }
0x2a: {  	s20 =	sadd.s32 @!p1 $0x3, s15;
	s15 =	simm.s32 @!p0 $0x0  }
0x2b: {  	s26 =	simm.s32 $0x1;
	[smem:$0x7FC] =	sst s24;
	s15 =	simm.s32 @p0 $0x1  }
0x2c: {  	s26 =	simm.s32 @!p6 $0x0;
	_ =	strace @p6 $0x90000074;
	[smem:$0x7FD] =	sst s15  }
0x2d: {  	p5 =	por !p5, !p5;
	s19 =	sadd.s32 s26, s19;
	_ =	strace @!p1 $0x80000075  }
0x2e: {  	s24 =	sand.u32 @!p2 $0x1, s13;
	s22 =	sand.u32 @p5 $0x1, s14;
	_ =	swait.ge @!p1 [sflag:s20], $0x4000  }
0x2f: {  	s15 =	smov.u32 s24;
	s24 =	sadd.s32 @p5 s4, s17;
	[sflag:s20] =	ssyncset.done @!p1 $0x0  }
0x30: {  	s25 =	sshll.u32 @p5 s22, $0x7;
	s24 =	sshll.u32 @p5 s24, $0x4;
	[sflag:s20] =	ssyncadd.s32 @!p1 $0xFFFFC000  }
0x31: {  	s20 =	sadd.s32 @p5 $0x1, s22;
	s22 =	sand.u32 @p5 $0x1FFFFFF0, s24;
	_ =	strace @!p1 $0x90000075  }
0x32: {  	s24 =	simm.s32 @p5 $0x0;
	s22 =	sadd.s32 @p5 s3, s22;
	_ =	strace @p5 $0x80000071  }
0x33: {  	[tilespmem:s25], [sflag:s20] =	stream.linear.gather @p5 [hbm4b:s22+s24], $0x80, $0x200038;
	[tilespmem:$0x8100] =	vst v63  }
0x34: {  	s16 =	sadd.s32 s26, s16;
	s26 =	sand.u32 $0x1, s19;
	_ =	strace @p5 $0x90000071  }
0x35: {  	s24 =	sadd.s32 $0x1, s26;
	_ =	strace $0x80000072  }
0x36: {  	_ =	swait.ge [sflag:s24], $0x80  }
0x37: {  	[sflag:s24] =	ssyncset.done $0x0  }
0x38: {  	s20 =	simm.s32 $0x1;
	[sflag:s24] =	ssyncadd.s32 $0xFFFFFF80  }
0x39: {  	s20 =	simm.s32 @!p5 $0x0;
	_ =	strace $0x90000072  }
0x3a: {  	s14 =	sadd.s32 s20, s14;
	s20 =	sand.u32 $0x1, s16;
	_ =	strace $0x80000073  }
0x3b: {  	s29 =	sshll.u32 s19, $0x7;
	s25 =	sshll.u32 s20, $0xE;
	s26 =	rddreg [dreg:$0x4]  }
0x3c: {  	s29 =	sand.u32 $0x80, s29;
	s22 =	sor.u32 $0x100, s25;
	s30 =	rddreg [dreg:$0x3]  }
0x3d: {  	[tilespmem:s22], [sflag:$0x5] =	stream.indirect.gather [hbm4b:s30+s26], $0x80, s29, s26, $0x2000b8;
	[tilespmem:$0x8100] =	vst v63  }
0x3e: {  	_ =	swait.ge [sflag:s8], $0x4000  }
0x3f: {  	s31 =	sadd.s32 $0x1, s17;
	[sflag:s8] =	ssyncset.done $0x0  }
0x40: {  	s23 =	sadd.s32 s4, s11;
	s11 =	smov.u32 s17;
	[sflag:s8] =	ssyncadd.s32 $0xFFFFC000  }
0x41: {  	p3 =	seq.s32 s31, $0xA;
	s17 =	smov.u32 s31;
	_ =	strace $0x90000073  }
0x42: {  	s17 =	simm.s32 @p3 $0x0;
	s31 =	sld [smem:$0x7FD]  }
0x43: {  	p6 =	sne.s32 s12, $0x1;
	p0 =	sne.s32 s21, $0xA;
	p3 =	sne.s32 s11, s17  }
0x44: {  	p5 =	por !p6, !p3;
	p6 =	seq.s32 s21, $0x1;
	s21 =	simm.s32 $0x1  }
0x45: {  	s21 =	simm.s32 @!p0 $0x0;
	p0 =	seq.s32 s31, $0x1  }
.Ltmp0:
0x46: {  	s30 =	sld [smem:$0x7FC];
	(pc) =	sbr.rel @p0 .LBB2_2-.Ltmp0, $4  }
0x47: {  	_ = 	snop  }
0x48: {  	p4 =	seq.s32 s12, $0xA  }
0x49: {  	p1 =	por p2, p2;
	p2 =	por p4, p4;
	p4 =	seq.s32 s30, $0x1  }
0x4a: {  	p6 =	por p6, p4  }
0x4b: {  	_ =	strace @p6 $0x80000074;
	s23 =	sshll.u32 @p6 s23, $0xB  }
0x4c: {  	s18 =	rddreg [dreg:$0x5];
	s23 =	sand.u32 @p6 $0x1FFFF800, s23  }
0x4d: {  	s20 =	sadd.s32 @p6 $0x3, s20;
	s18 =	sadd.s32 @p6 s18, s23;
	s23 =	simm.s32 @p6 $0x0  }
0x4e: {  	[hbm4b:s18+s23] =	stream.linear.scatter @p6 [tilespmem:s22], [sflag:s20], $0x4000, $0x200038;
	[tilespmem:$0x8100] =	vst v63  }
0x4f: {  	p0 =	por !p5, !p5;
	_ =	strace @p6 $0x90000074  }
0x50: {  	s15 =	sadd.s32 @!p1 $0x3, s15;
	s17 =	sadd.s32 @p0 s4, s17;
	_ =	strace @!p1 $0x80000075  }
0x51: {  	s14 =	sand.u32 @p0 $0x1, s14;
	s17 =	sshll.u32 @p0 s17, $0x4;
	_ =	swait.ge @!p1 [sflag:s15], $0x4000  }
0x52: {  	s18 =	simm.s32 $0x1;
	s20 =	sshll.u32 @p0 s14, $0x7;
	[sflag:s15] =	ssyncset.done @!p1 $0x0  }
0x53: {  	s14 =	sadd.s32 @p0 $0x1, s14;
	s18 =	simm.s32 @!p6 $0x0;
	[sflag:s15] =	ssyncadd.s32 @!p1 $0xFFFFC000  }
0x54: {  	s19 =	sadd.s32 s18, s19;
	s15 =	sand.u32 @p0 $0x1FFFFFF0, s17;
	_ =	strace @!p1 $0x90000075  }
0x55: {  	s17 =	simm.s32 @p0 $0x0;
	s15 =	sadd.s32 @p0 s3, s15;
	_ =	strace @p0 $0x80000071  }
0x56: {  	[tilespmem:s20], [sflag:s14] =	stream.linear.gather @p0 [hbm4b:s15+s17], $0x80, $0x200038;
	[tilespmem:$0x8100] =	vst v63  }
0x57: {  	s25 =	sand.u32 $0x1, s19;
	_ =	strace @p0 $0x90000071  }
0x58: {  	s14 =	sadd.s32 $0x1, s25;
	_ =	strace $0x80000072  }
0x59: {  	_ =	swait.ge [sflag:s14], $0x80  }
0x5a: {  	[sflag:s14] =	ssyncset.done $0x0  }
0x5b: {  	[sflag:s14] =	ssyncadd.s32 $0xFFFFFF80  }
0x5c: {  	s26 =	sadd.s32 s18, s16;
	_ =	strace $0x90000072  }
0x5d: {  	s14 =	sand.u32 $0x1, s26;
	_ =	strace $0x80000073  }
0x5e: {  	s30 =	sshll.u32 s19, $0x7;
	s31 =	sshll.u32 s14, $0xE;
	s28 =	rddreg [dreg:$0x4]  }
0x5f: {  	s17 =	sand.u32 $0x80, s30;
	s18 =	sor.u32 $0x100, s31;
	s29 =	rddreg [dreg:$0x3]  }
0x60: {  	[tilespmem:s18], [sflag:$0x5] =	stream.indirect.gather [hbm4b:s29+s28], $0x80, s17, s28, $0x2000b8;
	[tilespmem:$0x8100] =	vst v63  }
0x61: {  	_ =	swait.ge [sflag:s8], $0x4000  }
0x62: {  	[sflag:s8] =	ssyncset.done $0x0  }
0x63: {  	p5 =	por p3, p3;
	p6 =	seq.s32 s12, $0x1;
	[sflag:s8] =	ssyncadd.s32 $0xFFFFC000  }
0x64: {  	s11 =	sadd.s32 s4, s11;
	p0 =	por p6, p5;
	_ =	strace $0x90000073  }
0x65: {  	s11 =	sshll.u32 @p0 s11, $0xB;
	_ =	strace @p0 $0x80000074  }
0x66: {  	s13 =	sadd.s32 s21, s13;
	s11 =	sand.u32 @p0 $0x1FFFF800, s11;
	s12 =	rddreg [dreg:$0x5]  }
0x67: {  	s14 =	sadd.s32 @p0 $0x3, s14;
	s11 =	sadd.s32 @p0 s12, s11;
	s12 =	simm.s32 @p0 $0x0  }
0x68: {  	[hbm4b:s11+s12] =	stream.linear.scatter @p0 [tilespmem:s18], [sflag:s14], $0x4000, $0x200038;
	[tilespmem:$0x8100] =	vst v63  }
0x69: {  	p1 =	por p2, p2;
	s11 =	sand.u32 @!p2 $0x1, s13;
	_ =	strace @p0 $0x90000074  }
0x6a: {  	s11 =	sadd.s32 @!p1 $0x3, s11;
	_ =	strace @!p1 $0x80000075  }
0x6b: {  	_ =	swait.ge @!p1 [sflag:s11], $0x4000  }
0x6c: {  	[sflag:s11] =	ssyncset.done @!p1 $0x0  }
0x6d: {  	s10 =	sadd.s32 $0x1, s10;
	[sflag:s11] =	ssyncadd.s32 @!p1 $0xFFFFC000  }
0x6e: {  	p0 =	sne.s32 s10, s6;
	_ =	strace @!p1 $0x90000075  }
.Ltmp1:
0x6f: {  	_ =	strace $0x80000076;
	(pc) =	sbr.rel @p0 .LBB2_1-.Ltmp1, $4  }
0x70: {  	_ =	swait.ge [sflag:s9], $0x4000  }
0x71: {  	[sflag:s9] =	ssyncset.done $0x0  }
0x72: {  	[sflag:s9] =	ssyncadd.s32 $0xFFFFC000  }
0x73: {  	_ =	strace $0x90000076  }
0x74: {  	_ =	sfence.sel $0x180000  }
0x75: {  	[bflag:$0x0] =	sbarrier.arrive $0xFFFF  }
0x76: {  	p0 =	sne.s32 s1, $0x0;
	_ =	strace $0x9000006F  }
0x77: {  	s0 =	sadd.s32 @!p0 $0x100000, s0;
	[bflag:$0x2] =	sbarrier.arrive $0xFFFF  }
0x78: {  	[sflag:s0] =	ssyncadd.tile.s32 @!p0 $0x1;
	_ =	shalt  }
.Lfunc_end2:
_tile_overlayer_lowered:
.L_overlay_start_2:
0x79: {  	(tag) =	ssettag $0x2  }
0x7a: {  	s0 =	rddreg [dreg:$0x0];
	s2 =	stileid.u32  }
0x7b: {  	s1 =	rddreg [dreg:$0x1];
	p0 =	sne.s32 s2, $0x0  }
0x7c: {  	s3 =	rddreg [dreg:$0x2];
	[bflag:$0x3] =	sbarrier.arrive $0xFFFF;
	s2 =	simm.s32 @!p0 $0x1C01  }
0x7d: {  	[timem:s3], [sflag:s2] =	dma.local @!p0 [hbm:s0], s1  }
0x7e: {  	s0 =	simm.s32 @!p0 $0x1  }
0x7f: {  	_ =	swait.ge @!p0 [sflag:s0], s1  }
0x80: {  	s1 =	ssub.s32 @!p0 $0x0, s1;
	[sflag:s0] =	ssyncset.done @!p0 $0x0  }
0x81: {  	[sflag:s0] =	ssyncadd.s32 @!p0 s1  }
0x82: {  	[bflag:$0x3] =	sbarrier.arrive $0xFFFF  }
0x83: {  	_ =	shalt  }

</sc_bundles>
